<compile_context>
chip_gen: v7x
topology: tpu7x:2x2x1
jax: 0.10.2.dev20260603
libtpu: 0.0.44.dev20260713+nightly
codegen_flags: <defaults>
</compile_context>

<pallas_src>
import jax
import jax.numpy as jnp
from jax import lax
from jax.experimental import pallas as pl
from jax.experimental.pallas import tpu as pltpu
from jax.experimental.pallas import tpu_sc as plsc

N = 10000
NPAD = 10240
F = 128
KIN_PAD = 256
NC, NS = 2, 16
NW = NC * NS
CH = 128
HALF = NPAD // 2
RPT = HALF // NS
ZCH = 64
NZ = RPT // ZCH
RBLK = 512
GRID = NPAD // RBLK

_mesh = plsc.VectorSubcoreMesh(
    core_axis_name="c", subcore_axis_name="s", num_cores=NC, num_subcores=NS)



DW = 16


def _deg_body(dst_hbm, out_hbm, idx_d, buf, acc16, sem0):
  kch = idx_d.shape[0]
  cid = lax.axis_index("c")
  sid = lax.axis_index("s")
  base = sid * RPT
  off = cid * HALF

  def fill(val):
    def body_r(r, _):
      buf[r, pl.ds(0, DW)] = jnp.full((DW,), val, jnp.float32)
      return _
    lax.fori_loop(0, CH, body_r, None)

  fill(0.0)
  for r in range(NZ):
    pltpu.sync_copy(buf.at[pl.ds(0, ZCH)],
                    acc16.at[pl.ds(base + r * ZCH, ZCH)])
  pltpu.sync_copy(dst_hbm.at[sid], idx_d)

  iota16 = lax.iota(jnp.int32, 16)

  def remap_b(b, _):
    def remap_g(g, __):
      d = idx_d[b, pl.ds(g * 16, 16)] - off
      bad = (d < 0) | (d >= HALF)
      trash = HALF + (g & 7) * 16 + iota16
      idx_d[b, pl.ds(g * 16, 16)] = jnp.where(bad, trash, d)
      return __
    lax.fori_loop(0, CH // 16, remap_g, None)
    return _
  lax.fori_loop(0, kch, remap_b, None)
  fill(1.0)
  plsc.subcore_barrier()

  def step(b, _):
    pltpu.sync_copy(buf, acc16.at[idx_d.at[b]], add=True)
    return _
  lax.fori_loop(0, kch, step, None)
  plsc.subcore_barrier()

  for r in range(NZ):
    pltpu.sync_copy(acc16.at[pl.ds(base + r * ZCH, ZCH)],
                    buf.at[pl.ds(0, ZCH)])
    pltpu.sync_copy(buf.at[pl.ds(0, ZCH)],
                    out_hbm.at[pl.ds(off + base + r * ZCH, ZCH)])


def _make_deg_kernel(kch):
  return pl.kernel(
      _deg_body,
      out_type=jax.ShapeDtypeStruct((NPAD, DW), jnp.float32),
      mesh=_mesh,
      scratch_types=[
          pltpu.VMEM((kch, CH), jnp.int32),
          pltpu.VMEM((CH, DW), jnp.float32),
          pltpu.VMEM_SHARED((HALF + CH, DW), jnp.float32),
          pltpu.SemaphoreType.DMA,
      ],
  )


def _prop_body(ys_hbm, src_hbm, dst_hbm, zrow_hbm, out_hbm,
               idx_s, idx_d, rows0, rows1, acc_sh, sem0, sem1):
  kch = idx_s.shape[0]
  cid = lax.axis_index("c")
  sid = lax.axis_index("s")
  base = sid * RPT
  off = cid * HALF

  pltpu.sync_copy(zrow_hbm, rows0)
  for r in range(NZ):
    pltpu.sync_copy(rows0.at[pl.ds(0, ZCH)],
                    acc_sh.at[pl.ds(base + r * ZCH, ZCH)])
  pltpu.sync_copy(src_hbm.at[sid], idx_s)
  pltpu.sync_copy(dst_hbm.at[sid], idx_d)

  iota16 = lax.iota(jnp.int32, 16)

  def remap_row(j, _):
    def remap_grp(g, __):
      d = idx_d[j, pl.ds(g * 16, 16)] - off
      bad = (d < 0) | (d >= HALF)
      trash = HALF + (g & 7) * 16 + iota16
      idx_d[j, pl.ds(g * 16, 16)] = jnp.where(bad, trash, d)
      return __
    lax.fori_loop(0, CH // 16, remap_grp, None)
    return _
  lax.fori_loop(0, kch, remap_row, None)
  plsc.subcore_barrier()

  pltpu.async_copy(ys_hbm.at[idx_s.at[0]], rows0, sem0)

  def step(i, _):
    j0 = 2 * i
    j1 = j0 + 1
    pltpu.async_copy(ys_hbm.at[idx_s.at[j1]], rows1, sem1)
    pltpu.make_async_copy(ys_hbm.at[idx_s.at[j0]], rows0, sem0).wait()
    pltpu.sync_copy(rows0, acc_sh.at[idx_d.at[j0]], add=True)

    @pl.when(j0 + 2 < kch)
    def _():
      pltpu.async_copy(ys_hbm.at[idx_s.at[j0 + 2]], rows0, sem0)

    pltpu.make_async_copy(ys_hbm.at[idx_s.at[j1]], rows1, sem1).wait()
    pltpu.sync_copy(rows1, acc_sh.at[idx_d.at[j1]], add=True)
    return _

  lax.fori_loop(0, kch // 2, step, None)
  plsc.subcore_barrier()

  for r in range(NZ):
    pltpu.sync_copy(acc_sh.at[pl.ds(base + r * ZCH, ZCH)],
                    rows0.at[pl.ds(0, ZCH)])
    pltpu.sync_copy(rows0.at[pl.ds(0, ZCH)],
                    out_hbm.at[pl.ds(off + base + r * ZCH, ZCH)])


def _make_prop_kernel(kch):
  return pl.kernel(
      _prop_body,
      out_type=jax.ShapeDtypeStruct((NPAD, F), jnp.float32),
      mesh=_mesh,
      scratch_types=[
          pltpu.VMEM((kch, CH), jnp.int32),
          pltpu.VMEM((kch, CH), jnp.int32),
          pltpu.VMEM((CH, F), jnp.float32),
          pltpu.VMEM((CH, F), jnp.float32),
          pltpu.VMEM_SHARED((HALF + CH, F), jnp.float32),
          pltpu.SemaphoreType.DMA,
          pltpu.SemaphoreType.DMA,
      ],
  )



def _mm0_body(x_ref, w_ref, degt_ref, ys_ref, dinv_ref):
  deg = degt_ref[...][:, 0:1] + 1.0
  dinv = lax.rsqrt(deg)
  xw = jnp.dot(x_ref[...], w_ref[...], preferred_element_type=jnp.float32)
  ys_ref[...] = xw * dinv
  dinv_ref[...] = dinv


def _mm0(x_pad, w0p, deg_t):
  return pl.pallas_call(
      _mm0_body,
      grid=(GRID,),
      in_specs=[
          pl.BlockSpec((RBLK, KIN_PAD), lambda i: (i, 0)),
          pl.BlockSpec((KIN_PAD, F), lambda i: (0, 0)),
          pl.BlockSpec((RBLK, DW), lambda i: (i, 0)),
      ],
      out_specs=[
          pl.BlockSpec((RBLK, F), lambda i: (i, 0)),
          pl.BlockSpec((RBLK, 1), lambda i: (i, 0)),
      ],
      out_shape=[
          jax.ShapeDtypeStruct((NPAD, F), jnp.float32),
          jax.ShapeDtypeStruct((NPAD, 1), jnp.float32),
      ],
  )(x_pad, w0p, deg_t)


def _layer_body(acc_ref, ys_ref, dinv_ref, b_ref, w_ref, out_ref):
  t = acc_ref[...] + ys_ref[...]
  dinv = dinv_ref[...]
  x = jnp.maximum(t * dinv + b_ref[...], 0.0)
  out_ref[...] = jnp.dot(
      x, w_ref[...], preferred_element_type=jnp.float32) * dinv


def _layer(acc, ys, dinv, b, w):
  return pl.pallas_call(
      _layer_body,
      grid=(GRID,),
      in_specs=[
          pl.BlockSpec((RBLK, F), lambda i: (i, 0)),
          pl.BlockSpec((RBLK, F), lambda i: (i, 0)),
          pl.BlockSpec((RBLK, 1), lambda i: (i, 0)),
          pl.BlockSpec((1, F), lambda i: (0, 0)),
          pl.BlockSpec((F, F), lambda i: (0, 0)),
      ],
      out_specs=pl.BlockSpec((RBLK, F), lambda i: (i, 0)),
      out_shape=jax.ShapeDtypeStruct((NPAD, F), jnp.float32),
  )(acc, ys, dinv, b, w)


def _final_body(acc_ref, ys_ref, dinv_ref, b_ref, out_ref):
  t = acc_ref[...] + ys_ref[...]
  out_ref[...] = jnp.maximum(t * dinv_ref[...] + b_ref[...], 0.0)


def _final(acc, ys, dinv, b):
  return pl.pallas_call(
      _final_body,
      grid=(GRID,),
      in_specs=[
          pl.BlockSpec((RBLK, F), lambda i: (i, 0)),
          pl.BlockSpec((RBLK, F), lambda i: (i, 0)),
          pl.BlockSpec((RBLK, 1), lambda i: (i, 0)),
          pl.BlockSpec((1, F), lambda i: (0, 0)),
      ],
      out_specs=pl.BlockSpec((RBLK, F), lambda i: (i, 0)),
      out_shape=jax.ShapeDtypeStruct((NPAD, F), jnp.float32),
  )(acc, ys, dinv, b)



@jax.jit
def kernel(h, edges, coords, W0, b0, W1, b1, W2, b2):
  e = edges.shape[1]
  kch = 2 * -(-e // (2 * NS * CH))
  epad = NS * kch * CH
  src_p = jnp.concatenate(
      [edges[0], jnp.full((epad - e,), N, jnp.int32)])
  dst_p = jnp.concatenate(
      [edges[1], jnp.full((epad - e,), N, jnp.int32)])
  src3 = src_p.reshape(NS, kch, CH)
  dst3 = dst_p.reshape(NS, kch, CH)
  dst_deg = dst_p.reshape(NS, kch, CH)

  x_in = jnp.concatenate([h[0, 0], coords[0, 0]], axis=1)
  x_pad = jnp.pad(x_in, ((0, NPAD - N), (0, KIN_PAD - x_in.shape[1])))
  w0p = jnp.pad(W0, ((0, KIN_PAD - W0.shape[0]), (0, 0)))
  zrow = jnp.zeros((CH, F), jnp.float32)

  deg16 = _make_deg_kernel(kch)(dst_deg)

  ys0, dinv = _mm0(x_pad, w0p, deg16)
  prop = _make_prop_kernel(kch)

  acc = prop(ys0, src3, dst3, zrow)
  ys1 = _layer(acc, ys0, dinv, b0.reshape(1, F), W1)
  acc = prop(ys1, src3, dst3, zrow)
  ys2 = _layer(acc, ys1, dinv, b1.reshape(1, F), W2)
  acc = prop(ys2, src3, dst3, zrow)
  xf = _final(acc, ys2, dinv, b2.reshape(1, F))
  return xf[:N].reshape(1, 1, N, F)

# --- scband reference (transcript-rebuilt; emitter-appended) ---
"""Pipeline reference for scband-gcn-20701742367344 (READ-ONLY COPY).

The authoritative reference and input builder live on the scoring server;
editing this copy changes nothing except your own understanding.
"""

import jax, jax.numpy as jnp
import numpy as np

N = 10000
E = 320000
D_IN = 128 + 3  # input_dim + 3 (coords concatenated in forward)
H = 128
N_LAYERS = 3


def glorot(key, fan_in, fan_out):
    limit = np.sqrt(6.0 / (fan_in + fan_out))
    return jax.random.uniform(key, (fan_in, fan_out), dtype=jnp.float32, minval=-limit, maxval=limit)


def setup_inputs(seed: int = 0) -> dict:
    key = jax.random.key(seed)
    ks = jax.random.split(key, 12)
    h = jax.random.normal(ks[0], (1, 1, N, 128), dtype=jnp.float32)
    coords = jax.random.normal(ks[1], (1, 1, N, 3), dtype=jnp.float32)
    edges = jax.random.randint(ks[2], (2, E), 0, N, dtype=jnp.int32)
    W0 = glorot(ks[3], D_IN, H)
    b0 = jnp.zeros((H,), dtype=jnp.float32)
    W1 = glorot(ks[4], H, H)
    b1 = jnp.zeros((H,), dtype=jnp.float32)
    W2 = glorot(ks[5], H, H)
    b2 = jnp.zeros((H,), dtype=jnp.float32)
    return {"h": h, "edges": edges, "coords": coords,
            "W0": W0, "b0": b0, "W1": W1, "b1": b1, "W2": W2, "b2": b2}


def gcn_conv(x, edges, W, b):
    # x: [1, 1, N, F_in]; edges: [2, E]
    n = x.shape[-2]
    src = edges[0]
    dst = edges[1]
    # add self loops (GCNConv default add_self_loops=True)
    loop = jnp.arange(n, dtype=src.dtype)
    src = jnp.concatenate([src, loop], axis=0)
    dst = jnp.concatenate([dst, loop], axis=0)
    # symmetric normalization: D^{-1/2} (A+I) D^{-1/2}
    deg = jnp.zeros((n,), dtype=x.dtype).at[dst].add(1.0)
    dinv = jnp.where(deg > 0, deg ** -0.5, 0.0)
    norm = dinv[src] * dinv[dst]
    # linear transform first, then propagate (as in PyG GCNConv)
    xw = x @ W  # [1, 1, N, F_out]
    msg = xw[:, :, src, :] * norm[None, None, :, None]
    out = jnp.zeros(xw.shape[:-2] + (n, xw.shape[-1]), dtype=xw.dtype)
    out = out.at[:, :, dst, :].add(msg)
    return out + b


def reference(h, edges, coords, W0, b0, W1, b1, W2, b2):
    x = jnp.concatenate([h, coords], axis=3)
    params = [(W0, b0), (W1, b1), (W2, b2)]
    for (W, b) in params:
        x = gcn_conv(x, edges, W, b)
        x = jax.nn.relu(x)
    return x

if __name__ == "__main__":
    import jax
    _d = setup_inputs()
    print(jax.jit(kernel)(*tuple(_d.values())))

</pallas_src>

<mosaic_0001>
#map = affine_map<(d0, d1) -> (0, 0)>
#map1 = affine_map<(d0, d1) -> (0, 0, 0)>
module attributes {stable_mosaic.version = 14 : i64} {
  func.func @_prop_body(%arg0: i32, %arg1: i32, %arg2: memref<10240x128xf32, #tpu.memory_space<hbm>>, %arg3: memref<16x158x128xi32, #tpu.memory_space<hbm>>, %arg4: memref<16x158x128xi32, #tpu.memory_space<hbm>>, %arg5: memref<128x128xf32, #tpu.memory_space<hbm>>, %arg6: memref<10240x128xf32, #tpu.memory_space<hbm>>, %arg7: memref<158x128xi32, #tpu.memory_space<vmem>>, %arg8: memref<158x128xi32, #tpu.memory_space<vmem>>, %arg9: memref<128x128xf32, #tpu.memory_space<vmem>>, %arg10: memref<128x128xf32, #tpu.memory_space<vmem>>, %arg11: memref<5248x128xf32, #tpu.memory_space<vmem_shared>>, %arg12: memref<!tpu.dma_semaphore, #tpu.memory_space<semaphore_mem>>, %arg13: memref<!tpu.dma_semaphore, #tpu.memory_space<semaphore_mem>>) attributes {dimension_semantics = [#tpu.dimension_semantics<core_parallel>, #tpu.dimension_semantics<subcore_parallel>], iteration_bounds = array<i64: 2, 16>, scalar_prefetch = 0 : i64, scratch_operands = 7 : i64, tpu.core_type = #tpu.core_type<sc_vector_subcore>, window_params = [{transform_indices = #map}, {transform_indices = #map1}, {transform_indices = #map1}, {transform_indices = #map}, {transform_indices = #map}]} {
    %mul3A = arith.constant 320 : i32
    %mul3A_0 = arith.muli %arg1, %mul3A : i32
    %mul3A_1 = arith.constant 5120 : i32
    %mul3A_2 = arith.muli %arg0, %mul3A_1 : i32
    "tpu.region"() ({
      %run_scoped3A = tpu.sem_alloc : memref<!tpu.dma_semaphore, #tpu.memory_space<semaphore_mem>>
      tpu.enqueue_dma source(%arg5 : memref<128x128xf32, #tpu.memory_space<hbm>>) target(%arg9 : memref<128x128xf32, #tpu.memory_space<vmem>>) target_semaphore(%run_scoped3A : memref<!tpu.dma_semaphore, #tpu.memory_space<semaphore_mem>>)
      tpu.wait_dma2 semaphore(%run_scoped3A : memref<!tpu.dma_semaphore, #tpu.memory_space<semaphore_mem>>) src(%arg5 : memref<128x128xf32, #tpu.memory_space<hbm>>) dst(%arg9 : memref<128x128xf32, #tpu.memory_space<vmem>>)
      tpu.yield
    }) : () -> ()
    %add3A = arith.constant 0 : i32
    %add3A_3 = arith.addi %mul3A_0, %add3A : i32
    "tpu.region"() ({
      %run_scoped3A = tpu.sem_alloc : memref<!tpu.dma_semaphore, #tpu.memory_space<semaphore_mem>>
      %dma_start3A_53 = arith.constant 0 : i32
      %dma_start3A_54 = arith.constant 0 : i32
      %dma_start3A_55 = tpu.memref_slice %arg9[%dma_start3A_53, %dma_start3A_54] : memref<128x128xf32, #tpu.memory_space<vmem>> -> memref<64x128xf32, #tpu.memory_space<vmem>>
      %dma_start3A_56 = arith.constant 0 : i32
      %dma_start3A_57 = tpu.memref_slice %arg11[%add3A_3, %dma_start3A_56] : memref<5248x128xf32, #tpu.memory_space<vmem_shared>> -> memref<64x128xf32, #tpu.memory_space<vmem_shared>>
      %dma_start3A_58 = arith.constant 0 : i32
      %dma_start3A_59 = tpu.memref_slice %arg11[%add3A_3, %dma_start3A_58] : memref<5248x128xf32, #tpu.memory_space<vmem_shared>> -> memref<64x128xf32, #tpu.memory_space<vmem_shared>>
      %dma_start3A_60 = arith.constant 0 : i32
      %dma_start3A_61 = arith.constant 0 : i32
      %dma_start3A_62 = tpu.memref_slice %arg9[%dma_start3A_60, %dma_start3A_61] : memref<128x128xf32, #tpu.memory_space<vmem>> -> memref<64x128xf32, #tpu.memory_space<vmem>>
      tpu.enqueue_dma source(%dma_start3A_62 : memref<64x128xf32, #tpu.memory_space<vmem>>) target(%dma_start3A_59 : memref<64x128xf32, #tpu.memory_space<vmem_shared>>) target_semaphore(%run_scoped3A : memref<!tpu.dma_semaphore, #tpu.memory_space<semaphore_mem>>)
      %dma_wait3A = arith.constant 0 : i32
      %dma_wait3A_63 = arith.constant 0 : i32
      %dma_wait3A_64 = tpu.memref_slice %arg9[%dma_wait3A, %dma_wait3A_63] : memref<128x128xf32, #tpu.memory_space<vmem>> -> memref<64x128xf32, #tpu.memory_space<vmem>>
      %dma_wait3A_65 = arith.constant 0 : i32
      %dma_wait3A_66 = tpu.memref_slice %arg11[%add3A_3, %dma_wait3A_65] : memref<5248x128xf32, #tpu.memory_space<vmem_shared>> -> memref<64x128xf32, #tpu.memory_space<vmem_shared>>
      %dma_wait3A_67 = arith.constant 0 : i32
      %dma_wait3A_68 = tpu.memref_slice %arg11[%add3A_3, %dma_wait3A_67] : memref<5248x128xf32, #tpu.memory_space<vmem_shared>> -> memref<64x128xf32, #tpu.memory_space<vmem_shared>>
      %dma_wait3A_69 = arith.constant 0 : i32
      %dma_wait3A_70 = arith.constant 0 : i32
      %dma_wait3A_71 = tpu.memref_slice %arg9[%dma_wait3A_69, %dma_wait3A_70] : memref<128x128xf32, #tpu.memory_space<vmem>> -> memref<64x128xf32, #tpu.memory_space<vmem>>
      tpu.wait_dma2 semaphore(%run_scoped3A : memref<!tpu.dma_semaphore, #tpu.memory_space<semaphore_mem>>) src(%dma_wait3A_71 : memref<64x128xf32, #tpu.memory_space<vmem>>) dst(%dma_wait3A_68 : memref<64x128xf32, #tpu.memory_space<vmem_shared>>)
      tpu.yield
    }) : () -> ()
    %add3A_4 = arith.constant 64 : i32
    %add3A_5 = arith.addi %mul3A_0, %add3A_4 : i32
    "tpu.region"() ({
      %run_scoped3A = tpu.sem_alloc : memref<!tpu.dma_semaphore, #tpu.memory_space<semaphore_mem>>
      %dma_start3A_53 = arith.constant 0 : i32
      %dma_start3A_54 = arith.constant 0 : i32
      %dma_start3A_55 = tpu.memref_slice %arg9[%dma_start3A_53, %dma_start3A_54] : memref<128x128xf32, #tpu.memory_space<vmem>> -> memref<64x128xf32, #tpu.memory_space<vmem>>
      %dma_start3A_56 = arith.constant 0 : i32
      %dma_start3A_57 = tpu.memref_slice %arg11[%add3A_5, %dma_start3A_56] : memref<5248x128xf32, #tpu.memory_space<vmem_shared>> -> memref<64x128xf32, #tpu.memory_space<vmem_shared>>
      %dma_start3A_58 = arith.constant 0 : i32
      %dma_start3A_59 = tpu.memref_slice %arg11[%add3A_5, %dma_start3A_58] : memref<5248x128xf32, #tpu.memory_space<vmem_shared>> -> memref<64x128xf32, #tpu.memory_space<vmem_shared>>
      %dma_start3A_60 = arith.constant 0 : i32
      %dma_start3A_61 = arith.constant 0 : i32
      %dma_start3A_62 = tpu.memref_slice %arg9[%dma_start3A_60, %dma_start3A_61] : memref<128x128xf32, #tpu.memory_space<vmem>> -> memref<64x128xf32, #tpu.memory_space<vmem>>
      tpu.enqueue_dma source(%dma_start3A_62 : memref<64x128xf32, #tpu.memory_space<vmem>>) target(%dma_start3A_59 : memref<64x128xf32, #tpu.memory_space<vmem_shared>>) target_semaphore(%run_scoped3A : memref<!tpu.dma_semaphore, #tpu.memory_space<semaphore_mem>>)
      %dma_wait3A = arith.constant 0 : i32
      %dma_wait3A_63 = arith.constant 0 : i32
      %dma_wait3A_64 = tpu.memref_slice %arg9[%dma_wait3A, %dma_wait3A_63] : memref<128x128xf32, #tpu.memory_space<vmem>> -> memref<64x128xf32, #tpu.memory_space<vmem>>
      %dma_wait3A_65 = arith.constant 0 : i32
      %dma_wait3A_66 = tpu.memref_slice %arg11[%add3A_5, %dma_wait3A_65] : memref<5248x128xf32, #tpu.memory_space<vmem_shared>> -> memref<64x128xf32, #tpu.memory_space<vmem_shared>>
      %dma_wait3A_67 = arith.constant 0 : i32
      %dma_wait3A_68 = tpu.memref_slice %arg11[%add3A_5, %dma_wait3A_67] : memref<5248x128xf32, #tpu.memory_space<vmem_shared>> -> memref<64x128xf32, #tpu.memory_space<vmem_shared>>
      %dma_wait3A_69 = arith.constant 0 : i32
      %dma_wait3A_70 = arith.constant 0 : i32
      %dma_wait3A_71 = tpu.memref_slice %arg9[%dma_wait3A_69, %dma_wait3A_70] : memref<128x128xf32, #tpu.memory_space<vmem>> -> memref<64x128xf32, #tpu.memory_space<vmem>>
      tpu.wait_dma2 semaphore(%run_scoped3A : memref<!tpu.dma_semaphore, #tpu.memory_space<semaphore_mem>>) src(%dma_wait3A_71 : memref<64x128xf32, #tpu.memory_space<vmem>>) dst(%dma_wait3A_68 : memref<64x128xf32, #tpu.memory_space<vmem_shared>>)
      tpu.yield
    }) : () -> ()
    %add3A_6 = arith.constant 128 : i32
    %add3A_7 = arith.addi %mul3A_0, %add3A_6 : i32
    "tpu.region"() ({
      %run_scoped3A = tpu.sem_alloc : memref<!tpu.dma_semaphore, #tpu.memory_space<semaphore_mem>>
      %dma_start3A_53 = arith.constant 0 : i32
      %dma_start3A_54 = arith.constant 0 : i32
      %dma_start3A_55 = tpu.memref_slice %arg9[%dma_start3A_53, %dma_start3A_54] : memref<128x128xf32, #tpu.memory_space<vmem>> -> memref<64x128xf32, #tpu.memory_space<vmem>>
      %dma_start3A_56 = arith.constant 0 : i32
      %dma_start3A_57 = tpu.memref_slice %arg11[%add3A_7, %dma_start3A_56] : memref<5248x128xf32, #tpu.memory_space<vmem_shared>> -> memref<64x128xf32, #tpu.memory_space<vmem_shared>>
      %dma_start3A_58 = arith.constant 0 : i32
      %dma_start3A_59 = tpu.memref_slice %arg11[%add3A_7, %dma_start3A_58] : memref<5248x128xf32, #tpu.memory_space<vmem_shared>> -> memref<64x128xf32, #tpu.memory_space<vmem_shared>>
      %dma_start3A_60 = arith.constant 0 : i32
      %dma_start3A_61 = arith.constant 0 : i32
      %dma_start3A_62 = tpu.memref_slice %arg9[%dma_start3A_60, %dma_start3A_61] : memref<128x128xf32, #tpu.memory_space<vmem>> -> memref<64x128xf32, #tpu.memory_space<vmem>>
      tpu.enqueue_dma source(%dma_start3A_62 : memref<64x128xf32, #tpu.memory_space<vmem>>) target(%dma_start3A_59 : memref<64x128xf32, #tpu.memory_space<vmem_shared>>) target_semaphore(%run_scoped3A : memref<!tpu.dma_semaphore, #tpu.memory_space<semaphore_mem>>)
      %dma_wait3A = arith.constant 0 : i32
      %dma_wait3A_63 = arith.constant 0 : i32
      %dma_wait3A_64 = tpu.memref_slice %arg9[%dma_wait3A, %dma_wait3A_63] : memref<128x128xf32, #tpu.memory_space<vmem>> -> memref<64x128xf32, #tpu.memory_space<vmem>>
      %dma_wait3A_65 = arith.constant 0 : i32
      %dma_wait3A_66 = tpu.memref_slice %arg11[%add3A_7, %dma_wait3A_65] : memref<5248x128xf32, #tpu.memory_space<vmem_shared>> -> memref<64x128xf32, #tpu.memory_space<vmem_shared>>
      %dma_wait3A_67 = arith.constant 0 : i32
      %dma_wait3A_68 = tpu.memref_slice %arg11[%add3A_7, %dma_wait3A_67] : memref<5248x128xf32, #tpu.memory_space<vmem_shared>> -> memref<64x128xf32, #tpu.memory_space<vmem_shared>>
      %dma_wait3A_69 = arith.constant 0 : i32
      %dma_wait3A_70 = arith.constant 0 : i32
      %dma_wait3A_71 = tpu.memref_slice %arg9[%dma_wait3A_69, %dma_wait3A_70] : memref<128x128xf32, #tpu.memory_space<vmem>> -> memref<64x128xf32, #tpu.memory_space<vmem>>
      tpu.wait_dma2 semaphore(%run_scoped3A : memref<!tpu.dma_semaphore, #tpu.memory_space<semaphore_mem>>) src(%dma_wait3A_71 : memref<64x128xf32, #tpu.memory_space<vmem>>) dst(%dma_wait3A_68 : memref<64x128xf32, #tpu.memory_space<vmem_shared>>)
      tpu.yield
    }) : () -> ()
    %add3A_8 = arith.constant 192 : i32
    %add3A_9 = arith.addi %mul3A_0, %add3A_8 : i32
    "tpu.region"() ({
      %run_scoped3A = tpu.sem_alloc : memref<!tpu.dma_semaphore, #tpu.memory_space<semaphore_mem>>
      %dma_start3A_53 = arith.constant 0 : i32
      %dma_start3A_54 = arith.constant 0 : i32
      %dma_start3A_55 = tpu.memref_slice %arg9[%dma_start3A_53, %dma_start3A_54] : memref<128x128xf32, #tpu.memory_space<vmem>> -> memref<64x128xf32, #tpu.memory_space<vmem>>
      %dma_start3A_56 = arith.constant 0 : i32
      %dma_start3A_57 = tpu.memref_slice %arg11[%add3A_9, %dma_start3A_56] : memref<5248x128xf32, #tpu.memory_space<vmem_shared>> -> memref<64x128xf32, #tpu.memory_space<vmem_shared>>
      %dma_start3A_58 = arith.constant 0 : i32
      %dma_start3A_59 = tpu.memref_slice %arg11[%add3A_9, %dma_start3A_58] : memref<5248x128xf32, #tpu.memory_space<vmem_shared>> -> memref<64x128xf32, #tpu.memory_space<vmem_shared>>
      %dma_start3A_60 = arith.constant 0 : i32
      %dma_start3A_61 = arith.constant 0 : i32
      %dma_start3A_62 = tpu.memref_slice %arg9[%dma_start3A_60, %dma_start3A_61] : memref<128x128xf32, #tpu.memory_space<vmem>> -> memref<64x128xf32, #tpu.memory_space<vmem>>
      tpu.enqueue_dma source(%dma_start3A_62 : memref<64x128xf32, #tpu.memory_space<vmem>>) target(%dma_start3A_59 : memref<64x128xf32, #tpu.memory_space<vmem_shared>>) target_semaphore(%run_scoped3A : memref<!tpu.dma_semaphore, #tpu.memory_space<semaphore_mem>>)
      %dma_wait3A = arith.constant 0 : i32
      %dma_wait3A_63 = arith.constant 0 : i32
      %dma_wait3A_64 = tpu.memref_slice %arg9[%dma_wait3A, %dma_wait3A_63] : memref<128x128xf32, #tpu.memory_space<vmem>> -> memref<64x128xf32, #tpu.memory_space<vmem>>
      %dma_wait3A_65 = arith.constant 0 : i32
      %dma_wait3A_66 = tpu.memref_slice %arg11[%add3A_9, %dma_wait3A_65] : memref<5248x128xf32, #tpu.memory_space<vmem_shared>> -> memref<64x128xf32, #tpu.memory_space<vmem_shared>>
      %dma_wait3A_67 = arith.constant 0 : i32
      %dma_wait3A_68 = tpu.memref_slice %arg11[%add3A_9, %dma_wait3A_67] : memref<5248x128xf32, #tpu.memory_space<vmem_shared>> -> memref<64x128xf32, #tpu.memory_space<vmem_shared>>
      %dma_wait3A_69 = arith.constant 0 : i32
      %dma_wait3A_70 = arith.constant 0 : i32
      %dma_wait3A_71 = tpu.memref_slice %arg9[%dma_wait3A_69, %dma_wait3A_70] : memref<128x128xf32, #tpu.memory_space<vmem>> -> memref<64x128xf32, #tpu.memory_space<vmem>>
      tpu.wait_dma2 semaphore(%run_scoped3A : memref<!tpu.dma_semaphore, #tpu.memory_space<semaphore_mem>>) src(%dma_wait3A_71 : memref<64x128xf32, #tpu.memory_space<vmem>>) dst(%dma_wait3A_68 : memref<64x128xf32, #tpu.memory_space<vmem_shared>>)
      tpu.yield
    }) : () -> ()
    %add3A_10 = arith.constant 256 : i32
    %add3A_11 = arith.addi %mul3A_0, %add3A_10 : i32
    "tpu.region"() ({
      %run_scoped3A = tpu.sem_alloc : memref<!tpu.dma_semaphore, #tpu.memory_space<semaphore_mem>>
      %dma_start3A_53 = arith.constant 0 : i32
      %dma_start3A_54 = arith.constant 0 : i32
      %dma_start3A_55 = tpu.memref_slice %arg9[%dma_start3A_53, %dma_start3A_54] : memref<128x128xf32, #tpu.memory_space<vmem>> -> memref<64x128xf32, #tpu.memory_space<vmem>>
      %dma_start3A_56 = arith.constant 0 : i32
      %dma_start3A_57 = tpu.memref_slice %arg11[%add3A_11, %dma_start3A_56] : memref<5248x128xf32, #tpu.memory_space<vmem_shared>> -> memref<64x128xf32, #tpu.memory_space<vmem_shared>>
      %dma_start3A_58 = arith.constant 0 : i32
      %dma_start3A_59 = tpu.memref_slice %arg11[%add3A_11, %dma_start3A_58] : memref<5248x128xf32, #tpu.memory_space<vmem_shared>> -> memref<64x128xf32, #tpu.memory_space<vmem_shared>>
      %dma_start3A_60 = arith.constant 0 : i32
      %dma_start3A_61 = arith.constant 0 : i32
      %dma_start3A_62 = tpu.memref_slice %arg9[%dma_start3A_60, %dma_start3A_61] : memref<128x128xf32, #tpu.memory_space<vmem>> -> memref<64x128xf32, #tpu.memory_space<vmem>>
      tpu.enqueue_dma source(%dma_start3A_62 : memref<64x128xf32, #tpu.memory_space<vmem>>) target(%dma_start3A_59 : memref<64x128xf32, #tpu.memory_space<vmem_shared>>) target_semaphore(%run_scoped3A : memref<!tpu.dma_semaphore, #tpu.memory_space<semaphore_mem>>)
      %dma_wait3A = arith.constant 0 : i32
      %dma_wait3A_63 = arith.constant 0 : i32
      %dma_wait3A_64 = tpu.memref_slice %arg9[%dma_wait3A, %dma_wait3A_63] : memref<128x128xf32, #tpu.memory_space<vmem>> -> memref<64x128xf32, #tpu.memory_space<vmem>>
      %dma_wait3A_65 = arith.constant 0 : i32
      %dma_wait3A_66 = tpu.memref_slice %arg11[%add3A_11, %dma_wait3A_65] : memref<5248x128xf32, #tpu.memory_space<vmem_shared>> -> memref<64x128xf32, #tpu.memory_space<vmem_shared>>
      %dma_wait3A_67 = arith.constant 0 : i32
      %dma_wait3A_68 = tpu.memref_slice %arg11[%add3A_11, %dma_wait3A_67] : memref<5248x128xf32, #tpu.memory_space<vmem_shared>> -> memref<64x128xf32, #tpu.memory_space<vmem_shared>>
      %dma_wait3A_69 = arith.constant 0 : i32
      %dma_wait3A_70 = arith.constant 0 : i32
      %dma_wait3A_71 = tpu.memref_slice %arg9[%dma_wait3A_69, %dma_wait3A_70] : memref<128x128xf32, #tpu.memory_space<vmem>> -> memref<64x128xf32, #tpu.memory_space<vmem>>
      tpu.wait_dma2 semaphore(%run_scoped3A : memref<!tpu.dma_semaphore, #tpu.memory_space<semaphore_mem>>) src(%dma_wait3A_71 : memref<64x128xf32, #tpu.memory_space<vmem>>) dst(%dma_wait3A_68 : memref<64x128xf32, #tpu.memory_space<vmem_shared>>)
      tpu.yield
    }) : () -> ()
    "tpu.region"() ({
      %run_scoped3A = tpu.sem_alloc : memref<!tpu.dma_semaphore, #tpu.memory_space<semaphore_mem>>
      %dma_start3A_53 = arith.constant 0 : i32
      %dma_start3A_54 = arith.constant 0 : i32
      %dma_start3A_55 = tpu.memref_slice %arg3[%arg1, %dma_start3A_53, %dma_start3A_54] : memref<16x158x128xi32, #tpu.memory_space<hbm>> -> memref<1x158x128xi32, #tpu.memory_space<hbm>>
      %dma_start3A_56 = tpu.memref_squeeze %dma_start3A_55 : memref<1x158x128xi32, #tpu.memory_space<hbm>> -> memref<158x128xi32, #tpu.memory_space<hbm>>
      %dma_start3A_57 = arith.constant 0 : i32
      %dma_start3A_58 = arith.constant 0 : i32
      %dma_start3A_59 = tpu.memref_slice %arg3[%arg1, %dma_start3A_57, %dma_start3A_58] : memref<16x158x128xi32, #tpu.memory_space<hbm>> -> memref<1x158x128xi32, #tpu.memory_space<hbm>>
      %dma_start3A_60 = tpu.memref_squeeze %dma_start3A_59 : memref<1x158x128xi32, #tpu.memory_space<hbm>> -> memref<158x128xi32, #tpu.memory_space<hbm>>
      tpu.enqueue_dma source(%dma_start3A_60 : memref<158x128xi32, #tpu.memory_space<hbm>>) target(%arg7 : memref<158x128xi32, #tpu.memory_space<vmem>>) target_semaphore(%run_scoped3A : memref<!tpu.dma_semaphore, #tpu.memory_space<semaphore_mem>>)
      %dma_wait3A = arith.constant 0 : i32
      %dma_wait3A_61 = arith.constant 0 : i32
      %dma_wait3A_62 = tpu.memref_slice %arg3[%arg1, %dma_wait3A, %dma_wait3A_61] : memref<16x158x128xi32, #tpu.memory_space<hbm>> -> memref<1x158x128xi32, #tpu.memory_space<hbm>>
      %dma_wait3A_63 = tpu.memref_squeeze %dma_wait3A_62 : memref<1x158x128xi32, #tpu.memory_space<hbm>> -> memref<158x128xi32, #tpu.memory_space<hbm>>
      %dma_wait3A_64 = arith.constant 0 : i32
      %dma_wait3A_65 = arith.constant 0 : i32
      %dma_wait3A_66 = tpu.memref_slice %arg3[%arg1, %dma_wait3A_64, %dma_wait3A_65] : memref<16x158x128xi32, #tpu.memory_space<hbm>> -> memref<1x158x128xi32, #tpu.memory_space<hbm>>
      %dma_wait3A_67 = tpu.memref_squeeze %dma_wait3A_66 : memref<1x158x128xi32, #tpu.memory_space<hbm>> -> memref<158x128xi32, #tpu.memory_space<hbm>>
      tpu.wait_dma2 semaphore(%run_scoped3A : memref<!tpu.dma_semaphore, #tpu.memory_space<semaphore_mem>>) src(%dma_wait3A_67 : memref<158x128xi32, #tpu.memory_space<hbm>>) dst(%arg7 : memref<158x128xi32, #tpu.memory_space<vmem>>)
      tpu.yield
    }) : () -> ()
    "tpu.region"() ({
      %run_scoped3A = tpu.sem_alloc : memref<!tpu.dma_semaphore, #tpu.memory_space<semaphore_mem>>
      %dma_start3A_53 = arith.constant 0 : i32
      %dma_start3A_54 = arith.constant 0 : i32
      %dma_start3A_55 = tpu.memref_slice %arg4[%arg1, %dma_start3A_53, %dma_start3A_54] : memref<16x158x128xi32, #tpu.memory_space<hbm>> -> memref<1x158x128xi32, #tpu.memory_space<hbm>>
      %dma_start3A_56 = tpu.memref_squeeze %dma_start3A_55 : memref<1x158x128xi32, #tpu.memory_space<hbm>> -> memref<158x128xi32, #tpu.memory_space<hbm>>
      %dma_start3A_57 = arith.constant 0 : i32
      %dma_start3A_58 = arith.constant 0 : i32
      %dma_start3A_59 = tpu.memref_slice %arg4[%arg1, %dma_start3A_57, %dma_start3A_58] : memref<16x158x128xi32, #tpu.memory_space<hbm>> -> memref<1x158x128xi32, #tpu.memory_space<hbm>>
      %dma_start3A_60 = tpu.memref_squeeze %dma_start3A_59 : memref<1x158x128xi32, #tpu.memory_space<hbm>> -> memref<158x128xi32, #tpu.memory_space<hbm>>
      tpu.enqueue_dma source(%dma_start3A_60 : memref<158x128xi32, #tpu.memory_space<hbm>>) target(%arg8 : memref<158x128xi32, #tpu.memory_space<vmem>>) target_semaphore(%run_scoped3A : memref<!tpu.dma_semaphore, #tpu.memory_space<semaphore_mem>>)
      %dma_wait3A = arith.constant 0 : i32
      %dma_wait3A_61 = arith.constant 0 : i32
      %dma_wait3A_62 = tpu.memref_slice %arg4[%arg1, %dma_wait3A, %dma_wait3A_61] : memref<16x158x128xi32, #tpu.memory_space<hbm>> -> memref<1x158x128xi32, #tpu.memory_space<hbm>>
      %dma_wait3A_63 = tpu.memref_squeeze %dma_wait3A_62 : memref<1x158x128xi32, #tpu.memory_space<hbm>> -> memref<158x128xi32, #tpu.memory_space<hbm>>
      %dma_wait3A_64 = arith.constant 0 : i32
      %dma_wait3A_65 = arith.constant 0 : i32
      %dma_wait3A_66 = tpu.memref_slice %arg4[%arg1, %dma_wait3A_64, %dma_wait3A_65] : memref<16x158x128xi32, #tpu.memory_space<hbm>> -> memref<1x158x128xi32, #tpu.memory_space<hbm>>
      %dma_wait3A_67 = tpu.memref_squeeze %dma_wait3A_66 : memref<1x158x128xi32, #tpu.memory_space<hbm>> -> memref<158x128xi32, #tpu.memory_space<hbm>>
      tpu.wait_dma2 semaphore(%run_scoped3A : memref<!tpu.dma_semaphore, #tpu.memory_space<semaphore_mem>>) src(%dma_wait3A_67 : memref<158x128xi32, #tpu.memory_space<hbm>>) dst(%arg8 : memref<158x128xi32, #tpu.memory_space<vmem>>)
      tpu.yield
    }) : () -> ()
    %iota3A = tpu.iota {dimensions = array<i32: 0>} : vector<16xi32>
    %scan3A = arith.constant 0 : i32
    %scan3A_12 = arith.constant 158 : i32
    %scan3A_13 = arith.addi %scan3A, %scan3A_12 : i32
    %scan3A_14 = arith.constant 1 : i32
    scf.for %scan3A_53 = %scan3A to %scan3A_13 step %scan3A_14  : i32 {
      %scan3A_54 = arith.constant 0 : i32
      %scan3A_55 = arith.constant 8 : i32
      %scan3A_56 = arith.addi %scan3A_54, %scan3A_55 : i32
      %scan3A_57 = arith.constant 1 : i32
      scf.for %scan3A_59 = %scan3A_54 to %scan3A_56 step %scan3A_57  : i32 {
        %mul3A_60 = arith.constant 16 : i32
        %mul3A_61 = arith.muli %scan3A_59, %mul3A_60 : i32
        %get3A = arith.index_cast %scan3A_53 : i32 to index
        %get3A_62 = arith.index_cast %mul3A_61 : i32 to index
        %get3A_63 = tpu.vector_load %arg8[%get3A, %get3A_62] {strides = array<i32>} : memref<158x128xi32, #tpu.memory_space<vmem>>, vector<1x16xi32>,
        %get3A_64 = vector.shape_cast %get3A_63 : vector<1x16xi32> to vector<16xi32>
        %sub3A = vector.broadcast %mul3A_2 : i32 to vector<16xi32>
        %sub3A_65 = arith.subi %get3A_64, %sub3A : vector<16xi32>
        %lt3A = arith.constant 0 : i32
        %lt3A_66 = vector.broadcast %lt3A : i32 to vector<16xi32>
        %lt3A_67 = arith.cmpi slt, %sub3A_65, %lt3A_66 : vector<16xi32>
        %ge3A = arith.constant 5120 : i32
        %ge3A_68 = vector.broadcast %ge3A : i32 to vector<16xi32>
        %ge3A_69 = arith.cmpi sge, %sub3A_65, %ge3A_68 : vector<16xi32>
        %or3A = arith.ori %lt3A_67, %ge3A_69 : vector<16xi1>
        %and3A = arith.constant 7 : i32
        %and3A_70 = arith.andi %scan3A_59, %and3A : i32
        %mul3A_71 = arith.constant 16 : i32
        %mul3A_72 = arith.muli %and3A_70, %mul3A_71 : i32
        %add3A_73 = arith.constant 5120 : i32
        %add3A_74 = arith.addi %add3A_73, %mul3A_72 : i32
        %add3A_75 = vector.broadcast %add3A_74 : i32 to vector<16xi32>
        %add3A_76 = arith.addi %add3A_75, %iota3A : vector<16xi32>
        %select_n3A = arith.select %or3A, %add3A_76, %sub3A_65 : vector<16xi1>, vector<16xi32>
        %mul3A_77 = arith.constant 16 : i32
        %mul3A_78 = arith.muli %scan3A_59, %mul3A_77 : i32
        %swap3A = arith.index_cast %scan3A_53 : i32 to index
        %swap3A_79 = arith.index_cast %mul3A_78 : i32 to index
        %swap3A_80 = tpu.vector_load %arg8[%swap3A, %swap3A_79] {strides = array<i32>} : memref<158x128xi32, #tpu.memory_space<vmem>>, vector<1x16xi32>,
        %swap3A_81 = vector.shape_cast %swap3A_80 : vector<1x16xi32> to vector<16xi32>
        %swap3A_82 = vector.shape_cast %select_n3A : vector<16xi32> to vector<1x16xi32>
        tpu.vector_store %arg8[%swap3A, %swap3A_79], %swap3A_82 {strides = array<i32>} : memref<158x128xi32, #tpu.memory_space<vmem>>, vector<1x16xi32>,
      }
      %scan3A_58 = arith.constant 8 : i32
    }
    %scan3A_15 = arith.constant 158 : i32
    %barrier3A = arith.constant 0 : index
    tpu.barrier barrier_id(%barrier3A)
    %dma_start3A = arith.constant 0 : i32
    %dma_start3A_16 = arith.constant 0 : i32
    %dma_start3A_17 = tpu.memref_slice %arg7[%dma_start3A, %dma_start3A_16] : memref<158x128xi32, #tpu.memory_space<vmem>> -> memref<1x128xi32, #tpu.memory_space<vmem>>
    %dma_start3A_18 = tpu.memref_squeeze %dma_start3A_17 : memref<1x128xi32, #tpu.memory_space<vmem>> -> memref<128xi32, #tpu.memory_space<vmem>>
    %dma_start3A_19 = arith.constant 0 : i32
    %dma_start3A_20 = arith.constant 0 : i32
    %dma_start3A_21 = tpu.memref_slice %arg2[%dma_start3A_19, %dma_start3A_20] : memref<10240x128xf32, #tpu.memory_space<hbm>> -> memref<10240x128xf32, #tpu.memory_space<hbm>>
    tpu.enqueue_indirect_dma source(%dma_start3A_21 : memref<10240x128xf32, #tpu.memory_space<hbm>>) target(%arg9 : memref<128x128xf32, #tpu.memory_space<vmem>>) offsets(%dma_start3A_18 : memref<128xi32, #tpu.memory_space<vmem>>) semaphore(%arg12 : memref<!tpu.dma_semaphore, #tpu.memory_space<semaphore_mem>>)
    %scan3A_22 = arith.constant 0 : i32
    %scan3A_23 = arith.constant 79 : i32
    %scan3A_24 = arith.addi %scan3A_22, %scan3A_23 : i32
    %scan3A_25 = arith.constant 1 : i32
    scf.for %scan3A_53 = %scan3A_22 to %scan3A_24 step %scan3A_25  : i32 {
      %mul3A_54 = arith.constant 2 : i32
      %mul3A_55 = arith.muli %mul3A_54, %scan3A_53 : i32
      %add3A_56 = arith.constant 1 : i32
      %add3A_57 = arith.addi %mul3A_55, %add3A_56 : i32
      %dma_start3A_58 = arith.constant 0 : i32
      %dma_start3A_59 = tpu.memref_slice %arg7[%add3A_57, %dma_start3A_58] : memref<158x128xi32, #tpu.memory_space<vmem>> -> memref<1x128xi32, #tpu.memory_space<vmem>>
      %dma_start3A_60 = tpu.memref_squeeze %dma_start3A_59 : memref<1x128xi32, #tpu.memory_space<vmem>> -> memref<128xi32, #tpu.memory_space<vmem>>
      %dma_start3A_61 = arith.constant 0 : i32
      %dma_start3A_62 = arith.constant 0 : i32
      %dma_start3A_63 = tpu.memref_slice %arg2[%dma_start3A_61, %dma_start3A_62] : memref<10240x128xf32, #tpu.memory_space<hbm>> -> memref<10240x128xf32, #tpu.memory_space<hbm>>
      tpu.enqueue_indirect_dma source(%dma_start3A_63 : memref<10240x128xf32, #tpu.memory_space<hbm>>) target(%arg10 : memref<128x128xf32, #tpu.memory_space<vmem>>) offsets(%dma_start3A_60 : memref<128xi32, #tpu.memory_space<vmem>>) semaphore(%arg13 : memref<!tpu.dma_semaphore, #tpu.memory_space<semaphore_mem>>)
      %dma_wait3A = arith.constant 0 : i32
      %dma_wait3A_64 = tpu.memref_slice %arg7[%mul3A_55, %dma_wait3A] : memref<158x128xi32, #tpu.memory_space<vmem>> -> memref<1x128xi32, #tpu.memory_space<vmem>>
      %dma_wait3A_65 = tpu.memref_squeeze %dma_wait3A_64 : memref<1x128xi32, #tpu.memory_space<vmem>> -> memref<128xi32, #tpu.memory_space<vmem>>
      %dma_wait3A_66 = arith.constant 0 : i32
      %dma_wait3A_67 = arith.constant 0 : i32
      %dma_wait3A_68 = tpu.memref_slice %arg2[%dma_wait3A_66, %dma_wait3A_67] : memref<10240x128xf32, #tpu.memory_space<hbm>> -> memref<10240x128xf32, #tpu.memory_space<hbm>>
      tpu.wait_indirect_dma semaphore(%arg12 : memref<!tpu.dma_semaphore, #tpu.memory_space<semaphore_mem>>) src(%dma_wait3A_68 : memref<10240x128xf32, #tpu.memory_space<hbm>>) dst(%arg9 : memref<128x128xf32, #tpu.memory_space<vmem>>)
      "tpu.region"() ({
        %run_scoped3A = tpu.sem_alloc : memref<!tpu.dma_semaphore, #tpu.memory_space<semaphore_mem>>
        %dma_start3A_79 = arith.constant 0 : i32
        %dma_start3A_80 = tpu.memref_slice %arg8[%mul3A_55, %dma_start3A_79] : memref<158x128xi32, #tpu.memory_space<vmem>> -> memref<1x128xi32, #tpu.memory_space<vmem>>
        %dma_start3A_81 = tpu.memref_squeeze %dma_start3A_80 : memref<1x128xi32, #tpu.memory_space<vmem>> -> memref<128xi32, #tpu.memory_space<vmem>>
        %dma_start3A_82 = arith.constant 0 : i32
        %dma_start3A_83 = arith.constant 0 : i32
        %dma_start3A_84 = tpu.memref_slice %arg11[%dma_start3A_82, %dma_start3A_83] : memref<5248x128xf32, #tpu.memory_space<vmem_shared>> -> memref<5248x128xf32, #tpu.memory_space<vmem_shared>>
        tpu.enqueue_indirect_dma source(%arg9 : memref<128x128xf32, #tpu.memory_space<vmem>>) target(%dma_start3A_84 : memref<5248x128xf32, #tpu.memory_space<vmem_shared>>) offsets(%dma_start3A_81 : memref<128xi32, #tpu.memory_space<vmem>>) semaphore(%run_scoped3A : memref<!tpu.dma_semaphore, #tpu.memory_space<semaphore_mem>>) {add = true}
        %dma_wait3A_85 = arith.constant 0 : i32
        %dma_wait3A_86 = tpu.memref_slice %arg8[%mul3A_55, %dma_wait3A_85] : memref<158x128xi32, #tpu.memory_space<vmem>> -> memref<1x128xi32, #tpu.memory_space<vmem>>
        %dma_wait3A_87 = tpu.memref_squeeze %dma_wait3A_86 : memref<1x128xi32, #tpu.memory_space<vmem>> -> memref<128xi32, #tpu.memory_space<vmem>>
        %dma_wait3A_88 = arith.constant 0 : i32
        %dma_wait3A_89 = arith.constant 0 : i32
        %dma_wait3A_90 = tpu.memref_slice %arg11[%dma_wait3A_88, %dma_wait3A_89] : memref<5248x128xf32, #tpu.memory_space<vmem_shared>> -> memref<5248x128xf32, #tpu.memory_space<vmem_shared>>
        tpu.wait_indirect_dma semaphore(%run_scoped3A : memref<!tpu.dma_semaphore, #tpu.memory_space<semaphore_mem>>) src(%arg9 : memref<128x128xf32, #tpu.memory_space<vmem>>) dst(%dma_wait3A_90 : memref<5248x128xf32, #tpu.memory_space<vmem_shared>>)
        tpu.yield
      }) : () -> ()
      %add3A_69 = arith.constant 2 : i32
      %add3A_70 = arith.addi %mul3A_55, %add3A_69 : i32
      %lt3A = arith.constant 158 : i32
      %lt3A_71 = arith.cmpi slt, %add3A_70, %lt3A : i32
      %convert_element_type3A = arith.extui %lt3A_71 : i1 to i32
      %cond3A = arith.constant 0 : i32
      %cond3A_72 = arith.cmpi ne, %convert_element_type3A, %cond3A : i32
      scf.if %cond3A_72 {
        %add3A_79 = arith.constant 2 : i32
        %add3A_80 = arith.addi %mul3A_55, %add3A_79 : i32
        %dma_start3A_81 = arith.constant 0 : i32
        %dma_start3A_82 = tpu.memref_slice %arg7[%add3A_80, %dma_start3A_81] : memref<158x128xi32, #tpu.memory_space<vmem>> -> memref<1x128xi32, #tpu.memory_space<vmem>>
        %dma_start3A_83 = tpu.memref_squeeze %dma_start3A_82 : memref<1x128xi32, #tpu.memory_space<vmem>> -> memref<128xi32, #tpu.memory_space<vmem>>
        %dma_start3A_84 = arith.constant 0 : i32
        %dma_start3A_85 = arith.constant 0 : i32
        %dma_start3A_86 = tpu.memref_slice %arg2[%dma_start3A_84, %dma_start3A_85] : memref<10240x128xf32, #tpu.memory_space<hbm>> -> memref<10240x128xf32, #tpu.memory_space<hbm>>
        tpu.enqueue_indirect_dma source(%dma_start3A_86 : memref<10240x128xf32, #tpu.memory_space<hbm>>) target(%arg9 : memref<128x128xf32, #tpu.memory_space<vmem>>) offsets(%dma_start3A_83 : memref<128xi32, #tpu.memory_space<vmem>>) semaphore(%arg12 : memref<!tpu.dma_semaphore, #tpu.memory_space<semaphore_mem>>)
      } else {
      }
      %dma_wait3A_73 = arith.constant 0 : i32
      %dma_wait3A_74 = tpu.memref_slice %arg7[%add3A_57, %dma_wait3A_73] : memref<158x128xi32, #tpu.memory_space<vmem>> -> memref<1x128xi32, #tpu.memory_space<vmem>>
      %dma_wait3A_75 = tpu.memref_squeeze %dma_wait3A_74 : memref<1x128xi32, #tpu.memory_space<vmem>> -> memref<128xi32, #tpu.memory_space<vmem>>
      %dma_wait3A_76 = arith.constant 0 : i32
      %dma_wait3A_77 = arith.constant 0 : i32
      %dma_wait3A_78 = tpu.memref_slice %arg2[%dma_wait3A_76, %dma_wait3A_77] : memref<10240x128xf32, #tpu.memory_space<hbm>> -> memref<10240x128xf32, #tpu.memory_space<hbm>>
      tpu.wait_indirect_dma semaphore(%arg13 : memref<!tpu.dma_semaphore, #tpu.memory_space<semaphore_mem>>) src(%dma_wait3A_78 : memref<10240x128xf32, #tpu.memory_space<hbm>>) dst(%arg10 : memref<128x128xf32, #tpu.memory_space<vmem>>)
      "tpu.region"() ({
        %run_scoped3A = tpu.sem_alloc : memref<!tpu.dma_semaphore, #tpu.memory_space<semaphore_mem>>
        %dma_start3A_79 = arith.constant 0 : i32
        %dma_start3A_80 = tpu.memref_slice %arg8[%add3A_57, %dma_start3A_79] : memref<158x128xi32, #tpu.memory_space<vmem>> -> memref<1x128xi32, #tpu.memory_space<vmem>>
        %dma_start3A_81 = tpu.memref_squeeze %dma_start3A_80 : memref<1x128xi32, #tpu.memory_space<vmem>> -> memref<128xi32, #tpu.memory_space<vmem>>
        %dma_start3A_82 = arith.constant 0 : i32
        %dma_start3A_83 = arith.constant 0 : i32
        %dma_start3A_84 = tpu.memref_slice %arg11[%dma_start3A_82, %dma_start3A_83] : memref<5248x128xf32, #tpu.memory_space<vmem_shared>> -> memref<5248x128xf32, #tpu.memory_space<vmem_shared>>
        tpu.enqueue_indirect_dma source(%arg10 : memref<128x128xf32, #tpu.memory_space<vmem>>) target(%dma_start3A_84 : memref<5248x128xf32, #tpu.memory_space<vmem_shared>>) offsets(%dma_start3A_81 : memref<128xi32, #tpu.memory_space<vmem>>) semaphore(%run_scoped3A : memref<!tpu.dma_semaphore, #tpu.memory_space<semaphore_mem>>) {add = true}
        %dma_wait3A_85 = arith.constant 0 : i32
        %dma_wait3A_86 = tpu.memref_slice %arg8[%add3A_57, %dma_wait3A_85] : memref<158x128xi32, #tpu.memory_space<vmem>> -> memref<1x128xi32, #tpu.memory_space<vmem>>
        %dma_wait3A_87 = tpu.memref_squeeze %dma_wait3A_86 : memref<1x128xi32, #tpu.memory_space<vmem>> -> memref<128xi32, #tpu.memory_space<vmem>>
        %dma_wait3A_88 = arith.constant 0 : i32
        %dma_wait3A_89 = arith.constant 0 : i32
        %dma_wait3A_90 = tpu.memref_slice %arg11[%dma_wait3A_88, %dma_wait3A_89] : memref<5248x128xf32, #tpu.memory_space<vmem_shared>> -> memref<5248x128xf32, #tpu.memory_space<vmem_shared>>
        tpu.wait_indirect_dma semaphore(%run_scoped3A : memref<!tpu.dma_semaphore, #tpu.memory_space<semaphore_mem>>) src(%arg10 : memref<128x128xf32, #tpu.memory_space<vmem>>) dst(%dma_wait3A_90 : memref<5248x128xf32, #tpu.memory_space<vmem_shared>>)
        tpu.yield
      }) : () -> ()
    }
    %scan3A_26 = arith.constant 79 : i32
    %barrier3A_27 = arith.constant 0 : index
    tpu.barrier barrier_id(%barrier3A_27)
    %add3A_28 = arith.constant 0 : i32
    %add3A_29 = arith.addi %mul3A_0, %add3A_28 : i32
    "tpu.region"() ({
      %run_scoped3A = tpu.sem_alloc : memref<!tpu.dma_semaphore, #tpu.memory_space<semaphore_mem>>
      %dma_start3A_53 = arith.constant 0 : i32
      %dma_start3A_54 = arith.constant 0 : i32
      %dma_start3A_55 = tpu.memref_slice %arg9[%dma_start3A_53, %dma_start3A_54] : memref<128x128xf32, #tpu.memory_space<vmem>> -> memref<64x128xf32, #tpu.memory_space<vmem>>
      %dma_start3A_56 = arith.constant 0 : i32
      %dma_start3A_57 = tpu.memref_slice %arg11[%add3A_29, %dma_start3A_56] : memref<5248x128xf32, #tpu.memory_space<vmem_shared>> -> memref<64x128xf32, #tpu.memory_space<vmem_shared>>
      %dma_start3A_58 = arith.constant 0 : i32
      %dma_start3A_59 = arith.constant 0 : i32
      %dma_start3A_60 = tpu.memref_slice %arg9[%dma_start3A_58, %dma_start3A_59] : memref<128x128xf32, #tpu.memory_space<vmem>> -> memref<64x128xf32, #tpu.memory_space<vmem>>
      %dma_start3A_61 = arith.constant 0 : i32
      %dma_start3A_62 = tpu.memref_slice %arg11[%add3A_29, %dma_start3A_61] : memref<5248x128xf32, #tpu.memory_space<vmem_shared>> -> memref<64x128xf32, #tpu.memory_space<vmem_shared>>
      tpu.enqueue_dma source(%dma_start3A_62 : memref<64x128xf32, #tpu.memory_space<vmem_shared>>) target(%dma_start3A_60 : memref<64x128xf32, #tpu.memory_space<vmem>>) target_semaphore(%run_scoped3A : memref<!tpu.dma_semaphore, #tpu.memory_space<semaphore_mem>>)
      %dma_wait3A = arith.constant 0 : i32
      %dma_wait3A_63 = arith.constant 0 : i32
      %dma_wait3A_64 = tpu.memref_slice %arg9[%dma_wait3A, %dma_wait3A_63] : memref<128x128xf32, #tpu.memory_space<vmem>> -> memref<64x128xf32, #tpu.memory_space<vmem>>
      %dma_wait3A_65 = arith.constant 0 : i32
      %dma_wait3A_66 = tpu.memref_slice %arg11[%add3A_29, %dma_wait3A_65] : memref<5248x128xf32, #tpu.memory_space<vmem_shared>> -> memref<64x128xf32, #tpu.memory_space<vmem_shared>>
      %dma_wait3A_67 = arith.constant 0 : i32
      %dma_wait3A_68 = arith.constant 0 : i32
      %dma_wait3A_69 = tpu.memref_slice %arg9[%dma_wait3A_67, %dma_wait3A_68] : memref<128x128xf32, #tpu.memory_space<vmem>> -> memref<64x128xf32, #tpu.memory_space<vmem>>
      %dma_wait3A_70 = arith.constant 0 : i32
      %dma_wait3A_71 = tpu.memref_slice %arg11[%add3A_29, %dma_wait3A_70] : memref<5248x128xf32, #tpu.memory_space<vmem_shared>> -> memref<64x128xf32, #tpu.memory_space<vmem_shared>>
      tpu.wait_dma2 semaphore(%run_scoped3A : memref<!tpu.dma_semaphore, #tpu.memory_space<semaphore_mem>>) src(%dma_wait3A_71 : memref<64x128xf32, #tpu.memory_space<vmem_shared>>) dst(%dma_wait3A_69 : memref<64x128xf32, #tpu.memory_space<vmem>>)
      tpu.yield
    }) : () -> ()
    %add3A_30 = arith.addi %mul3A_2, %mul3A_0 : i32
    %add3A_31 = arith.constant 0 : i32
    %add3A_32 = arith.addi %add3A_30, %add3A_31 : i32
    "tpu.region"() ({
      %run_scoped3A = tpu.sem_alloc : memref<!tpu.dma_semaphore, #tpu.memory_space<semaphore_mem>>
      %dma_start3A_53 = arith.constant 0 : i32
      %dma_start3A_54 = arith.constant 0 : i32
      %dma_start3A_55 = tpu.memref_slice %arg9[%dma_start3A_53, %dma_start3A_54] : memref<128x128xf32, #tpu.memory_space<vmem>> -> memref<64x128xf32, #tpu.memory_space<vmem>>
      %dma_start3A_56 = arith.constant 0 : i32
      %dma_start3A_57 = tpu.memref_slice %arg6[%add3A_32, %dma_start3A_56] : memref<10240x128xf32, #tpu.memory_space<hbm>> -> memref<64x128xf32, #tpu.memory_space<hbm>>
      %dma_start3A_58 = arith.constant 0 : i32
      %dma_start3A_59 = tpu.memref_slice %arg6[%add3A_32, %dma_start3A_58] : memref<10240x128xf32, #tpu.memory_space<hbm>> -> memref<64x128xf32, #tpu.memory_space<hbm>>
      %dma_start3A_60 = arith.constant 0 : i32
      %dma_start3A_61 = arith.constant 0 : i32
      %dma_start3A_62 = tpu.memref_slice %arg9[%dma_start3A_60, %dma_start3A_61] : memref<128x128xf32, #tpu.memory_space<vmem>> -> memref<64x128xf32, #tpu.memory_space<vmem>>
      tpu.enqueue_dma source(%dma_start3A_62 : memref<64x128xf32, #tpu.memory_space<vmem>>) target(%dma_start3A_59 : memref<64x128xf32, #tpu.memory_space<hbm>>) target_semaphore(%run_scoped3A : memref<!tpu.dma_semaphore, #tpu.memory_space<semaphore_mem>>)
      %dma_wait3A = arith.constant 0 : i32
      %dma_wait3A_63 = arith.constant 0 : i32
      %dma_wait3A_64 = tpu.memref_slice %arg9[%dma_wait3A, %dma_wait3A_63] : memref<128x128xf32, #tpu.memory_space<vmem>> -> memref<64x128xf32, #tpu.memory_space<vmem>>
      %dma_wait3A_65 = arith.constant 0 : i32
      %dma_wait3A_66 = tpu.memref_slice %arg6[%add3A_32, %dma_wait3A_65] : memref<10240x128xf32, #tpu.memory_space<hbm>> -> memref<64x128xf32, #tpu.memory_space<hbm>>
      %dma_wait3A_67 = arith.constant 0 : i32
      %dma_wait3A_68 = tpu.memref_slice %arg6[%add3A_32, %dma_wait3A_67] : memref<10240x128xf32, #tpu.memory_space<hbm>> -> memref<64x128xf32, #tpu.memory_space<hbm>>
      %dma_wait3A_69 = arith.constant 0 : i32
      %dma_wait3A_70 = arith.constant 0 : i32
      %dma_wait3A_71 = tpu.memref_slice %arg9[%dma_wait3A_69, %dma_wait3A_70] : memref<128x128xf32, #tpu.memory_space<vmem>> -> memref<64x128xf32, #tpu.memory_space<vmem>>
      tpu.wait_dma2 semaphore(%run_scoped3A : memref<!tpu.dma_semaphore, #tpu.memory_space<semaphore_mem>>) src(%dma_wait3A_71 : memref<64x128xf32, #tpu.memory_space<vmem>>) dst(%dma_wait3A_68 : memref<64x128xf32, #tpu.memory_space<hbm>>)
      tpu.yield
    }) : () -> ()
    %add3A_33 = arith.constant 64 : i32
    %add3A_34 = arith.addi %mul3A_0, %add3A_33 : i32
    "tpu.region"() ({
      %run_scoped3A = tpu.sem_alloc : memref<!tpu.dma_semaphore, #tpu.memory_space<semaphore_mem>>
      %dma_start3A_53 = arith.constant 0 : i32
      %dma_start3A_54 = arith.constant 0 : i32
      %dma_start3A_55 = tpu.memref_slice %arg9[%dma_start3A_53, %dma_start3A_54] : memref<128x128xf32, #tpu.memory_space<vmem>> -> memref<64x128xf32, #tpu.memory_space<vmem>>
      %dma_start3A_56 = arith.constant 0 : i32
      %dma_start3A_57 = tpu.memref_slice %arg11[%add3A_34, %dma_start3A_56] : memref<5248x128xf32, #tpu.memory_space<vmem_shared>> -> memref<64x128xf32, #tpu.memory_space<vmem_shared>>
      %dma_start3A_58 = arith.constant 0 : i32
      %dma_start3A_59 = arith.constant 0 : i32
      %dma_start3A_60 = tpu.memref_slice %arg9[%dma_start3A_58, %dma_start3A_59] : memref<128x128xf32, #tpu.memory_space<vmem>> -> memref<64x128xf32, #tpu.memory_space<vmem>>
      %dma_start3A_61 = arith.constant 0 : i32
      %dma_start3A_62 = tpu.memref_slice %arg11[%add3A_34, %dma_start3A_61] : memref<5248x128xf32, #tpu.memory_space<vmem_shared>> -> memref<64x128xf32, #tpu.memory_space<vmem_shared>>
      tpu.enqueue_dma source(%dma_start3A_62 : memref<64x128xf32, #tpu.memory_space<vmem_shared>>) target(%dma_start3A_60 : memref<64x128xf32, #tpu.memory_space<vmem>>) target_semaphore(%run_scoped3A : memref<!tpu.dma_semaphore, #tpu.memory_space<semaphore_mem>>)
      %dma_wait3A = arith.constant 0 : i32
      %dma_wait3A_63 = arith.constant 0 : i32
      %dma_wait3A_64 = tpu.memref_slice %arg9[%dma_wait3A, %dma_wait3A_63] : memref<128x128xf32, #tpu.memory_space<vmem>> -> memref<64x128xf32, #tpu.memory_space<vmem>>
      %dma_wait3A_65 = arith.constant 0 : i32
      %dma_wait3A_66 = tpu.memref_slice %arg11[%add3A_34, %dma_wait3A_65] : memref<5248x128xf32, #tpu.memory_space<vmem_shared>> -> memref<64x128xf32, #tpu.memory_space<vmem_shared>>
      %dma_wait3A_67 = arith.constant 0 : i32
      %dma_wait3A_68 = arith.constant 0 : i32
      %dma_wait3A_69 = tpu.memref_slice %arg9[%dma_wait3A_67, %dma_wait3A_68] : memref<128x128xf32, #tpu.memory_space<vmem>> -> memref<64x128xf32, #tpu.memory_space<vmem>>
      %dma_wait3A_70 = arith.constant 0 : i32
      %dma_wait3A_71 = tpu.memref_slice %arg11[%add3A_34, %dma_wait3A_70] : memref<5248x128xf32, #tpu.memory_space<vmem_shared>> -> memref<64x128xf32, #tpu.memory_space<vmem_shared>>
      tpu.wait_dma2 semaphore(%run_scoped3A : memref<!tpu.dma_semaphore, #tpu.memory_space<semaphore_mem>>) src(%dma_wait3A_71 : memref<64x128xf32, #tpu.memory_space<vmem_shared>>) dst(%dma_wait3A_69 : memref<64x128xf32, #tpu.memory_space<vmem>>)
      tpu.yield
    }) : () -> ()
    %add3A_35 = arith.addi %mul3A_2, %mul3A_0 : i32
    %add3A_36 = arith.constant 64 : i32
    %add3A_37 = arith.addi %add3A_35, %add3A_36 : i32
    "tpu.region"() ({
      %run_scoped3A = tpu.sem_alloc : memref<!tpu.dma_semaphore, #tpu.memory_space<semaphore_mem>>
      %dma_start3A_53 = arith.constant 0 : i32
      %dma_start3A_54 = arith.constant 0 : i32
      %dma_start3A_55 = tpu.memref_slice %arg9[%dma_start3A_53, %dma_start3A_54] : memref<128x128xf32, #tpu.memory_space<vmem>> -> memref<64x128xf32, #tpu.memory_space<vmem>>
      %dma_start3A_56 = arith.constant 0 : i32
      %dma_start3A_57 = tpu.memref_slice %arg6[%add3A_37, %dma_start3A_56] : memref<10240x128xf32, #tpu.memory_space<hbm>> -> memref<64x128xf32, #tpu.memory_space<hbm>>
      %dma_start3A_58 = arith.constant 0 : i32
      %dma_start3A_59 = tpu.memref_slice %arg6[%add3A_37, %dma_start3A_58] : memref<10240x128xf32, #tpu.memory_space<hbm>> -> memref<64x128xf32, #tpu.memory_space<hbm>>
      %dma_start3A_60 = arith.constant 0 : i32
      %dma_start3A_61 = arith.constant 0 : i32
      %dma_start3A_62 = tpu.memref_slice %arg9[%dma_start3A_60, %dma_start3A_61] : memref<128x128xf32, #tpu.memory_space<vmem>> -> memref<64x128xf32, #tpu.memory_space<vmem>>
      tpu.enqueue_dma source(%dma_start3A_62 : memref<64x128xf32, #tpu.memory_space<vmem>>) target(%dma_start3A_59 : memref<64x128xf32, #tpu.memory_space<hbm>>) target_semaphore(%run_scoped3A : memref<!tpu.dma_semaphore, #tpu.memory_space<semaphore_mem>>)
      %dma_wait3A = arith.constant 0 : i32
      %dma_wait3A_63 = arith.constant 0 : i32
      %dma_wait3A_64 = tpu.memref_slice %arg9[%dma_wait3A, %dma_wait3A_63] : memref<128x128xf32, #tpu.memory_space<vmem>> -> memref<64x128xf32, #tpu.memory_space<vmem>>
      %dma_wait3A_65 = arith.constant 0 : i32
      %dma_wait3A_66 = tpu.memref_slice %arg6[%add3A_37, %dma_wait3A_65] : memref<10240x128xf32, #tpu.memory_space<hbm>> -> memref<64x128xf32, #tpu.memory_space<hbm>>
      %dma_wait3A_67 = arith.constant 0 : i32
      %dma_wait3A_68 = tpu.memref_slice %arg6[%add3A_37, %dma_wait3A_67] : memref<10240x128xf32, #tpu.memory_space<hbm>> -> memref<64x128xf32, #tpu.memory_space<hbm>>
      %dma_wait3A_69 = arith.constant 0 : i32
      %dma_wait3A_70 = arith.constant 0 : i32
      %dma_wait3A_71 = tpu.memref_slice %arg9[%dma_wait3A_69, %dma_wait3A_70] : memref<128x128xf32, #tpu.memory_space<vmem>> -> memref<64x128xf32, #tpu.memory_space<vmem>>
      tpu.wait_dma2 semaphore(%run_scoped3A : memref<!tpu.dma_semaphore, #tpu.memory_space<semaphore_mem>>) src(%dma_wait3A_71 : memref<64x128xf32, #tpu.memory_space<vmem>>) dst(%dma_wait3A_68 : memref<64x128xf32, #tpu.memory_space<hbm>>)
      tpu.yield
    }) : () -> ()
    %add3A_38 = arith.constant 128 : i32
    %add3A_39 = arith.addi %mul3A_0, %add3A_38 : i32
    "tpu.region"() ({
      %run_scoped3A = tpu.sem_alloc : memref<!tpu.dma_semaphore, #tpu.memory_space<semaphore_mem>>
      %dma_start3A_53 = arith.constant 0 : i32
      %dma_start3A_54 = arith.constant 0 : i32
      %dma_start3A_55 = tpu.memref_slice %arg9[%dma_start3A_53, %dma_start3A_54] : memref<128x128xf32, #tpu.memory_space<vmem>> -> memref<64x128xf32, #tpu.memory_space<vmem>>
      %dma_start3A_56 = arith.constant 0 : i32
      %dma_start3A_57 = tpu.memref_slice %arg11[%add3A_39, %dma_start3A_56] : memref<5248x128xf32, #tpu.memory_space<vmem_shared>> -> memref<64x128xf32, #tpu.memory_space<vmem_shared>>
      %dma_start3A_58 = arith.constant 0 : i32
      %dma_start3A_59 = arith.constant 0 : i32
      %dma_start3A_60 = tpu.memref_slice %arg9[%dma_start3A_58, %dma_start3A_59] : memref<128x128xf32, #tpu.memory_space<vmem>> -> memref<64x128xf32, #tpu.memory_space<vmem>>
      %dma_start3A_61 = arith.constant 0 : i32
      %dma_start3A_62 = tpu.memref_slice %arg11[%add3A_39, %dma_start3A_61] : memref<5248x128xf32, #tpu.memory_space<vmem_shared>> -> memref<64x128xf32, #tpu.memory_space<vmem_shared>>
      tpu.enqueue_dma source(%dma_start3A_62 : memref<64x128xf32, #tpu.memory_space<vmem_shared>>) target(%dma_start3A_60 : memref<64x128xf32, #tpu.memory_space<vmem>>) target_semaphore(%run_scoped3A : memref<!tpu.dma_semaphore, #tpu.memory_space<semaphore_mem>>)
      %dma_wait3A = arith.constant 0 : i32
      %dma_wait3A_63 = arith.constant 0 : i32
      %dma_wait3A_64 = tpu.memref_slice %arg9[%dma_wait3A, %dma_wait3A_63] : memref<128x128xf32, #tpu.memory_space<vmem>> -> memref<64x128xf32, #tpu.memory_space<vmem>>
      %dma_wait3A_65 = arith.constant 0 : i32
      %dma_wait3A_66 = tpu.memref_slice %arg11[%add3A_39, %dma_wait3A_65] : memref<5248x128xf32, #tpu.memory_space<vmem_shared>> -> memref<64x128xf32, #tpu.memory_space<vmem_shared>>
      %dma_wait3A_67 = arith.constant 0 : i32
      %dma_wait3A_68 = arith.constant 0 : i32
      %dma_wait3A_69 = tpu.memref_slice %arg9[%dma_wait3A_67, %dma_wait3A_68] : memref<128x128xf32, #tpu.memory_space<vmem>> -> memref<64x128xf32, #tpu.memory_space<vmem>>
      %dma_wait3A_70 = arith.constant 0 : i32
      %dma_wait3A_71 = tpu.memref_slice %arg11[%add3A_39, %dma_wait3A_70] : memref<5248x128xf32, #tpu.memory_space<vmem_shared>> -> memref<64x128xf32, #tpu.memory_space<vmem_shared>>
      tpu.wait_dma2 semaphore(%run_scoped3A : memref<!tpu.dma_semaphore, #tpu.memory_space<semaphore_mem>>) src(%dma_wait3A_71 : memref<64x128xf32, #tpu.memory_space<vmem_shared>>) dst(%dma_wait3A_69 : memref<64x128xf32, #tpu.memory_space<vmem>>)
      tpu.yield
    }) : () -> ()
    %add3A_40 = arith.addi %mul3A_2, %mul3A_0 : i32
    %add3A_41 = arith.constant 128 : i32
    %add3A_42 = arith.addi %add3A_40, %add3A_41 : i32
    "tpu.region"() ({
      %run_scoped3A = tpu.sem_alloc : memref<!tpu.dma_semaphore, #tpu.memory_space<semaphore_mem>>
      %dma_start3A_53 = arith.constant 0 : i32
      %dma_start3A_54 = arith.constant 0 : i32
      %dma_start3A_55 = tpu.memref_slice %arg9[%dma_start3A_53, %dma_start3A_54] : memref<128x128xf32, #tpu.memory_space<vmem>> -> memref<64x128xf32, #tpu.memory_space<vmem>>
      %dma_start3A_56 = arith.constant 0 : i32
      %dma_start3A_57 = tpu.memref_slice %arg6[%add3A_42, %dma_start3A_56] : memref<10240x128xf32, #tpu.memory_space<hbm>> -> memref<64x128xf32, #tpu.memory_space<hbm>>
      %dma_start3A_58 = arith.constant 0 : i32
      %dma_start3A_59 = tpu.memref_slice %arg6[%add3A_42, %dma_start3A_58] : memref<10240x128xf32, #tpu.memory_space<hbm>> -> memref<64x128xf32, #tpu.memory_space<hbm>>
      %dma_start3A_60 = arith.constant 0 : i32
      %dma_start3A_61 = arith.constant 0 : i32
      %dma_start3A_62 = tpu.memref_slice %arg9[%dma_start3A_60, %dma_start3A_61] : memref<128x128xf32, #tpu.memory_space<vmem>> -> memref<64x128xf32, #tpu.memory_space<vmem>>
      tpu.enqueue_dma source(%dma_start3A_62 : memref<64x128xf32, #tpu.memory_space<vmem>>) target(%dma_start3A_59 : memref<64x128xf32, #tpu.memory_space<hbm>>) target_semaphore(%run_scoped3A : memref<!tpu.dma_semaphore, #tpu.memory_space<semaphore_mem>>)
      %dma_wait3A = arith.constant 0 : i32
      %dma_wait3A_63 = arith.constant 0 : i32
      %dma_wait3A_64 = tpu.memref_slice %arg9[%dma_wait3A, %dma_wait3A_63] : memref<128x128xf32, #tpu.memory_space<vmem>> -> memref<64x128xf32, #tpu.memory_space<vmem>>
      %dma_wait3A_65 = arith.constant 0 : i32
      %dma_wait3A_66 = tpu.memref_slice %arg6[%add3A_42, %dma_wait3A_65] : memref<10240x128xf32, #tpu.memory_space<hbm>> -> memref<64x128xf32, #tpu.memory_space<hbm>>
      %dma_wait3A_67 = arith.constant 0 : i32
      %dma_wait3A_68 = tpu.memref_slice %arg6[%add3A_42, %dma_wait3A_67] : memref<10240x128xf32, #tpu.memory_space<hbm>> -> memref<64x128xf32, #tpu.memory_space<hbm>>
      %dma_wait3A_69 = arith.constant 0 : i32
      %dma_wait3A_70 = arith.constant 0 : i32
      %dma_wait3A_71 = tpu.memref_slice %arg9[%dma_wait3A_69, %dma_wait3A_70] : memref<128x128xf32, #tpu.memory_space<vmem>> -> memref<64x128xf32, #tpu.memory_space<vmem>>
      tpu.wait_dma2 semaphore(%run_scoped3A : memref<!tpu.dma_semaphore, #tpu.memory_space<semaphore_mem>>) src(%dma_wait3A_71 : memref<64x128xf32, #tpu.memory_space<vmem>>) dst(%dma_wait3A_68 : memref<64x128xf32, #tpu.memory_space<hbm>>)
      tpu.yield
    }) : () -> ()
    %add3A_43 = arith.constant 192 : i32
    %add3A_44 = arith.addi %mul3A_0, %add3A_43 : i32
    "tpu.region"() ({
      %run_scoped3A = tpu.sem_alloc : memref<!tpu.dma_semaphore, #tpu.memory_space<semaphore_mem>>
      %dma_start3A_53 = arith.constant 0 : i32
      %dma_start3A_54 = arith.constant 0 : i32
      %dma_start3A_55 = tpu.memref_slice %arg9[%dma_start3A_53, %dma_start3A_54] : memref<128x128xf32, #tpu.memory_space<vmem>> -> memref<64x128xf32, #tpu.memory_space<vmem>>
      %dma_start3A_56 = arith.constant 0 : i32
      %dma_start3A_57 = tpu.memref_slice %arg11[%add3A_44, %dma_start3A_56] : memref<5248x128xf32, #tpu.memory_space<vmem_shared>> -> memref<64x128xf32, #tpu.memory_space<vmem_shared>>
      %dma_start3A_58 = arith.constant 0 : i32
      %dma_start3A_59 = arith.constant 0 : i32
      %dma_start3A_60 = tpu.memref_slice %arg9[%dma_start3A_58, %dma_start3A_59] : memref<128x128xf32, #tpu.memory_space<vmem>> -> memref<64x128xf32, #tpu.memory_space<vmem>>
      %dma_start3A_61 = arith.constant 0 : i32
      %dma_start3A_62 = tpu.memref_slice %arg11[%add3A_44, %dma_start3A_61] : memref<5248x128xf32, #tpu.memory_space<vmem_shared>> -> memref<64x128xf32, #tpu.memory_space<vmem_shared>>
      tpu.enqueue_dma source(%dma_start3A_62 : memref<64x128xf32, #tpu.memory_space<vmem_shared>>) target(%dma_start3A_60 : memref<64x128xf32, #tpu.memory_space<vmem>>) target_semaphore(%run_scoped3A : memref<!tpu.dma_semaphore, #tpu.memory_space<semaphore_mem>>)
      %dma_wait3A = arith.constant 0 : i32
      %dma_wait3A_63 = arith.constant 0 : i32
      %dma_wait3A_64 = tpu.memref_slice %arg9[%dma_wait3A, %dma_wait3A_63] : memref<128x128xf32, #tpu.memory_space<vmem>> -> memref<64x128xf32, #tpu.memory_space<vmem>>
      %dma_wait3A_65 = arith.constant 0 : i32
      %dma_wait3A_66 = tpu.memref_slice %arg11[%add3A_44, %dma_wait3A_65] : memref<5248x128xf32, #tpu.memory_space<vmem_shared>> -> memref<64x128xf32, #tpu.memory_space<vmem_shared>>
      %dma_wait3A_67 = arith.constant 0 : i32
      %dma_wait3A_68 = arith.constant 0 : i32
      %dma_wait3A_69 = tpu.memref_slice %arg9[%dma_wait3A_67, %dma_wait3A_68] : memref<128x128xf32, #tpu.memory_space<vmem>> -> memref<64x128xf32, #tpu.memory_space<vmem>>
      %dma_wait3A_70 = arith.constant 0 : i32
      %dma_wait3A_71 = tpu.memref_slice %arg11[%add3A_44, %dma_wait3A_70] : memref<5248x128xf32, #tpu.memory_space<vmem_shared>> -> memref<64x128xf32, #tpu.memory_space<vmem_shared>>
      tpu.wait_dma2 semaphore(%run_scoped3A : memref<!tpu.dma_semaphore, #tpu.memory_space<semaphore_mem>>) src(%dma_wait3A_71 : memref<64x128xf32, #tpu.memory_space<vmem_shared>>) dst(%dma_wait3A_69 : memref<64x128xf32, #tpu.memory_space<vmem>>)
      tpu.yield
    }) : () -> ()
    %add3A_45 = arith.addi %mul3A_2, %mul3A_0 : i32
    %add3A_46 = arith.constant 192 : i32
    %add3A_47 = arith.addi %add3A_45, %add3A_46 : i32
    "tpu.region"() ({
      %run_scoped3A = tpu.sem_alloc : memref<!tpu.dma_semaphore, #tpu.memory_space<semaphore_mem>>
      %dma_start3A_53 = arith.constant 0 : i32
      %dma_start3A_54 = arith.constant 0 : i32
      %dma_start3A_55 = tpu.memref_slice %arg9[%dma_start3A_53, %dma_start3A_54] : memref<128x128xf32, #tpu.memory_space<vmem>> -> memref<64x128xf32, #tpu.memory_space<vmem>>
      %dma_start3A_56 = arith.constant 0 : i32
      %dma_start3A_57 = tpu.memref_slice %arg6[%add3A_47, %dma_start3A_56] : memref<10240x128xf32, #tpu.memory_space<hbm>> -> memref<64x128xf32, #tpu.memory_space<hbm>>
      %dma_start3A_58 = arith.constant 0 : i32
      %dma_start3A_59 = tpu.memref_slice %arg6[%add3A_47, %dma_start3A_58] : memref<10240x128xf32, #tpu.memory_space<hbm>> -> memref<64x128xf32, #tpu.memory_space<hbm>>
      %dma_start3A_60 = arith.constant 0 : i32
      %dma_start3A_61 = arith.constant 0 : i32
      %dma_start3A_62 = tpu.memref_slice %arg9[%dma_start3A_60, %dma_start3A_61] : memref<128x128xf32, #tpu.memory_space<vmem>> -> memref<64x128xf32, #tpu.memory_space<vmem>>
      tpu.enqueue_dma source(%dma_start3A_62 : memref<64x128xf32, #tpu.memory_space<vmem>>) target(%dma_start3A_59 : memref<64x128xf32, #tpu.memory_space<hbm>>) target_semaphore(%run_scoped3A : memref<!tpu.dma_semaphore, #tpu.memory_space<semaphore_mem>>)
      %dma_wait3A = arith.constant 0 : i32
      %dma_wait3A_63 = arith.constant 0 : i32
      %dma_wait3A_64 = tpu.memref_slice %arg9[%dma_wait3A, %dma_wait3A_63] : memref<128x128xf32, #tpu.memory_space<vmem>> -> memref<64x128xf32, #tpu.memory_space<vmem>>
      %dma_wait3A_65 = arith.constant 0 : i32
      %dma_wait3A_66 = tpu.memref_slice %arg6[%add3A_47, %dma_wait3A_65] : memref<10240x128xf32, #tpu.memory_space<hbm>> -> memref<64x128xf32, #tpu.memory_space<hbm>>
      %dma_wait3A_67 = arith.constant 0 : i32
      %dma_wait3A_68 = tpu.memref_slice %arg6[%add3A_47, %dma_wait3A_67] : memref<10240x128xf32, #tpu.memory_space<hbm>> -> memref<64x128xf32, #tpu.memory_space<hbm>>
      %dma_wait3A_69 = arith.constant 0 : i32
      %dma_wait3A_70 = arith.constant 0 : i32
      %dma_wait3A_71 = tpu.memref_slice %arg9[%dma_wait3A_69, %dma_wait3A_70] : memref<128x128xf32, #tpu.memory_space<vmem>> -> memref<64x128xf32, #tpu.memory_space<vmem>>
      tpu.wait_dma2 semaphore(%run_scoped3A : memref<!tpu.dma_semaphore, #tpu.memory_space<semaphore_mem>>) src(%dma_wait3A_71 : memref<64x128xf32, #tpu.memory_space<vmem>>) dst(%dma_wait3A_68 : memref<64x128xf32, #tpu.memory_space<hbm>>)
      tpu.yield
    }) : () -> ()
    %add3A_48 = arith.constant 256 : i32
    %add3A_49 = arith.addi %mul3A_0, %add3A_48 : i32
    "tpu.region"() ({
      %run_scoped3A = tpu.sem_alloc : memref<!tpu.dma_semaphore, #tpu.memory_space<semaphore_mem>>
      %dma_start3A_53 = arith.constant 0 : i32
      %dma_start3A_54 = arith.constant 0 : i32
      %dma_start3A_55 = tpu.memref_slice %arg9[%dma_start3A_53, %dma_start3A_54] : memref<128x128xf32, #tpu.memory_space<vmem>> -> memref<64x128xf32, #tpu.memory_space<vmem>>
      %dma_start3A_56 = arith.constant 0 : i32
      %dma_start3A_57 = tpu.memref_slice %arg11[%add3A_49, %dma_start3A_56] : memref<5248x128xf32, #tpu.memory_space<vmem_shared>> -> memref<64x128xf32, #tpu.memory_space<vmem_shared>>
      %dma_start3A_58 = arith.constant 0 : i32
      %dma_start3A_59 = arith.constant 0 : i32
      %dma_start3A_60 = tpu.memref_slice %arg9[%dma_start3A_58, %dma_start3A_59] : memref<128x128xf32, #tpu.memory_space<vmem>> -> memref<64x128xf32, #tpu.memory_space<vmem>>
      %dma_start3A_61 = arith.constant 0 : i32
      %dma_start3A_62 = tpu.memref_slice %arg11[%add3A_49, %dma_start3A_61] : memref<5248x128xf32, #tpu.memory_space<vmem_shared>> -> memref<64x128xf32, #tpu.memory_space<vmem_shared>>
      tpu.enqueue_dma source(%dma_start3A_62 : memref<64x128xf32, #tpu.memory_space<vmem_shared>>) target(%dma_start3A_60 : memref<64x128xf32, #tpu.memory_space<vmem>>) target_semaphore(%run_scoped3A : memref<!tpu.dma_semaphore, #tpu.memory_space<semaphore_mem>>)
      %dma_wait3A = arith.constant 0 : i32
      %dma_wait3A_63 = arith.constant 0 : i32
      %dma_wait3A_64 = tpu.memref_slice %arg9[%dma_wait3A, %dma_wait3A_63] : memref<128x128xf32, #tpu.memory_space<vmem>> -> memref<64x128xf32, #tpu.memory_space<vmem>>
      %dma_wait3A_65 = arith.constant 0 : i32
      %dma_wait3A_66 = tpu.memref_slice %arg11[%add3A_49, %dma_wait3A_65] : memref<5248x128xf32, #tpu.memory_space<vmem_shared>> -> memref<64x128xf32, #tpu.memory_space<vmem_shared>>
      %dma_wait3A_67 = arith.constant 0 : i32
      %dma_wait3A_68 = arith.constant 0 : i32
      %dma_wait3A_69 = tpu.memref_slice %arg9[%dma_wait3A_67, %dma_wait3A_68] : memref<128x128xf32, #tpu.memory_space<vmem>> -> memref<64x128xf32, #tpu.memory_space<vmem>>
      %dma_wait3A_70 = arith.constant 0 : i32
      %dma_wait3A_71 = tpu.memref_slice %arg11[%add3A_49, %dma_wait3A_70] : memref<5248x128xf32, #tpu.memory_space<vmem_shared>> -> memref<64x128xf32, #tpu.memory_space<vmem_shared>>
      tpu.wait_dma2 semaphore(%run_scoped3A : memref<!tpu.dma_semaphore, #tpu.memory_space<semaphore_mem>>) src(%dma_wait3A_71 : memref<64x128xf32, #tpu.memory_space<vmem_shared>>) dst(%dma_wait3A_69 : memref<64x128xf32, #tpu.memory_space<vmem>>)
      tpu.yield
    }) : () -> ()
    %add3A_50 = arith.addi %mul3A_2, %mul3A_0 : i32
    %add3A_51 = arith.constant 256 : i32
    %add3A_52 = arith.addi %add3A_50, %add3A_51 : i32
    "tpu.region"() ({
      %run_scoped3A = tpu.sem_alloc : memref<!tpu.dma_semaphore, #tpu.memory_space<semaphore_mem>>
      %dma_start3A_53 = arith.constant 0 : i32
      %dma_start3A_54 = arith.constant 0 : i32
      %dma_start3A_55 = tpu.memref_slice %arg9[%dma_start3A_53, %dma_start3A_54] : memref<128x128xf32, #tpu.memory_space<vmem>> -> memref<64x128xf32, #tpu.memory_space<vmem>>
      %dma_start3A_56 = arith.constant 0 : i32
      %dma_start3A_57 = tpu.memref_slice %arg6[%add3A_52, %dma_start3A_56] : memref<10240x128xf32, #tpu.memory_space<hbm>> -> memref<64x128xf32, #tpu.memory_space<hbm>>
      %dma_start3A_58 = arith.constant 0 : i32
      %dma_start3A_59 = tpu.memref_slice %arg6[%add3A_52, %dma_start3A_58] : memref<10240x128xf32, #tpu.memory_space<hbm>> -> memref<64x128xf32, #tpu.memory_space<hbm>>
      %dma_start3A_60 = arith.constant 0 : i32
      %dma_start3A_61 = arith.constant 0 : i32
      %dma_start3A_62 = tpu.memref_slice %arg9[%dma_start3A_60, %dma_start3A_61] : memref<128x128xf32, #tpu.memory_space<vmem>> -> memref<64x128xf32, #tpu.memory_space<vmem>>
      tpu.enqueue_dma source(%dma_start3A_62 : memref<64x128xf32, #tpu.memory_space<vmem>>) target(%dma_start3A_59 : memref<64x128xf32, #tpu.memory_space<hbm>>) target_semaphore(%run_scoped3A : memref<!tpu.dma_semaphore, #tpu.memory_space<semaphore_mem>>)
      %dma_wait3A = arith.constant 0 : i32
      %dma_wait3A_63 = arith.constant 0 : i32
      %dma_wait3A_64 = tpu.memref_slice %arg9[%dma_wait3A, %dma_wait3A_63] : memref<128x128xf32, #tpu.memory_space<vmem>> -> memref<64x128xf32, #tpu.memory_space<vmem>>
      %dma_wait3A_65 = arith.constant 0 : i32
      %dma_wait3A_66 = tpu.memref_slice %arg6[%add3A_52, %dma_wait3A_65] : memref<10240x128xf32, #tpu.memory_space<hbm>> -> memref<64x128xf32, #tpu.memory_space<hbm>>
      %dma_wait3A_67 = arith.constant 0 : i32
      %dma_wait3A_68 = tpu.memref_slice %arg6[%add3A_52, %dma_wait3A_67] : memref<10240x128xf32, #tpu.memory_space<hbm>> -> memref<64x128xf32, #tpu.memory_space<hbm>>
      %dma_wait3A_69 = arith.constant 0 : i32
      %dma_wait3A_70 = arith.constant 0 : i32
      %dma_wait3A_71 = tpu.memref_slice %arg9[%dma_wait3A_69, %dma_wait3A_70] : memref<128x128xf32, #tpu.memory_space<vmem>> -> memref<64x128xf32, #tpu.memory_space<vmem>>
      tpu.wait_dma2 semaphore(%run_scoped3A : memref<!tpu.dma_semaphore, #tpu.memory_space<semaphore_mem>>) src(%dma_wait3A_71 : memref<64x128xf32, #tpu.memory_space<vmem>>) dst(%dma_wait3A_68 : memref<64x128xf32, #tpu.memory_space<hbm>>)
      tpu.yield
    }) : () -> ()
    return
  }
}

#map = affine_map<(d0, d1) -> (0, 0, 0)>
#map1 = affine_map<(d0, d1) -> (0, 0)>
module attributes {stable_mosaic.version = 14 : i64} {
  func.func @_deg_body(%arg0: i32, %arg1: i32, %arg2: memref<16x158x128xi32, #tpu.memory_space<hbm>>, %arg3: memref<10240x16xf32, #tpu.memory_space<hbm>>, %arg4: memref<158x128xi32, #tpu.memory_space<vmem>>, %arg5: memref<128x16xf32, #tpu.memory_space<vmem>>, %arg6: memref<5248x16xf32, #tpu.memory_space<vmem_shared>>, %arg7: memref<!tpu.dma_semaphore, #tpu.memory_space<semaphore_mem>>) attributes {dimension_semantics = [#tpu.dimension_semantics<core_parallel>, #tpu.dimension_semantics<subcore_parallel>], iteration_bounds = array<i64: 2, 16>, scalar_prefetch = 0 : i64, scratch_operands = 4 : i64, tpu.core_type = #tpu.core_type<sc_vector_subcore>, window_params = [{transform_indices = #map}, {transform_indices = #map1}]} {
    %mul3A = arith.constant 320 : i32
    %mul3A_0 = arith.muli %arg1, %mul3A : i32
    %mul3A_1 = arith.constant 5120 : i32
    %mul3A_2 = arith.muli %arg0, %mul3A_1 : i32
    %scan3A = arith.constant 0 : i32
    %scan3A_3 = arith.constant 128 : i32
    %scan3A_4 = arith.addi %scan3A, %scan3A_3 : i32
    %scan3A_5 = arith.constant 1 : i32
    scf.for %scan3A_57 = %scan3A to %scan3A_4 step %scan3A_5  : i32 {
      %broadcast_in_dim3A = arith.constant 0.000000e+00 : f32
      %broadcast_in_dim3A_58 = vector.broadcast %broadcast_in_dim3A : f32 to vector<16xf32>
      %swap3A = arith.index_cast %scan3A_57 : i32 to index
      %swap3A_59 = arith.constant 0 : index
      %swap3A_60 = tpu.vector_load %arg5[%swap3A, %swap3A_59] {strides = array<i32>} : memref<128x16xf32, #tpu.memory_space<vmem>>, vector<1x16xf32>,
      %swap3A_61 = vector.shape_cast %swap3A_60 : vector<1x16xf32> to vector<16xf32>
      %swap3A_62 = vector.shape_cast %broadcast_in_dim3A_58 : vector<16xf32> to vector<1x16xf32>
      tpu.vector_store %arg5[%swap3A, %swap3A_59], %swap3A_62 {strides = array<i32>} : memref<128x16xf32, #tpu.memory_space<vmem>>, vector<1x16xf32>,
    }
    %scan3A_6 = arith.constant 128 : i32
    %add3A = arith.constant 0 : i32
    %add3A_7 = arith.addi %mul3A_0, %add3A : i32
    "tpu.region"() ({
      %run_scoped3A = tpu.sem_alloc : memref<!tpu.dma_semaphore, #tpu.memory_space<semaphore_mem>>
      %dma_start3A = arith.constant 0 : i32
      %dma_start3A_57 = arith.constant 0 : i32
      %dma_start3A_58 = tpu.memref_slice %arg5[%dma_start3A, %dma_start3A_57] : memref<128x16xf32, #tpu.memory_space<vmem>> -> memref<64x16xf32, #tpu.memory_space<vmem>>
      %dma_start3A_59 = arith.constant 0 : i32
      %dma_start3A_60 = tpu.memref_slice %arg6[%add3A_7, %dma_start3A_59] : memref<5248x16xf32, #tpu.memory_space<vmem_shared>> -> memref<64x16xf32, #tpu.memory_space<vmem_shared>>
      %dma_start3A_61 = arith.constant 0 : i32
      %dma_start3A_62 = tpu.memref_slice %arg6[%add3A_7, %dma_start3A_61] : memref<5248x16xf32, #tpu.memory_space<vmem_shared>> -> memref<64x16xf32, #tpu.memory_space<vmem_shared>>
      %dma_start3A_63 = arith.constant 0 : i32
      %dma_start3A_64 = arith.constant 0 : i32
      %dma_start3A_65 = tpu.memref_slice %arg5[%dma_start3A_63, %dma_start3A_64] : memref<128x16xf32, #tpu.memory_space<vmem>> -> memref<64x16xf32, #tpu.memory_space<vmem>>
      tpu.enqueue_dma source(%dma_start3A_65 : memref<64x16xf32, #tpu.memory_space<vmem>>) target(%dma_start3A_62 : memref<64x16xf32, #tpu.memory_space<vmem_shared>>) target_semaphore(%run_scoped3A : memref<!tpu.dma_semaphore, #tpu.memory_space<semaphore_mem>>)
      %dma_wait3A = arith.constant 0 : i32
      %dma_wait3A_66 = arith.constant 0 : i32
      %dma_wait3A_67 = tpu.memref_slice %arg5[%dma_wait3A, %dma_wait3A_66] : memref<128x16xf32, #tpu.memory_space<vmem>> -> memref<64x16xf32, #tpu.memory_space<vmem>>
      %dma_wait3A_68 = arith.constant 0 : i32
      %dma_wait3A_69 = tpu.memref_slice %arg6[%add3A_7, %dma_wait3A_68] : memref<5248x16xf32, #tpu.memory_space<vmem_shared>> -> memref<64x16xf32, #tpu.memory_space<vmem_shared>>
      %dma_wait3A_70 = arith.constant 0 : i32
      %dma_wait3A_71 = tpu.memref_slice %arg6[%add3A_7, %dma_wait3A_70] : memref<5248x16xf32, #tpu.memory_space<vmem_shared>> -> memref<64x16xf32, #tpu.memory_space<vmem_shared>>
      %dma_wait3A_72 = arith.constant 0 : i32
      %dma_wait3A_73 = arith.constant 0 : i32
      %dma_wait3A_74 = tpu.memref_slice %arg5[%dma_wait3A_72, %dma_wait3A_73] : memref<128x16xf32, #tpu.memory_space<vmem>> -> memref<64x16xf32, #tpu.memory_space<vmem>>
      tpu.wait_dma2 semaphore(%run_scoped3A : memref<!tpu.dma_semaphore, #tpu.memory_space<semaphore_mem>>) src(%dma_wait3A_74 : memref<64x16xf32, #tpu.memory_space<vmem>>) dst(%dma_wait3A_71 : memref<64x16xf32, #tpu.memory_space<vmem_shared>>)
      tpu.yield
    }) : () -> ()
    %add3A_8 = arith.constant 64 : i32
    %add3A_9 = arith.addi %mul3A_0, %add3A_8 : i32
    "tpu.region"() ({
      %run_scoped3A = tpu.sem_alloc : memref<!tpu.dma_semaphore, #tpu.memory_space<semaphore_mem>>
      %dma_start3A = arith.constant 0 : i32
      %dma_start3A_57 = arith.constant 0 : i32
      %dma_start3A_58 = tpu.memref_slice %arg5[%dma_start3A, %dma_start3A_57] : memref<128x16xf32, #tpu.memory_space<vmem>> -> memref<64x16xf32, #tpu.memory_space<vmem>>
      %dma_start3A_59 = arith.constant 0 : i32
      %dma_start3A_60 = tpu.memref_slice %arg6[%add3A_9, %dma_start3A_59] : memref<5248x16xf32, #tpu.memory_space<vmem_shared>> -> memref<64x16xf32, #tpu.memory_space<vmem_shared>>
      %dma_start3A_61 = arith.constant 0 : i32
      %dma_start3A_62 = tpu.memref_slice %arg6[%add3A_9, %dma_start3A_61] : memref<5248x16xf32, #tpu.memory_space<vmem_shared>> -> memref<64x16xf32, #tpu.memory_space<vmem_shared>>
      %dma_start3A_63 = arith.constant 0 : i32
      %dma_start3A_64 = arith.constant 0 : i32
      %dma_start3A_65 = tpu.memref_slice %arg5[%dma_start3A_63, %dma_start3A_64] : memref<128x16xf32, #tpu.memory_space<vmem>> -> memref<64x16xf32, #tpu.memory_space<vmem>>
      tpu.enqueue_dma source(%dma_start3A_65 : memref<64x16xf32, #tpu.memory_space<vmem>>) target(%dma_start3A_62 : memref<64x16xf32, #tpu.memory_space<vmem_shared>>) target_semaphore(%run_scoped3A : memref<!tpu.dma_semaphore, #tpu.memory_space<semaphore_mem>>)
      %dma_wait3A = arith.constant 0 : i32
      %dma_wait3A_66 = arith.constant 0 : i32
      %dma_wait3A_67 = tpu.memref_slice %arg5[%dma_wait3A, %dma_wait3A_66] : memref<128x16xf32, #tpu.memory_space<vmem>> -> memref<64x16xf32, #tpu.memory_space<vmem>>
      %dma_wait3A_68 = arith.constant 0 : i32
      %dma_wait3A_69 = tpu.memref_slice %arg6[%add3A_9, %dma_wait3A_68] : memref<5248x16xf32, #tpu.memory_space<vmem_shared>> -> memref<64x16xf32, #tpu.memory_space<vmem_shared>>
      %dma_wait3A_70 = arith.constant 0 : i32
      %dma_wait3A_71 = tpu.memref_slice %arg6[%add3A_9, %dma_wait3A_70] : memref<5248x16xf32, #tpu.memory_space<vmem_shared>> -> memref<64x16xf32, #tpu.memory_space<vmem_shared>>
      %dma_wait3A_72 = arith.constant 0 : i32
      %dma_wait3A_73 = arith.constant 0 : i32
      %dma_wait3A_74 = tpu.memref_slice %arg5[%dma_wait3A_72, %dma_wait3A_73] : memref<128x16xf32, #tpu.memory_space<vmem>> -> memref<64x16xf32, #tpu.memory_space<vmem>>
      tpu.wait_dma2 semaphore(%run_scoped3A : memref<!tpu.dma_semaphore, #tpu.memory_space<semaphore_mem>>) src(%dma_wait3A_74 : memref<64x16xf32, #tpu.memory_space<vmem>>) dst(%dma_wait3A_71 : memref<64x16xf32, #tpu.memory_space<vmem_shared>>)
      tpu.yield
    }) : () -> ()
    %add3A_10 = arith.constant 128 : i32
    %add3A_11 = arith.addi %mul3A_0, %add3A_10 : i32
    "tpu.region"() ({
      %run_scoped3A = tpu.sem_alloc : memref<!tpu.dma_semaphore, #tpu.memory_space<semaphore_mem>>
      %dma_start3A = arith.constant 0 : i32
      %dma_start3A_57 = arith.constant 0 : i32
      %dma_start3A_58 = tpu.memref_slice %arg5[%dma_start3A, %dma_start3A_57] : memref<128x16xf32, #tpu.memory_space<vmem>> -> memref<64x16xf32, #tpu.memory_space<vmem>>
      %dma_start3A_59 = arith.constant 0 : i32
      %dma_start3A_60 = tpu.memref_slice %arg6[%add3A_11, %dma_start3A_59] : memref<5248x16xf32, #tpu.memory_space<vmem_shared>> -> memref<64x16xf32, #tpu.memory_space<vmem_shared>>
      %dma_start3A_61 = arith.constant 0 : i32
      %dma_start3A_62 = tpu.memref_slice %arg6[%add3A_11, %dma_start3A_61] : memref<5248x16xf32, #tpu.memory_space<vmem_shared>> -> memref<64x16xf32, #tpu.memory_space<vmem_shared>>
      %dma_start3A_63 = arith.constant 0 : i32
      %dma_start3A_64 = arith.constant 0 : i32
      %dma_start3A_65 = tpu.memref_slice %arg5[%dma_start3A_63, %dma_start3A_64] : memref<128x16xf32, #tpu.memory_space<vmem>> -> memref<64x16xf32, #tpu.memory_space<vmem>>
      tpu.enqueue_dma source(%dma_start3A_65 : memref<64x16xf32, #tpu.memory_space<vmem>>) target(%dma_start3A_62 : memref<64x16xf32, #tpu.memory_space<vmem_shared>>) target_semaphore(%run_scoped3A : memref<!tpu.dma_semaphore, #tpu.memory_space<semaphore_mem>>)
      %dma_wait3A = arith.constant 0 : i32
      %dma_wait3A_66 = arith.constant 0 : i32
      %dma_wait3A_67 = tpu.memref_slice %arg5[%dma_wait3A, %dma_wait3A_66] : memref<128x16xf32, #tpu.memory_space<vmem>> -> memref<64x16xf32, #tpu.memory_space<vmem>>
      %dma_wait3A_68 = arith.constant 0 : i32
      %dma_wait3A_69 = tpu.memref_slice %arg6[%add3A_11, %dma_wait3A_68] : memref<5248x16xf32, #tpu.memory_space<vmem_shared>> -> memref<64x16xf32, #tpu.memory_space<vmem_shared>>
      %dma_wait3A_70 = arith.constant 0 : i32
      %dma_wait3A_71 = tpu.memref_slice %arg6[%add3A_11, %dma_wait3A_70] : memref<5248x16xf32, #tpu.memory_space<vmem_shared>> -> memref<64x16xf32, #tpu.memory_space<vmem_shared>>
      %dma_wait3A_72 = arith.constant 0 : i32
      %dma_wait3A_73 = arith.constant 0 : i32
      %dma_wait3A_74 = tpu.memref_slice %arg5[%dma_wait3A_72, %dma_wait3A_73] : memref<128x16xf32, #tpu.memory_space<vmem>> -> memref<64x16xf32, #tpu.memory_space<vmem>>
      tpu.wait_dma2 semaphore(%run_scoped3A : memref<!tpu.dma_semaphore, #tpu.memory_space<semaphore_mem>>) src(%dma_wait3A_74 : memref<64x16xf32, #tpu.memory_space<vmem>>) dst(%dma_wait3A_71 : memref<64x16xf32, #tpu.memory_space<vmem_shared>>)
      tpu.yield
    }) : () -> ()
    %add3A_12 = arith.constant 192 : i32
    %add3A_13 = arith.addi %mul3A_0, %add3A_12 : i32
    "tpu.region"() ({
      %run_scoped3A = tpu.sem_alloc : memref<!tpu.dma_semaphore, #tpu.memory_space<semaphore_mem>>
      %dma_start3A = arith.constant 0 : i32
      %dma_start3A_57 = arith.constant 0 : i32
      %dma_start3A_58 = tpu.memref_slice %arg5[%dma_start3A, %dma_start3A_57] : memref<128x16xf32, #tpu.memory_space<vmem>> -> memref<64x16xf32, #tpu.memory_space<vmem>>
      %dma_start3A_59 = arith.constant 0 : i32
      %dma_start3A_60 = tpu.memref_slice %arg6[%add3A_13, %dma_start3A_59] : memref<5248x16xf32, #tpu.memory_space<vmem_shared>> -> memref<64x16xf32, #tpu.memory_space<vmem_shared>>
      %dma_start3A_61 = arith.constant 0 : i32
      %dma_start3A_62 = tpu.memref_slice %arg6[%add3A_13, %dma_start3A_61] : memref<5248x16xf32, #tpu.memory_space<vmem_shared>> -> memref<64x16xf32, #tpu.memory_space<vmem_shared>>
      %dma_start3A_63 = arith.constant 0 : i32
      %dma_start3A_64 = arith.constant 0 : i32
      %dma_start3A_65 = tpu.memref_slice %arg5[%dma_start3A_63, %dma_start3A_64] : memref<128x16xf32, #tpu.memory_space<vmem>> -> memref<64x16xf32, #tpu.memory_space<vmem>>
      tpu.enqueue_dma source(%dma_start3A_65 : memref<64x16xf32, #tpu.memory_space<vmem>>) target(%dma_start3A_62 : memref<64x16xf32, #tpu.memory_space<vmem_shared>>) target_semaphore(%run_scoped3A : memref<!tpu.dma_semaphore, #tpu.memory_space<semaphore_mem>>)
      %dma_wait3A = arith.constant 0 : i32
      %dma_wait3A_66 = arith.constant 0 : i32
      %dma_wait3A_67 = tpu.memref_slice %arg5[%dma_wait3A, %dma_wait3A_66] : memref<128x16xf32, #tpu.memory_space<vmem>> -> memref<64x16xf32, #tpu.memory_space<vmem>>
      %dma_wait3A_68 = arith.constant 0 : i32
      %dma_wait3A_69 = tpu.memref_slice %arg6[%add3A_13, %dma_wait3A_68] : memref<5248x16xf32, #tpu.memory_space<vmem_shared>> -> memref<64x16xf32, #tpu.memory_space<vmem_shared>>
      %dma_wait3A_70 = arith.constant 0 : i32
      %dma_wait3A_71 = tpu.memref_slice %arg6[%add3A_13, %dma_wait3A_70] : memref<5248x16xf32, #tpu.memory_space<vmem_shared>> -> memref<64x16xf32, #tpu.memory_space<vmem_shared>>
      %dma_wait3A_72 = arith.constant 0 : i32
      %dma_wait3A_73 = arith.constant 0 : i32
      %dma_wait3A_74 = tpu.memref_slice %arg5[%dma_wait3A_72, %dma_wait3A_73] : memref<128x16xf32, #tpu.memory_space<vmem>> -> memref<64x16xf32, #tpu.memory_space<vmem>>
      tpu.wait_dma2 semaphore(%run_scoped3A : memref<!tpu.dma_semaphore, #tpu.memory_space<semaphore_mem>>) src(%dma_wait3A_74 : memref<64x16xf32, #tpu.memory_space<vmem>>) dst(%dma_wait3A_71 : memref<64x16xf32, #tpu.memory_space<vmem_shared>>)
      tpu.yield
    }) : () -> ()
    %add3A_14 = arith.constant 256 : i32
    %add3A_15 = arith.addi %mul3A_0, %add3A_14 : i32
    "tpu.region"() ({
      %run_scoped3A = tpu.sem_alloc : memref<!tpu.dma_semaphore, #tpu.memory_space<semaphore_mem>>
      %dma_start3A = arith.constant 0 : i32
      %dma_start3A_57 = arith.constant 0 : i32
      %dma_start3A_58 = tpu.memref_slice %arg5[%dma_start3A, %dma_start3A_57] : memref<128x16xf32, #tpu.memory_space<vmem>> -> memref<64x16xf32, #tpu.memory_space<vmem>>
      %dma_start3A_59 = arith.constant 0 : i32
      %dma_start3A_60 = tpu.memref_slice %arg6[%add3A_15, %dma_start3A_59] : memref<5248x16xf32, #tpu.memory_space<vmem_shared>> -> memref<64x16xf32, #tpu.memory_space<vmem_shared>>
      %dma_start3A_61 = arith.constant 0 : i32
      %dma_start3A_62 = tpu.memref_slice %arg6[%add3A_15, %dma_start3A_61] : memref<5248x16xf32, #tpu.memory_space<vmem_shared>> -> memref<64x16xf32, #tpu.memory_space<vmem_shared>>
      %dma_start3A_63 = arith.constant 0 : i32
      %dma_start3A_64 = arith.constant 0 : i32
      %dma_start3A_65 = tpu.memref_slice %arg5[%dma_start3A_63, %dma_start3A_64] : memref<128x16xf32, #tpu.memory_space<vmem>> -> memref<64x16xf32, #tpu.memory_space<vmem>>
      tpu.enqueue_dma source(%dma_start3A_65 : memref<64x16xf32, #tpu.memory_space<vmem>>) target(%dma_start3A_62 : memref<64x16xf32, #tpu.memory_space<vmem_shared>>) target_semaphore(%run_scoped3A : memref<!tpu.dma_semaphore, #tpu.memory_space<semaphore_mem>>)
      %dma_wait3A = arith.constant 0 : i32
      %dma_wait3A_66 = arith.constant 0 : i32
      %dma_wait3A_67 = tpu.memref_slice %arg5[%dma_wait3A, %dma_wait3A_66] : memref<128x16xf32, #tpu.memory_space<vmem>> -> memref<64x16xf32, #tpu.memory_space<vmem>>
      %dma_wait3A_68 = arith.constant 0 : i32
      %dma_wait3A_69 = tpu.memref_slice %arg6[%add3A_15, %dma_wait3A_68] : memref<5248x16xf32, #tpu.memory_space<vmem_shared>> -> memref<64x16xf32, #tpu.memory_space<vmem_shared>>
      %dma_wait3A_70 = arith.constant 0 : i32
      %dma_wait3A_71 = tpu.memref_slice %arg6[%add3A_15, %dma_wait3A_70] : memref<5248x16xf32, #tpu.memory_space<vmem_shared>> -> memref<64x16xf32, #tpu.memory_space<vmem_shared>>
      %dma_wait3A_72 = arith.constant 0 : i32
      %dma_wait3A_73 = arith.constant 0 : i32
      %dma_wait3A_74 = tpu.memref_slice %arg5[%dma_wait3A_72, %dma_wait3A_73] : memref<128x16xf32, #tpu.memory_space<vmem>> -> memref<64x16xf32, #tpu.memory_space<vmem>>
      tpu.wait_dma2 semaphore(%run_scoped3A : memref<!tpu.dma_semaphore, #tpu.memory_space<semaphore_mem>>) src(%dma_wait3A_74 : memref<64x16xf32, #tpu.memory_space<vmem>>) dst(%dma_wait3A_71 : memref<64x16xf32, #tpu.memory_space<vmem_shared>>)
      tpu.yield
    }) : () -> ()
    "tpu.region"() ({
      %run_scoped3A = tpu.sem_alloc : memref<!tpu.dma_semaphore, #tpu.memory_space<semaphore_mem>>
      %dma_start3A = arith.constant 0 : i32
      %dma_start3A_57 = arith.constant 0 : i32
      %dma_start3A_58 = tpu.memref_slice %arg2[%arg1, %dma_start3A, %dma_start3A_57] : memref<16x158x128xi32, #tpu.memory_space<hbm>> -> memref<1x158x128xi32, #tpu.memory_space<hbm>>
      %dma_start3A_59 = tpu.memref_squeeze %dma_start3A_58 : memref<1x158x128xi32, #tpu.memory_space<hbm>> -> memref<158x128xi32, #tpu.memory_space<hbm>>
      %dma_start3A_60 = arith.constant 0 : i32
      %dma_start3A_61 = arith.constant 0 : i32
      %dma_start3A_62 = tpu.memref_slice %arg2[%arg1, %dma_start3A_60, %dma_start3A_61] : memref<16x158x128xi32, #tpu.memory_space<hbm>> -> memref<1x158x128xi32, #tpu.memory_space<hbm>>
      %dma_start3A_63 = tpu.memref_squeeze %dma_start3A_62 : memref<1x158x128xi32, #tpu.memory_space<hbm>> -> memref<158x128xi32, #tpu.memory_space<hbm>>
      tpu.enqueue_dma source(%dma_start3A_63 : memref<158x128xi32, #tpu.memory_space<hbm>>) target(%arg4 : memref<158x128xi32, #tpu.memory_space<vmem>>) target_semaphore(%run_scoped3A : memref<!tpu.dma_semaphore, #tpu.memory_space<semaphore_mem>>)
      %dma_wait3A = arith.constant 0 : i32
      %dma_wait3A_64 = arith.constant 0 : i32
      %dma_wait3A_65 = tpu.memref_slice %arg2[%arg1, %dma_wait3A, %dma_wait3A_64] : memref<16x158x128xi32, #tpu.memory_space<hbm>> -> memref<1x158x128xi32, #tpu.memory_space<hbm>>
      %dma_wait3A_66 = tpu.memref_squeeze %dma_wait3A_65 : memref<1x158x128xi32, #tpu.memory_space<hbm>> -> memref<158x128xi32, #tpu.memory_space<hbm>>
      %dma_wait3A_67 = arith.constant 0 : i32
      %dma_wait3A_68 = arith.constant 0 : i32
      %dma_wait3A_69 = tpu.memref_slice %arg2[%arg1, %dma_wait3A_67, %dma_wait3A_68] : memref<16x158x128xi32, #tpu.memory_space<hbm>> -> memref<1x158x128xi32, #tpu.memory_space<hbm>>
      %dma_wait3A_70 = tpu.memref_squeeze %dma_wait3A_69 : memref<1x158x128xi32, #tpu.memory_space<hbm>> -> memref<158x128xi32, #tpu.memory_space<hbm>>
      tpu.wait_dma2 semaphore(%run_scoped3A : memref<!tpu.dma_semaphore, #tpu.memory_space<semaphore_mem>>) src(%dma_wait3A_70 : memref<158x128xi32, #tpu.memory_space<hbm>>) dst(%arg4 : memref<158x128xi32, #tpu.memory_space<vmem>>)
      tpu.yield
    }) : () -> ()
    %iota3A = tpu.iota {dimensions = array<i32: 0>} : vector<16xi32>
    %scan3A_16 = arith.constant 0 : i32
    %scan3A_17 = arith.constant 158 : i32
    %scan3A_18 = arith.addi %scan3A_16, %scan3A_17 : i32
    %scan3A_19 = arith.constant 1 : i32
    scf.for %scan3A_57 = %scan3A_16 to %scan3A_18 step %scan3A_19  : i32 {
      %scan3A_58 = arith.constant 0 : i32
      %scan3A_59 = arith.constant 8 : i32
      %scan3A_60 = arith.addi %scan3A_58, %scan3A_59 : i32
      %scan3A_61 = arith.constant 1 : i32
      scf.for %scan3A_63 = %scan3A_58 to %scan3A_60 step %scan3A_61  : i32 {
        %mul3A_64 = arith.constant 16 : i32
        %mul3A_65 = arith.muli %scan3A_63, %mul3A_64 : i32
        %get3A = arith.index_cast %scan3A_57 : i32 to index
        %get3A_66 = arith.index_cast %mul3A_65 : i32 to index
        %get3A_67 = tpu.vector_load %arg4[%get3A, %get3A_66] {strides = array<i32>} : memref<158x128xi32, #tpu.memory_space<vmem>>, vector<1x16xi32>,
        %get3A_68 = vector.shape_cast %get3A_67 : vector<1x16xi32> to vector<16xi32>
        %sub3A = vector.broadcast %mul3A_2 : i32 to vector<16xi32>
        %sub3A_69 = arith.subi %get3A_68, %sub3A : vector<16xi32>
        %lt3A = arith.constant 0 : i32
        %lt3A_70 = vector.broadcast %lt3A : i32 to vector<16xi32>
        %lt3A_71 = arith.cmpi slt, %sub3A_69, %lt3A_70 : vector<16xi32>
        %ge3A = arith.constant 5120 : i32
        %ge3A_72 = vector.broadcast %ge3A : i32 to vector<16xi32>
        %ge3A_73 = arith.cmpi sge, %sub3A_69, %ge3A_72 : vector<16xi32>
        %or3A = arith.ori %lt3A_71, %ge3A_73 : vector<16xi1>
        %and3A = arith.constant 7 : i32
        %and3A_74 = arith.andi %scan3A_63, %and3A : i32
        %mul3A_75 = arith.constant 16 : i32
        %mul3A_76 = arith.muli %and3A_74, %mul3A_75 : i32
        %add3A_77 = arith.constant 5120 : i32
        %add3A_78 = arith.addi %add3A_77, %mul3A_76 : i32
        %add3A_79 = vector.broadcast %add3A_78 : i32 to vector<16xi32>
        %add3A_80 = arith.addi %add3A_79, %iota3A : vector<16xi32>
        %select_n3A = arith.select %or3A, %add3A_80, %sub3A_69 : vector<16xi1>, vector<16xi32>
        %mul3A_81 = arith.constant 16 : i32
        %mul3A_82 = arith.muli %scan3A_63, %mul3A_81 : i32
        %swap3A = arith.index_cast %scan3A_57 : i32 to index
        %swap3A_83 = arith.index_cast %mul3A_82 : i32 to index
        %swap3A_84 = tpu.vector_load %arg4[%swap3A, %swap3A_83] {strides = array<i32>} : memref<158x128xi32, #tpu.memory_space<vmem>>, vector<1x16xi32>,
        %swap3A_85 = vector.shape_cast %swap3A_84 : vector<1x16xi32> to vector<16xi32>
        %swap3A_86 = vector.shape_cast %select_n3A : vector<16xi32> to vector<1x16xi32>
        tpu.vector_store %arg4[%swap3A, %swap3A_83], %swap3A_86 {strides = array<i32>} : memref<158x128xi32, #tpu.memory_space<vmem>>, vector<1x16xi32>,
      }
      %scan3A_62 = arith.constant 8 : i32
    }
    %scan3A_20 = arith.constant 158 : i32
    %scan3A_21 = arith.constant 0 : i32
    %scan3A_22 = arith.constant 128 : i32
    %scan3A_23 = arith.addi %scan3A_21, %scan3A_22 : i32
    %scan3A_24 = arith.constant 1 : i32
    scf.for %scan3A_57 = %scan3A_21 to %scan3A_23 step %scan3A_24  : i32 {
      %broadcast_in_dim3A = arith.constant 1.000000e+00 : f32
      %broadcast_in_dim3A_58 = vector.broadcast %broadcast_in_dim3A : f32 to vector<16xf32>
      %swap3A = arith.index_cast %scan3A_57 : i32 to index
      %swap3A_59 = arith.constant 0 : index
      %swap3A_60 = tpu.vector_load %arg5[%swap3A, %swap3A_59] {strides = array<i32>} : memref<128x16xf32, #tpu.memory_space<vmem>>, vector<1x16xf32>,
      %swap3A_61 = vector.shape_cast %swap3A_60 : vector<1x16xf32> to vector<16xf32>
      %swap3A_62 = vector.shape_cast %broadcast_in_dim3A_58 : vector<16xf32> to vector<1x16xf32>
      tpu.vector_store %arg5[%swap3A, %swap3A_59], %swap3A_62 {strides = array<i32>} : memref<128x16xf32, #tpu.memory_space<vmem>>, vector<1x16xf32>,
    }
    %scan3A_25 = arith.constant 128 : i32
    %barrier3A = arith.constant 0 : index
    tpu.barrier barrier_id(%barrier3A)
    %scan3A_26 = arith.constant 0 : i32
    %scan3A_27 = arith.constant 158 : i32
    %scan3A_28 = arith.addi %scan3A_26, %scan3A_27 : i32
    %scan3A_29 = arith.constant 1 : i32
    scf.for %scan3A_57 = %scan3A_26 to %scan3A_28 step %scan3A_29  : i32 {
      "tpu.region"() ({
        %run_scoped3A = tpu.sem_alloc : memref<!tpu.dma_semaphore, #tpu.memory_space<semaphore_mem>>
        %dma_start3A = arith.constant 0 : i32
        %dma_start3A_58 = tpu.memref_slice %arg4[%scan3A_57, %dma_start3A] : memref<158x128xi32, #tpu.memory_space<vmem>> -> memref<1x128xi32, #tpu.memory_space<vmem>>
        %dma_start3A_59 = tpu.memref_squeeze %dma_start3A_58 : memref<1x128xi32, #tpu.memory_space<vmem>> -> memref<128xi32, #tpu.memory_space<vmem>>
        %dma_start3A_60 = arith.constant 0 : i32
        %dma_start3A_61 = arith.constant 0 : i32
        %dma_start3A_62 = tpu.memref_slice %arg6[%dma_start3A_60, %dma_start3A_61] : memref<5248x16xf32, #tpu.memory_space<vmem_shared>> -> memref<5248x16xf32, #tpu.memory_space<vmem_shared>>
        tpu.enqueue_indirect_dma source(%arg5 : memref<128x16xf32, #tpu.memory_space<vmem>>) target(%dma_start3A_62 : memref<5248x16xf32, #tpu.memory_space<vmem_shared>>) offsets(%dma_start3A_59 : memref<128xi32, #tpu.memory_space<vmem>>) semaphore(%run_scoped3A : memref<!tpu.dma_semaphore, #tpu.memory_space<semaphore_mem>>) {add = true}
        %dma_wait3A = arith.constant 0 : i32
        %dma_wait3A_63 = tpu.memref_slice %arg4[%scan3A_57, %dma_wait3A] : memref<158x128xi32, #tpu.memory_space<vmem>> -> memref<1x128xi32, #tpu.memory_space<vmem>>
        %dma_wait3A_64 = tpu.memref_squeeze %dma_wait3A_63 : memref<1x128xi32, #tpu.memory_space<vmem>> -> memref<128xi32, #tpu.memory_space<vmem>>
        %dma_wait3A_65 = arith.constant 0 : i32
        %dma_wait3A_66 = arith.constant 0 : i32
        %dma_wait3A_67 = tpu.memref_slice %arg6[%dma_wait3A_65, %dma_wait3A_66] : memref<5248x16xf32, #tpu.memory_space<vmem_shared>> -> memref<5248x16xf32, #tpu.memory_space<vmem_shared>>
        tpu.wait_indirect_dma semaphore(%run_scoped3A : memref<!tpu.dma_semaphore, #tpu.memory_space<semaphore_mem>>) src(%arg5 : memref<128x16xf32, #tpu.memory_space<vmem>>) dst(%dma_wait3A_67 : memref<5248x16xf32, #tpu.memory_space<vmem_shared>>)
        tpu.yield
      }) : () -> ()
    }
    %scan3A_30 = arith.constant 158 : i32
    %barrier3A_31 = arith.constant 0 : index
    tpu.barrier barrier_id(%barrier3A_31)
    %add3A_32 = arith.constant 0 : i32
    %add3A_33 = arith.addi %mul3A_0, %add3A_32 : i32
    "tpu.region"() ({
      %run_scoped3A = tpu.sem_alloc : memref<!tpu.dma_semaphore, #tpu.memory_space<semaphore_mem>>
      %dma_start3A = arith.constant 0 : i32
      %dma_start3A_57 = arith.constant 0 : i32
      %dma_start3A_58 = tpu.memref_slice %arg5[%dma_start3A, %dma_start3A_57] : memref<128x16xf32, #tpu.memory_space<vmem>> -> memref<64x16xf32, #tpu.memory_space<vmem>>
      %dma_start3A_59 = arith.constant 0 : i32
      %dma_start3A_60 = tpu.memref_slice %arg6[%add3A_33, %dma_start3A_59] : memref<5248x16xf32, #tpu.memory_space<vmem_shared>> -> memref<64x16xf32, #tpu.memory_space<vmem_shared>>
      %dma_start3A_61 = arith.constant 0 : i32
      %dma_start3A_62 = arith.constant 0 : i32
      %dma_start3A_63 = tpu.memref_slice %arg5[%dma_start3A_61, %dma_start3A_62] : memref<128x16xf32, #tpu.memory_space<vmem>> -> memref<64x16xf32, #tpu.memory_space<vmem>>
      %dma_start3A_64 = arith.constant 0 : i32
      %dma_start3A_65 = tpu.memref_slice %arg6[%add3A_33, %dma_start3A_64] : memref<5248x16xf32, #tpu.memory_space<vmem_shared>> -> memref<64x16xf32, #tpu.memory_space<vmem_shared>>
      tpu.enqueue_dma source(%dma_start3A_65 : memref<64x16xf32, #tpu.memory_space<vmem_shared>>) target(%dma_start3A_63 : memref<64x16xf32, #tpu.memory_space<vmem>>) target_semaphore(%run_scoped3A : memref<!tpu.dma_semaphore, #tpu.memory_space<semaphore_mem>>)
      %dma_wait3A = arith.constant 0 : i32
      %dma_wait3A_66 = arith.constant 0 : i32
      %dma_wait3A_67 = tpu.memref_slice %arg5[%dma_wait3A, %dma_wait3A_66] : memref<128x16xf32, #tpu.memory_space<vmem>> -> memref<64x16xf32, #tpu.memory_space<vmem>>
      %dma_wait3A_68 = arith.constant 0 : i32
      %dma_wait3A_69 = tpu.memref_slice %arg6[%add3A_33, %dma_wait3A_68] : memref<5248x16xf32, #tpu.memory_space<vmem_shared>> -> memref<64x16xf32, #tpu.memory_space<vmem_shared>>
      %dma_wait3A_70 = arith.constant 0 : i32
      %dma_wait3A_71 = arith.constant 0 : i32
      %dma_wait3A_72 = tpu.memref_slice %arg5[%dma_wait3A_70, %dma_wait3A_71] : memref<128x16xf32, #tpu.memory_space<vmem>> -> memref<64x16xf32, #tpu.memory_space<vmem>>
      %dma_wait3A_73 = arith.constant 0 : i32
      %dma_wait3A_74 = tpu.memref_slice %arg6[%add3A_33, %dma_wait3A_73] : memref<5248x16xf32, #tpu.memory_space<vmem_shared>> -> memref<64x16xf32, #tpu.memory_space<vmem_shared>>
      tpu.wait_dma2 semaphore(%run_scoped3A : memref<!tpu.dma_semaphore, #tpu.memory_space<semaphore_mem>>) src(%dma_wait3A_74 : memref<64x16xf32, #tpu.memory_space<vmem_shared>>) dst(%dma_wait3A_72 : memref<64x16xf32, #tpu.memory_space<vmem>>)
      tpu.yield
    }) : () -> ()
    %add3A_34 = arith.addi %mul3A_2, %mul3A_0 : i32
    %add3A_35 = arith.constant 0 : i32
    %add3A_36 = arith.addi %add3A_34, %add3A_35 : i32
    "tpu.region"() ({
      %run_scoped3A = tpu.sem_alloc : memref<!tpu.dma_semaphore, #tpu.memory_space<semaphore_mem>>
      %dma_start3A = arith.constant 0 : i32
      %dma_start3A_57 = arith.constant 0 : i32
      %dma_start3A_58 = tpu.memref_slice %arg5[%dma_start3A, %dma_start3A_57] : memref<128x16xf32, #tpu.memory_space<vmem>> -> memref<64x16xf32, #tpu.memory_space<vmem>>
      %dma_start3A_59 = arith.constant 0 : i32
      %dma_start3A_60 = tpu.memref_slice %arg3[%add3A_36, %dma_start3A_59] : memref<10240x16xf32, #tpu.memory_space<hbm>> -> memref<64x16xf32, #tpu.memory_space<hbm>>
      %dma_start3A_61 = arith.constant 0 : i32
      %dma_start3A_62 = tpu.memref_slice %arg3[%add3A_36, %dma_start3A_61] : memref<10240x16xf32, #tpu.memory_space<hbm>> -> memref<64x16xf32, #tpu.memory_space<hbm>>
      %dma_start3A_63 = arith.constant 0 : i32
      %dma_start3A_64 = arith.constant 0 : i32
      %dma_start3A_65 = tpu.memref_slice %arg5[%dma_start3A_63, %dma_start3A_64] : memref<128x16xf32, #tpu.memory_space<vmem>> -> memref<64x16xf32, #tpu.memory_space<vmem>>
      tpu.enqueue_dma source(%dma_start3A_65 : memref<64x16xf32, #tpu.memory_space<vmem>>) target(%dma_start3A_62 : memref<64x16xf32, #tpu.memory_space<hbm>>) target_semaphore(%run_scoped3A : memref<!tpu.dma_semaphore, #tpu.memory_space<semaphore_mem>>)
      %dma_wait3A = arith.constant 0 : i32
      %dma_wait3A_66 = arith.constant 0 : i32
      %dma_wait3A_67 = tpu.memref_slice %arg5[%dma_wait3A, %dma_wait3A_66] : memref<128x16xf32, #tpu.memory_space<vmem>> -> memref<64x16xf32, #tpu.memory_space<vmem>>
      %dma_wait3A_68 = arith.constant 0 : i32
      %dma_wait3A_69 = tpu.memref_slice %arg3[%add3A_36, %dma_wait3A_68] : memref<10240x16xf32, #tpu.memory_space<hbm>> -> memref<64x16xf32, #tpu.memory_space<hbm>>
      %dma_wait3A_70 = arith.constant 0 : i32
      %dma_wait3A_71 = tpu.memref_slice %arg3[%add3A_36, %dma_wait3A_70] : memref<10240x16xf32, #tpu.memory_space<hbm>> -> memref<64x16xf32, #tpu.memory_space<hbm>>
      %dma_wait3A_72 = arith.constant 0 : i32
      %dma_wait3A_73 = arith.constant 0 : i32
      %dma_wait3A_74 = tpu.memref_slice %arg5[%dma_wait3A_72, %dma_wait3A_73] : memref<128x16xf32, #tpu.memory_space<vmem>> -> memref<64x16xf32, #tpu.memory_space<vmem>>
      tpu.wait_dma2 semaphore(%run_scoped3A : memref<!tpu.dma_semaphore, #tpu.memory_space<semaphore_mem>>) src(%dma_wait3A_74 : memref<64x16xf32, #tpu.memory_space<vmem>>) dst(%dma_wait3A_71 : memref<64x16xf32, #tpu.memory_space<hbm>>)
      tpu.yield
    }) : () -> ()
    %add3A_37 = arith.constant 64 : i32
    %add3A_38 = arith.addi %mul3A_0, %add3A_37 : i32
    "tpu.region"() ({
      %run_scoped3A = tpu.sem_alloc : memref<!tpu.dma_semaphore, #tpu.memory_space<semaphore_mem>>
      %dma_start3A = arith.constant 0 : i32
      %dma_start3A_57 = arith.constant 0 : i32
      %dma_start3A_58 = tpu.memref_slice %arg5[%dma_start3A, %dma_start3A_57] : memref<128x16xf32, #tpu.memory_space<vmem>> -> memref<64x16xf32, #tpu.memory_space<vmem>>
      %dma_start3A_59 = arith.constant 0 : i32
      %dma_start3A_60 = tpu.memref_slice %arg6[%add3A_38, %dma_start3A_59] : memref<5248x16xf32, #tpu.memory_space<vmem_shared>> -> memref<64x16xf32, #tpu.memory_space<vmem_shared>>
      %dma_start3A_61 = arith.constant 0 : i32
      %dma_start3A_62 = arith.constant 0 : i32
      %dma_start3A_63 = tpu.memref_slice %arg5[%dma_start3A_61, %dma_start3A_62] : memref<128x16xf32, #tpu.memory_space<vmem>> -> memref<64x16xf32, #tpu.memory_space<vmem>>
      %dma_start3A_64 = arith.constant 0 : i32
      %dma_start3A_65 = tpu.memref_slice %arg6[%add3A_38, %dma_start3A_64] : memref<5248x16xf32, #tpu.memory_space<vmem_shared>> -> memref<64x16xf32, #tpu.memory_space<vmem_shared>>
      tpu.enqueue_dma source(%dma_start3A_65 : memref<64x16xf32, #tpu.memory_space<vmem_shared>>) target(%dma_start3A_63 : memref<64x16xf32, #tpu.memory_space<vmem>>) target_semaphore(%run_scoped3A : memref<!tpu.dma_semaphore, #tpu.memory_space<semaphore_mem>>)
      %dma_wait3A = arith.constant 0 : i32
      %dma_wait3A_66 = arith.constant 0 : i32
      %dma_wait3A_67 = tpu.memref_slice %arg5[%dma_wait3A, %dma_wait3A_66] : memref<128x16xf32, #tpu.memory_space<vmem>> -> memref<64x16xf32, #tpu.memory_space<vmem>>
      %dma_wait3A_68 = arith.constant 0 : i32
      %dma_wait3A_69 = tpu.memref_slice %arg6[%add3A_38, %dma_wait3A_68] : memref<5248x16xf32, #tpu.memory_space<vmem_shared>> -> memref<64x16xf32, #tpu.memory_space<vmem_shared>>
      %dma_wait3A_70 = arith.constant 0 : i32
      %dma_wait3A_71 = arith.constant 0 : i32
      %dma_wait3A_72 = tpu.memref_slice %arg5[%dma_wait3A_70, %dma_wait3A_71] : memref<128x16xf32, #tpu.memory_space<vmem>> -> memref<64x16xf32, #tpu.memory_space<vmem>>
      %dma_wait3A_73 = arith.constant 0 : i32
      %dma_wait3A_74 = tpu.memref_slice %arg6[%add3A_38, %dma_wait3A_73] : memref<5248x16xf32, #tpu.memory_space<vmem_shared>> -> memref<64x16xf32, #tpu.memory_space<vmem_shared>>
      tpu.wait_dma2 semaphore(%run_scoped3A : memref<!tpu.dma_semaphore, #tpu.memory_space<semaphore_mem>>) src(%dma_wait3A_74 : memref<64x16xf32, #tpu.memory_space<vmem_shared>>) dst(%dma_wait3A_72 : memref<64x16xf32, #tpu.memory_space<vmem>>)
      tpu.yield
    }) : () -> ()
    %add3A_39 = arith.addi %mul3A_2, %mul3A_0 : i32
    %add3A_40 = arith.constant 64 : i32
    %add3A_41 = arith.addi %add3A_39, %add3A_40 : i32
    "tpu.region"() ({
      %run_scoped3A = tpu.sem_alloc : memref<!tpu.dma_semaphore, #tpu.memory_space<semaphore_mem>>
      %dma_start3A = arith.constant 0 : i32
      %dma_start3A_57 = arith.constant 0 : i32
      %dma_start3A_58 = tpu.memref_slice %arg5[%dma_start3A, %dma_start3A_57] : memref<128x16xf32, #tpu.memory_space<vmem>> -> memref<64x16xf32, #tpu.memory_space<vmem>>
      %dma_start3A_59 = arith.constant 0 : i32
      %dma_start3A_60 = tpu.memref_slice %arg3[%add3A_41, %dma_start3A_59] : memref<10240x16xf32, #tpu.memory_space<hbm>> -> memref<64x16xf32, #tpu.memory_space<hbm>>
      %dma_start3A_61 = arith.constant 0 : i32
      %dma_start3A_62 = tpu.memref_slice %arg3[%add3A_41, %dma_start3A_61] : memref<10240x16xf32, #tpu.memory_space<hbm>> -> memref<64x16xf32, #tpu.memory_space<hbm>>
      %dma_start3A_63 = arith.constant 0 : i32
      %dma_start3A_64 = arith.constant 0 : i32
      %dma_start3A_65 = tpu.memref_slice %arg5[%dma_start3A_63, %dma_start3A_64] : memref<128x16xf32, #tpu.memory_space<vmem>> -> memref<64x16xf32, #tpu.memory_space<vmem>>
      tpu.enqueue_dma source(%dma_start3A_65 : memref<64x16xf32, #tpu.memory_space<vmem>>) target(%dma_start3A_62 : memref<64x16xf32, #tpu.memory_space<hbm>>) target_semaphore(%run_scoped3A : memref<!tpu.dma_semaphore, #tpu.memory_space<semaphore_mem>>)
      %dma_wait3A = arith.constant 0 : i32
      %dma_wait3A_66 = arith.constant 0 : i32
      %dma_wait3A_67 = tpu.memref_slice %arg5[%dma_wait3A, %dma_wait3A_66] : memref<128x16xf32, #tpu.memory_space<vmem>> -> memref<64x16xf32, #tpu.memory_space<vmem>>
      %dma_wait3A_68 = arith.constant 0 : i32
      %dma_wait3A_69 = tpu.memref_slice %arg3[%add3A_41, %dma_wait3A_68] : memref<10240x16xf32, #tpu.memory_space<hbm>> -> memref<64x16xf32, #tpu.memory_space<hbm>>
      %dma_wait3A_70 = arith.constant 0 : i32
      %dma_wait3A_71 = tpu.memref_slice %arg3[%add3A_41, %dma_wait3A_70] : memref<10240x16xf32, #tpu.memory_space<hbm>> -> memref<64x16xf32, #tpu.memory_space<hbm>>
      %dma_wait3A_72 = arith.constant 0 : i32
      %dma_wait3A_73 = arith.constant 0 : i32
      %dma_wait3A_74 = tpu.memref_slice %arg5[%dma_wait3A_72, %dma_wait3A_73] : memref<128x16xf32, #tpu.memory_space<vmem>> -> memref<64x16xf32, #tpu.memory_space<vmem>>
      tpu.wait_dma2 semaphore(%run_scoped3A : memref<!tpu.dma_semaphore, #tpu.memory_space<semaphore_mem>>) src(%dma_wait3A_74 : memref<64x16xf32, #tpu.memory_space<vmem>>) dst(%dma_wait3A_71 : memref<64x16xf32, #tpu.memory_space<hbm>>)
      tpu.yield
    }) : () -> ()
    %add3A_42 = arith.constant 128 : i32
    %add3A_43 = arith.addi %mul3A_0, %add3A_42 : i32
    "tpu.region"() ({
      %run_scoped3A = tpu.sem_alloc : memref<!tpu.dma_semaphore, #tpu.memory_space<semaphore_mem>>
      %dma_start3A = arith.constant 0 : i32
      %dma_start3A_57 = arith.constant 0 : i32
      %dma_start3A_58 = tpu.memref_slice %arg5[%dma_start3A, %dma_start3A_57] : memref<128x16xf32, #tpu.memory_space<vmem>> -> memref<64x16xf32, #tpu.memory_space<vmem>>
      %dma_start3A_59 = arith.constant 0 : i32
      %dma_start3A_60 = tpu.memref_slice %arg6[%add3A_43, %dma_start3A_59] : memref<5248x16xf32, #tpu.memory_space<vmem_shared>> -> memref<64x16xf32, #tpu.memory_space<vmem_shared>>
      %dma_start3A_61 = arith.constant 0 : i32
      %dma_start3A_62 = arith.constant 0 : i32
      %dma_start3A_63 = tpu.memref_slice %arg5[%dma_start3A_61, %dma_start3A_62] : memref<128x16xf32, #tpu.memory_space<vmem>> -> memref<64x16xf32, #tpu.memory_space<vmem>>
      %dma_start3A_64 = arith.constant 0 : i32
      %dma_start3A_65 = tpu.memref_slice %arg6[%add3A_43, %dma_start3A_64] : memref<5248x16xf32, #tpu.memory_space<vmem_shared>> -> memref<64x16xf32, #tpu.memory_space<vmem_shared>>
      tpu.enqueue_dma source(%dma_start3A_65 : memref<64x16xf32, #tpu.memory_space<vmem_shared>>) target(%dma_start3A_63 : memref<64x16xf32, #tpu.memory_space<vmem>>) target_semaphore(%run_scoped3A : memref<!tpu.dma_semaphore, #tpu.memory_space<semaphore_mem>>)
      %dma_wait3A = arith.constant 0 : i32
      %dma_wait3A_66 = arith.constant 0 : i32
      %dma_wait3A_67 = tpu.memref_slice %arg5[%dma_wait3A, %dma_wait3A_66] : memref<128x16xf32, #tpu.memory_space<vmem>> -> memref<64x16xf32, #tpu.memory_space<vmem>>
      %dma_wait3A_68 = arith.constant 0 : i32
      %dma_wait3A_69 = tpu.memref_slice %arg6[%add3A_43, %dma_wait3A_68] : memref<5248x16xf32, #tpu.memory_space<vmem_shared>> -> memref<64x16xf32, #tpu.memory_space<vmem_shared>>
      %dma_wait3A_70 = arith.constant 0 : i32
      %dma_wait3A_71 = arith.constant 0 : i32
      %dma_wait3A_72 = tpu.memref_slice %arg5[%dma_wait3A_70, %dma_wait3A_71] : memref<128x16xf32, #tpu.memory_space<vmem>> -> memref<64x16xf32, #tpu.memory_space<vmem>>
      %dma_wait3A_73 = arith.constant 0 : i32
      %dma_wait3A_74 = tpu.memref_slice %arg6[%add3A_43, %dma_wait3A_73] : memref<5248x16xf32, #tpu.memory_space<vmem_shared>> -> memref<64x16xf32, #tpu.memory_space<vmem_shared>>
      tpu.wait_dma2 semaphore(%run_scoped3A : memref<!tpu.dma_semaphore, #tpu.memory_space<semaphore_mem>>) src(%dma_wait3A_74 : memref<64x16xf32, #tpu.memory_space<vmem_shared>>) dst(%dma_wait3A_72 : memref<64x16xf32, #tpu.memory_space<vmem>>)
      tpu.yield
    }) : () -> ()
    %add3A_44 = arith.addi %mul3A_2, %mul3A_0 : i32
    %add3A_45 = arith.constant 128 : i32
    %add3A_46 = arith.addi %add3A_44, %add3A_45 : i32
    "tpu.region"() ({
      %run_scoped3A = tpu.sem_alloc : memref<!tpu.dma_semaphore, #tpu.memory_space<semaphore_mem>>
      %dma_start3A = arith.constant 0 : i32
      %dma_start3A_57 = arith.constant 0 : i32
      %dma_start3A_58 = tpu.memref_slice %arg5[%dma_start3A, %dma_start3A_57] : memref<128x16xf32, #tpu.memory_space<vmem>> -> memref<64x16xf32, #tpu.memory_space<vmem>>
      %dma_start3A_59 = arith.constant 0 : i32
      %dma_start3A_60 = tpu.memref_slice %arg3[%add3A_46, %dma_start3A_59] : memref<10240x16xf32, #tpu.memory_space<hbm>> -> memref<64x16xf32, #tpu.memory_space<hbm>>
      %dma_start3A_61 = arith.constant 0 : i32
      %dma_start3A_62 = tpu.memref_slice %arg3[%add3A_46, %dma_start3A_61] : memref<10240x16xf32, #tpu.memory_space<hbm>> -> memref<64x16xf32, #tpu.memory_space<hbm>>
      %dma_start3A_63 = arith.constant 0 : i32
      %dma_start3A_64 = arith.constant 0 : i32
      %dma_start3A_65 = tpu.memref_slice %arg5[%dma_start3A_63, %dma_start3A_64] : memref<128x16xf32, #tpu.memory_space<vmem>> -> memref<64x16xf32, #tpu.memory_space<vmem>>
      tpu.enqueue_dma source(%dma_start3A_65 : memref<64x16xf32, #tpu.memory_space<vmem>>) target(%dma_start3A_62 : memref<64x16xf32, #tpu.memory_space<hbm>>) target_semaphore(%run_scoped3A : memref<!tpu.dma_semaphore, #tpu.memory_space<semaphore_mem>>)
      %dma_wait3A = arith.constant 0 : i32
      %dma_wait3A_66 = arith.constant 0 : i32
      %dma_wait3A_67 = tpu.memref_slice %arg5[%dma_wait3A, %dma_wait3A_66] : memref<128x16xf32, #tpu.memory_space<vmem>> -> memref<64x16xf32, #tpu.memory_space<vmem>>
      %dma_wait3A_68 = arith.constant 0 : i32
      %dma_wait3A_69 = tpu.memref_slice %arg3[%add3A_46, %dma_wait3A_68] : memref<10240x16xf32, #tpu.memory_space<hbm>> -> memref<64x16xf32, #tpu.memory_space<hbm>>
      %dma_wait3A_70 = arith.constant 0 : i32
      %dma_wait3A_71 = tpu.memref_slice %arg3[%add3A_46, %dma_wait3A_70] : memref<10240x16xf32, #tpu.memory_space<hbm>> -> memref<64x16xf32, #tpu.memory_space<hbm>>
      %dma_wait3A_72 = arith.constant 0 : i32
      %dma_wait3A_73 = arith.constant 0 : i32
      %dma_wait3A_74 = tpu.memref_slice %arg5[%dma_wait3A_72, %dma_wait3A_73] : memref<128x16xf32, #tpu.memory_space<vmem>> -> memref<64x16xf32, #tpu.memory_space<vmem>>
      tpu.wait_dma2 semaphore(%run_scoped3A : memref<!tpu.dma_semaphore, #tpu.memory_space<semaphore_mem>>) src(%dma_wait3A_74 : memref<64x16xf32, #tpu.memory_space<vmem>>) dst(%dma_wait3A_71 : memref<64x16xf32, #tpu.memory_space<hbm>>)
      tpu.yield
    }) : () -> ()
    %add3A_47 = arith.constant 192 : i32
    %add3A_48 = arith.addi %mul3A_0, %add3A_47 : i32
    "tpu.region"() ({
      %run_scoped3A = tpu.sem_alloc : memref<!tpu.dma_semaphore, #tpu.memory_space<semaphore_mem>>
      %dma_start3A = arith.constant 0 : i32
      %dma_start3A_57 = arith.constant 0 : i32
      %dma_start3A_58 = tpu.memref_slice %arg5[%dma_start3A, %dma_start3A_57] : memref<128x16xf32, #tpu.memory_space<vmem>> -> memref<64x16xf32, #tpu.memory_space<vmem>>
      %dma_start3A_59 = arith.constant 0 : i32
      %dma_start3A_60 = tpu.memref_slice %arg6[%add3A_48, %dma_start3A_59] : memref<5248x16xf32, #tpu.memory_space<vmem_shared>> -> memref<64x16xf32, #tpu.memory_space<vmem_shared>>
      %dma_start3A_61 = arith.constant 0 : i32
      %dma_start3A_62 = arith.constant 0 : i32
      %dma_start3A_63 = tpu.memref_slice %arg5[%dma_start3A_61, %dma_start3A_62] : memref<128x16xf32, #tpu.memory_space<vmem>> -> memref<64x16xf32, #tpu.memory_space<vmem>>
      %dma_start3A_64 = arith.constant 0 : i32
      %dma_start3A_65 = tpu.memref_slice %arg6[%add3A_48, %dma_start3A_64] : memref<5248x16xf32, #tpu.memory_space<vmem_shared>> -> memref<64x16xf32, #tpu.memory_space<vmem_shared>>
      tpu.enqueue_dma source(%dma_start3A_65 : memref<64x16xf32, #tpu.memory_space<vmem_shared>>) target(%dma_start3A_63 : memref<64x16xf32, #tpu.memory_space<vmem>>) target_semaphore(%run_scoped3A : memref<!tpu.dma_semaphore, #tpu.memory_space<semaphore_mem>>)
      %dma_wait3A = arith.constant 0 : i32
      %dma_wait3A_66 = arith.constant 0 : i32
      %dma_wait3A_67 = tpu.memref_slice %arg5[%dma_wait3A, %dma_wait3A_66] : memref<128x16xf32, #tpu.memory_space<vmem>> -> memref<64x16xf32, #tpu.memory_space<vmem>>
      %dma_wait3A_68 = arith.constant 0 : i32
      %dma_wait3A_69 = tpu.memref_slice %arg6[%add3A_48, %dma_wait3A_68] : memref<5248x16xf32, #tpu.memory_space<vmem_shared>> -> memref<64x16xf32, #tpu.memory_space<vmem_shared>>
      %dma_wait3A_70 = arith.constant 0 : i32
      %dma_wait3A_71 = arith.constant 0 : i32
      %dma_wait3A_72 = tpu.memref_slice %arg5[%dma_wait3A_70, %dma_wait3A_71] : memref<128x16xf32, #tpu.memory_space<vmem>> -> memref<64x16xf32, #tpu.memory_space<vmem>>
      %dma_wait3A_73 = arith.constant 0 : i32
      %dma_wait3A_74 = tpu.memref_slice %arg6[%add3A_48, %dma_wait3A_73] : memref<5248x16xf32, #tpu.memory_space<vmem_shared>> -> memref<64x16xf32, #tpu.memory_space<vmem_shared>>
      tpu.wait_dma2 semaphore(%run_scoped3A : memref<!tpu.dma_semaphore, #tpu.memory_space<semaphore_mem>>) src(%dma_wait3A_74 : memref<64x16xf32, #tpu.memory_space<vmem_shared>>) dst(%dma_wait3A_72 : memref<64x16xf32, #tpu.memory_space<vmem>>)
      tpu.yield
    }) : () -> ()
    %add3A_49 = arith.addi %mul3A_2, %mul3A_0 : i32
    %add3A_50 = arith.constant 192 : i32
    %add3A_51 = arith.addi %add3A_49, %add3A_50 : i32
    "tpu.region"() ({
      %run_scoped3A = tpu.sem_alloc : memref<!tpu.dma_semaphore, #tpu.memory_space<semaphore_mem>>
      %dma_start3A = arith.constant 0 : i32
      %dma_start3A_57 = arith.constant 0 : i32
      %dma_start3A_58 = tpu.memref_slice %arg5[%dma_start3A, %dma_start3A_57] : memref<128x16xf32, #tpu.memory_space<vmem>> -> memref<64x16xf32, #tpu.memory_space<vmem>>
      %dma_start3A_59 = arith.constant 0 : i32
      %dma_start3A_60 = tpu.memref_slice %arg3[%add3A_51, %dma_start3A_59] : memref<10240x16xf32, #tpu.memory_space<hbm>> -> memref<64x16xf32, #tpu.memory_space<hbm>>
      %dma_start3A_61 = arith.constant 0 : i32
      %dma_start3A_62 = tpu.memref_slice %arg3[%add3A_51, %dma_start3A_61] : memref<10240x16xf32, #tpu.memory_space<hbm>> -> memref<64x16xf32, #tpu.memory_space<hbm>>
      %dma_start3A_63 = arith.constant 0 : i32
      %dma_start3A_64 = arith.constant 0 : i32
      %dma_start3A_65 = tpu.memref_slice %arg5[%dma_start3A_63, %dma_start3A_64] : memref<128x16xf32, #tpu.memory_space<vmem>> -> memref<64x16xf32, #tpu.memory_space<vmem>>
      tpu.enqueue_dma source(%dma_start3A_65 : memref<64x16xf32, #tpu.memory_space<vmem>>) target(%dma_start3A_62 : memref<64x16xf32, #tpu.memory_space<hbm>>) target_semaphore(%run_scoped3A : memref<!tpu.dma_semaphore, #tpu.memory_space<semaphore_mem>>)
      %dma_wait3A = arith.constant 0 : i32
      %dma_wait3A_66 = arith.constant 0 : i32
      %dma_wait3A_67 = tpu.memref_slice %arg5[%dma_wait3A, %dma_wait3A_66] : memref<128x16xf32, #tpu.memory_space<vmem>> -> memref<64x16xf32, #tpu.memory_space<vmem>>
      %dma_wait3A_68 = arith.constant 0 : i32
      %dma_wait3A_69 = tpu.memref_slice %arg3[%add3A_51, %dma_wait3A_68] : memref<10240x16xf32, #tpu.memory_space<hbm>> -> memref<64x16xf32, #tpu.memory_space<hbm>>
      %dma_wait3A_70 = arith.constant 0 : i32
      %dma_wait3A_71 = tpu.memref_slice %arg3[%add3A_51, %dma_wait3A_70] : memref<10240x16xf32, #tpu.memory_space<hbm>> -> memref<64x16xf32, #tpu.memory_space<hbm>>
      %dma_wait3A_72 = arith.constant 0 : i32
      %dma_wait3A_73 = arith.constant 0 : i32
      %dma_wait3A_74 = tpu.memref_slice %arg5[%dma_wait3A_72, %dma_wait3A_73] : memref<128x16xf32, #tpu.memory_space<vmem>> -> memref<64x16xf32, #tpu.memory_space<vmem>>
      tpu.wait_dma2 semaphore(%run_scoped3A : memref<!tpu.dma_semaphore, #tpu.memory_space<semaphore_mem>>) src(%dma_wait3A_74 : memref<64x16xf32, #tpu.memory_space<vmem>>) dst(%dma_wait3A_71 : memref<64x16xf32, #tpu.memory_space<hbm>>)
      tpu.yield
    }) : () -> ()
    %add3A_52 = arith.constant 256 : i32
    %add3A_53 = arith.addi %mul3A_0, %add3A_52 : i32
    "tpu.region"() ({
      %run_scoped3A = tpu.sem_alloc : memref<!tpu.dma_semaphore, #tpu.memory_space<semaphore_mem>>
      %dma_start3A = arith.constant 0 : i32
      %dma_start3A_57 = arith.constant 0 : i32
      %dma_start3A_58 = tpu.memref_slice %arg5[%dma_start3A, %dma_start3A_57] : memref<128x16xf32, #tpu.memory_space<vmem>> -> memref<64x16xf32, #tpu.memory_space<vmem>>
      %dma_start3A_59 = arith.constant 0 : i32
      %dma_start3A_60 = tpu.memref_slice %arg6[%add3A_53, %dma_start3A_59] : memref<5248x16xf32, #tpu.memory_space<vmem_shared>> -> memref<64x16xf32, #tpu.memory_space<vmem_shared>>
      %dma_start3A_61 = arith.constant 0 : i32
      %dma_start3A_62 = arith.constant 0 : i32
      %dma_start3A_63 = tpu.memref_slice %arg5[%dma_start3A_61, %dma_start3A_62] : memref<128x16xf32, #tpu.memory_space<vmem>> -> memref<64x16xf32, #tpu.memory_space<vmem>>
      %dma_start3A_64 = arith.constant 0 : i32
      %dma_start3A_65 = tpu.memref_slice %arg6[%add3A_53, %dma_start3A_64] : memref<5248x16xf32, #tpu.memory_space<vmem_shared>> -> memref<64x16xf32, #tpu.memory_space<vmem_shared>>
      tpu.enqueue_dma source(%dma_start3A_65 : memref<64x16xf32, #tpu.memory_space<vmem_shared>>) target(%dma_start3A_63 : memref<64x16xf32, #tpu.memory_space<vmem>>) target_semaphore(%run_scoped3A : memref<!tpu.dma_semaphore, #tpu.memory_space<semaphore_mem>>)
      %dma_wait3A = arith.constant 0 : i32
      %dma_wait3A_66 = arith.constant 0 : i32
      %dma_wait3A_67 = tpu.memref_slice %arg5[%dma_wait3A, %dma_wait3A_66] : memref<128x16xf32, #tpu.memory_space<vmem>> -> memref<64x16xf32, #tpu.memory_space<vmem>>
      %dma_wait3A_68 = arith.constant 0 : i32
      %dma_wait3A_69 = tpu.memref_slice %arg6[%add3A_53, %dma_wait3A_68] : memref<5248x16xf32, #tpu.memory_space<vmem_shared>> -> memref<64x16xf32, #tpu.memory_space<vmem_shared>>
      %dma_wait3A_70 = arith.constant 0 : i32
      %dma_wait3A_71 = arith.constant 0 : i32
      %dma_wait3A_72 = tpu.memref_slice %arg5[%dma_wait3A_70, %dma_wait3A_71] : memref<128x16xf32, #tpu.memory_space<vmem>> -> memref<64x16xf32, #tpu.memory_space<vmem>>
      %dma_wait3A_73 = arith.constant 0 : i32
      %dma_wait3A_74 = tpu.memref_slice %arg6[%add3A_53, %dma_wait3A_73] : memref<5248x16xf32, #tpu.memory_space<vmem_shared>> -> memref<64x16xf32, #tpu.memory_space<vmem_shared>>
      tpu.wait_dma2 semaphore(%run_scoped3A : memref<!tpu.dma_semaphore, #tpu.memory_space<semaphore_mem>>) src(%dma_wait3A_74 : memref<64x16xf32, #tpu.memory_space<vmem_shared>>) dst(%dma_wait3A_72 : memref<64x16xf32, #tpu.memory_space<vmem>>)
      tpu.yield
    }) : () -> ()
    %add3A_54 = arith.addi %mul3A_2, %mul3A_0 : i32
    %add3A_55 = arith.constant 256 : i32
    %add3A_56 = arith.addi %add3A_54, %add3A_55 : i32
    "tpu.region"() ({
      %run_scoped3A = tpu.sem_alloc : memref<!tpu.dma_semaphore, #tpu.memory_space<semaphore_mem>>
      %dma_start3A = arith.constant 0 : i32
      %dma_start3A_57 = arith.constant 0 : i32
      %dma_start3A_58 = tpu.memref_slice %arg5[%dma_start3A, %dma_start3A_57] : memref<128x16xf32, #tpu.memory_space<vmem>> -> memref<64x16xf32, #tpu.memory_space<vmem>>
      %dma_start3A_59 = arith.constant 0 : i32
      %dma_start3A_60 = tpu.memref_slice %arg3[%add3A_56, %dma_start3A_59] : memref<10240x16xf32, #tpu.memory_space<hbm>> -> memref<64x16xf32, #tpu.memory_space<hbm>>
      %dma_start3A_61 = arith.constant 0 : i32
      %dma_start3A_62 = tpu.memref_slice %arg3[%add3A_56, %dma_start3A_61] : memref<10240x16xf32, #tpu.memory_space<hbm>> -> memref<64x16xf32, #tpu.memory_space<hbm>>
      %dma_start3A_63 = arith.constant 0 : i32
      %dma_start3A_64 = arith.constant 0 : i32
      %dma_start3A_65 = tpu.memref_slice %arg5[%dma_start3A_63, %dma_start3A_64] : memref<128x16xf32, #tpu.memory_space<vmem>> -> memref<64x16xf32, #tpu.memory_space<vmem>>
      tpu.enqueue_dma source(%dma_start3A_65 : memref<64x16xf32, #tpu.memory_space<vmem>>) target(%dma_start3A_62 : memref<64x16xf32, #tpu.memory_space<hbm>>) target_semaphore(%run_scoped3A : memref<!tpu.dma_semaphore, #tpu.memory_space<semaphore_mem>>)
      %dma_wait3A = arith.constant 0 : i32
      %dma_wait3A_66 = arith.constant 0 : i32
      %dma_wait3A_67 = tpu.memref_slice %arg5[%dma_wait3A, %dma_wait3A_66] : memref<128x16xf32, #tpu.memory_space<vmem>> -> memref<64x16xf32, #tpu.memory_space<vmem>>
      %dma_wait3A_68 = arith.constant 0 : i32
      %dma_wait3A_69 = tpu.memref_slice %arg3[%add3A_56, %dma_wait3A_68] : memref<10240x16xf32, #tpu.memory_space<hbm>> -> memref<64x16xf32, #tpu.memory_space<hbm>>
      %dma_wait3A_70 = arith.constant 0 : i32
      %dma_wait3A_71 = tpu.memref_slice %arg3[%add3A_56, %dma_wait3A_70] : memref<10240x16xf32, #tpu.memory_space<hbm>> -> memref<64x16xf32, #tpu.memory_space<hbm>>
      %dma_wait3A_72 = arith.constant 0 : i32
      %dma_wait3A_73 = arith.constant 0 : i32
      %dma_wait3A_74 = tpu.memref_slice %arg5[%dma_wait3A_72, %dma_wait3A_73] : memref<128x16xf32, #tpu.memory_space<vmem>> -> memref<64x16xf32, #tpu.memory_space<vmem>>
      tpu.wait_dma2 semaphore(%run_scoped3A : memref<!tpu.dma_semaphore, #tpu.memory_space<semaphore_mem>>) src(%dma_wait3A_74 : memref<64x16xf32, #tpu.memory_space<vmem>>) dst(%dma_wait3A_71 : memref<64x16xf32, #tpu.memory_space<hbm>>)
      tpu.yield
    }) : () -> ()
    return
  }
}

#map = affine_map<(d0, d1) -> (0, 0)>
#map1 = affine_map<(d0, d1) -> (0, 0, 0)>
module attributes {stable_mosaic.version = 14 : i64} {
  func.func @_prop_body(%arg0: i32, %arg1: i32, %arg2: memref<10240x128xf32, #tpu.memory_space<hbm>>, %arg3: memref<16x158x128xi32, #tpu.memory_space<hbm>>, %arg4: memref<16x158x128xi32, #tpu.memory_space<hbm>>, %arg5: memref<128x128xf32, #tpu.memory_space<hbm>>, %arg6: memref<10240x128xf32, #tpu.memory_space<hbm>>, %arg7: memref<158x128xi32, #tpu.memory_space<vmem>>, %arg8: memref<158x128xi32, #tpu.memory_space<vmem>>, %arg9: memref<128x128xf32, #tpu.memory_space<vmem>>, %arg10: memref<128x128xf32, #tpu.memory_space<vmem>>, %arg11: memref<5248x128xf32, #tpu.memory_space<vmem_shared>>, %arg12: memref<!tpu.dma_semaphore, #tpu.memory_space<semaphore_mem>>, %arg13: memref<!tpu.dma_semaphore, #tpu.memory_space<semaphore_mem>>) attributes {dimension_semantics = [#tpu.dimension_semantics<core_parallel>, #tpu.dimension_semantics<subcore_parallel>], iteration_bounds = array<i64: 2, 16>, scalar_prefetch = 0 : i64, scratch_operands = 7 : i64, tpu.core_type = #tpu.core_type<sc_vector_subcore>, window_params = [{transform_indices = #map}, {transform_indices = #map1}, {transform_indices = #map1}, {transform_indices = #map}, {transform_indices = #map}]} {
    %mul3A = arith.constant 320 : i32
    %mul3A_0 = arith.muli %arg1, %mul3A : i32
    %mul3A_1 = arith.constant 5120 : i32
    %mul3A_2 = arith.muli %arg0, %mul3A_1 : i32
    "tpu.region"() ({
      %run_scoped3A = tpu.sem_alloc : memref<!tpu.dma_semaphore, #tpu.memory_space<semaphore_mem>>
      tpu.enqueue_dma source(%arg5 : memref<128x128xf32, #tpu.memory_space<hbm>>) target(%arg9 : memref<128x128xf32, #tpu.memory_space<vmem>>) target_semaphore(%run_scoped3A : memref<!tpu.dma_semaphore, #tpu.memory_space<semaphore_mem>>)
      tpu.wait_dma2 semaphore(%run_scoped3A : memref<!tpu.dma_semaphore, #tpu.memory_space<semaphore_mem>>) src(%arg5 : memref<128x128xf32, #tpu.memory_space<hbm>>) dst(%arg9 : memref<128x128xf32, #tpu.memory_space<vmem>>)
      tpu.yield
    }) : () -> ()
    %add3A = arith.constant 0 : i32
    %add3A_3 = arith.addi %mul3A_0, %add3A : i32
    "tpu.region"() ({
      %run_scoped3A = tpu.sem_alloc : memref<!tpu.dma_semaphore, #tpu.memory_space<semaphore_mem>>
      %dma_start3A_53 = arith.constant 0 : i32
      %dma_start3A_54 = arith.constant 0 : i32
      %dma_start3A_55 = tpu.memref_slice %arg9[%dma_start3A_53, %dma_start3A_54] : memref<128x128xf32, #tpu.memory_space<vmem>> -> memref<64x128xf32, #tpu.memory_space<vmem>>
      %dma_start3A_56 = arith.constant 0 : i32
      %dma_start3A_57 = tpu.memref_slice %arg11[%add3A_3, %dma_start3A_56] : memref<5248x128xf32, #tpu.memory_space<vmem_shared>> -> memref<64x128xf32, #tpu.memory_space<vmem_shared>>
      %dma_start3A_58 = arith.constant 0 : i32
      %dma_start3A_59 = tpu.memref_slice %arg11[%add3A_3, %dma_start3A_58] : memref<5248x128xf32, #tpu.memory_space<vmem_shared>> -> memref<64x128xf32, #tpu.memory_space<vmem_shared>>
      %dma_start3A_60 = arith.constant 0 : i32
      %dma_start3A_61 = arith.constant 0 : i32
      %dma_start3A_62 = tpu.memref_slice %arg9[%dma_start3A_60, %dma_start3A_61] : memref<128x128xf32, #tpu.memory_space<vmem>> -> memref<64x128xf32, #tpu.memory_space<vmem>>
      tpu.enqueue_dma source(%dma_start3A_62 : memref<64x128xf32, #tpu.memory_space<vmem>>) target(%dma_start3A_59 : memref<64x128xf32, #tpu.memory_space<vmem_shared>>) target_semaphore(%run_scoped3A : memref<!tpu.dma_semaphore, #tpu.memory_space<semaphore_mem>>)
      %dma_wait3A = arith.constant 0 : i32
      %dma_wait3A_63 = arith.constant 0 : i32
      %dma_wait3A_64 = tpu.memref_slice %arg9[%dma_wait3A, %dma_wait3A_63] : memref<128x128xf32, #tpu.memory_space<vmem>> -> memref<64x128xf32, #tpu.memory_space<vmem>>
      %dma_wait3A_65 = arith.constant 0 : i32
      %dma_wait3A_66 = tpu.memref_slice %arg11[%add3A_3, %dma_wait3A_65] : memref<5248x128xf32, #tpu.memory_space<vmem_shared>> -> memref<64x128xf32, #tpu.memory_space<vmem_shared>>
      %dma_wait3A_67 = arith.constant 0 : i32
      %dma_wait3A_68 = tpu.memref_slice %arg11[%add3A_3, %dma_wait3A_67] : memref<5248x128xf32, #tpu.memory_space<vmem_shared>> -> memref<64x128xf32, #tpu.memory_space<vmem_shared>>
      %dma_wait3A_69 = arith.constant 0 : i32
      %dma_wait3A_70 = arith.constant 0 : i32
      %dma_wait3A_71 = tpu.memref_slice %arg9[%dma_wait3A_69, %dma_wait3A_70] : memref<128x128xf32, #tpu.memory_space<vmem>> -> memref<64x128xf32, #tpu.memory_space<vmem>>
      tpu.wait_dma2 semaphore(%run_scoped3A : memref<!tpu.dma_semaphore, #tpu.memory_space<semaphore_mem>>) src(%dma_wait3A_71 : memref<64x128xf32, #tpu.memory_space<vmem>>) dst(%dma_wait3A_68 : memref<64x128xf32, #tpu.memory_space<vmem_shared>>)
      tpu.yield
    }) : () -> ()
    %add3A_4 = arith.constant 64 : i32
    %add3A_5 = arith.addi %mul3A_0, %add3A_4 : i32
    "tpu.region"() ({
      %run_scoped3A = tpu.sem_alloc : memref<!tpu.dma_semaphore, #tpu.memory_space<semaphore_mem>>
      %dma_start3A_53 = arith.constant 0 : i32
      %dma_start3A_54 = arith.constant 0 : i32
      %dma_start3A_55 = tpu.memref_slice %arg9[%dma_start3A_53, %dma_start3A_54] : memref<128x128xf32, #tpu.memory_space<vmem>> -> memref<64x128xf32, #tpu.memory_space<vmem>>
      %dma_start3A_56 = arith.constant 0 : i32
      %dma_start3A_57 = tpu.memref_slice %arg11[%add3A_5, %dma_start3A_56] : memref<5248x128xf32, #tpu.memory_space<vmem_shared>> -> memref<64x128xf32, #tpu.memory_space<vmem_shared>>
      %dma_start3A_58 = arith.constant 0 : i32
      %dma_start3A_59 = tpu.memref_slice %arg11[%add3A_5, %dma_start3A_58] : memref<5248x128xf32, #tpu.memory_space<vmem_shared>> -> memref<64x128xf32, #tpu.memory_space<vmem_shared>>
      %dma_start3A_60 = arith.constant 0 : i32
      %dma_start3A_61 = arith.constant 0 : i32
      %dma_start3A_62 = tpu.memref_slice %arg9[%dma_start3A_60, %dma_start3A_61] : memref<128x128xf32, #tpu.memory_space<vmem>> -> memref<64x128xf32, #tpu.memory_space<vmem>>
      tpu.enqueue_dma source(%dma_start3A_62 : memref<64x128xf32, #tpu.memory_space<vmem>>) target(%dma_start3A_59 : memref<64x128xf32, #tpu.memory_space<vmem_shared>>) target_semaphore(%run_scoped3A : memref<!tpu.dma_semaphore, #tpu.memory_space<semaphore_mem>>)
      %dma_wait3A = arith.constant 0 : i32
      %dma_wait3A_63 = arith.constant 0 : i32
      %dma_wait3A_64 = tpu.memref_slice %arg9[%dma_wait3A, %dma_wait3A_63] : memref<128x128xf32, #tpu.memory_space<vmem>> -> memref<64x128xf32, #tpu.memory_space<vmem>>
      %dma_wait3A_65 = arith.constant 0 : i32
      %dma_wait3A_66 = tpu.memref_slice %arg11[%add3A_5, %dma_wait3A_65] : memref<5248x128xf32, #tpu.memory_space<vmem_shared>> -> memref<64x128xf32, #tpu.memory_space<vmem_shared>>
      %dma_wait3A_67 = arith.constant 0 : i32
      %dma_wait3A_68 = tpu.memref_slice %arg11[%add3A_5, %dma_wait3A_67] : memref<5248x128xf32, #tpu.memory_space<vmem_shared>> -> memref<64x128xf32, #tpu.memory_space<vmem_shared>>
      %dma_wait3A_69 = arith.constant 0 : i32
      %dma_wait3A_70 = arith.constant 0 : i32
      %dma_wait3A_71 = tpu.memref_slice %arg9[%dma_wait3A_69, %dma_wait3A_70] : memref<128x128xf32, #tpu.memory_space<vmem>> -> memref<64x128xf32, #tpu.memory_space<vmem>>
      tpu.wait_dma2 semaphore(%run_scoped3A : memref<!tpu.dma_semaphore, #tpu.memory_space<semaphore_mem>>) src(%dma_wait3A_71 : memref<64x128xf32, #tpu.memory_space<vmem>>) dst(%dma_wait3A_68 : memref<64x128xf32, #tpu.memory_space<vmem_shared>>)
      tpu.yield
    }) : () -> ()
    %add3A_6 = arith.constant 128 : i32
    %add3A_7 = arith.addi %mul3A_0, %add3A_6 : i32
    "tpu.region"() ({
      %run_scoped3A = tpu.sem_alloc : memref<!tpu.dma_semaphore, #tpu.memory_space<semaphore_mem>>
      %dma_start3A_53 = arith.constant 0 : i32
      %dma_start3A_54 = arith.constant 0 : i32
      %dma_start3A_55 = tpu.memref_slice %arg9[%dma_start3A_53, %dma_start3A_54] : memref<128x128xf32, #tpu.memory_space<vmem>> -> memref<64x128xf32, #tpu.memory_space<vmem>>
      %dma_start3A_56 = arith.constant 0 : i32
      %dma_start3A_57 = tpu.memref_slice %arg11[%add3A_7, %dma_start3A_56] : memref<5248x128xf32, #tpu.memory_space<vmem_shared>> -> memref<64x128xf32, #tpu.memory_space<vmem_shared>>
      %dma_start3A_58 = arith.constant 0 : i32
      %dma_start3A_59 = tpu.memref_slice %arg11[%add3A_7, %dma_start3A_58] : memref<5248x128xf32, #tpu.memory_space<vmem_shared>> -> memref<64x128xf32, #tpu.memory_space<vmem_shared>>
      %dma_start3A_60 = arith.constant 0 : i32
      %dma_start3A_61 = arith.constant 0 : i32
      %dma_start3A_62 = tpu.memref_slice %arg9[%dma_start3A_60, %dma_start3A_61] : memref<128x128xf32, #tpu.memory_space<vmem>> -> memref<64x128xf32, #tpu.memory_space<vmem>>
      tpu.enqueue_dma source(%dma_start3A_62 : memref<64x128xf32, #tpu.memory_space<vmem>>) target(%dma_start3A_59 : memref<64x128xf32, #tpu.memory_space<vmem_shared>>) target_semaphore(%run_scoped3A : memref<!tpu.dma_semaphore, #tpu.memory_space<semaphore_mem>>)
      %dma_wait3A = arith.constant 0 : i32
      %dma_wait3A_63 = arith.constant 0 : i32
      %dma_wait3A_64 = tpu.memref_slice %arg9[%dma_wait3A, %dma_wait3A_63] : memref<128x128xf32, #tpu.memory_space<vmem>> -> memref<64x128xf32, #tpu.memory_space<vmem>>
      %dma_wait3A_65 = arith.constant 0 : i32
      %dma_wait3A_66 = tpu.memref_slice %arg11[%add3A_7, %dma_wait3A_65] : memref<5248x128xf32, #tpu.memory_space<vmem_shared>> -> memref<64x128xf32, #tpu.memory_space<vmem_shared>>
      %dma_wait3A_67 = arith.constant 0 : i32
      %dma_wait3A_68 = tpu.memref_slice %arg11[%add3A_7, %dma_wait3A_67] : memref<5248x128xf32, #tpu.memory_space<vmem_shared>> -> memref<64x128xf32, #tpu.memory_space<vmem_shared>>
      %dma_wait3A_69 = arith.constant 0 : i32
      %dma_wait3A_70 = arith.constant 0 : i32
      %dma_wait3A_71 = tpu.memref_slice %arg9[%dma_wait3A_69, %dma_wait3A_70] : memref<128x128xf32, #tpu.memory_space<vmem>> -> memref<64x128xf32, #tpu.memory_space<vmem>>
      tpu.wait_dma2 semaphore(%run_scoped3A : memref<!tpu.dma_semaphore, #tpu.memory_space<semaphore_mem>>) src(%dma_wait3A_71 : memref<64x128xf32, #tpu.memory_space<vmem>>) dst(%dma_wait3A_68 : memref<64x128xf32, #tpu.memory_space<vmem_shared>>)
      tpu.yield
    }) : () -> ()
    %add3A_8 = arith.constant 192 : i32
    %add3A_9 = arith.addi %mul3A_0, %add3A_8 : i32
    "tpu.region"() ({
      %run_scoped3A = tpu.sem_alloc : memref<!tpu.dma_semaphore, #tpu.memory_space<semaphore_mem>>
      %dma_start3A_53 = arith.constant 0 : i32
      %dma_start3A_54 = arith.constant 0 : i32
      %dma_start3A_55 = tpu.memref_slice %arg9[%dma_start3A_53, %dma_start3A_54] : memref<128x128xf32, #tpu.memory_space<vmem>> -> memref<64x128xf32, #tpu.memory_space<vmem>>
      %dma_start3A_56 = arith.constant 0 : i32
      %dma_start3A_57 = tpu.memref_slice %arg11[%add3A_9, %dma_start3A_56] : memref<5248x128xf32, #tpu.memory_space<vmem_shared>> -> memref<64x128xf32, #tpu.memory_space<vmem_shared>>
      %dma_start3A_58 = arith.constant 0 : i32
      %dma_start3A_59 = tpu.memref_slice %arg11[%add3A_9, %dma_start3A_58] : memref<5248x128xf32, #tpu.memory_space<vmem_shared>> -> memref<64x128xf32, #tpu.memory_space<vmem_shared>>
      %dma_start3A_60 = arith.constant 0 : i32
      %dma_start3A_61 = arith.constant 0 : i32
      %dma_start3A_62 = tpu.memref_slice %arg9[%dma_start3A_60, %dma_start3A_61] : memref<128x128xf32, #tpu.memory_space<vmem>> -> memref<64x128xf32, #tpu.memory_space<vmem>>
      tpu.enqueue_dma source(%dma_start3A_62 : memref<64x128xf32, #tpu.memory_space<vmem>>) target(%dma_start3A_59 : memref<64x128xf32, #tpu.memory_space<vmem_shared>>) target_semaphore(%run_scoped3A : memref<!tpu.dma_semaphore, #tpu.memory_space<semaphore_mem>>)
      %dma_wait3A = arith.constant 0 : i32
      %dma_wait3A_63 = arith.constant 0 : i32
      %dma_wait3A_64 = tpu.memref_slice %arg9[%dma_wait3A, %dma_wait3A_63] : memref<128x128xf32, #tpu.memory_space<vmem>> -> memref<64x128xf32, #tpu.memory_space<vmem>>
      %dma_wait3A_65 = arith.constant 0 : i32
      %dma_wait3A_66 = tpu.memref_slice %arg11[%add3A_9, %dma_wait3A_65] : memref<5248x128xf32, #tpu.memory_space<vmem_shared>> -> memref<64x128xf32, #tpu.memory_space<vmem_shared>>
      %dma_wait3A_67 = arith.constant 0 : i32
      %dma_wait3A_68 = tpu.memref_slice %arg11[%add3A_9, %dma_wait3A_67] : memref<5248x128xf32, #tpu.memory_space<vmem_shared>> -> memref<64x128xf32, #tpu.memory_space<vmem_shared>>
      %dma_wait3A_69 = arith.constant 0 : i32
      %dma_wait3A_70 = arith.constant 0 : i32
      %dma_wait3A_71 = tpu.memref_slice %arg9[%dma_wait3A_69, %dma_wait3A_70] : memref<128x128xf32, #tpu.memory_space<vmem>> -> memref<64x128xf32, #tpu.memory_space<vmem>>
      tpu.wait_dma2 semaphore(%run_scoped3A : memref<!tpu.dma_semaphore, #tpu.memory_space<semaphore_mem>>) src(%dma_wait3A_71 : memref<64x128xf32, #tpu.memory_space<vmem>>) dst(%dma_wait3A_68 : memref<64x128xf32, #tpu.memory_space<vmem_shared>>)
      tpu.yield
    }) : () -> ()
    %add3A_10 = arith.constant 256 : i32
    %add3A_11 = arith.addi %mul3A_0, %add3A_10 : i32
    "tpu.region"() ({
      %run_scoped3A = tpu.sem_alloc : memref<!tpu.dma_semaphore, #tpu.memory_space<semaphore_mem>>
      %dma_start3A_53 = arith.constant 0 : i32
      %dma_start3A_54 = arith.constant 0 : i32
      %dma_start3A_55 = tpu.memref_slice %arg9[%dma_start3A_53, %dma_start3A_54] : memref<128x128xf32, #tpu.memory_space<vmem>> -> memref<64x128xf32, #tpu.memory_space<vmem>>
      %dma_start3A_56 = arith.constant 0 : i32
      %dma_start3A_57 = tpu.memref_slice %arg11[%add3A_11, %dma_start3A_56] : memref<5248x128xf32, #tpu.memory_space<vmem_shared>> -> memref<64x128xf32, #tpu.memory_space<vmem_shared>>
      %dma_start3A_58 = arith.constant 0 : i32
      %dma_start3A_59 = tpu.memref_slice %arg11[%add3A_11, %dma_start3A_58] : memref<5248x128xf32, #tpu.memory_space<vmem_shared>> -> memref<64x128xf32, #tpu.memory_space<vmem_shared>>
      %dma_start3A_60 = arith.constant 0 : i32
      %dma_start3A_61 = arith.constant 0 : i32
      %dma_start3A_62 = tpu.memref_slice %arg9[%dma_start3A_60, %dma_start3A_61] : memref<128x128xf32, #tpu.memory_space<vmem>> -> memref<64x128xf32, #tpu.memory_space<vmem>>
      tpu.enqueue_dma source(%dma_start3A_62 : memref<64x128xf32, #tpu.memory_space<vmem>>) target(%dma_start3A_59 : memref<64x128xf32, #tpu.memory_space<vmem_shared>>) target_semaphore(%run_scoped3A : memref<!tpu.dma_semaphore, #tpu.memory_space<semaphore_mem>>)
      %dma_wait3A = arith.constant 0 : i32
      %dma_wait3A_63 = arith.constant 0 : i32
      %dma_wait3A_64 = tpu.memref_slice %arg9[%dma_wait3A, %dma_wait3A_63] : memref<128x128xf32, #tpu.memory_space<vmem>> -> memref<64x128xf32, #tpu.memory_space<vmem>>
      %dma_wait3A_65 = arith.constant 0 : i32
      %dma_wait3A_66 = tpu.memref_slice %arg11[%add3A_11, %dma_wait3A_65] : memref<5248x128xf32, #tpu.memory_space<vmem_shared>> -> memref<64x128xf32, #tpu.memory_space<vmem_shared>>
      %dma_wait3A_67 = arith.constant 0 : i32
      %dma_wait3A_68 = tpu.memref_slice %arg11[%add3A_11, %dma_wait3A_67] : memref<5248x128xf32, #tpu.memory_space<vmem_shared>> -> memref<64x128xf32, #tpu.memory_space<vmem_shared>>
      %dma_wait3A_69 = arith.constant 0 : i32
      %dma_wait3A_70 = arith.constant 0 : i32
      %dma_wait3A_71 = tpu.memref_slice %arg9[%dma_wait3A_69, %dma_wait3A_70] : memref<128x128xf32, #tpu.memory_space<vmem>> -> memref<64x128xf32, #tpu.memory_space<vmem>>
      tpu.wait_dma2 semaphore(%run_scoped3A : memref<!tpu.dma_semaphore, #tpu.memory_space<semaphore_mem>>) src(%dma_wait3A_71 : memref<64x128xf32, #tpu.memory_space<vmem>>) dst(%dma_wait3A_68 : memref<64x128xf32, #tpu.memory_space<vmem_shared>>)
      tpu.yield
    }) : () -> ()
    "tpu.region"() ({
      %run_scoped3A = tpu.sem_alloc : memref<!tpu.dma_semaphore, #tpu.memory_space<semaphore_mem>>
      %dma_start3A_53 = arith.constant 0 : i32
      %dma_start3A_54 = arith.constant 0 : i32
      %dma_start3A_55 = tpu.memref_slice %arg3[%arg1, %dma_start3A_53, %dma_start3A_54] : memref<16x158x128xi32, #tpu.memory_space<hbm>> -> memref<1x158x128xi32, #tpu.memory_space<hbm>>
      %dma_start3A_56 = tpu.memref_squeeze %dma_start3A_55 : memref<1x158x128xi32, #tpu.memory_space<hbm>> -> memref<158x128xi32, #tpu.memory_space<hbm>>
      %dma_start3A_57 = arith.constant 0 : i32
      %dma_start3A_58 = arith.constant 0 : i32
      %dma_start3A_59 = tpu.memref_slice %arg3[%arg1, %dma_start3A_57, %dma_start3A_58] : memref<16x158x128xi32, #tpu.memory_space<hbm>> -> memref<1x158x128xi32, #tpu.memory_space<hbm>>
      %dma_start3A_60 = tpu.memref_squeeze %dma_start3A_59 : memref<1x158x128xi32, #tpu.memory_space<hbm>> -> memref<158x128xi32, #tpu.memory_space<hbm>>
      tpu.enqueue_dma source(%dma_start3A_60 : memref<158x128xi32, #tpu.memory_space<hbm>>) target(%arg7 : memref<158x128xi32, #tpu.memory_space<vmem>>) target_semaphore(%run_scoped3A : memref<!tpu.dma_semaphore, #tpu.memory_space<semaphore_mem>>)
      %dma_wait3A = arith.constant 0 : i32
      %dma_wait3A_61 = arith.constant 0 : i32
      %dma_wait3A_62 = tpu.memref_slice %arg3[%arg1, %dma_wait3A, %dma_wait3A_61] : memref<16x158x128xi32, #tpu.memory_space<hbm>> -> memref<1x158x128xi32, #tpu.memory_space<hbm>>
      %dma_wait3A_63 = tpu.memref_squeeze %dma_wait3A_62 : memref<1x158x128xi32, #tpu.memory_space<hbm>> -> memref<158x128xi32, #tpu.memory_space<hbm>>
      %dma_wait3A_64 = arith.constant 0 : i32
      %dma_wait3A_65 = arith.constant 0 : i32
      %dma_wait3A_66 = tpu.memref_slice %arg3[%arg1, %dma_wait3A_64, %dma_wait3A_65] : memref<16x158x128xi32, #tpu.memory_space<hbm>> -> memref<1x158x128xi32, #tpu.memory_space<hbm>>
      %dma_wait3A_67 = tpu.memref_squeeze %dma_wait3A_66 : memref<1x158x128xi32, #tpu.memory_space<hbm>> -> memref<158x128xi32, #tpu.memory_space<hbm>>
      tpu.wait_dma2 semaphore(%run_scoped3A : memref<!tpu.dma_semaphore, #tpu.memory_space<semaphore_mem>>) src(%dma_wait3A_67 : memref<158x128xi32, #tpu.memory_space<hbm>>) dst(%arg7 : memref<158x128xi32, #tpu.memory_space<vmem>>)
      tpu.yield
    }) : () -> ()
    "tpu.region"() ({
      %run_scoped3A = tpu.sem_alloc : memref<!tpu.dma_semaphore, #tpu.memory_space<semaphore_mem>>
      %dma_start3A_53 = arith.constant 0 : i32
      %dma_start3A_54 = arith.constant 0 : i32
      %dma_start3A_55 = tpu.memref_slice %arg4[%arg1, %dma_start3A_53, %dma_start3A_54] : memref<16x158x128xi32, #tpu.memory_space<hbm>> -> memref<1x158x128xi32, #tpu.memory_space<hbm>>
      %dma_start3A_56 = tpu.memref_squeeze %dma_start3A_55 : memref<1x158x128xi32, #tpu.memory_space<hbm>> -> memref<158x128xi32, #tpu.memory_space<hbm>>
      %dma_start3A_57 = arith.constant 0 : i32
      %dma_start3A_58 = arith.constant 0 : i32
      %dma_start3A_59 = tpu.memref_slice %arg4[%arg1, %dma_start3A_57, %dma_start3A_58] : memref<16x158x128xi32, #tpu.memory_space<hbm>> -> memref<1x158x128xi32, #tpu.memory_space<hbm>>
      %dma_start3A_60 = tpu.memref_squeeze %dma_start3A_59 : memref<1x158x128xi32, #tpu.memory_space<hbm>> -> memref<158x128xi32, #tpu.memory_space<hbm>>
      tpu.enqueue_dma source(%dma_start3A_60 : memref<158x128xi32, #tpu.memory_space<hbm>>) target(%arg8 : memref<158x128xi32, #tpu.memory_space<vmem>>) target_semaphore(%run_scoped3A : memref<!tpu.dma_semaphore, #tpu.memory_space<semaphore_mem>>)
      %dma_wait3A = arith.constant 0 : i32
      %dma_wait3A_61 = arith.constant 0 : i32
      %dma_wait3A_62 = tpu.memref_slice %arg4[%arg1, %dma_wait3A, %dma_wait3A_61] : memref<16x158x128xi32, #tpu.memory_space<hbm>> -> memref<1x158x128xi32, #tpu.memory_space<hbm>>
      %dma_wait3A_63 = tpu.memref_squeeze %dma_wait3A_62 : memref<1x158x128xi32, #tpu.memory_space<hbm>> -> memref<158x128xi32, #tpu.memory_space<hbm>>
      %dma_wait3A_64 = arith.constant 0 : i32
      %dma_wait3A_65 = arith.constant 0 : i32
      %dma_wait3A_66 = tpu.memref_slice %arg4[%arg1, %dma_wait3A_64, %dma_wait3A_65] : memref<16x158x128xi32, #tpu.memory_space<hbm>> -> memref<1x158x128xi32, #tpu.memory_space<hbm>>
      %dma_wait3A_67 = tpu.memref_squeeze %dma_wait3A_66 : memref<1x158x128xi32, #tpu.memory_space<hbm>> -> memref<158x128xi32, #tpu.memory_space<hbm>>
      tpu.wait_dma2 semaphore(%run_scoped3A : memref<!tpu.dma_semaphore, #tpu.memory_space<semaphore_mem>>) src(%dma_wait3A_67 : memref<158x128xi32, #tpu.memory_space<hbm>>) dst(%arg8 : memref<158x128xi32, #tpu.memory_space<vmem>>)
      tpu.yield
    }) : () -> ()
    %iota3A = tpu.iota {dimensions = array<i32: 0>} : vector<16xi32>
    %scan3A = arith.constant 0 : i32
    %scan3A_12 = arith.constant 158 : i32
    %scan3A_13 = arith.addi %scan3A, %scan3A_12 : i32
    %scan3A_14 = arith.constant 1 : i32
    scf.for %scan3A_53 = %scan3A to %scan3A_13 step %scan3A_14  : i32 {
      %scan3A_54 = arith.constant 0 : i32
      %scan3A_55 = arith.constant 8 : i32
      %scan3A_56 = arith.addi %scan3A_54, %scan3A_55 : i32
      %scan3A_57 = arith.constant 1 : i32
      scf.for %scan3A_59 = %scan3A_54 to %scan3A_56 step %scan3A_57  : i32 {
        %mul3A_60 = arith.constant 16 : i32
        %mul3A_61 = arith.muli %scan3A_59, %mul3A_60 : i32
        %get3A = arith.index_cast %scan3A_53 : i32 to index
        %get3A_62 = arith.index_cast %mul3A_61 : i32 to index
        %get3A_63 = tpu.vector_load %arg8[%get3A, %get3A_62] {strides = array<i32>} : memref<158x128xi32, #tpu.memory_space<vmem>>, vector<1x16xi32>,
        %get3A_64 = vector.shape_cast %get3A_63 : vector<1x16xi32> to vector<16xi32>
        %sub3A = vector.broadcast %mul3A_2 : i32 to vector<16xi32>
        %sub3A_65 = arith.subi %get3A_64, %sub3A : vector<16xi32>
        %lt3A = arith.constant 0 : i32
        %lt3A_66 = vector.broadcast %lt3A : i32 to vector<16xi32>
        %lt3A_67 = arith.cmpi slt, %sub3A_65, %lt3A_66 : vector<16xi32>
        %ge3A = arith.constant 5120 : i32
        %ge3A_68 = vector.broadcast %ge3A : i32 to vector<16xi32>
        %ge3A_69 = arith.cmpi sge, %sub3A_65, %ge3A_68 : vector<16xi32>
        %or3A = arith.ori %lt3A_67, %ge3A_69 : vector<16xi1>
        %and3A = arith.constant 7 : i32
        %and3A_70 = arith.andi %scan3A_59, %and3A : i32
        %mul3A_71 = arith.constant 16 : i32
        %mul3A_72 = arith.muli %and3A_70, %mul3A_71 : i32
        %add3A_73 = arith.constant 5120 : i32
        %add3A_74 = arith.addi %add3A_73, %mul3A_72 : i32
        %add3A_75 = vector.broadcast %add3A_74 : i32 to vector<16xi32>
        %add3A_76 = arith.addi %add3A_75, %iota3A : vector<16xi32>
        %select_n3A = arith.select %or3A, %add3A_76, %sub3A_65 : vector<16xi1>, vector<16xi32>
        %mul3A_77 = arith.constant 16 : i32
        %mul3A_78 = arith.muli %scan3A_59, %mul3A_77 : i32
        %swap3A = arith.index_cast %scan3A_53 : i32 to index
        %swap3A_79 = arith.index_cast %mul3A_78 : i32 to index
        %swap3A_80 = tpu.vector_load %arg8[%swap3A, %swap3A_79] {strides = array<i32>} : memref<158x128xi32, #tpu.memory_space<vmem>>, vector<1x16xi32>,
        %swap3A_81 = vector.shape_cast %swap3A_80 : vector<1x16xi32> to vector<16xi32>
        %swap3A_82 = vector.shape_cast %select_n3A : vector<16xi32> to vector<1x16xi32>
        tpu.vector_store %arg8[%swap3A, %swap3A_79], %swap3A_82 {strides = array<i32>} : memref<158x128xi32, #tpu.memory_space<vmem>>, vector<1x16xi32>,
      }
      %scan3A_58 = arith.constant 8 : i32
    }
    %scan3A_15 = arith.constant 158 : i32
    %barrier3A = arith.constant 0 : index
    tpu.barrier barrier_id(%barrier3A)
    %dma_start3A = arith.constant 0 : i32
    %dma_start3A_16 = arith.constant 0 : i32
    %dma_start3A_17 = tpu.memref_slice %arg7[%dma_start3A, %dma_start3A_16] : memref<158x128xi32, #tpu.memory_space<vmem>> -> memref<1x128xi32, #tpu.memory_space<vmem>>
    %dma_start3A_18 = tpu.memref_squeeze %dma_start3A_17 : memref<1x128xi32, #tpu.memory_space<vmem>> -> memref<128xi32, #tpu.memory_space<vmem>>
    %dma_start3A_19 = arith.constant 0 : i32
    %dma_start3A_20 = arith.constant 0 : i32
    %dma_start3A_21 = tpu.memref_slice %arg2[%dma_start3A_19, %dma_start3A_20] : memref<10240x128xf32, #tpu.memory_space<hbm>> -> memref<10240x128xf32, #tpu.memory_space<hbm>>
    tpu.enqueue_indirect_dma source(%dma_start3A_21 : memref<10240x128xf32, #tpu.memory_space<hbm>>) target(%arg9 : memref<128x128xf32, #tpu.memory_space<vmem>>) offsets(%dma_start3A_18 : memref<128xi32, #tpu.memory_space<vmem>>) semaphore(%arg12 : memref<!tpu.dma_semaphore, #tpu.memory_space<semaphore_mem>>)
    %scan3A_22 = arith.constant 0 : i32
    %scan3A_23 = arith.constant 79 : i32
    %scan3A_24 = arith.addi %scan3A_22, %scan3A_23 : i32
    %scan3A_25 = arith.constant 1 : i32
    scf.for %scan3A_53 = %scan3A_22 to %scan3A_24 step %scan3A_25  : i32 {
      %mul3A_54 = arith.constant 2 : i32
      %mul3A_55 = arith.muli %mul3A_54, %scan3A_53 : i32
      %add3A_56 = arith.constant 1 : i32
      %add3A_57 = arith.addi %mul3A_55, %add3A_56 : i32
      %dma_start3A_58 = arith.constant 0 : i32
      %dma_start3A_59 = tpu.memref_slice %arg7[%add3A_57, %dma_start3A_58] : memref<158x128xi32, #tpu.memory_space<vmem>> -> memref<1x128xi32, #tpu.memory_space<vmem>>
      %dma_start3A_60 = tpu.memref_squeeze %dma_start3A_59 : memref<1x128xi32, #tpu.memory_space<vmem>> -> memref<128xi32, #tpu.memory_space<vmem>>
      %dma_start3A_61 = arith.constant 0 : i32
      %dma_start3A_62 = arith.constant 0 : i32
      %dma_start3A_63 = tpu.memref_slice %arg2[%dma_start3A_61, %dma_start3A_62] : memref<10240x128xf32, #tpu.memory_space<hbm>> -> memref<10240x128xf32, #tpu.memory_space<hbm>>
      tpu.enqueue_indirect_dma source(%dma_start3A_63 : memref<10240x128xf32, #tpu.memory_space<hbm>>) target(%arg10 : memref<128x128xf32, #tpu.memory_space<vmem>>) offsets(%dma_start3A_60 : memref<128xi32, #tpu.memory_space<vmem>>) semaphore(%arg13 : memref<!tpu.dma_semaphore, #tpu.memory_space<semaphore_mem>>)
      %dma_wait3A = arith.constant 0 : i32
      %dma_wait3A_64 = tpu.memref_slice %arg7[%mul3A_55, %dma_wait3A] : memref<158x128xi32, #tpu.memory_space<vmem>> -> memref<1x128xi32, #tpu.memory_space<vmem>>
      %dma_wait3A_65 = tpu.memref_squeeze %dma_wait3A_64 : memref<1x128xi32, #tpu.memory_space<vmem>> -> memref<128xi32, #tpu.memory_space<vmem>>
      %dma_wait3A_66 = arith.constant 0 : i32
      %dma_wait3A_67 = arith.constant 0 : i32
      %dma_wait3A_68 = tpu.memref_slice %arg2[%dma_wait3A_66, %dma_wait3A_67] : memref<10240x128xf32, #tpu.memory_space<hbm>> -> memref<10240x128xf32, #tpu.memory_space<hbm>>
      tpu.wait_indirect_dma semaphore(%arg12 : memref<!tpu.dma_semaphore, #tpu.memory_space<semaphore_mem>>) src(%dma_wait3A_68 : memref<10240x128xf32, #tpu.memory_space<hbm>>) dst(%arg9 : memref<128x128xf32, #tpu.memory_space<vmem>>)
      "tpu.region"() ({
        %run_scoped3A = tpu.sem_alloc : memref<!tpu.dma_semaphore, #tpu.memory_space<semaphore_mem>>
        %dma_start3A_79 = arith.constant 0 : i32
        %dma_start3A_80 = tpu.memref_slice %arg8[%mul3A_55, %dma_start3A_79] : memref<158x128xi32, #tpu.memory_space<vmem>> -> memref<1x128xi32, #tpu.memory_space<vmem>>
        %dma_start3A_81 = tpu.memref_squeeze %dma_start3A_80 : memref<1x128xi32, #tpu.memory_space<vmem>> -> memref<128xi32, #tpu.memory_space<vmem>>
        %dma_start3A_82 = arith.constant 0 : i32
        %dma_start3A_83 = arith.constant 0 : i32
        %dma_start3A_84 = tpu.memref_slice %arg11[%dma_start3A_82, %dma_start3A_83] : memref<5248x128xf32, #tpu.memory_space<vmem_shared>> -> memref<5248x128xf32, #tpu.memory_space<vmem_shared>>
        tpu.enqueue_indirect_dma source(%arg9 : memref<128x128xf32, #tpu.memory_space<vmem>>) target(%dma_start3A_84 : memref<5248x128xf32, #tpu.memory_space<vmem_shared>>) offsets(%dma_start3A_81 : memref<128xi32, #tpu.memory_space<vmem>>) semaphore(%run_scoped3A : memref<!tpu.dma_semaphore, #tpu.memory_space<semaphore_mem>>) {add = true}
        %dma_wait3A_85 = arith.constant 0 : i32
        %dma_wait3A_86 = tpu.memref_slice %arg8[%mul3A_55, %dma_wait3A_85] : memref<158x128xi32, #tpu.memory_space<vmem>> -> memref<1x128xi32, #tpu.memory_space<vmem>>
        %dma_wait3A_87 = tpu.memref_squeeze %dma_wait3A_86 : memref<1x128xi32, #tpu.memory_space<vmem>> -> memref<128xi32, #tpu.memory_space<vmem>>
        %dma_wait3A_88 = arith.constant 0 : i32
        %dma_wait3A_89 = arith.constant 0 : i32
        %dma_wait3A_90 = tpu.memref_slice %arg11[%dma_wait3A_88, %dma_wait3A_89] : memref<5248x128xf32, #tpu.memory_space<vmem_shared>> -> memref<5248x128xf32, #tpu.memory_space<vmem_shared>>
        tpu.wait_indirect_dma semaphore(%run_scoped3A : memref<!tpu.dma_semaphore, #tpu.memory_space<semaphore_mem>>) src(%arg9 : memref<128x128xf32, #tpu.memory_space<vmem>>) dst(%dma_wait3A_90 : memref<5248x128xf32, #tpu.memory_space<vmem_shared>>)
        tpu.yield
      }) : () -> ()
      %add3A_69 = arith.constant 2 : i32
      %add3A_70 = arith.addi %mul3A_55, %add3A_69 : i32
      %lt3A = arith.constant 158 : i32
      %lt3A_71 = arith.cmpi slt, %add3A_70, %lt3A : i32
      %convert_element_type3A = arith.extui %lt3A_71 : i1 to i32
      %cond3A = arith.constant 0 : i32
      %cond3A_72 = arith.cmpi ne, %convert_element_type3A, %cond3A : i32
      scf.if %cond3A_72 {
        %add3A_79 = arith.constant 2 : i32
        %add3A_80 = arith.addi %mul3A_55, %add3A_79 : i32
        %dma_start3A_81 = arith.constant 0 : i32
        %dma_start3A_82 = tpu.memref_slice %arg7[%add3A_80, %dma_start3A_81] : memref<158x128xi32, #tpu.memory_space<vmem>> -> memref<1x128xi32, #tpu.memory_space<vmem>>
        %dma_start3A_83 = tpu.memref_squeeze %dma_start3A_82 : memref<1x128xi32, #tpu.memory_space<vmem>> -> memref<128xi32, #tpu.memory_space<vmem>>
        %dma_start3A_84 = arith.constant 0 : i32
        %dma_start3A_85 = arith.constant 0 : i32
        %dma_start3A_86 = tpu.memref_slice %arg2[%dma_start3A_84, %dma_start3A_85] : memref<10240x128xf32, #tpu.memory_space<hbm>> -> memref<10240x128xf32, #tpu.memory_space<hbm>>
        tpu.enqueue_indirect_dma source(%dma_start3A_86 : memref<10240x128xf32, #tpu.memory_space<hbm>>) target(%arg9 : memref<128x128xf32, #tpu.memory_space<vmem>>) offsets(%dma_start3A_83 : memref<128xi32, #tpu.memory_space<vmem>>) semaphore(%arg12 : memref<!tpu.dma_semaphore, #tpu.memory_space<semaphore_mem>>)
      } else {
      }
      %dma_wait3A_73 = arith.constant 0 : i32
      %dma_wait3A_74 = tpu.memref_slice %arg7[%add3A_57, %dma_wait3A_73] : memref<158x128xi32, #tpu.memory_space<vmem>> -> memref<1x128xi32, #tpu.memory_space<vmem>>
      %dma_wait3A_75 = tpu.memref_squeeze %dma_wait3A_74 : memref<1x128xi32, #tpu.memory_space<vmem>> -> memref<128xi32, #tpu.memory_space<vmem>>
      %dma_wait3A_76 = arith.constant 0 : i32
      %dma_wait3A_77 = arith.constant 0 : i32
      %dma_wait3A_78 = tpu.memref_slice %arg2[%dma_wait3A_76, %dma_wait3A_77] : memref<10240x128xf32, #tpu.memory_space<hbm>> -> memref<10240x128xf32, #tpu.memory_space<hbm>>
      tpu.wait_indirect_dma semaphore(%arg13 : memref<!tpu.dma_semaphore, #tpu.memory_space<semaphore_mem>>) src(%dma_wait3A_78 : memref<10240x128xf32, #tpu.memory_space<hbm>>) dst(%arg10 : memref<128x128xf32, #tpu.memory_space<vmem>>)
      "tpu.region"() ({
        %run_scoped3A = tpu.sem_alloc : memref<!tpu.dma_semaphore, #tpu.memory_space<semaphore_mem>>
        %dma_start3A_79 = arith.constant 0 : i32
        %dma_start3A_80 = tpu.memref_slice %arg8[%add3A_57, %dma_start3A_79] : memref<158x128xi32, #tpu.memory_space<vmem>> -> memref<1x128xi32, #tpu.memory_space<vmem>>
        %dma_start3A_81 = tpu.memref_squeeze %dma_start3A_80 : memref<1x128xi32, #tpu.memory_space<vmem>> -> memref<128xi32, #tpu.memory_space<vmem>>
        %dma_start3A_82 = arith.constant 0 : i32
        %dma_start3A_83 = arith.constant 0 : i32
        %dma_start3A_84 = tpu.memref_slice %arg11[%dma_start3A_82, %dma_start3A_83] : memref<5248x128xf32, #tpu.memory_space<vmem_shared>> -> memref<5248x128xf32, #tpu.memory_space<vmem_shared>>
        tpu.enqueue_indirect_dma source(%arg10 : memref<128x128xf32, #tpu.memory_space<vmem>>) target(%dma_start3A_84 : memref<5248x128xf32, #tpu.memory_space<vmem_shared>>) offsets(%dma_start3A_81 : memref<128xi32, #tpu.memory_space<vmem>>) semaphore(%run_scoped3A : memref<!tpu.dma_semaphore, #tpu.memory_space<semaphore_mem>>) {add = true}
        %dma_wait3A_85 = arith.constant 0 : i32
        %dma_wait3A_86 = tpu.memref_slice %arg8[%add3A_57, %dma_wait3A_85] : memref<158x128xi32, #tpu.memory_space<vmem>> -> memref<1x128xi32, #tpu.memory_space<vmem>>
        %dma_wait3A_87 = tpu.memref_squeeze %dma_wait3A_86 : memref<1x128xi32, #tpu.memory_space<vmem>> -> memref<128xi32, #tpu.memory_space<vmem>>
        %dma_wait3A_88 = arith.constant 0 : i32
        %dma_wait3A_89 = arith.constant 0 : i32
        %dma_wait3A_90 = tpu.memref_slice %arg11[%dma_wait3A_88, %dma_wait3A_89] : memref<5248x128xf32, #tpu.memory_space<vmem_shared>> -> memref<5248x128xf32, #tpu.memory_space<vmem_shared>>
        tpu.wait_indirect_dma semaphore(%run_scoped3A : memref<!tpu.dma_semaphore, #tpu.memory_space<semaphore_mem>>) src(%arg10 : memref<128x128xf32, #tpu.memory_space<vmem>>) dst(%dma_wait3A_90 : memref<5248x128xf32, #tpu.memory_space<vmem_shared>>)
        tpu.yield
      }) : () -> ()
    }
    %scan3A_26 = arith.constant 79 : i32
    %barrier3A_27 = arith.constant 0 : index
    tpu.barrier barrier_id(%barrier3A_27)
    %add3A_28 = arith.constant 0 : i32
    %add3A_29 = arith.addi %mul3A_0, %add3A_28 : i32
    "tpu.region"() ({
      %run_scoped3A = tpu.sem_alloc : memref<!tpu.dma_semaphore, #tpu.memory_space<semaphore_mem>>
      %dma_start3A_53 = arith.constant 0 : i32
      %dma_start3A_54 = arith.constant 0 : i32
      %dma_start3A_55 = tpu.memref_slice %arg9[%dma_start3A_53, %dma_start3A_54] : memref<128x128xf32, #tpu.memory_space<vmem>> -> memref<64x128xf32, #tpu.memory_space<vmem>>
      %dma_start3A_56 = arith.constant 0 : i32
      %dma_start3A_57 = tpu.memref_slice %arg11[%add3A_29, %dma_start3A_56] : memref<5248x128xf32, #tpu.memory_space<vmem_shared>> -> memref<64x128xf32, #tpu.memory_space<vmem_shared>>
      %dma_start3A_58 = arith.constant 0 : i32
      %dma_start3A_59 = arith.constant 0 : i32
      %dma_start3A_60 = tpu.memref_slice %arg9[%dma_start3A_58, %dma_start3A_59] : memref<128x128xf32, #tpu.memory_space<vmem>> -> memref<64x128xf32, #tpu.memory_space<vmem>>
      %dma_start3A_61 = arith.constant 0 : i32
      %dma_start3A_62 = tpu.memref_slice %arg11[%add3A_29, %dma_start3A_61] : memref<5248x128xf32, #tpu.memory_space<vmem_shared>> -> memref<64x128xf32, #tpu.memory_space<vmem_shared>>
      tpu.enqueue_dma source(%dma_start3A_62 : memref<64x128xf32, #tpu.memory_space<vmem_shared>>) target(%dma_start3A_60 : memref<64x128xf32, #tpu.memory_space<vmem>>) target_semaphore(%run_scoped3A : memref<!tpu.dma_semaphore, #tpu.memory_space<semaphore_mem>>)
      %dma_wait3A = arith.constant 0 : i32
      %dma_wait3A_63 = arith.constant 0 : i32
      %dma_wait3A_64 = tpu.memref_slice %arg9[%dma_wait3A, %dma_wait3A_63] : memref<128x128xf32, #tpu.memory_space<vmem>> -> memref<64x128xf32, #tpu.memory_space<vmem>>
      %dma_wait3A_65 = arith.constant 0 : i32
      %dma_wait3A_66 = tpu.memref_slice %arg11[%add3A_29, %dma_wait3A_65] : memref<5248x128xf32, #tpu.memory_space<vmem_shared>> -> memref<64x128xf32, #tpu.memory_space<vmem_shared>>
      %dma_wait3A_67 = arith.constant 0 : i32
      %dma_wait3A_68 = arith.constant 0 : i32
      %dma_wait3A_69 = tpu.memref_slice %arg9[%dma_wait3A_67, %dma_wait3A_68] : memref<128x128xf32, #tpu.memory_space<vmem>> -> memref<64x128xf32, #tpu.memory_space<vmem>>
      %dma_wait3A_70 = arith.constant 0 : i32
      %dma_wait3A_71 = tpu.memref_slice %arg11[%add3A_29, %dma_wait3A_70] : memref<5248x128xf32, #tpu.memory_space<vmem_shared>> -> memref<64x128xf32, #tpu.memory_space<vmem_shared>>
      tpu.wait_dma2 semaphore(%run_scoped3A : memref<!tpu.dma_semaphore, #tpu.memory_space<semaphore_mem>>) src(%dma_wait3A_71 : memref<64x128xf32, #tpu.memory_space<vmem_shared>>) dst(%dma_wait3A_69 : memref<64x128xf32, #tpu.memory_space<vmem>>)
      tpu.yield
    }) : () -> ()
    %add3A_30 = arith.addi %mul3A_2, %mul3A_0 : i32
    %add3A_31 = arith.constant 0 : i32
    %add3A_32 = arith.addi %add3A_30, %add3A_31 : i32
    "tpu.region"() ({
      %run_scoped3A = tpu.sem_alloc : memref<!tpu.dma_semaphore, #tpu.memory_space<semaphore_mem>>
      %dma_start3A_53 = arith.constant 0 : i32
      %dma_start3A_54 = arith.constant 0 : i32
      %dma_start3A_55 = tpu.memref_slice %arg9[%dma_start3A_53, %dma_start3A_54] : memref<128x128xf32, #tpu.memory_space<vmem>> -> memref<64x128xf32, #tpu.memory_space<vmem>>
      %dma_start3A_56 = arith.constant 0 : i32
      %dma_start3A_57 = tpu.memref_slice %arg6[%add3A_32, %dma_start3A_56] : memref<10240x128xf32, #tpu.memory_space<hbm>> -> memref<64x128xf32, #tpu.memory_space<hbm>>
      %dma_start3A_58 = arith.constant 0 : i32
      %dma_start3A_59 = tpu.memref_slice %arg6[%add3A_32, %dma_start3A_58] : memref<10240x128xf32, #tpu.memory_space<hbm>> -> memref<64x128xf32, #tpu.memory_space<hbm>>
      %dma_start3A_60 = arith.constant 0 : i32
      %dma_start3A_61 = arith.constant 0 : i32
      %dma_start3A_62 = tpu.memref_slice %arg9[%dma_start3A_60, %dma_start3A_61] : memref<128x128xf32, #tpu.memory_space<vmem>> -> memref<64x128xf32, #tpu.memory_space<vmem>>
      tpu.enqueue_dma source(%dma_start3A_62 : memref<64x128xf32, #tpu.memory_space<vmem>>) target(%dma_start3A_59 : memref<64x128xf32, #tpu.memory_space<hbm>>) target_semaphore(%run_scoped3A : memref<!tpu.dma_semaphore, #tpu.memory_space<semaphore_mem>>)
      %dma_wait3A = arith.constant 0 : i32
      %dma_wait3A_63 = arith.constant 0 : i32
      %dma_wait3A_64 = tpu.memref_slice %arg9[%dma_wait3A, %dma_wait3A_63] : memref<128x128xf32, #tpu.memory_space<vmem>> -> memref<64x128xf32, #tpu.memory_space<vmem>>
      %dma_wait3A_65 = arith.constant 0 : i32
      %dma_wait3A_66 = tpu.memref_slice %arg6[%add3A_32, %dma_wait3A_65] : memref<10240x128xf32, #tpu.memory_space<hbm>> -> memref<64x128xf32, #tpu.memory_space<hbm>>
      %dma_wait3A_67 = arith.constant 0 : i32
      %dma_wait3A_68 = tpu.memref_slice %arg6[%add3A_32, %dma_wait3A_67] : memref<10240x128xf32, #tpu.memory_space<hbm>> -> memref<64x128xf32, #tpu.memory_space<hbm>>
      %dma_wait3A_69 = arith.constant 0 : i32
      %dma_wait3A_70 = arith.constant 0 : i32
      %dma_wait3A_71 = tpu.memref_slice %arg9[%dma_wait3A_69, %dma_wait3A_70] : memref<128x128xf32, #tpu.memory_space<vmem>> -> memref<64x128xf32, #tpu.memory_space<vmem>>
      tpu.wait_dma2 semaphore(%run_scoped3A : memref<!tpu.dma_semaphore, #tpu.memory_space<semaphore_mem>>) src(%dma_wait3A_71 : memref<64x128xf32, #tpu.memory_space<vmem>>) dst(%dma_wait3A_68 : memref<64x128xf32, #tpu.memory_space<hbm>>)
      tpu.yield
    }) : () -> ()
    %add3A_33 = arith.constant 64 : i32
    %add3A_34 = arith.addi %mul3A_0, %add3A_33 : i32
    "tpu.region"() ({
      %run_scoped3A = tpu.sem_alloc : memref<!tpu.dma_semaphore, #tpu.memory_space<semaphore_mem>>
      %dma_start3A_53 = arith.constant 0 : i32
      %dma_start3A_54 = arith.constant 0 : i32
      %dma_start3A_55 = tpu.memref_slice %arg9[%dma_start3A_53, %dma_start3A_54] : memref<128x128xf32, #tpu.memory_space<vmem>> -> memref<64x128xf32, #tpu.memory_space<vmem>>
      %dma_start3A_56 = arith.constant 0 : i32
      %dma_start3A_57 = tpu.memref_slice %arg11[%add3A_34, %dma_start3A_56] : memref<5248x128xf32, #tpu.memory_space<vmem_shared>> -> memref<64x128xf32, #tpu.memory_space<vmem_shared>>
      %dma_start3A_58 = arith.constant 0 : i32
      %dma_start3A_59 = arith.constant 0 : i32
      %dma_start3A_60 = tpu.memref_slice %arg9[%dma_start3A_58, %dma_start3A_59] : memref<128x128xf32, #tpu.memory_space<vmem>> -> memref<64x128xf32, #tpu.memory_space<vmem>>
      %dma_start3A_61 = arith.constant 0 : i32
      %dma_start3A_62 = tpu.memref_slice %arg11[%add3A_34, %dma_start3A_61] : memref<5248x128xf32, #tpu.memory_space<vmem_shared>> -> memref<64x128xf32, #tpu.memory_space<vmem_shared>>
      tpu.enqueue_dma source(%dma_start3A_62 : memref<64x128xf32, #tpu.memory_space<vmem_shared>>) target(%dma_start3A_60 : memref<64x128xf32, #tpu.memory_space<vmem>>) target_semaphore(%run_scoped3A : memref<!tpu.dma_semaphore, #tpu.memory_space<semaphore_mem>>)
      %dma_wait3A = arith.constant 0 : i32
      %dma_wait3A_63 = arith.constant 0 : i32
      %dma_wait3A_64 = tpu.memref_slice %arg9[%dma_wait3A, %dma_wait3A_63] : memref<128x128xf32, #tpu.memory_space<vmem>> -> memref<64x128xf32, #tpu.memory_space<vmem>>
      %dma_wait3A_65 = arith.constant 0 : i32
      %dma_wait3A_66 = tpu.memref_slice %arg11[%add3A_34, %dma_wait3A_65] : memref<5248x128xf32, #tpu.memory_space<vmem_shared>> -> memref<64x128xf32, #tpu.memory_space<vmem_shared>>
      %dma_wait3A_67 = arith.constant 0 : i32
      %dma_wait3A_68 = arith.constant 0 : i32
      %dma_wait3A_69 = tpu.memref_slice %arg9[%dma_wait3A_67, %dma_wait3A_68] : memref<128x128xf32, #tpu.memory_space<vmem>> -> memref<64x128xf32, #tpu.memory_space<vmem>>
      %dma_wait3A_70 = arith.constant 0 : i32
      %dma_wait3A_71 = tpu.memref_slice %arg11[%add3A_34, %dma_wait3A_70] : memref<5248x128xf32, #tpu.memory_space<vmem_shared>> -> memref<64x128xf32, #tpu.memory_space<vmem_shared>>
      tpu.wait_dma2 semaphore(%run_scoped3A : memref<!tpu.dma_semaphore, #tpu.memory_space<semaphore_mem>>) src(%dma_wait3A_71 : memref<64x128xf32, #tpu.memory_space<vmem_shared>>) dst(%dma_wait3A_69 : memref<64x128xf32, #tpu.memory_space<vmem>>)
      tpu.yield
    }) : () -> ()
    %add3A_35 = arith.addi %mul3A_2, %mul3A_0 : i32
    %add3A_36 = arith.constant 64 : i32
    %add3A_37 = arith.addi %add3A_35, %add3A_36 : i32
    "tpu.region"() ({
      %run_scoped3A = tpu.sem_alloc : memref<!tpu.dma_semaphore, #tpu.memory_space<semaphore_mem>>
      %dma_start3A_53 = arith.constant 0 : i32
      %dma_start3A_54 = arith.constant 0 : i32
      %dma_start3A_55 = tpu.memref_slice %arg9[%dma_start3A_53, %dma_start3A_54] : memref<128x128xf32, #tpu.memory_space<vmem>> -> memref<64x128xf32, #tpu.memory_space<vmem>>
      %dma_start3A_56 = arith.constant 0 : i32
      %dma_start3A_57 = tpu.memref_slice %arg6[%add3A_37, %dma_start3A_56] : memref<10240x128xf32, #tpu.memory_space<hbm>> -> memref<64x128xf32, #tpu.memory_space<hbm>>
      %dma_start3A_58 = arith.constant 0 : i32
      %dma_start3A_59 = tpu.memref_slice %arg6[%add3A_37, %dma_start3A_58] : memref<10240x128xf32, #tpu.memory_space<hbm>> -> memref<64x128xf32, #tpu.memory_space<hbm>>
      %dma_start3A_60 = arith.constant 0 : i32
      %dma_start3A_61 = arith.constant 0 : i32
      %dma_start3A_62 = tpu.memref_slice %arg9[%dma_start3A_60, %dma_start3A_61] : memref<128x128xf32, #tpu.memory_space<vmem>> -> memref<64x128xf32, #tpu.memory_space<vmem>>
      tpu.enqueue_dma source(%dma_start3A_62 : memref<64x128xf32, #tpu.memory_space<vmem>>) target(%dma_start3A_59 : memref<64x128xf32, #tpu.memory_space<hbm>>) target_semaphore(%run_scoped3A : memref<!tpu.dma_semaphore, #tpu.memory_space<semaphore_mem>>)
      %dma_wait3A = arith.constant 0 : i32
      %dma_wait3A_63 = arith.constant 0 : i32
      %dma_wait3A_64 = tpu.memref_slice %arg9[%dma_wait3A, %dma_wait3A_63] : memref<128x128xf32, #tpu.memory_space<vmem>> -> memref<64x128xf32, #tpu.memory_space<vmem>>
      %dma_wait3A_65 = arith.constant 0 : i32
      %dma_wait3A_66 = tpu.memref_slice %arg6[%add3A_37, %dma_wait3A_65] : memref<10240x128xf32, #tpu.memory_space<hbm>> -> memref<64x128xf32, #tpu.memory_space<hbm>>
      %dma_wait3A_67 = arith.constant 0 : i32
      %dma_wait3A_68 = tpu.memref_slice %arg6[%add3A_37, %dma_wait3A_67] : memref<10240x128xf32, #tpu.memory_space<hbm>> -> memref<64x128xf32, #tpu.memory_space<hbm>>
      %dma_wait3A_69 = arith.constant 0 : i32
      %dma_wait3A_70 = arith.constant 0 : i32
      %dma_wait3A_71 = tpu.memref_slice %arg9[%dma_wait3A_69, %dma_wait3A_70] : memref<128x128xf32, #tpu.memory_space<vmem>> -> memref<64x128xf32, #tpu.memory_space<vmem>>
      tpu.wait_dma2 semaphore(%run_scoped3A : memref<!tpu.dma_semaphore, #tpu.memory_space<semaphore_mem>>) src(%dma_wait3A_71 : memref<64x128xf32, #tpu.memory_space<vmem>>) dst(%dma_wait3A_68 : memref<64x128xf32, #tpu.memory_space<hbm>>)
      tpu.yield
    }) : () -> ()
    %add3A_38 = arith.constant 128 : i32
    %add3A_39 = arith.addi %mul3A_0, %add3A_38 : i32
    "tpu.region"() ({
      %run_scoped3A = tpu.sem_alloc : memref<!tpu.dma_semaphore, #tpu.memory_space<semaphore_mem>>
      %dma_start3A_53 = arith.constant 0 : i32
      %dma_start3A_54 = arith.constant 0 : i32
      %dma_start3A_55 = tpu.memref_slice %arg9[%dma_start3A_53, %dma_start3A_54] : memref<128x128xf32, #tpu.memory_space<vmem>> -> memref<64x128xf32, #tpu.memory_space<vmem>>
      %dma_start3A_56 = arith.constant 0 : i32
      %dma_start3A_57 = tpu.memref_slice %arg11[%add3A_39, %dma_start3A_56] : memref<5248x128xf32, #tpu.memory_space<vmem_shared>> -> memref<64x128xf32, #tpu.memory_space<vmem_shared>>
      %dma_start3A_58 = arith.constant 0 : i32
      %dma_start3A_59 = arith.constant 0 : i32
      %dma_start3A_60 = tpu.memref_slice %arg9[%dma_start3A_58, %dma_start3A_59] : memref<128x128xf32, #tpu.memory_space<vmem>> -> memref<64x128xf32, #tpu.memory_space<vmem>>
      %dma_start3A_61 = arith.constant 0 : i32
      %dma_start3A_62 = tpu.memref_slice %arg11[%add3A_39, %dma_start3A_61] : memref<5248x128xf32, #tpu.memory_space<vmem_shared>> -> memref<64x128xf32, #tpu.memory_space<vmem_shared>>
      tpu.enqueue_dma source(%dma_start3A_62 : memref<64x128xf32, #tpu.memory_space<vmem_shared>>) target(%dma_start3A_60 : memref<64x128xf32, #tpu.memory_space<vmem>>) target_semaphore(%run_scoped3A : memref<!tpu.dma_semaphore, #tpu.memory_space<semaphore_mem>>)
      %dma_wait3A = arith.constant 0 : i32
      %dma_wait3A_63 = arith.constant 0 : i32
      %dma_wait3A_64 = tpu.memref_slice %arg9[%dma_wait3A, %dma_wait3A_63] : memref<128x128xf32, #tpu.memory_space<vmem>> -> memref<64x128xf32, #tpu.memory_space<vmem>>
      %dma_wait3A_65 = arith.constant 0 : i32
      %dma_wait3A_66 = tpu.memref_slice %arg11[%add3A_39, %dma_wait3A_65] : memref<5248x128xf32, #tpu.memory_space<vmem_shared>> -> memref<64x128xf32, #tpu.memory_space<vmem_shared>>
      %dma_wait3A_67 = arith.constant 0 : i32
      %dma_wait3A_68 = arith.constant 0 : i32
      %dma_wait3A_69 = tpu.memref_slice %arg9[%dma_wait3A_67, %dma_wait3A_68] : memref<128x128xf32, #tpu.memory_space<vmem>> -> memref<64x128xf32, #tpu.memory_space<vmem>>
      %dma_wait3A_70 = arith.constant 0 : i32
      %dma_wait3A_71 = tpu.memref_slice %arg11[%add3A_39, %dma_wait3A_70] : memref<5248x128xf32, #tpu.memory_space<vmem_shared>> -> memref<64x128xf32, #tpu.memory_space<vmem_shared>>
      tpu.wait_dma2 semaphore(%run_scoped3A : memref<!tpu.dma_semaphore, #tpu.memory_space<semaphore_mem>>) src(%dma_wait3A_71 : memref<64x128xf32, #tpu.memory_space<vmem_shared>>) dst(%dma_wait3A_69 : memref<64x128xf32, #tpu.memory_space<vmem>>)
      tpu.yield
    }) : () -> ()
    %add3A_40 = arith.addi %mul3A_2, %mul3A_0 : i32
    %add3A_41 = arith.constant 128 : i32
    %add3A_42 = arith.addi %add3A_40, %add3A_41 : i32
    "tpu.region"() ({
      %run_scoped3A = tpu.sem_alloc : memref<!tpu.dma_semaphore, #tpu.memory_space<semaphore_mem>>
      %dma_start3A_53 = arith.constant 0 : i32
      %dma_start3A_54 = arith.constant 0 : i32
      %dma_start3A_55 = tpu.memref_slice %arg9[%dma_start3A_53, %dma_start3A_54] : memref<128x128xf32, #tpu.memory_space<vmem>> -> memref<64x128xf32, #tpu.memory_space<vmem>>
      %dma_start3A_56 = arith.constant 0 : i32
      %dma_start3A_57 = tpu.memref_slice %arg6[%add3A_42, %dma_start3A_56] : memref<10240x128xf32, #tpu.memory_space<hbm>> -> memref<64x128xf32, #tpu.memory_space<hbm>>
      %dma_start3A_58 = arith.constant 0 : i32
      %dma_start3A_59 = tpu.memref_slice %arg6[%add3A_42, %dma_start3A_58] : memref<10240x128xf32, #tpu.memory_space<hbm>> -> memref<64x128xf32, #tpu.memory_space<hbm>>
      %dma_start3A_60 = arith.constant 0 : i32
      %dma_start3A_61 = arith.constant 0 : i32
      %dma_start3A_62 = tpu.memref_slice %arg9[%dma_start3A_60, %dma_start3A_61] : memref<128x128xf32, #tpu.memory_space<vmem>> -> memref<64x128xf32, #tpu.memory_space<vmem>>
      tpu.enqueue_dma source(%dma_start3A_62 : memref<64x128xf32, #tpu.memory_space<vmem>>) target(%dma_start3A_59 : memref<64x128xf32, #tpu.memory_space<hbm>>) target_semaphore(%run_scoped3A : memref<!tpu.dma_semaphore, #tpu.memory_space<semaphore_mem>>)
      %dma_wait3A = arith.constant 0 : i32
      %dma_wait3A_63 = arith.constant 0 : i32
      %dma_wait3A_64 = tpu.memref_slice %arg9[%dma_wait3A, %dma_wait3A_63] : memref<128x128xf32, #tpu.memory_space<vmem>> -> memref<64x128xf32, #tpu.memory_space<vmem>>
      %dma_wait3A_65 = arith.constant 0 : i32
      %dma_wait3A_66 = tpu.memref_slice %arg6[%add3A_42, %dma_wait3A_65] : memref<10240x128xf32, #tpu.memory_space<hbm>> -> memref<64x128xf32, #tpu.memory_space<hbm>>
      %dma_wait3A_67 = arith.constant 0 : i32
      %dma_wait3A_68 = tpu.memref_slice %arg6[%add3A_42, %dma_wait3A_67] : memref<10240x128xf32, #tpu.memory_space<hbm>> -> memref<64x128xf32, #tpu.memory_space<hbm>>
      %dma_wait3A_69 = arith.constant 0 : i32
      %dma_wait3A_70 = arith.constant 0 : i32
      %dma_wait3A_71 = tpu.memref_slice %arg9[%dma_wait3A_69, %dma_wait3A_70] : memref<128x128xf32, #tpu.memory_space<vmem>> -> memref<64x128xf32, #tpu.memory_space<vmem>>
      tpu.wait_dma2 semaphore(%run_scoped3A : memref<!tpu.dma_semaphore, #tpu.memory_space<semaphore_mem>>) src(%dma_wait3A_71 : memref<64x128xf32, #tpu.memory_space<vmem>>) dst(%dma_wait3A_68 : memref<64x128xf32, #tpu.memory_space<hbm>>)
      tpu.yield
    }) : () -> ()
    %add3A_43 = arith.constant 192 : i32
    %add3A_44 = arith.addi %mul3A_0, %add3A_43 : i32
    "tpu.region"() ({
      %run_scoped3A = tpu.sem_alloc : memref<!tpu.dma_semaphore, #tpu.memory_space<semaphore_mem>>
      %dma_start3A_53 = arith.constant 0 : i32
      %dma_start3A_54 = arith.constant 0 : i32
      %dma_start3A_55 = tpu.memref_slice %arg9[%dma_start3A_53, %dma_start3A_54] : memref<128x128xf32, #tpu.memory_space<vmem>> -> memref<64x128xf32, #tpu.memory_space<vmem>>
      %dma_start3A_56 = arith.constant 0 : i32
      %dma_start3A_57 = tpu.memref_slice %arg11[%add3A_44, %dma_start3A_56] : memref<5248x128xf32, #tpu.memory_space<vmem_shared>> -> memref<64x128xf32, #tpu.memory_space<vmem_shared>>
      %dma_start3A_58 = arith.constant 0 : i32
      %dma_start3A_59 = arith.constant 0 : i32
      %dma_start3A_60 = tpu.memref_slice %arg9[%dma_start3A_58, %dma_start3A_59] : memref<128x128xf32, #tpu.memory_space<vmem>> -> memref<64x128xf32, #tpu.memory_space<vmem>>
      %dma_start3A_61 = arith.constant 0 : i32
      %dma_start3A_62 = tpu.memref_slice %arg11[%add3A_44, %dma_start3A_61] : memref<5248x128xf32, #tpu.memory_space<vmem_shared>> -> memref<64x128xf32, #tpu.memory_space<vmem_shared>>
      tpu.enqueue_dma source(%dma_start3A_62 : memref<64x128xf32, #tpu.memory_space<vmem_shared>>) target(%dma_start3A_60 : memref<64x128xf32, #tpu.memory_space<vmem>>) target_semaphore(%run_scoped3A : memref<!tpu.dma_semaphore, #tpu.memory_space<semaphore_mem>>)
      %dma_wait3A = arith.constant 0 : i32
      %dma_wait3A_63 = arith.constant 0 : i32
      %dma_wait3A_64 = tpu.memref_slice %arg9[%dma_wait3A, %dma_wait3A_63] : memref<128x128xf32, #tpu.memory_space<vmem>> -> memref<64x128xf32, #tpu.memory_space<vmem>>
      %dma_wait3A_65 = arith.constant 0 : i32
      %dma_wait3A_66 = tpu.memref_slice %arg11[%add3A_44, %dma_wait3A_65] : memref<5248x128xf32, #tpu.memory_space<vmem_shared>> -> memref<64x128xf32, #tpu.memory_space<vmem_shared>>
      %dma_wait3A_67 = arith.constant 0 : i32
      %dma_wait3A_68 = arith.constant 0 : i32
      %dma_wait3A_69 = tpu.memref_slice %arg9[%dma_wait3A_67, %dma_wait3A_68] : memref<128x128xf32, #tpu.memory_space<vmem>> -> memref<64x128xf32, #tpu.memory_space<vmem>>
      %dma_wait3A_70 = arith.constant 0 : i32
      %dma_wait3A_71 = tpu.memref_slice %arg11[%add3A_44, %dma_wait3A_70] : memref<5248x128xf32, #tpu.memory_space<vmem_shared>> -> memref<64x128xf32, #tpu.memory_space<vmem_shared>>
      tpu.wait_dma2 semaphore(%run_scoped3A : memref<!tpu.dma_semaphore, #tpu.memory_space<semaphore_mem>>) src(%dma_wait3A_71 : memref<64x128xf32, #tpu.memory_space<vmem_shared>>) dst(%dma_wait3A_69 : memref<64x128xf32, #tpu.memory_space<vmem>>)
      tpu.yield
    }) : () -> ()
    %add3A_45 = arith.addi %mul3A_2, %mul3A_0 : i32
    %add3A_46 = arith.constant 192 : i32
    %add3A_47 = arith.addi %add3A_45, %add3A_46 : i32
    "tpu.region"() ({
      %run_scoped3A = tpu.sem_alloc : memref<!tpu.dma_semaphore, #tpu.memory_space<semaphore_mem>>
      %dma_start3A_53 = arith.constant 0 : i32
      %dma_start3A_54 = arith.constant 0 : i32
      %dma_start3A_55 = tpu.memref_slice %arg9[%dma_start3A_53, %dma_start3A_54] : memref<128x128xf32, #tpu.memory_space<vmem>> -> memref<64x128xf32, #tpu.memory_space<vmem>>
      %dma_start3A_56 = arith.constant 0 : i32
      %dma_start3A_57 = tpu.memref_slice %arg6[%add3A_47, %dma_start3A_56] : memref<10240x128xf32, #tpu.memory_space<hbm>> -> memref<64x128xf32, #tpu.memory_space<hbm>>
      %dma_start3A_58 = arith.constant 0 : i32
      %dma_start3A_59 = tpu.memref_slice %arg6[%add3A_47, %dma_start3A_58] : memref<10240x128xf32, #tpu.memory_space<hbm>> -> memref<64x128xf32, #tpu.memory_space<hbm>>
      %dma_start3A_60 = arith.constant 0 : i32
      %dma_start3A_61 = arith.constant 0 : i32
      %dma_start3A_62 = tpu.memref_slice %arg9[%dma_start3A_60, %dma_start3A_61] : memref<128x128xf32, #tpu.memory_space<vmem>> -> memref<64x128xf32, #tpu.memory_space<vmem>>
      tpu.enqueue_dma source(%dma_start3A_62 : memref<64x128xf32, #tpu.memory_space<vmem>>) target(%dma_start3A_59 : memref<64x128xf32, #tpu.memory_space<hbm>>) target_semaphore(%run_scoped3A : memref<!tpu.dma_semaphore, #tpu.memory_space<semaphore_mem>>)
      %dma_wait3A = arith.constant 0 : i32
      %dma_wait3A_63 = arith.constant 0 : i32
      %dma_wait3A_64 = tpu.memref_slice %arg9[%dma_wait3A, %dma_wait3A_63] : memref<128x128xf32, #tpu.memory_space<vmem>> -> memref<64x128xf32, #tpu.memory_space<vmem>>
      %dma_wait3A_65 = arith.constant 0 : i32
      %dma_wait3A_66 = tpu.memref_slice %arg6[%add3A_47, %dma_wait3A_65] : memref<10240x128xf32, #tpu.memory_space<hbm>> -> memref<64x128xf32, #tpu.memory_space<hbm>>
      %dma_wait3A_67 = arith.constant 0 : i32
      %dma_wait3A_68 = tpu.memref_slice %arg6[%add3A_47, %dma_wait3A_67] : memref<10240x128xf32, #tpu.memory_space<hbm>> -> memref<64x128xf32, #tpu.memory_space<hbm>>
      %dma_wait3A_69 = arith.constant 0 : i32
      %dma_wait3A_70 = arith.constant 0 : i32
      %dma_wait3A_71 = tpu.memref_slice %arg9[%dma_wait3A_69, %dma_wait3A_70] : memref<128x128xf32, #tpu.memory_space<vmem>> -> memref<64x128xf32, #tpu.memory_space<vmem>>
      tpu.wait_dma2 semaphore(%run_scoped3A : memref<!tpu.dma_semaphore, #tpu.memory_space<semaphore_mem>>) src(%dma_wait3A_71 : memref<64x128xf32, #tpu.memory_space<vmem>>) dst(%dma_wait3A_68 : memref<64x128xf32, #tpu.memory_space<hbm>>)
      tpu.yield
    }) : () -> ()
    %add3A_48 = arith.constant 256 : i32
    %add3A_49 = arith.addi %mul3A_0, %add3A_48 : i32
    "tpu.region"() ({
      %run_scoped3A = tpu.sem_alloc : memref<!tpu.dma_semaphore, #tpu.memory_space<semaphore_mem>>
      %dma_start3A_53 = arith.constant 0 : i32
      %dma_start3A_54 = arith.constant 0 : i32
      %dma_start3A_55 = tpu.memref_slice %arg9[%dma_start3A_53, %dma_start3A_54] : memref<128x128xf32, #tpu.memory_space<vmem>> -> memref<64x128xf32, #tpu.memory_space<vmem>>
      %dma_start3A_56 = arith.constant 0 : i32
      %dma_start3A_57 = tpu.memref_slice %arg11[%add3A_49, %dma_start3A_56] : memref<5248x128xf32, #tpu.memory_space<vmem_shared>> -> memref<64x128xf32, #tpu.memory_space<vmem_shared>>
      %dma_start3A_58 = arith.constant 0 : i32
      %dma_start3A_59 = arith.constant 0 : i32
      %dma_start3A_60 = tpu.memref_slice %arg9[%dma_start3A_58, %dma_start3A_59] : memref<128x128xf32, #tpu.memory_space<vmem>> -> memref<64x128xf32, #tpu.memory_space<vmem>>
      %dma_start3A_61 = arith.constant 0 : i32
      %dma_start3A_62 = tpu.memref_slice %arg11[%add3A_49, %dma_start3A_61] : memref<5248x128xf32, #tpu.memory_space<vmem_shared>> -> memref<64x128xf32, #tpu.memory_space<vmem_shared>>
      tpu.enqueue_dma source(%dma_start3A_62 : memref<64x128xf32, #tpu.memory_space<vmem_shared>>) target(%dma_start3A_60 : memref<64x128xf32, #tpu.memory_space<vmem>>) target_semaphore(%run_scoped3A : memref<!tpu.dma_semaphore, #tpu.memory_space<semaphore_mem>>)
      %dma_wait3A = arith.constant 0 : i32
      %dma_wait3A_63 = arith.constant 0 : i32
      %dma_wait3A_64 = tpu.memref_slice %arg9[%dma_wait3A, %dma_wait3A_63] : memref<128x128xf32, #tpu.memory_space<vmem>> -> memref<64x128xf32, #tpu.memory_space<vmem>>
      %dma_wait3A_65 = arith.constant 0 : i32
      %dma_wait3A_66 = tpu.memref_slice %arg11[%add3A_49, %dma_wait3A_65] : memref<5248x128xf32, #tpu.memory_space<vmem_shared>> -> memref<64x128xf32, #tpu.memory_space<vmem_shared>>
      %dma_wait3A_67 = arith.constant 0 : i32
      %dma_wait3A_68 = arith.constant 0 : i32
      %dma_wait3A_69 = tpu.memref_slice %arg9[%dma_wait3A_67, %dma_wait3A_68] : memref<128x128xf32, #tpu.memory_space<vmem>> -> memref<64x128xf32, #tpu.memory_space<vmem>>
      %dma_wait3A_70 = arith.constant 0 : i32
      %dma_wait3A_71 = tpu.memref_slice %arg11[%add3A_49, %dma_wait3A_70] : memref<5248x128xf32, #tpu.memory_space<vmem_shared>> -> memref<64x128xf32, #tpu.memory_space<vmem_shared>>
      tpu.wait_dma2 semaphore(%run_scoped3A : memref<!tpu.dma_semaphore, #tpu.memory_space<semaphore_mem>>) src(%dma_wait3A_71 : memref<64x128xf32, #tpu.memory_space<vmem_shared>>) dst(%dma_wait3A_69 : memref<64x128xf32, #tpu.memory_space<vmem>>)
      tpu.yield
    }) : () -> ()
    %add3A_50 = arith.addi %mul3A_2, %mul3A_0 : i32
    %add3A_51 = arith.constant 256 : i32
    %add3A_52 = arith.addi %add3A_50, %add3A_51 : i32
    "tpu.region"() ({
      %run_scoped3A = tpu.sem_alloc : memref<!tpu.dma_semaphore, #tpu.memory_space<semaphore_mem>>
      %dma_start3A_53 = arith.constant 0 : i32
      %dma_start3A_54 = arith.constant 0 : i32
      %dma_start3A_55 = tpu.memref_slice %arg9[%dma_start3A_53, %dma_start3A_54] : memref<128x128xf32, #tpu.memory_space<vmem>> -> memref<64x128xf32, #tpu.memory_space<vmem>>
      %dma_start3A_56 = arith.constant 0 : i32
      %dma_start3A_57 = tpu.memref_slice %arg6[%add3A_52, %dma_start3A_56] : memref<10240x128xf32, #tpu.memory_space<hbm>> -> memref<64x128xf32, #tpu.memory_space<hbm>>
      %dma_start3A_58 = arith.constant 0 : i32
      %dma_start3A_59 = tpu.memref_slice %arg6[%add3A_52, %dma_start3A_58] : memref<10240x128xf32, #tpu.memory_space<hbm>> -> memref<64x128xf32, #tpu.memory_space<hbm>>
      %dma_start3A_60 = arith.constant 0 : i32
      %dma_start3A_61 = arith.constant 0 : i32
      %dma_start3A_62 = tpu.memref_slice %arg9[%dma_start3A_60, %dma_start3A_61] : memref<128x128xf32, #tpu.memory_space<vmem>> -> memref<64x128xf32, #tpu.memory_space<vmem>>
      tpu.enqueue_dma source(%dma_start3A_62 : memref<64x128xf32, #tpu.memory_space<vmem>>) target(%dma_start3A_59 : memref<64x128xf32, #tpu.memory_space<hbm>>) target_semaphore(%run_scoped3A : memref<!tpu.dma_semaphore, #tpu.memory_space<semaphore_mem>>)
      %dma_wait3A = arith.constant 0 : i32
      %dma_wait3A_63 = arith.constant 0 : i32
      %dma_wait3A_64 = tpu.memref_slice %arg9[%dma_wait3A, %dma_wait3A_63] : memref<128x128xf32, #tpu.memory_space<vmem>> -> memref<64x128xf32, #tpu.memory_space<vmem>>
      %dma_wait3A_65 = arith.constant 0 : i32
      %dma_wait3A_66 = tpu.memref_slice %arg6[%add3A_52, %dma_wait3A_65] : memref<10240x128xf32, #tpu.memory_space<hbm>> -> memref<64x128xf32, #tpu.memory_space<hbm>>
      %dma_wait3A_67 = arith.constant 0 : i32
      %dma_wait3A_68 = tpu.memref_slice %arg6[%add3A_52, %dma_wait3A_67] : memref<10240x128xf32, #tpu.memory_space<hbm>> -> memref<64x128xf32, #tpu.memory_space<hbm>>
      %dma_wait3A_69 = arith.constant 0 : i32
      %dma_wait3A_70 = arith.constant 0 : i32
      %dma_wait3A_71 = tpu.memref_slice %arg9[%dma_wait3A_69, %dma_wait3A_70] : memref<128x128xf32, #tpu.memory_space<vmem>> -> memref<64x128xf32, #tpu.memory_space<vmem>>
      tpu.wait_dma2 semaphore(%run_scoped3A : memref<!tpu.dma_semaphore, #tpu.memory_space<semaphore_mem>>) src(%dma_wait3A_71 : memref<64x128xf32, #tpu.memory_space<vmem>>) dst(%dma_wait3A_68 : memref<64x128xf32, #tpu.memory_space<hbm>>)
      tpu.yield
    }) : () -> ()
    return
  }
}

#map = affine_map<(d0, d1) -> (0, 0)>
#map1 = affine_map<(d0, d1) -> (0, 0, 0)>
module attributes {stable_mosaic.version = 14 : i64} {
  func.func @_prop_body(%arg0: i32, %arg1: i32, %arg2: memref<10240x128xf32, #tpu.memory_space<hbm>>, %arg3: memref<16x158x128xi32, #tpu.memory_space<hbm>>, %arg4: memref<16x158x128xi32, #tpu.memory_space<hbm>>, %arg5: memref<128x128xf32, #tpu.memory_space<hbm>>, %arg6: memref<10240x128xf32, #tpu.memory_space<hbm>>, %arg7: memref<158x128xi32, #tpu.memory_space<vmem>>, %arg8: memref<158x128xi32, #tpu.memory_space<vmem>>, %arg9: memref<128x128xf32, #tpu.memory_space<vmem>>, %arg10: memref<128x128xf32, #tpu.memory_space<vmem>>, %arg11: memref<5248x128xf32, #tpu.memory_space<vmem_shared>>, %arg12: memref<!tpu.dma_semaphore, #tpu.memory_space<semaphore_mem>>, %arg13: memref<!tpu.dma_semaphore, #tpu.memory_space<semaphore_mem>>) attributes {dimension_semantics = [#tpu.dimension_semantics<core_parallel>, #tpu.dimension_semantics<subcore_parallel>], iteration_bounds = array<i64: 2, 16>, scalar_prefetch = 0 : i64, scratch_operands = 7 : i64, tpu.core_type = #tpu.core_type<sc_vector_subcore>, window_params = [{transform_indices = #map}, {transform_indices = #map1}, {transform_indices = #map1}, {transform_indices = #map}, {transform_indices = #map}]} {
    %mul3A = arith.constant 320 : i32
    %mul3A_0 = arith.muli %arg1, %mul3A : i32
    %mul3A_1 = arith.constant 5120 : i32
    %mul3A_2 = arith.muli %arg0, %mul3A_1 : i32
    "tpu.region"() ({
      %run_scoped3A = tpu.sem_alloc : memref<!tpu.dma_semaphore, #tpu.memory_space<semaphore_mem>>
      tpu.enqueue_dma source(%arg5 : memref<128x128xf32, #tpu.memory_space<hbm>>) target(%arg9 : memref<128x128xf32, #tpu.memory_space<vmem>>) target_semaphore(%run_scoped3A : memref<!tpu.dma_semaphore, #tpu.memory_space<semaphore_mem>>)
      tpu.wait_dma2 semaphore(%run_scoped3A : memref<!tpu.dma_semaphore, #tpu.memory_space<semaphore_mem>>) src(%arg5 : memref<128x128xf32, #tpu.memory_space<hbm>>) dst(%arg9 : memref<128x128xf32, #tpu.memory_space<vmem>>)
      tpu.yield
    }) : () -> ()
    %add3A = arith.constant 0 : i32
    %add3A_3 = arith.addi %mul3A_0, %add3A : i32
    "tpu.region"() ({
      %run_scoped3A = tpu.sem_alloc : memref<!tpu.dma_semaphore, #tpu.memory_space<semaphore_mem>>
      %dma_start3A_53 = arith.constant 0 : i32
      %dma_start3A_54 = arith.constant 0 : i32
      %dma_start3A_55 = tpu.memref_slice %arg9[%dma_start3A_53, %dma_start3A_54] : memref<128x128xf32, #tpu.memory_space<vmem>> -> memref<64x128xf32, #tpu.memory_space<vmem>>
      %dma_start3A_56 = arith.constant 0 : i32
      %dma_start3A_57 = tpu.memref_slice %arg11[%add3A_3, %dma_start3A_56] : memref<5248x128xf32, #tpu.memory_space<vmem_shared>> -> memref<64x128xf32, #tpu.memory_space<vmem_shared>>
      %dma_start3A_58 = arith.constant 0 : i32
      %dma_start3A_59 = tpu.memref_slice %arg11[%add3A_3, %dma_start3A_58] : memref<5248x128xf32, #tpu.memory_space<vmem_shared>> -> memref<64x128xf32, #tpu.memory_space<vmem_shared>>
      %dma_start3A_60 = arith.constant 0 : i32
      %dma_start3A_61 = arith.constant 0 : i32
      %dma_start3A_62 = tpu.memref_slice %arg9[%dma_start3A_60, %dma_start3A_61] : memref<128x128xf32, #tpu.memory_space<vmem>> -> memref<64x128xf32, #tpu.memory_space<vmem>>
      tpu.enqueue_dma source(%dma_start3A_62 : memref<64x128xf32, #tpu.memory_space<vmem>>) target(%dma_start3A_59 : memref<64x128xf32, #tpu.memory_space<vmem_shared>>) target_semaphore(%run_scoped3A : memref<!tpu.dma_semaphore, #tpu.memory_space<semaphore_mem>>)
      %dma_wait3A = arith.constant 0 : i32
      %dma_wait3A_63 = arith.constant 0 : i32
      %dma_wait3A_64 = tpu.memref_slice %arg9[%dma_wait3A, %dma_wait3A_63] : memref<128x128xf32, #tpu.memory_space<vmem>> -> memref<64x128xf32, #tpu.memory_space<vmem>>
      %dma_wait3A_65 = arith.constant 0 : i32
      %dma_wait3A_66 = tpu.memref_slice %arg11[%add3A_3, %dma_wait3A_65] : memref<5248x128xf32, #tpu.memory_space<vmem_shared>> -> memref<64x128xf32, #tpu.memory_space<vmem_shared>>
      %dma_wait3A_67 = arith.constant 0 : i32
      %dma_wait3A_68 = tpu.memref_slice %arg11[%add3A_3, %dma_wait3A_67] : memref<5248x128xf32, #tpu.memory_space<vmem_shared>> -> memref<64x128xf32, #tpu.memory_space<vmem_shared>>
      %dma_wait3A_69 = arith.constant 0 : i32
      %dma_wait3A_70 = arith.constant 0 : i32
      %dma_wait3A_71 = tpu.memref_slice %arg9[%dma_wait3A_69, %dma_wait3A_70] : memref<128x128xf32, #tpu.memory_space<vmem>> -> memref<64x128xf32, #tpu.memory_space<vmem>>
      tpu.wait_dma2 semaphore(%run_scoped3A : memref<!tpu.dma_semaphore, #tpu.memory_space<semaphore_mem>>) src(%dma_wait3A_71 : memref<64x128xf32, #tpu.memory_space<vmem>>) dst(%dma_wait3A_68 : memref<64x128xf32, #tpu.memory_space<vmem_shared>>)
      tpu.yield
    }) : () -> ()
    %add3A_4 = arith.constant 64 : i32
    %add3A_5 = arith.addi %mul3A_0, %add3A_4 : i32
    "tpu.region"() ({
      %run_scoped3A = tpu.sem_alloc : memref<!tpu.dma_semaphore, #tpu.memory_space<semaphore_mem>>
      %dma_start3A_53 = arith.constant 0 : i32
      %dma_start3A_54 = arith.constant 0 : i32
      %dma_start3A_55 = tpu.memref_slice %arg9[%dma_start3A_53, %dma_start3A_54] : memref<128x128xf32, #tpu.memory_space<vmem>> -> memref<64x128xf32, #tpu.memory_space<vmem>>
      %dma_start3A_56 = arith.constant 0 : i32
      %dma_start3A_57 = tpu.memref_slice %arg11[%add3A_5, %dma_start3A_56] : memref<5248x128xf32, #tpu.memory_space<vmem_shared>> -> memref<64x128xf32, #tpu.memory_space<vmem_shared>>
      %dma_start3A_58 = arith.constant 0 : i32
      %dma_start3A_59 = tpu.memref_slice %arg11[%add3A_5, %dma_start3A_58] : memref<5248x128xf32, #tpu.memory_space<vmem_shared>> -> memref<64x128xf32, #tpu.memory_space<vmem_shared>>
      %dma_start3A_60 = arith.constant 0 : i32
      %dma_start3A_61 = arith.constant 0 : i32
      %dma_start3A_62 = tpu.memref_slice %arg9[%dma_start3A_60, %dma_start3A_61] : memref<128x128xf32, #tpu.memory_space<vmem>> -> memref<64x128xf32, #tpu.memory_space<vmem>>
      tpu.enqueue_dma source(%dma_start3A_62 : memref<64x128xf32, #tpu.memory_space<vmem>>) target(%dma_start3A_59 : memref<64x128xf32, #tpu.memory_space<vmem_shared>>) target_semaphore(%run_scoped3A : memref<!tpu.dma_semaphore, #tpu.memory_space<semaphore_mem>>)
      %dma_wait3A = arith.constant 0 : i32
      %dma_wait3A_63 = arith.constant 0 : i32
      %dma_wait3A_64 = tpu.memref_slice %arg9[%dma_wait3A, %dma_wait3A_63] : memref<128x128xf32, #tpu.memory_space<vmem>> -> memref<64x128xf32, #tpu.memory_space<vmem>>
      %dma_wait3A_65 = arith.constant 0 : i32
      %dma_wait3A_66 = tpu.memref_slice %arg11[%add3A_5, %dma_wait3A_65] : memref<5248x128xf32, #tpu.memory_space<vmem_shared>> -> memref<64x128xf32, #tpu.memory_space<vmem_shared>>
      %dma_wait3A_67 = arith.constant 0 : i32
      %dma_wait3A_68 = tpu.memref_slice %arg11[%add3A_5, %dma_wait3A_67] : memref<5248x128xf32, #tpu.memory_space<vmem_shared>> -> memref<64x128xf32, #tpu.memory_space<vmem_shared>>
      %dma_wait3A_69 = arith.constant 0 : i32
      %dma_wait3A_70 = arith.constant 0 : i32
      %dma_wait3A_71 = tpu.memref_slice %arg9[%dma_wait3A_69, %dma_wait3A_70] : memref<128x128xf32, #tpu.memory_space<vmem>> -> memref<64x128xf32, #tpu.memory_space<vmem>>
      tpu.wait_dma2 semaphore(%run_scoped3A : memref<!tpu.dma_semaphore, #tpu.memory_space<semaphore_mem>>) src(%dma_wait3A_71 : memref<64x128xf32, #tpu.memory_space<vmem>>) dst(%dma_wait3A_68 : memref<64x128xf32, #tpu.memory_space<vmem_shared>>)
      tpu.yield
    }) : () -> ()
    %add3A_6 = arith.constant 128 : i32
    %add3A_7 = arith.addi %mul3A_0, %add3A_6 : i32
    "tpu.region"() ({
      %run_scoped3A = tpu.sem_alloc : memref<!tpu.dma_semaphore, #tpu.memory_space<semaphore_mem>>
      %dma_start3A_53 = arith.constant 0 : i32
      %dma_start3A_54 = arith.constant 0 : i32
      %dma_start3A_55 = tpu.memref_slice %arg9[%dma_start3A_53, %dma_start3A_54] : memref<128x128xf32, #tpu.memory_space<vmem>> -> memref<64x128xf32, #tpu.memory_space<vmem>>
      %dma_start3A_56 = arith.constant 0 : i32
      %dma_start3A_57 = tpu.memref_slice %arg11[%add3A_7, %dma_start3A_56] : memref<5248x128xf32, #tpu.memory_space<vmem_shared>> -> memref<64x128xf32, #tpu.memory_space<vmem_shared>>
      %dma_start3A_58 = arith.constant 0 : i32
      %dma_start3A_59 = tpu.memref_slice %arg11[%add3A_7, %dma_start3A_58] : memref<5248x128xf32, #tpu.memory_space<vmem_shared>> -> memref<64x128xf32, #tpu.memory_space<vmem_shared>>
      %dma_start3A_60 = arith.constant 0 : i32
      %dma_start3A_61 = arith.constant 0 : i32
      %dma_start3A_62 = tpu.memref_slice %arg9[%dma_start3A_60, %dma_start3A_61] : memref<128x128xf32, #tpu.memory_space<vmem>> -> memref<64x128xf32, #tpu.memory_space<vmem>>
      tpu.enqueue_dma source(%dma_start3A_62 : memref<64x128xf32, #tpu.memory_space<vmem>>) target(%dma_start3A_59 : memref<64x128xf32, #tpu.memory_space<vmem_shared>>) target_semaphore(%run_scoped3A : memref<!tpu.dma_semaphore, #tpu.memory_space<semaphore_mem>>)
      %dma_wait3A = arith.constant 0 : i32
      %dma_wait3A_63 = arith.constant 0 : i32
      %dma_wait3A_64 = tpu.memref_slice %arg9[%dma_wait3A, %dma_wait3A_63] : memref<128x128xf32, #tpu.memory_space<vmem>> -> memref<64x128xf32, #tpu.memory_space<vmem>>
      %dma_wait3A_65 = arith.constant 0 : i32
      %dma_wait3A_66 = tpu.memref_slice %arg11[%add3A_7, %dma_wait3A_65] : memref<5248x128xf32, #tpu.memory_space<vmem_shared>> -> memref<64x128xf32, #tpu.memory_space<vmem_shared>>
      %dma_wait3A_67 = arith.constant 0 : i32
      %dma_wait3A_68 = tpu.memref_slice %arg11[%add3A_7, %dma_wait3A_67] : memref<5248x128xf32, #tpu.memory_space<vmem_shared>> -> memref<64x128xf32, #tpu.memory_space<vmem_shared>>
      %dma_wait3A_69 = arith.constant 0 : i32
      %dma_wait3A_70 = arith.constant 0 : i32
      %dma_wait3A_71 = tpu.memref_slice %arg9[%dma_wait3A_69, %dma_wait3A_70] : memref<128x128xf32, #tpu.memory_space<vmem>> -> memref<64x128xf32, #tpu.memory_space<vmem>>
      tpu.wait_dma2 semaphore(%run_scoped3A : memref<!tpu.dma_semaphore, #tpu.memory_space<semaphore_mem>>) src(%dma_wait3A_71 : memref<64x128xf32, #tpu.memory_space<vmem>>) dst(%dma_wait3A_68 : memref<64x128xf32, #tpu.memory_space<vmem_shared>>)
      tpu.yield
    }) : () -> ()
    %add3A_8 = arith.constant 192 : i32
    %add3A_9 = arith.addi %mul3A_0, %add3A_8 : i32
    "tpu.region"() ({
      %run_scoped3A = tpu.sem_alloc : memref<!tpu.dma_semaphore, #tpu.memory_space<semaphore_mem>>
      %dma_start3A_53 = arith.constant 0 : i32
      %dma_start3A_54 = arith.constant 0 : i32
      %dma_start3A_55 = tpu.memref_slice %arg9[%dma_start3A_53, %dma_start3A_54] : memref<128x128xf32, #tpu.memory_space<vmem>> -> memref<64x128xf32, #tpu.memory_space<vmem>>
      %dma_start3A_56 = arith.constant 0 : i32
      %dma_start3A_57 = tpu.memref_slice %arg11[%add3A_9, %dma_start3A_56] : memref<5248x128xf32, #tpu.memory_space<vmem_shared>> -> memref<64x128xf32, #tpu.memory_space<vmem_shared>>
      %dma_start3A_58 = arith.constant 0 : i32
      %dma_start3A_59 = tpu.memref_slice %arg11[%add3A_9, %dma_start3A_58] : memref<5248x128xf32, #tpu.memory_space<vmem_shared>> -> memref<64x128xf32, #tpu.memory_space<vmem_shared>>
      %dma_start3A_60 = arith.constant 0 : i32
      %dma_start3A_61 = arith.constant 0 : i32
      %dma_start3A_62 = tpu.memref_slice %arg9[%dma_start3A_60, %dma_start3A_61] : memref<128x128xf32, #tpu.memory_space<vmem>> -> memref<64x128xf32, #tpu.memory_space<vmem>>
      tpu.enqueue_dma source(%dma_start3A_62 : memref<64x128xf32, #tpu.memory_space<vmem>>) target(%dma_start3A_59 : memref<64x128xf32, #tpu.memory_space<vmem_shared>>) target_semaphore(%run_scoped3A : memref<!tpu.dma_semaphore, #tpu.memory_space<semaphore_mem>>)
      %dma_wait3A = arith.constant 0 : i32
      %dma_wait3A_63 = arith.constant 0 : i32
      %dma_wait3A_64 = tpu.memref_slice %arg9[%dma_wait3A, %dma_wait3A_63] : memref<128x128xf32, #tpu.memory_space<vmem>> -> memref<64x128xf32, #tpu.memory_space<vmem>>
      %dma_wait3A_65 = arith.constant 0 : i32
      %dma_wait3A_66 = tpu.memref_slice %arg11[%add3A_9, %dma_wait3A_65] : memref<5248x128xf32, #tpu.memory_space<vmem_shared>> -> memref<64x128xf32, #tpu.memory_space<vmem_shared>>
      %dma_wait3A_67 = arith.constant 0 : i32
      %dma_wait3A_68 = tpu.memref_slice %arg11[%add3A_9, %dma_wait3A_67] : memref<5248x128xf32, #tpu.memory_space<vmem_shared>> -> memref<64x128xf32, #tpu.memory_space<vmem_shared>>
      %dma_wait3A_69 = arith.constant 0 : i32
      %dma_wait3A_70 = arith.constant 0 : i32
      %dma_wait3A_71 = tpu.memref_slice %arg9[%dma_wait3A_69, %dma_wait3A_70] : memref<128x128xf32, #tpu.memory_space<vmem>> -> memref<64x128xf32, #tpu.memory_space<vmem>>
      tpu.wait_dma2 semaphore(%run_scoped3A : memref<!tpu.dma_semaphore, #tpu.memory_space<semaphore_mem>>) src(%dma_wait3A_71 : memref<64x128xf32, #tpu.memory_space<vmem>>) dst(%dma_wait3A_68 : memref<64x128xf32, #tpu.memory_space<vmem_shared>>)
      tpu.yield
    }) : () -> ()
    %add3A_10 = arith.constant 256 : i32
    %add3A_11 = arith.addi %mul3A_0, %add3A_10 : i32
    "tpu.region"() ({
      %run_scoped3A = tpu.sem_alloc : memref<!tpu.dma_semaphore, #tpu.memory_space<semaphore_mem>>
      %dma_start3A_53 = arith.constant 0 : i32
      %dma_start3A_54 = arith.constant 0 : i32
      %dma_start3A_55 = tpu.memref_slice %arg9[%dma_start3A_53, %dma_start3A_54] : memref<128x128xf32, #tpu.memory_space<vmem>> -> memref<64x128xf32, #tpu.memory_space<vmem>>
      %dma_start3A_56 = arith.constant 0 : i32
      %dma_start3A_57 = tpu.memref_slice %arg11[%add3A_11, %dma_start3A_56] : memref<5248x128xf32, #tpu.memory_space<vmem_shared>> -> memref<64x128xf32, #tpu.memory_space<vmem_shared>>
      %dma_start3A_58 = arith.constant 0 : i32
      %dma_start3A_59 = tpu.memref_slice %arg11[%add3A_11, %dma_start3A_58] : memref<5248x128xf32, #tpu.memory_space<vmem_shared>> -> memref<64x128xf32, #tpu.memory_space<vmem_shared>>
      %dma_start3A_60 = arith.constant 0 : i32
      %dma_start3A_61 = arith.constant 0 : i32
      %dma_start3A_62 = tpu.memref_slice %arg9[%dma_start3A_60, %dma_start3A_61] : memref<128x128xf32, #tpu.memory_space<vmem>> -> memref<64x128xf32, #tpu.memory_space<vmem>>
      tpu.enqueue_dma source(%dma_start3A_62 : memref<64x128xf32, #tpu.memory_space<vmem>>) target(%dma_start3A_59 : memref<64x128xf32, #tpu.memory_space<vmem_shared>>) target_semaphore(%run_scoped3A : memref<!tpu.dma_semaphore, #tpu.memory_space<semaphore_mem>>)
      %dma_wait3A = arith.constant 0 : i32
      %dma_wait3A_63 = arith.constant 0 : i32
      %dma_wait3A_64 = tpu.memref_slice %arg9[%dma_wait3A, %dma_wait3A_63] : memref<128x128xf32, #tpu.memory_space<vmem>> -> memref<64x128xf32, #tpu.memory_space<vmem>>
      %dma_wait3A_65 = arith.constant 0 : i32
      %dma_wait3A_66 = tpu.memref_slice %arg11[%add3A_11, %dma_wait3A_65] : memref<5248x128xf32, #tpu.memory_space<vmem_shared>> -> memref<64x128xf32, #tpu.memory_space<vmem_shared>>
      %dma_wait3A_67 = arith.constant 0 : i32
      %dma_wait3A_68 = tpu.memref_slice %arg11[%add3A_11, %dma_wait3A_67] : memref<5248x128xf32, #tpu.memory_space<vmem_shared>> -> memref<64x128xf32, #tpu.memory_space<vmem_shared>>
      %dma_wait3A_69 = arith.constant 0 : i32
      %dma_wait3A_70 = arith.constant 0 : i32
      %dma_wait3A_71 = tpu.memref_slice %arg9[%dma_wait3A_69, %dma_wait3A_70] : memref<128x128xf32, #tpu.memory_space<vmem>> -> memref<64x128xf32, #tpu.memory_space<vmem>>
      tpu.wait_dma2 semaphore(%run_scoped3A : memref<!tpu.dma_semaphore, #tpu.memory_space<semaphore_mem>>) src(%dma_wait3A_71 : memref<64x128xf32, #tpu.memory_space<vmem>>) dst(%dma_wait3A_68 : memref<64x128xf32, #tpu.memory_space<vmem_shared>>)
      tpu.yield
    }) : () -> ()
    "tpu.region"() ({
      %run_scoped3A = tpu.sem_alloc : memref<!tpu.dma_semaphore, #tpu.memory_space<semaphore_mem>>
      %dma_start3A_53 = arith.constant 0 : i32
      %dma_start3A_54 = arith.constant 0 : i32
      %dma_start3A_55 = tpu.memref_slice %arg3[%arg1, %dma_start3A_53, %dma_start3A_54] : memref<16x158x128xi32, #tpu.memory_space<hbm>> -> memref<1x158x128xi32, #tpu.memory_space<hbm>>
      %dma_start3A_56 = tpu.memref_squeeze %dma_start3A_55 : memref<1x158x128xi32, #tpu.memory_space<hbm>> -> memref<158x128xi32, #tpu.memory_space<hbm>>
      %dma_start3A_57 = arith.constant 0 : i32
      %dma_start3A_58 = arith.constant 0 : i32
      %dma_start3A_59 = tpu.memref_slice %arg3[%arg1, %dma_start3A_57, %dma_start3A_58] : memref<16x158x128xi32, #tpu.memory_space<hbm>> -> memref<1x158x128xi32, #tpu.memory_space<hbm>>
      %dma_start3A_60 = tpu.memref_squeeze %dma_start3A_59 : memref<1x158x128xi32, #tpu.memory_space<hbm>> -> memref<158x128xi32, #tpu.memory_space<hbm>>
      tpu.enqueue_dma source(%dma_start3A_60 : memref<158x128xi32, #tpu.memory_space<hbm>>) target(%arg7 : memref<158x128xi32, #tpu.memory_space<vmem>>) target_semaphore(%run_scoped3A : memref<!tpu.dma_semaphore, #tpu.memory_space<semaphore_mem>>)
      %dma_wait3A = arith.constant 0 : i32
      %dma_wait3A_61 = arith.constant 0 : i32
      %dma_wait3A_62 = tpu.memref_slice %arg3[%arg1, %dma_wait3A, %dma_wait3A_61] : memref<16x158x128xi32, #tpu.memory_space<hbm>> -> memref<1x158x128xi32, #tpu.memory_space<hbm>>
      %dma_wait3A_63 = tpu.memref_squeeze %dma_wait3A_62 : memref<1x158x128xi32, #tpu.memory_space<hbm>> -> memref<158x128xi32, #tpu.memory_space<hbm>>
      %dma_wait3A_64 = arith.constant 0 : i32
      %dma_wait3A_65 = arith.constant 0 : i32
      %dma_wait3A_66 = tpu.memref_slice %arg3[%arg1, %dma_wait3A_64, %dma_wait3A_65] : memref<16x158x128xi32, #tpu.memory_space<hbm>> -> memref<1x158x128xi32, #tpu.memory_space<hbm>>
      %dma_wait3A_67 = tpu.memref_squeeze %dma_wait3A_66 : memref<1x158x128xi32, #tpu.memory_space<hbm>> -> memref<158x128xi32, #tpu.memory_space<hbm>>
      tpu.wait_dma2 semaphore(%run_scoped3A : memref<!tpu.dma_semaphore, #tpu.memory_space<semaphore_mem>>) src(%dma_wait3A_67 : memref<158x128xi32, #tpu.memory_space<hbm>>) dst(%arg7 : memref<158x128xi32, #tpu.memory_space<vmem>>)
      tpu.yield
    }) : () -> ()
    "tpu.region"() ({
      %run_scoped3A = tpu.sem_alloc : memref<!tpu.dma_semaphore, #tpu.memory_space<semaphore_mem>>
      %dma_start3A_53 = arith.constant 0 : i32
      %dma_start3A_54 = arith.constant 0 : i32
      %dma_start3A_55 = tpu.memref_slice %arg4[%arg1, %dma_start3A_53, %dma_start3A_54] : memref<16x158x128xi32, #tpu.memory_space<hbm>> -> memref<1x158x128xi32, #tpu.memory_space<hbm>>
      %dma_start3A_56 = tpu.memref_squeeze %dma_start3A_55 : memref<1x158x128xi32, #tpu.memory_space<hbm>> -> memref<158x128xi32, #tpu.memory_space<hbm>>
      %dma_start3A_57 = arith.constant 0 : i32
      %dma_start3A_58 = arith.constant 0 : i32
      %dma_start3A_59 = tpu.memref_slice %arg4[%arg1, %dma_start3A_57, %dma_start3A_58] : memref<16x158x128xi32, #tpu.memory_space<hbm>> -> memref<1x158x128xi32, #tpu.memory_space<hbm>>
      %dma_start3A_60 = tpu.memref_squeeze %dma_start3A_59 : memref<1x158x128xi32, #tpu.memory_space<hbm>> -> memref<158x128xi32, #tpu.memory_space<hbm>>
      tpu.enqueue_dma source(%dma_start3A_60 : memref<158x128xi32, #tpu.memory_space<hbm>>) target(%arg8 : memref<158x128xi32, #tpu.memory_space<vmem>>) target_semaphore(%run_scoped3A : memref<!tpu.dma_semaphore, #tpu.memory_space<semaphore_mem>>)
      %dma_wait3A = arith.constant 0 : i32
      %dma_wait3A_61 = arith.constant 0 : i32
      %dma_wait3A_62 = tpu.memref_slice %arg4[%arg1, %dma_wait3A, %dma_wait3A_61] : memref<16x158x128xi32, #tpu.memory_space<hbm>> -> memref<1x158x128xi32, #tpu.memory_space<hbm>>
      %dma_wait3A_63 = tpu.memref_squeeze %dma_wait3A_62 : memref<1x158x128xi32, #tpu.memory_space<hbm>> -> memref<158x128xi32, #tpu.memory_space<hbm>>
      %dma_wait3A_64 = arith.constant 0 : i32
      %dma_wait3A_65 = arith.constant 0 : i32
      %dma_wait3A_66 = tpu.memref_slice %arg4[%arg1, %dma_wait3A_64, %dma_wait3A_65] : memref<16x158x128xi32, #tpu.memory_space<hbm>> -> memref<1x158x128xi32, #tpu.memory_space<hbm>>
      %dma_wait3A_67 = tpu.memref_squeeze %dma_wait3A_66 : memref<1x158x128xi32, #tpu.memory_space<hbm>> -> memref<158x128xi32, #tpu.memory_space<hbm>>
      tpu.wait_dma2 semaphore(%run_scoped3A : memref<!tpu.dma_semaphore, #tpu.memory_space<semaphore_mem>>) src(%dma_wait3A_67 : memref<158x128xi32, #tpu.memory_space<hbm>>) dst(%arg8 : memref<158x128xi32, #tpu.memory_space<vmem>>)
      tpu.yield
    }) : () -> ()
    %iota3A = tpu.iota {dimensions = array<i32: 0>} : vector<16xi32>
    %scan3A = arith.constant 0 : i32
    %scan3A_12 = arith.constant 158 : i32
    %scan3A_13 = arith.addi %scan3A, %scan3A_12 : i32
    %scan3A_14 = arith.constant 1 : i32
    scf.for %scan3A_53 = %scan3A to %scan3A_13 step %scan3A_14  : i32 {
      %scan3A_54 = arith.constant 0 : i32
      %scan3A_55 = arith.constant 8 : i32
      %scan3A_56 = arith.addi %scan3A_54, %scan3A_55 : i32
      %scan3A_57 = arith.constant 1 : i32
      scf.for %scan3A_59 = %scan3A_54 to %scan3A_56 step %scan3A_57  : i32 {
        %mul3A_60 = arith.constant 16 : i32
        %mul3A_61 = arith.muli %scan3A_59, %mul3A_60 : i32
        %get3A = arith.index_cast %scan3A_53 : i32 to index
        %get3A_62 = arith.index_cast %mul3A_61 : i32 to index
        %get3A_63 = tpu.vector_load %arg8[%get3A, %get3A_62] {strides = array<i32>} : memref<158x128xi32, #tpu.memory_space<vmem>>, vector<1x16xi32>,
        %get3A_64 = vector.shape_cast %get3A_63 : vector<1x16xi32> to vector<16xi32>
        %sub3A = vector.broadcast %mul3A_2 : i32 to vector<16xi32>
        %sub3A_65 = arith.subi %get3A_64, %sub3A : vector<16xi32>
        %lt3A = arith.constant 0 : i32
        %lt3A_66 = vector.broadcast %lt3A : i32 to vector<16xi32>
        %lt3A_67 = arith.cmpi slt, %sub3A_65, %lt3A_66 : vector<16xi32>
        %ge3A = arith.constant 5120 : i32
        %ge3A_68 = vector.broadcast %ge3A : i32 to vector<16xi32>
        %ge3A_69 = arith.cmpi sge, %sub3A_65, %ge3A_68 : vector<16xi32>
        %or3A = arith.ori %lt3A_67, %ge3A_69 : vector<16xi1>
        %and3A = arith.constant 7 : i32
        %and3A_70 = arith.andi %scan3A_59, %and3A : i32
        %mul3A_71 = arith.constant 16 : i32
        %mul3A_72 = arith.muli %and3A_70, %mul3A_71 : i32
        %add3A_73 = arith.constant 5120 : i32
        %add3A_74 = arith.addi %add3A_73, %mul3A_72 : i32
        %add3A_75 = vector.broadcast %add3A_74 : i32 to vector<16xi32>
        %add3A_76 = arith.addi %add3A_75, %iota3A : vector<16xi32>
        %select_n3A = arith.select %or3A, %add3A_76, %sub3A_65 : vector<16xi1>, vector<16xi32>
        %mul3A_77 = arith.constant 16 : i32
        %mul3A_78 = arith.muli %scan3A_59, %mul3A_77 : i32
        %swap3A = arith.index_cast %scan3A_53 : i32 to index
        %swap3A_79 = arith.index_cast %mul3A_78 : i32 to index
        %swap3A_80 = tpu.vector_load %arg8[%swap3A, %swap3A_79] {strides = array<i32>} : memref<158x128xi32, #tpu.memory_space<vmem>>, vector<1x16xi32>,
        %swap3A_81 = vector.shape_cast %swap3A_80 : vector<1x16xi32> to vector<16xi32>
        %swap3A_82 = vector.shape_cast %select_n3A : vector<16xi32> to vector<1x16xi32>
        tpu.vector_store %arg8[%swap3A, %swap3A_79], %swap3A_82 {strides = array<i32>} : memref<158x128xi32, #tpu.memory_space<vmem>>, vector<1x16xi32>,
      }
      %scan3A_58 = arith.constant 8 : i32
    }
    %scan3A_15 = arith.constant 158 : i32
    %barrier3A = arith.constant 0 : index
    tpu.barrier barrier_id(%barrier3A)
    %dma_start3A = arith.constant 0 : i32
    %dma_start3A_16 = arith.constant 0 : i32
    %dma_start3A_17 = tpu.memref_slice %arg7[%dma_start3A, %dma_start3A_16] : memref<158x128xi32, #tpu.memory_space<vmem>> -> memref<1x128xi32, #tpu.memory_space<vmem>>
    %dma_start3A_18 = tpu.memref_squeeze %dma_start3A_17 : memref<1x128xi32, #tpu.memory_space<vmem>> -> memref<128xi32, #tpu.memory_space<vmem>>
    %dma_start3A_19 = arith.constant 0 : i32
    %dma_start3A_20 = arith.constant 0 : i32
    %dma_start3A_21 = tpu.memref_slice %arg2[%dma_start3A_19, %dma_start3A_20] : memref<10240x128xf32, #tpu.memory_space<hbm>> -> memref<10240x128xf32, #tpu.memory_space<hbm>>
    tpu.enqueue_indirect_dma source(%dma_start3A_21 : memref<10240x128xf32, #tpu.memory_space<hbm>>) target(%arg9 : memref<128x128xf32, #tpu.memory_space<vmem>>) offsets(%dma_start3A_18 : memref<128xi32, #tpu.memory_space<vmem>>) semaphore(%arg12 : memref<!tpu.dma_semaphore, #tpu.memory_space<semaphore_mem>>)
    %scan3A_22 = arith.constant 0 : i32
    %scan3A_23 = arith.constant 79 : i32
    %scan3A_24 = arith.addi %scan3A_22, %scan3A_23 : i32
    %scan3A_25 = arith.constant 1 : i32
    scf.for %scan3A_53 = %scan3A_22 to %scan3A_24 step %scan3A_25  : i32 {
      %mul3A_54 = arith.constant 2 : i32
      %mul3A_55 = arith.muli %mul3A_54, %scan3A_53 : i32
      %add3A_56 = arith.constant 1 : i32
      %add3A_57 = arith.addi %mul3A_55, %add3A_56 : i32
      %dma_start3A_58 = arith.constant 0 : i32
      %dma_start3A_59 = tpu.memref_slice %arg7[%add3A_57, %dma_start3A_58] : memref<158x128xi32, #tpu.memory_space<vmem>> -> memref<1x128xi32, #tpu.memory_space<vmem>>
      %dma_start3A_60 = tpu.memref_squeeze %dma_start3A_59 : memref<1x128xi32, #tpu.memory_space<vmem>> -> memref<128xi32, #tpu.memory_space<vmem>>
      %dma_start3A_61 = arith.constant 0 : i32
      %dma_start3A_62 = arith.constant 0 : i32
      %dma_start3A_63 = tpu.memref_slice %arg2[%dma_start3A_61, %dma_start3A_62] : memref<10240x128xf32, #tpu.memory_space<hbm>> -> memref<10240x128xf32, #tpu.memory_space<hbm>>
      tpu.enqueue_indirect_dma source(%dma_start3A_63 : memref<10240x128xf32, #tpu.memory_space<hbm>>) target(%arg10 : memref<128x128xf32, #tpu.memory_space<vmem>>) offsets(%dma_start3A_60 : memref<128xi32, #tpu.memory_space<vmem>>) semaphore(%arg13 : memref<!tpu.dma_semaphore, #tpu.memory_space<semaphore_mem>>)
      %dma_wait3A = arith.constant 0 : i32
      %dma_wait3A_64 = tpu.memref_slice %arg7[%mul3A_55, %dma_wait3A] : memref<158x128xi32, #tpu.memory_space<vmem>> -> memref<1x128xi32, #tpu.memory_space<vmem>>
      %dma_wait3A_65 = tpu.memref_squeeze %dma_wait3A_64 : memref<1x128xi32, #tpu.memory_space<vmem>> -> memref<128xi32, #tpu.memory_space<vmem>>
      %dma_wait3A_66 = arith.constant 0 : i32
      %dma_wait3A_67 = arith.constant 0 : i32
      %dma_wait3A_68 = tpu.memref_slice %arg2[%dma_wait3A_66, %dma_wait3A_67] : memref<10240x128xf32, #tpu.memory_space<hbm>> -> memref<10240x128xf32, #tpu.memory_space<hbm>>
      tpu.wait_indirect_dma semaphore(%arg12 : memref<!tpu.dma_semaphore, #tpu.memory_space<semaphore_mem>>) src(%dma_wait3A_68 : memref<10240x128xf32, #tpu.memory_space<hbm>>) dst(%arg9 : memref<128x128xf32, #tpu.memory_space<vmem>>)
      "tpu.region"() ({
        %run_scoped3A = tpu.sem_alloc : memref<!tpu.dma_semaphore, #tpu.memory_space<semaphore_mem>>
        %dma_start3A_79 = arith.constant 0 : i32
        %dma_start3A_80 = tpu.memref_slice %arg8[%mul3A_55, %dma_start3A_79] : memref<158x128xi32, #tpu.memory_space<vmem>> -> memref<1x128xi32, #tpu.memory_space<vmem>>
        %dma_start3A_81 = tpu.memref_squeeze %dma_start3A_80 : memref<1x128xi32, #tpu.memory_space<vmem>> -> memref<128xi32, #tpu.memory_space<vmem>>
        %dma_start3A_82 = arith.constant 0 : i32
        %dma_start3A_83 = arith.constant 0 : i32
        %dma_start3A_84 = tpu.memref_slice %arg11[%dma_start3A_82, %dma_start3A_83] : memref<5248x128xf32, #tpu.memory_space<vmem_shared>> -> memref<5248x128xf32, #tpu.memory_space<vmem_shared>>
        tpu.enqueue_indirect_dma source(%arg9 : memref<128x128xf32, #tpu.memory_space<vmem>>) target(%dma_start3A_84 : memref<5248x128xf32, #tpu.memory_space<vmem_shared>>) offsets(%dma_start3A_81 : memref<128xi32, #tpu.memory_space<vmem>>) semaphore(%run_scoped3A : memref<!tpu.dma_semaphore, #tpu.memory_space<semaphore_mem>>) {add = true}
        %dma_wait3A_85 = arith.constant 0 : i32
        %dma_wait3A_86 = tpu.memref_slice %arg8[%mul3A_55, %dma_wait3A_85] : memref<158x128xi32, #tpu.memory_space<vmem>> -> memref<1x128xi32, #tpu.memory_space<vmem>>
        %dma_wait3A_87 = tpu.memref_squeeze %dma_wait3A_86 : memref<1x128xi32, #tpu.memory_space<vmem>> -> memref<128xi32, #tpu.memory_space<vmem>>
        %dma_wait3A_88 = arith.constant 0 : i32
        %dma_wait3A_89 = arith.constant 0 : i32
        %dma_wait3A_90 = tpu.memref_slice %arg11[%dma_wait3A_88, %dma_wait3A_89] : memref<5248x128xf32, #tpu.memory_space<vmem_shared>> -> memref<5248x128xf32, #tpu.memory_space<vmem_shared>>
        tpu.wait_indirect_dma semaphore(%run_scoped3A : memref<!tpu.dma_semaphore, #tpu.memory_space<semaphore_mem>>) src(%arg9 : memref<128x128xf32, #tpu.memory_space<vmem>>) dst(%dma_wait3A_90 : memref<5248x128xf32, #tpu.memory_space<vmem_shared>>)
        tpu.yield
      }) : () -> ()
      %add3A_69 = arith.constant 2 : i32
      %add3A_70 = arith.addi %mul3A_55, %add3A_69 : i32
      %lt3A = arith.constant 158 : i32
      %lt3A_71 = arith.cmpi slt, %add3A_70, %lt3A : i32
      %convert_element_type3A = arith.extui %lt3A_71 : i1 to i32
      %cond3A = arith.constant 0 : i32
      %cond3A_72 = arith.cmpi ne, %convert_element_type3A, %cond3A : i32
      scf.if %cond3A_72 {
        %add3A_79 = arith.constant 2 : i32
        %add3A_80 = arith.addi %mul3A_55, %add3A_79 : i32
        %dma_start3A_81 = arith.constant 0 : i32
        %dma_start3A_82 = tpu.memref_slice %arg7[%add3A_80, %dma_start3A_81] : memref<158x128xi32, #tpu.memory_space<vmem>> -> memref<1x128xi32, #tpu.memory_space<vmem>>
        %dma_start3A_83 = tpu.memref_squeeze %dma_start3A_82 : memref<1x128xi32, #tpu.memory_space<vmem>> -> memref<128xi32, #tpu.memory_space<vmem>>
        %dma_start3A_84 = arith.constant 0 : i32
        %dma_start3A_85 = arith.constant 0 : i32
        %dma_start3A_86 = tpu.memref_slice %arg2[%dma_start3A_84, %dma_start3A_85] : memref<10240x128xf32, #tpu.memory_space<hbm>> -> memref<10240x128xf32, #tpu.memory_space<hbm>>
        tpu.enqueue_indirect_dma source(%dma_start3A_86 : memref<10240x128xf32, #tpu.memory_space<hbm>>) target(%arg9 : memref<128x128xf32, #tpu.memory_space<vmem>>) offsets(%dma_start3A_83 : memref<128xi32, #tpu.memory_space<vmem>>) semaphore(%arg12 : memref<!tpu.dma_semaphore, #tpu.memory_space<semaphore_mem>>)
      } else {
      }
      %dma_wait3A_73 = arith.constant 0 : i32
      %dma_wait3A_74 = tpu.memref_slice %arg7[%add3A_57, %dma_wait3A_73] : memref<158x128xi32, #tpu.memory_space<vmem>> -> memref<1x128xi32, #tpu.memory_space<vmem>>
      %dma_wait3A_75 = tpu.memref_squeeze %dma_wait3A_74 : memref<1x128xi32, #tpu.memory_space<vmem>> -> memref<128xi32, #tpu.memory_space<vmem>>
      %dma_wait3A_76 = arith.constant 0 : i32
      %dma_wait3A_77 = arith.constant 0 : i32
      %dma_wait3A_78 = tpu.memref_slice %arg2[%dma_wait3A_76, %dma_wait3A_77] : memref<10240x128xf32, #tpu.memory_space<hbm>> -> memref<10240x128xf32, #tpu.memory_space<hbm>>
      tpu.wait_indirect_dma semaphore(%arg13 : memref<!tpu.dma_semaphore, #tpu.memory_space<semaphore_mem>>) src(%dma_wait3A_78 : memref<10240x128xf32, #tpu.memory_space<hbm>>) dst(%arg10 : memref<128x128xf32, #tpu.memory_space<vmem>>)
      "tpu.region"() ({
        %run_scoped3A = tpu.sem_alloc : memref<!tpu.dma_semaphore, #tpu.memory_space<semaphore_mem>>
        %dma_start3A_79 = arith.constant 0 : i32
        %dma_start3A_80 = tpu.memref_slice %arg8[%add3A_57, %dma_start3A_79] : memref<158x128xi32, #tpu.memory_space<vmem>> -> memref<1x128xi32, #tpu.memory_space<vmem>>
        %dma_start3A_81 = tpu.memref_squeeze %dma_start3A_80 : memref<1x128xi32, #tpu.memory_space<vmem>> -> memref<128xi32, #tpu.memory_space<vmem>>
        %dma_start3A_82 = arith.constant 0 : i32
        %dma_start3A_83 = arith.constant 0 : i32
        %dma_start3A_84 = tpu.memref_slice %arg11[%dma_start3A_82, %dma_start3A_83] : memref<5248x128xf32, #tpu.memory_space<vmem_shared>> -> memref<5248x128xf32, #tpu.memory_space<vmem_shared>>
        tpu.enqueue_indirect_dma source(%arg10 : memref<128x128xf32, #tpu.memory_space<vmem>>) target(%dma_start3A_84 : memref<5248x128xf32, #tpu.memory_space<vmem_shared>>) offsets(%dma_start3A_81 : memref<128xi32, #tpu.memory_space<vmem>>) semaphore(%run_scoped3A : memref<!tpu.dma_semaphore, #tpu.memory_space<semaphore_mem>>) {add = true}
        %dma_wait3A_85 = arith.constant 0 : i32
        %dma_wait3A_86 = tpu.memref_slice %arg8[%add3A_57, %dma_wait3A_85] : memref<158x128xi32, #tpu.memory_space<vmem>> -> memref<1x128xi32, #tpu.memory_space<vmem>>
        %dma_wait3A_87 = tpu.memref_squeeze %dma_wait3A_86 : memref<1x128xi32, #tpu.memory_space<vmem>> -> memref<128xi32, #tpu.memory_space<vmem>>
        %dma_wait3A_88 = arith.constant 0 : i32
        %dma_wait3A_89 = arith.constant 0 : i32
        %dma_wait3A_90 = tpu.memref_slice %arg11[%dma_wait3A_88, %dma_wait3A_89] : memref<5248x128xf32, #tpu.memory_space<vmem_shared>> -> memref<5248x128xf32, #tpu.memory_space<vmem_shared>>
        tpu.wait_indirect_dma semaphore(%run_scoped3A : memref<!tpu.dma_semaphore, #tpu.memory_space<semaphore_mem>>) src(%arg10 : memref<128x128xf32, #tpu.memory_space<vmem>>) dst(%dma_wait3A_90 : memref<5248x128xf32, #tpu.memory_space<vmem_shared>>)
        tpu.yield
      }) : () -> ()
    }
    %scan3A_26 = arith.constant 79 : i32
    %barrier3A_27 = arith.constant 0 : index
    tpu.barrier barrier_id(%barrier3A_27)
    %add3A_28 = arith.constant 0 : i32
    %add3A_29 = arith.addi %mul3A_0, %add3A_28 : i32
    "tpu.region"() ({
      %run_scoped3A = tpu.sem_alloc : memref<!tpu.dma_semaphore, #tpu.memory_space<semaphore_mem>>
      %dma_start3A_53 = arith.constant 0 : i32
      %dma_start3A_54 = arith.constant 0 : i32
      %dma_start3A_55 = tpu.memref_slice %arg9[%dma_start3A_53, %dma_start3A_54] : memref<128x128xf32, #tpu.memory_space<vmem>> -> memref<64x128xf32, #tpu.memory_space<vmem>>
      %dma_start3A_56 = arith.constant 0 : i32
      %dma_start3A_57 = tpu.memref_slice %arg11[%add3A_29, %dma_start3A_56] : memref<5248x128xf32, #tpu.memory_space<vmem_shared>> -> memref<64x128xf32, #tpu.memory_space<vmem_shared>>
      %dma_start3A_58 = arith.constant 0 : i32
      %dma_start3A_59 = arith.constant 0 : i32
      %dma_start3A_60 = tpu.memref_slice %arg9[%dma_start3A_58, %dma_start3A_59] : memref<128x128xf32, #tpu.memory_space<vmem>> -> memref<64x128xf32, #tpu.memory_space<vmem>>
      %dma_start3A_61 = arith.constant 0 : i32
      %dma_start3A_62 = tpu.memref_slice %arg11[%add3A_29, %dma_start3A_61] : memref<5248x128xf32, #tpu.memory_space<vmem_shared>> -> memref<64x128xf32, #tpu.memory_space<vmem_shared>>
      tpu.enqueue_dma source(%dma_start3A_62 : memref<64x128xf32, #tpu.memory_space<vmem_shared>>) target(%dma_start3A_60 : memref<64x128xf32, #tpu.memory_space<vmem>>) target_semaphore(%run_scoped3A : memref<!tpu.dma_semaphore, #tpu.memory_space<semaphore_mem>>)
      %dma_wait3A = arith.constant 0 : i32
      %dma_wait3A_63 = arith.constant 0 : i32
      %dma_wait3A_64 = tpu.memref_slice %arg9[%dma_wait3A, %dma_wait3A_63] : memref<128x128xf32, #tpu.memory_space<vmem>> -> memref<64x128xf32, #tpu.memory_space<vmem>>
      %dma_wait3A_65 = arith.constant 0 : i32
      %dma_wait3A_66 = tpu.memref_slice %arg11[%add3A_29, %dma_wait3A_65] : memref<5248x128xf32, #tpu.memory_space<vmem_shared>> -> memref<64x128xf32, #tpu.memory_space<vmem_shared>>
      %dma_wait3A_67 = arith.constant 0 : i32
      %dma_wait3A_68 = arith.constant 0 : i32
      %dma_wait3A_69 = tpu.memref_slice %arg9[%dma_wait3A_67, %dma_wait3A_68] : memref<128x128xf32, #tpu.memory_space<vmem>> -> memref<64x128xf32, #tpu.memory_space<vmem>>
      %dma_wait3A_70 = arith.constant 0 : i32
      %dma_wait3A_71 = tpu.memref_slice %arg11[%add3A_29, %dma_wait3A_70] : memref<5248x128xf32, #tpu.memory_space<vmem_shared>> -> memref<64x128xf32, #tpu.memory_space<vmem_shared>>
      tpu.wait_dma2 semaphore(%run_scoped3A : memref<!tpu.dma_semaphore, #tpu.memory_space<semaphore_mem>>) src(%dma_wait3A_71 : memref<64x128xf32, #tpu.memory_space<vmem_shared>>) dst(%dma_wait3A_69 : memref<64x128xf32, #tpu.memory_space<vmem>>)
      tpu.yield
    }) : () -> ()
    %add3A_30 = arith.addi %mul3A_2, %mul3A_0 : i32
    %add3A_31 = arith.constant 0 : i32
    %add3A_32 = arith.addi %add3A_30, %add3A_31 : i32
    "tpu.region"() ({
      %run_scoped3A = tpu.sem_alloc : memref<!tpu.dma_semaphore, #tpu.memory_space<semaphore_mem>>
      %dma_start3A_53 = arith.constant 0 : i32
      %dma_start3A_54 = arith.constant 0 : i32
      %dma_start3A_55 = tpu.memref_slice %arg9[%dma_start3A_53, %dma_start3A_54] : memref<128x128xf32, #tpu.memory_space<vmem>> -> memref<64x128xf32, #tpu.memory_space<vmem>>
      %dma_start3A_56 = arith.constant 0 : i32
      %dma_start3A_57 = tpu.memref_slice %arg6[%add3A_32, %dma_start3A_56] : memref<10240x128xf32, #tpu.memory_space<hbm>> -> memref<64x128xf32, #tpu.memory_space<hbm>>
      %dma_start3A_58 = arith.constant 0 : i32
      %dma_start3A_59 = tpu.memref_slice %arg6[%add3A_32, %dma_start3A_58] : memref<10240x128xf32, #tpu.memory_space<hbm>> -> memref<64x128xf32, #tpu.memory_space<hbm>>
      %dma_start3A_60 = arith.constant 0 : i32
      %dma_start3A_61 = arith.constant 0 : i32
      %dma_start3A_62 = tpu.memref_slice %arg9[%dma_start3A_60, %dma_start3A_61] : memref<128x128xf32, #tpu.memory_space<vmem>> -> memref<64x128xf32, #tpu.memory_space<vmem>>
      tpu.enqueue_dma source(%dma_start3A_62 : memref<64x128xf32, #tpu.memory_space<vmem>>) target(%dma_start3A_59 : memref<64x128xf32, #tpu.memory_space<hbm>>) target_semaphore(%run_scoped3A : memref<!tpu.dma_semaphore, #tpu.memory_space<semaphore_mem>>)
      %dma_wait3A = arith.constant 0 : i32
      %dma_wait3A_63 = arith.constant 0 : i32
      %dma_wait3A_64 = tpu.memref_slice %arg9[%dma_wait3A, %dma_wait3A_63] : memref<128x128xf32, #tpu.memory_space<vmem>> -> memref<64x128xf32, #tpu.memory_space<vmem>>
      %dma_wait3A_65 = arith.constant 0 : i32
      %dma_wait3A_66 = tpu.memref_slice %arg6[%add3A_32, %dma_wait3A_65] : memref<10240x128xf32, #tpu.memory_space<hbm>> -> memref<64x128xf32, #tpu.memory_space<hbm>>
      %dma_wait3A_67 = arith.constant 0 : i32
      %dma_wait3A_68 = tpu.memref_slice %arg6[%add3A_32, %dma_wait3A_67] : memref<10240x128xf32, #tpu.memory_space<hbm>> -> memref<64x128xf32, #tpu.memory_space<hbm>>
      %dma_wait3A_69 = arith.constant 0 : i32
      %dma_wait3A_70 = arith.constant 0 : i32
      %dma_wait3A_71 = tpu.memref_slice %arg9[%dma_wait3A_69, %dma_wait3A_70] : memref<128x128xf32, #tpu.memory_space<vmem>> -> memref<64x128xf32, #tpu.memory_space<vmem>>
      tpu.wait_dma2 semaphore(%run_scoped3A : memref<!tpu.dma_semaphore, #tpu.memory_space<semaphore_mem>>) src(%dma_wait3A_71 : memref<64x128xf32, #tpu.memory_space<vmem>>) dst(%dma_wait3A_68 : memref<64x128xf32, #tpu.memory_space<hbm>>)
      tpu.yield
    }) : () -> ()
    %add3A_33 = arith.constant 64 : i32
    %add3A_34 = arith.addi %mul3A_0, %add3A_33 : i32
    "tpu.region"() ({
      %run_scoped3A = tpu.sem_alloc : memref<!tpu.dma_semaphore, #tpu.memory_space<semaphore_mem>>
      %dma_start3A_53 = arith.constant 0 : i32
      %dma_start3A_54 = arith.constant 0 : i32
      %dma_start3A_55 = tpu.memref_slice %arg9[%dma_start3A_53, %dma_start3A_54] : memref<128x128xf32, #tpu.memory_space<vmem>> -> memref<64x128xf32, #tpu.memory_space<vmem>>
      %dma_start3A_56 = arith.constant 0 : i32
      %dma_start3A_57 = tpu.memref_slice %arg11[%add3A_34, %dma_start3A_56] : memref<5248x128xf32, #tpu.memory_space<vmem_shared>> -> memref<64x128xf32, #tpu.memory_space<vmem_shared>>
      %dma_start3A_58 = arith.constant 0 : i32
      %dma_start3A_59 = arith.constant 0 : i32
      %dma_start3A_60 = tpu.memref_slice %arg9[%dma_start3A_58, %dma_start3A_59] : memref<128x128xf32, #tpu.memory_space<vmem>> -> memref<64x128xf32, #tpu.memory_space<vmem>>
      %dma_start3A_61 = arith.constant 0 : i32
      %dma_start3A_62 = tpu.memref_slice %arg11[%add3A_34, %dma_start3A_61] : memref<5248x128xf32, #tpu.memory_space<vmem_shared>> -> memref<64x128xf32, #tpu.memory_space<vmem_shared>>
      tpu.enqueue_dma source(%dma_start3A_62 : memref<64x128xf32, #tpu.memory_space<vmem_shared>>) target(%dma_start3A_60 : memref<64x128xf32, #tpu.memory_space<vmem>>) target_semaphore(%run_scoped3A : memref<!tpu.dma_semaphore, #tpu.memory_space<semaphore_mem>>)
      %dma_wait3A = arith.constant 0 : i32
      %dma_wait3A_63 = arith.constant 0 : i32
      %dma_wait3A_64 = tpu.memref_slice %arg9[%dma_wait3A, %dma_wait3A_63] : memref<128x128xf32, #tpu.memory_space<vmem>> -> memref<64x128xf32, #tpu.memory_space<vmem>>
      %dma_wait3A_65 = arith.constant 0 : i32
      %dma_wait3A_66 = tpu.memref_slice %arg11[%add3A_34, %dma_wait3A_65] : memref<5248x128xf32, #tpu.memory_space<vmem_shared>> -> memref<64x128xf32, #tpu.memory_space<vmem_shared>>
      %dma_wait3A_67 = arith.constant 0 : i32
      %dma_wait3A_68 = arith.constant 0 : i32
      %dma_wait3A_69 = tpu.memref_slice %arg9[%dma_wait3A_67, %dma_wait3A_68] : memref<128x128xf32, #tpu.memory_space<vmem>> -> memref<64x128xf32, #tpu.memory_space<vmem>>
      %dma_wait3A_70 = arith.constant 0 : i32
      %dma_wait3A_71 = tpu.memref_slice %arg11[%add3A_34, %dma_wait3A_70] : memref<5248x128xf32, #tpu.memory_space<vmem_shared>> -> memref<64x128xf32, #tpu.memory_space<vmem_shared>>
      tpu.wait_dma2 semaphore(%run_scoped3A : memref<!tpu.dma_semaphore, #tpu.memory_space<semaphore_mem>>) src(%dma_wait3A_71 : memref<64x128xf32, #tpu.memory_space<vmem_shared>>) dst(%dma_wait3A_69 : memref<64x128xf32, #tpu.memory_space<vmem>>)
      tpu.yield
    }) : () -> ()
    %add3A_35 = arith.addi %mul3A_2, %mul3A_0 : i32
    %add3A_36 = arith.constant 64 : i32
    %add3A_37 = arith.addi %add3A_35, %add3A_36 : i32
    "tpu.region"() ({
      %run_scoped3A = tpu.sem_alloc : memref<!tpu.dma_semaphore, #tpu.memory_space<semaphore_mem>>
      %dma_start3A_53 = arith.constant 0 : i32
      %dma_start3A_54 = arith.constant 0 : i32
      %dma_start3A_55 = tpu.memref_slice %arg9[%dma_start3A_53, %dma_start3A_54] : memref<128x128xf32, #tpu.memory_space<vmem>> -> memref<64x128xf32, #tpu.memory_space<vmem>>
      %dma_start3A_56 = arith.constant 0 : i32
      %dma_start3A_57 = tpu.memref_slice %arg6[%add3A_37, %dma_start3A_56] : memref<10240x128xf32, #tpu.memory_space<hbm>> -> memref<64x128xf32, #tpu.memory_space<hbm>>
      %dma_start3A_58 = arith.constant 0 : i32
      %dma_start3A_59 = tpu.memref_slice %arg6[%add3A_37, %dma_start3A_58] : memref<10240x128xf32, #tpu.memory_space<hbm>> -> memref<64x128xf32, #tpu.memory_space<hbm>>
      %dma_start3A_60 = arith.constant 0 : i32
      %dma_start3A_61 = arith.constant 0 : i32
      %dma_start3A_62 = tpu.memref_slice %arg9[%dma_start3A_60, %dma_start3A_61] : memref<128x128xf32, #tpu.memory_space<vmem>> -> memref<64x128xf32, #tpu.memory_space<vmem>>
      tpu.enqueue_dma source(%dma_start3A_62 : memref<64x128xf32, #tpu.memory_space<vmem>>) target(%dma_start3A_59 : memref<64x128xf32, #tpu.memory_space<hbm>>) target_semaphore(%run_scoped3A : memref<!tpu.dma_semaphore, #tpu.memory_space<semaphore_mem>>)
      %dma_wait3A = arith.constant 0 : i32
      %dma_wait3A_63 = arith.constant 0 : i32
      %dma_wait3A_64 = tpu.memref_slice %arg9[%dma_wait3A, %dma_wait3A_63] : memref<128x128xf32, #tpu.memory_space<vmem>> -> memref<64x128xf32, #tpu.memory_space<vmem>>
      %dma_wait3A_65 = arith.constant 0 : i32
      %dma_wait3A_66 = tpu.memref_slice %arg6[%add3A_37, %dma_wait3A_65] : memref<10240x128xf32, #tpu.memory_space<hbm>> -> memref<64x128xf32, #tpu.memory_space<hbm>>
      %dma_wait3A_67 = arith.constant 0 : i32
      %dma_wait3A_68 = tpu.memref_slice %arg6[%add3A_37, %dma_wait3A_67] : memref<10240x128xf32, #tpu.memory_space<hbm>> -> memref<64x128xf32, #tpu.memory_space<hbm>>
      %dma_wait3A_69 = arith.constant 0 : i32
      %dma_wait3A_70 = arith.constant 0 : i32
      %dma_wait3A_71 = tpu.memref_slice %arg9[%dma_wait3A_69, %dma_wait3A_70] : memref<128x128xf32, #tpu.memory_space<vmem>> -> memref<64x128xf32, #tpu.memory_space<vmem>>
      tpu.wait_dma2 semaphore(%run_scoped3A : memref<!tpu.dma_semaphore, #tpu.memory_space<semaphore_mem>>) src(%dma_wait3A_71 : memref<64x128xf32, #tpu.memory_space<vmem>>) dst(%dma_wait3A_68 : memref<64x128xf32, #tpu.memory_space<hbm>>)
      tpu.yield
    }) : () -> ()
    %add3A_38 = arith.constant 128 : i32
    %add3A_39 = arith.addi %mul3A_0, %add3A_38 : i32
    "tpu.region"() ({
      %run_scoped3A = tpu.sem_alloc : memref<!tpu.dma_semaphore, #tpu.memory_space<semaphore_mem>>
      %dma_start3A_53 = arith.constant 0 : i32
      %dma_start3A_54 = arith.constant 0 : i32
      %dma_start3A_55 = tpu.memref_slice %arg9[%dma_start3A_53, %dma_start3A_54] : memref<128x128xf32, #tpu.memory_space<vmem>> -> memref<64x128xf32, #tpu.memory_space<vmem>>
      %dma_start3A_56 = arith.constant 0 : i32
      %dma_start3A_57 = tpu.memref_slice %arg11[%add3A_39, %dma_start3A_56] : memref<5248x128xf32, #tpu.memory_space<vmem_shared>> -> memref<64x128xf32, #tpu.memory_space<vmem_shared>>
      %dma_start3A_58 = arith.constant 0 : i32
      %dma_start3A_59 = arith.constant 0 : i32
      %dma_start3A_60 = tpu.memref_slice %arg9[%dma_start3A_58, %dma_start3A_59] : memref<128x128xf32, #tpu.memory_space<vmem>> -> memref<64x128xf32, #tpu.memory_space<vmem>>
      %dma_start3A_61 = arith.constant 0 : i32
      %dma_start3A_62 = tpu.memref_slice %arg11[%add3A_39, %dma_start3A_61] : memref<5248x128xf32, #tpu.memory_space<vmem_shared>> -> memref<64x128xf32, #tpu.memory_space<vmem_shared>>
      tpu.enqueue_dma source(%dma_start3A_62 : memref<64x128xf32, #tpu.memory_space<vmem_shared>>) target(%dma_start3A_60 : memref<64x128xf32, #tpu.memory_space<vmem>>) target_semaphore(%run_scoped3A : memref<!tpu.dma_semaphore, #tpu.memory_space<semaphore_mem>>)
      %dma_wait3A = arith.constant 0 : i32
      %dma_wait3A_63 = arith.constant 0 : i32
      %dma_wait3A_64 = tpu.memref_slice %arg9[%dma_wait3A, %dma_wait3A_63] : memref<128x128xf32, #tpu.memory_space<vmem>> -> memref<64x128xf32, #tpu.memory_space<vmem>>
      %dma_wait3A_65 = arith.constant 0 : i32
      %dma_wait3A_66 = tpu.memref_slice %arg11[%add3A_39, %dma_wait3A_65] : memref<5248x128xf32, #tpu.memory_space<vmem_shared>> -> memref<64x128xf32, #tpu.memory_space<vmem_shared>>
      %dma_wait3A_67 = arith.constant 0 : i32
      %dma_wait3A_68 = arith.constant 0 : i32
      %dma_wait3A_69 = tpu.memref_slice %arg9[%dma_wait3A_67, %dma_wait3A_68] : memref<128x128xf32, #tpu.memory_space<vmem>> -> memref<64x128xf32, #tpu.memory_space<vmem>>
      %dma_wait3A_70 = arith.constant 0 : i32
      %dma_wait3A_71 = tpu.memref_slice %arg11[%add3A_39, %dma_wait3A_70] : memref<5248x128xf32, #tpu.memory_space<vmem_shared>> -> memref<64x128xf32, #tpu.memory_space<vmem_shared>>
      tpu.wait_dma2 semaphore(%run_scoped3A : memref<!tpu.dma_semaphore, #tpu.memory_space<semaphore_mem>>) src(%dma_wait3A_71 : memref<64x128xf32, #tpu.memory_space<vmem_shared>>) dst(%dma_wait3A_69 : memref<64x128xf32, #tpu.memory_space<vmem>>)
      tpu.yield
    }) : () -> ()
    %add3A_40 = arith.addi %mul3A_2, %mul3A_0 : i32
    %add3A_41 = arith.constant 128 : i32
    %add3A_42 = arith.addi %add3A_40, %add3A_41 : i32
    "tpu.region"() ({
      %run_scoped3A = tpu.sem_alloc : memref<!tpu.dma_semaphore, #tpu.memory_space<semaphore_mem>>
      %dma_start3A_53 = arith.constant 0 : i32
      %dma_start3A_54 = arith.constant 0 : i32
      %dma_start3A_55 = tpu.memref_slice %arg9[%dma_start3A_53, %dma_start3A_54] : memref<128x128xf32, #tpu.memory_space<vmem>> -> memref<64x128xf32, #tpu.memory_space<vmem>>
      %dma_start3A_56 = arith.constant 0 : i32
      %dma_start3A_57 = tpu.memref_slice %arg6[%add3A_42, %dma_start3A_56] : memref<10240x128xf32, #tpu.memory_space<hbm>> -> memref<64x128xf32, #tpu.memory_space<hbm>>
      %dma_start3A_58 = arith.constant 0 : i32
      %dma_start3A_59 = tpu.memref_slice %arg6[%add3A_42, %dma_start3A_58] : memref<10240x128xf32, #tpu.memory_space<hbm>> -> memref<64x128xf32, #tpu.memory_space<hbm>>
      %dma_start3A_60 = arith.constant 0 : i32
      %dma_start3A_61 = arith.constant 0 : i32
      %dma_start3A_62 = tpu.memref_slice %arg9[%dma_start3A_60, %dma_start3A_61] : memref<128x128xf32, #tpu.memory_space<vmem>> -> memref<64x128xf32, #tpu.memory_space<vmem>>
      tpu.enqueue_dma source(%dma_start3A_62 : memref<64x128xf32, #tpu.memory_space<vmem>>) target(%dma_start3A_59 : memref<64x128xf32, #tpu.memory_space<hbm>>) target_semaphore(%run_scoped3A : memref<!tpu.dma_semaphore, #tpu.memory_space<semaphore_mem>>)
      %dma_wait3A = arith.constant 0 : i32
      %dma_wait3A_63 = arith.constant 0 : i32
      %dma_wait3A_64 = tpu.memref_slice %arg9[%dma_wait3A, %dma_wait3A_63] : memref<128x128xf32, #tpu.memory_space<vmem>> -> memref<64x128xf32, #tpu.memory_space<vmem>>
      %dma_wait3A_65 = arith.constant 0 : i32
      %dma_wait3A_66 = tpu.memref_slice %arg6[%add3A_42, %dma_wait3A_65] : memref<10240x128xf32, #tpu.memory_space<hbm>> -> memref<64x128xf32, #tpu.memory_space<hbm>>
      %dma_wait3A_67 = arith.constant 0 : i32
      %dma_wait3A_68 = tpu.memref_slice %arg6[%add3A_42, %dma_wait3A_67] : memref<10240x128xf32, #tpu.memory_space<hbm>> -> memref<64x128xf32, #tpu.memory_space<hbm>>
      %dma_wait3A_69 = arith.constant 0 : i32
      %dma_wait3A_70 = arith.constant 0 : i32
      %dma_wait3A_71 = tpu.memref_slice %arg9[%dma_wait3A_69, %dma_wait3A_70] : memref<128x128xf32, #tpu.memory_space<vmem>> -> memref<64x128xf32, #tpu.memory_space<vmem>>
      tpu.wait_dma2 semaphore(%run_scoped3A : memref<!tpu.dma_semaphore, #tpu.memory_space<semaphore_mem>>) src(%dma_wait3A_71 : memref<64x128xf32, #tpu.memory_space<vmem>>) dst(%dma_wait3A_68 : memref<64x128xf32, #tpu.memory_space<hbm>>)
      tpu.yield
    }) : () -> ()
    %add3A_43 = arith.constant 192 : i32
    %add3A_44 = arith.addi %mul3A_0, %add3A_43 : i32
    "tpu.region"() ({
      %run_scoped3A = tpu.sem_alloc : memref<!tpu.dma_semaphore, #tpu.memory_space<semaphore_mem>>
      %dma_start3A_53 = arith.constant 0 : i32
      %dma_start3A_54 = arith.constant 0 : i32
      %dma_start3A_55 = tpu.memref_slice %arg9[%dma_start3A_53, %dma_start3A_54] : memref<128x128xf32, #tpu.memory_space<vmem>> -> memref<64x128xf32, #tpu.memory_space<vmem>>
      %dma_start3A_56 = arith.constant 0 : i32
      %dma_start3A_57 = tpu.memref_slice %arg11[%add3A_44, %dma_start3A_56] : memref<5248x128xf32, #tpu.memory_space<vmem_shared>> -> memref<64x128xf32, #tpu.memory_space<vmem_shared>>
      %dma_start3A_58 = arith.constant 0 : i32
      %dma_start3A_59 = arith.constant 0 : i32
      %dma_start3A_60 = tpu.memref_slice %arg9[%dma_start3A_58, %dma_start3A_59] : memref<128x128xf32, #tpu.memory_space<vmem>> -> memref<64x128xf32, #tpu.memory_space<vmem>>
      %dma_start3A_61 = arith.constant 0 : i32
      %dma_start3A_62 = tpu.memref_slice %arg11[%add3A_44, %dma_start3A_61] : memref<5248x128xf32, #tpu.memory_space<vmem_shared>> -> memref<64x128xf32, #tpu.memory_space<vmem_shared>>
      tpu.enqueue_dma source(%dma_start3A_62 : memref<64x128xf32, #tpu.memory_space<vmem_shared>>) target(%dma_start3A_60 : memref<64x128xf32, #tpu.memory_space<vmem>>) target_semaphore(%run_scoped3A : memref<!tpu.dma_semaphore, #tpu.memory_space<semaphore_mem>>)
      %dma_wait3A = arith.constant 0 : i32
      %dma_wait3A_63 = arith.constant 0 : i32
      %dma_wait3A_64 = tpu.memref_slice %arg9[%dma_wait3A, %dma_wait3A_63] : memref<128x128xf32, #tpu.memory_space<vmem>> -> memref<64x128xf32, #tpu.memory_space<vmem>>
      %dma_wait3A_65 = arith.constant 0 : i32
      %dma_wait3A_66 = tpu.memref_slice %arg11[%add3A_44, %dma_wait3A_65] : memref<5248x128xf32, #tpu.memory_space<vmem_shared>> -> memref<64x128xf32, #tpu.memory_space<vmem_shared>>
      %dma_wait3A_67 = arith.constant 0 : i32
      %dma_wait3A_68 = arith.constant 0 : i32
      %dma_wait3A_69 = tpu.memref_slice %arg9[%dma_wait3A_67, %dma_wait3A_68] : memref<128x128xf32, #tpu.memory_space<vmem>> -> memref<64x128xf32, #tpu.memory_space<vmem>>
      %dma_wait3A_70 = arith.constant 0 : i32
      %dma_wait3A_71 = tpu.memref_slice %arg11[%add3A_44, %dma_wait3A_70] : memref<5248x128xf32, #tpu.memory_space<vmem_shared>> -> memref<64x128xf32, #tpu.memory_space<vmem_shared>>
      tpu.wait_dma2 semaphore(%run_scoped3A : memref<!tpu.dma_semaphore, #tpu.memory_space<semaphore_mem>>) src(%dma_wait3A_71 : memref<64x128xf32, #tpu.memory_space<vmem_shared>>) dst(%dma_wait3A_69 : memref<64x128xf32, #tpu.memory_space<vmem>>)
      tpu.yield
    }) : () -> ()
    %add3A_45 = arith.addi %mul3A_2, %mul3A_0 : i32
    %add3A_46 = arith.constant 192 : i32
    %add3A_47 = arith.addi %add3A_45, %add3A_46 : i32
    "tpu.region"() ({
      %run_scoped3A = tpu.sem_alloc : memref<!tpu.dma_semaphore, #tpu.memory_space<semaphore_mem>>
      %dma_start3A_53 = arith.constant 0 : i32
      %dma_start3A_54 = arith.constant 0 : i32
      %dma_start3A_55 = tpu.memref_slice %arg9[%dma_start3A_53, %dma_start3A_54] : memref<128x128xf32, #tpu.memory_space<vmem>> -> memref<64x128xf32, #tpu.memory_space<vmem>>
      %dma_start3A_56 = arith.constant 0 : i32
      %dma_start3A_57 = tpu.memref_slice %arg6[%add3A_47, %dma_start3A_56] : memref<10240x128xf32, #tpu.memory_space<hbm>> -> memref<64x128xf32, #tpu.memory_space<hbm>>
      %dma_start3A_58 = arith.constant 0 : i32
      %dma_start3A_59 = tpu.memref_slice %arg6[%add3A_47, %dma_start3A_58] : memref<10240x128xf32, #tpu.memory_space<hbm>> -> memref<64x128xf32, #tpu.memory_space<hbm>>
      %dma_start3A_60 = arith.constant 0 : i32
      %dma_start3A_61 = arith.constant 0 : i32
      %dma_start3A_62 = tpu.memref_slice %arg9[%dma_start3A_60, %dma_start3A_61] : memref<128x128xf32, #tpu.memory_space<vmem>> -> memref<64x128xf32, #tpu.memory_space<vmem>>
      tpu.enqueue_dma source(%dma_start3A_62 : memref<64x128xf32, #tpu.memory_space<vmem>>) target(%dma_start3A_59 : memref<64x128xf32, #tpu.memory_space<hbm>>) target_semaphore(%run_scoped3A : memref<!tpu.dma_semaphore, #tpu.memory_space<semaphore_mem>>)
      %dma_wait3A = arith.constant 0 : i32
      %dma_wait3A_63 = arith.constant 0 : i32
      %dma_wait3A_64 = tpu.memref_slice %arg9[%dma_wait3A, %dma_wait3A_63] : memref<128x128xf32, #tpu.memory_space<vmem>> -> memref<64x128xf32, #tpu.memory_space<vmem>>
      %dma_wait3A_65 = arith.constant 0 : i32
      %dma_wait3A_66 = tpu.memref_slice %arg6[%add3A_47, %dma_wait3A_65] : memref<10240x128xf32, #tpu.memory_space<hbm>> -> memref<64x128xf32, #tpu.memory_space<hbm>>
      %dma_wait3A_67 = arith.constant 0 : i32
      %dma_wait3A_68 = tpu.memref_slice %arg6[%add3A_47, %dma_wait3A_67] : memref<10240x128xf32, #tpu.memory_space<hbm>> -> memref<64x128xf32, #tpu.memory_space<hbm>>
      %dma_wait3A_69 = arith.constant 0 : i32
      %dma_wait3A_70 = arith.constant 0 : i32
      %dma_wait3A_71 = tpu.memref_slice %arg9[%dma_wait3A_69, %dma_wait3A_70] : memref<128x128xf32, #tpu.memory_space<vmem>> -> memref<64x128xf32, #tpu.memory_space<vmem>>
      tpu.wait_dma2 semaphore(%run_scoped3A : memref<!tpu.dma_semaphore, #tpu.memory_space<semaphore_mem>>) src(%dma_wait3A_71 : memref<64x128xf32, #tpu.memory_space<vmem>>) dst(%dma_wait3A_68 : memref<64x128xf32, #tpu.memory_space<hbm>>)
      tpu.yield
    }) : () -> ()
    %add3A_48 = arith.constant 256 : i32
    %add3A_49 = arith.addi %mul3A_0, %add3A_48 : i32
    "tpu.region"() ({
      %run_scoped3A = tpu.sem_alloc : memref<!tpu.dma_semaphore, #tpu.memory_space<semaphore_mem>>
      %dma_start3A_53 = arith.constant 0 : i32
      %dma_start3A_54 = arith.constant 0 : i32
      %dma_start3A_55 = tpu.memref_slice %arg9[%dma_start3A_53, %dma_start3A_54] : memref<128x128xf32, #tpu.memory_space<vmem>> -> memref<64x128xf32, #tpu.memory_space<vmem>>
      %dma_start3A_56 = arith.constant 0 : i32
      %dma_start3A_57 = tpu.memref_slice %arg11[%add3A_49, %dma_start3A_56] : memref<5248x128xf32, #tpu.memory_space<vmem_shared>> -> memref<64x128xf32, #tpu.memory_space<vmem_shared>>
      %dma_start3A_58 = arith.constant 0 : i32
      %dma_start3A_59 = arith.constant 0 : i32
      %dma_start3A_60 = tpu.memref_slice %arg9[%dma_start3A_58, %dma_start3A_59] : memref<128x128xf32, #tpu.memory_space<vmem>> -> memref<64x128xf32, #tpu.memory_space<vmem>>
      %dma_start3A_61 = arith.constant 0 : i32
      %dma_start3A_62 = tpu.memref_slice %arg11[%add3A_49, %dma_start3A_61] : memref<5248x128xf32, #tpu.memory_space<vmem_shared>> -> memref<64x128xf32, #tpu.memory_space<vmem_shared>>
      tpu.enqueue_dma source(%dma_start3A_62 : memref<64x128xf32, #tpu.memory_space<vmem_shared>>) target(%dma_start3A_60 : memref<64x128xf32, #tpu.memory_space<vmem>>) target_semaphore(%run_scoped3A : memref<!tpu.dma_semaphore, #tpu.memory_space<semaphore_mem>>)
      %dma_wait3A = arith.constant 0 : i32
      %dma_wait3A_63 = arith.constant 0 : i32
      %dma_wait3A_64 = tpu.memref_slice %arg9[%dma_wait3A, %dma_wait3A_63] : memref<128x128xf32, #tpu.memory_space<vmem>> -> memref<64x128xf32, #tpu.memory_space<vmem>>
      %dma_wait3A_65 = arith.constant 0 : i32
      %dma_wait3A_66 = tpu.memref_slice %arg11[%add3A_49, %dma_wait3A_65] : memref<5248x128xf32, #tpu.memory_space<vmem_shared>> -> memref<64x128xf32, #tpu.memory_space<vmem_shared>>
      %dma_wait3A_67 = arith.constant 0 : i32
      %dma_wait3A_68 = arith.constant 0 : i32
      %dma_wait3A_69 = tpu.memref_slice %arg9[%dma_wait3A_67, %dma_wait3A_68] : memref<128x128xf32, #tpu.memory_space<vmem>> -> memref<64x128xf32, #tpu.memory_space<vmem>>
      %dma_wait3A_70 = arith.constant 0 : i32
      %dma_wait3A_71 = tpu.memref_slice %arg11[%add3A_49, %dma_wait3A_70] : memref<5248x128xf32, #tpu.memory_space<vmem_shared>> -> memref<64x128xf32, #tpu.memory_space<vmem_shared>>
      tpu.wait_dma2 semaphore(%run_scoped3A : memref<!tpu.dma_semaphore, #tpu.memory_space<semaphore_mem>>) src(%dma_wait3A_71 : memref<64x128xf32, #tpu.memory_space<vmem_shared>>) dst(%dma_wait3A_69 : memref<64x128xf32, #tpu.memory_space<vmem>>)
      tpu.yield
    }) : () -> ()
    %add3A_50 = arith.addi %mul3A_2, %mul3A_0 : i32
    %add3A_51 = arith.constant 256 : i32
    %add3A_52 = arith.addi %add3A_50, %add3A_51 : i32
    "tpu.region"() ({
      %run_scoped3A = tpu.sem_alloc : memref<!tpu.dma_semaphore, #tpu.memory_space<semaphore_mem>>
      %dma_start3A_53 = arith.constant 0 : i32
      %dma_start3A_54 = arith.constant 0 : i32
      %dma_start3A_55 = tpu.memref_slice %arg9[%dma_start3A_53, %dma_start3A_54] : memref<128x128xf32, #tpu.memory_space<vmem>> -> memref<64x128xf32, #tpu.memory_space<vmem>>
      %dma_start3A_56 = arith.constant 0 : i32
      %dma_start3A_57 = tpu.memref_slice %arg6[%add3A_52, %dma_start3A_56] : memref<10240x128xf32, #tpu.memory_space<hbm>> -> memref<64x128xf32, #tpu.memory_space<hbm>>
      %dma_start3A_58 = arith.constant 0 : i32
      %dma_start3A_59 = tpu.memref_slice %arg6[%add3A_52, %dma_start3A_58] : memref<10240x128xf32, #tpu.memory_space<hbm>> -> memref<64x128xf32, #tpu.memory_space<hbm>>
      %dma_start3A_60 = arith.constant 0 : i32
      %dma_start3A_61 = arith.constant 0 : i32
      %dma_start3A_62 = tpu.memref_slice %arg9[%dma_start3A_60, %dma_start3A_61] : memref<128x128xf32, #tpu.memory_space<vmem>> -> memref<64x128xf32, #tpu.memory_space<vmem>>
      tpu.enqueue_dma source(%dma_start3A_62 : memref<64x128xf32, #tpu.memory_space<vmem>>) target(%dma_start3A_59 : memref<64x128xf32, #tpu.memory_space<hbm>>) target_semaphore(%run_scoped3A : memref<!tpu.dma_semaphore, #tpu.memory_space<semaphore_mem>>)
      %dma_wait3A = arith.constant 0 : i32
      %dma_wait3A_63 = arith.constant 0 : i32
      %dma_wait3A_64 = tpu.memref_slice %arg9[%dma_wait3A, %dma_wait3A_63] : memref<128x128xf32, #tpu.memory_space<vmem>> -> memref<64x128xf32, #tpu.memory_space<vmem>>
      %dma_wait3A_65 = arith.constant 0 : i32
      %dma_wait3A_66 = tpu.memref_slice %arg6[%add3A_52, %dma_wait3A_65] : memref<10240x128xf32, #tpu.memory_space<hbm>> -> memref<64x128xf32, #tpu.memory_space<hbm>>
      %dma_wait3A_67 = arith.constant 0 : i32
      %dma_wait3A_68 = tpu.memref_slice %arg6[%add3A_52, %dma_wait3A_67] : memref<10240x128xf32, #tpu.memory_space<hbm>> -> memref<64x128xf32, #tpu.memory_space<hbm>>
      %dma_wait3A_69 = arith.constant 0 : i32
      %dma_wait3A_70 = arith.constant 0 : i32
      %dma_wait3A_71 = tpu.memref_slice %arg9[%dma_wait3A_69, %dma_wait3A_70] : memref<128x128xf32, #tpu.memory_space<vmem>> -> memref<64x128xf32, #tpu.memory_space<vmem>>
      tpu.wait_dma2 semaphore(%run_scoped3A : memref<!tpu.dma_semaphore, #tpu.memory_space<semaphore_mem>>) src(%dma_wait3A_71 : memref<64x128xf32, #tpu.memory_space<vmem>>) dst(%dma_wait3A_68 : memref<64x128xf32, #tpu.memory_space<hbm>>)
      tpu.yield
    }) : () -> ()
    return
  }
}

module attributes {stable_mosaic.version = 14 : i64} {
  func.func @_mm0_body(%arg0: i32, %arg1: memref<512x256xf32, #tpu.memory_space<vmem>>, %arg2: memref<256x128xf32, #tpu.memory_space<vmem>>, %arg3: memref<512x16xf32, #tpu.memory_space<vmem>>, %arg4: memref<512x128xf32, #tpu.memory_space<vmem>>, %arg5: memref<512x1xf32, #tpu.memory_space<vmem>>) attributes {dimension_semantics = [#tpu.dimension_semantics<arbitrary>], iteration_bounds = array<i64: 20>, scalar_prefetch = 0 : i64, scratch_operands = 0 : i64, tpu.core_type = #tpu.core_type<tc>, window_params = [{transform_indices = @transform_0, window_bounds = array<i64: 512, 256>}, {pipeline_mode = #tpu.pipeline_mode<synchronous>, transform_indices = @transform_1, window_bounds = array<i64: 256, 128>}, {transform_indices = @transform_2, window_bounds = array<i64: 512, 16>}, {transform_indices = @transform_3, window_bounds = array<i64: 512, 128>}, {transform_indices = @transform_4, window_bounds = array<i64: 512, 1>}]} {
    %get3A = arith.constant 0 : index
    %get3A_0 = arith.constant 0 : index
    %get3A_1 = vector.load %arg3[%get3A, %get3A_0] : memref<512x16xf32, #tpu.memory_space<vmem>>, vector<512x16xf32>
    %slice3A = vector.extract_strided_slice %get3A_1 {offsets = [0, 0], sizes = [512, 1], strides = [1, 1]} : vector<512x16xf32> to vector<512x1xf32>
    %add3A = arith.constant 1.000000e+00 : f32
    %add3A_2 = vector.broadcast %add3A : f32 to vector<512x1xf32>
    %add3A_3 = arith.addf %slice3A, %add3A_2 : vector<512x1xf32>
    %rsqrt3A = math.rsqrt %add3A_3 : vector<512x1xf32>
    %get3A_4 = arith.constant 0 : index
    %get3A_5 = arith.constant 0 : index
    %get3A_6 = vector.load %arg1[%get3A_4, %get3A_5] : memref<512x256xf32, #tpu.memory_space<vmem>>, vector<512x256xf32>
    %get3A_7 = arith.constant 0 : index
    %get3A_8 = arith.constant 0 : index
    %get3A_9 = vector.load %arg2[%get3A_7, %get3A_8] : memref<256x128xf32, #tpu.memory_space<vmem>>, vector<256x128xf32>
    %dot_general3A = arith.constant dense<0.000000e+00> : vector<512x128xf32>
    %dot_general3A_10 = tpu.matmul %get3A_6, %get3A_9, %dot_general3A {dimension_numbers = #tpu.dot_dimension_numbers<[1], [0], [0], [1], [0, 0, 1, 1], [], []>, transpose_lhs_hint = false} : vector<512x256xf32>, vector<256x128xf32>, vector<512x128xf32> -> vector<512x128xf32>
    %mul3A = vector.broadcast %rsqrt3A : vector<512x1xf32> to vector<512x128xf32>
    %mul3A_11 = arith.mulf %dot_general3A_10, %mul3A : vector<512x128xf32>
    %swap3A = arith.constant 0 : index
    %swap3A_12 = arith.constant 0 : index
    %swap3A_13 = vector.load %arg4[%swap3A, %swap3A_12] : memref<512x128xf32, #tpu.memory_space<vmem>>, vector<512x128xf32>
    tpu.vector_store %arg4[%swap3A, %swap3A_12], %mul3A_11 {strides = array<i32>} : memref<512x128xf32, #tpu.memory_space<vmem>>, vector<512x128xf32>,
    %swap3A_14 = arith.constant 0 : index
    %swap3A_15 = arith.constant 0 : index
    %swap3A_16 = vector.load %arg5[%swap3A_14, %swap3A_15] : memref<512x1xf32, #tpu.memory_space<vmem>>, vector<512x1xf32>
    tpu.vector_store %arg5[%swap3A_14, %swap3A_15], %rsqrt3A {strides = array<i32>} : memref<512x1xf32, #tpu.memory_space<vmem>>, vector<512x1xf32>,
    return
  }
  func.func @transform_0(%arg0: i32) -> (i32, i32) {
    %c0_i32 = arith.constant 0 : i32
    %c0_i32_0 = arith.constant 0 : i32
    return %arg0, %c0_i32 : i32, i32
  }
  func.func @transform_1(%arg0: i32) -> (i32, i32) {
    %c0_i32 = arith.constant 0 : i32
    %c0_i32_0 = arith.constant 0 : i32
    %c0_i32_1 = arith.constant 0 : i32
    return %c0_i32, %c0_i32_0 : i32, i32
  }
  func.func @transform_2(%arg0: i32) -> (i32, i32) {
    %c0_i32 = arith.constant 0 : i32
    %c0_i32_0 = arith.constant 0 : i32
    return %arg0, %c0_i32 : i32, i32
  }
  func.func @transform_3(%arg0: i32) -> (i32, i32) {
    %c0_i32 = arith.constant 0 : i32
    %c0_i32_0 = arith.constant 0 : i32
    return %arg0, %c0_i32 : i32, i32
  }
  func.func @transform_4(%arg0: i32) -> (i32, i32) {
    %c0_i32 = arith.constant 0 : i32
    %c0_i32_0 = arith.constant 0 : i32
    return %arg0, %c0_i32 : i32, i32
  }
}

module attributes {stable_mosaic.version = 14 : i64} {
  func.func @_layer_body(%arg0: i32, %arg1: memref<512x128xf32, #tpu.memory_space<vmem>>, %arg2: memref<512x128xf32, #tpu.memory_space<vmem>>, %arg3: memref<512x1xf32, #tpu.memory_space<vmem>>, %arg4: memref<1x128xf32, #tpu.memory_space<vmem>>, %arg5: memref<128x128xf32, #tpu.memory_space<vmem>>, %arg6: memref<512x128xf32, #tpu.memory_space<vmem>>) attributes {dimension_semantics = [#tpu.dimension_semantics<arbitrary>], iteration_bounds = array<i64: 20>, scalar_prefetch = 0 : i64, scratch_operands = 0 : i64, tpu.core_type = #tpu.core_type<tc>, window_params = [{transform_indices = @transform_0, window_bounds = array<i64: 512, 128>}, {transform_indices = @transform_1, window_bounds = array<i64: 512, 128>}, {transform_indices = @transform_2, window_bounds = array<i64: 512, 1>}, {pipeline_mode = #tpu.pipeline_mode<synchronous>, transform_indices = @transform_3, window_bounds = array<i64: 1, 128>}, {pipeline_mode = #tpu.pipeline_mode<synchronous>, transform_indices = @transform_4, window_bounds = array<i64: 128, 128>}, {transform_indices = @transform_5, window_bounds = array<i64: 512, 128>}]} {
    %get3A = arith.constant 0 : index
    %get3A_0 = arith.constant 0 : index
    %get3A_1 = vector.load %arg1[%get3A, %get3A_0] : memref<512x128xf32, #tpu.memory_space<vmem>>, vector<512x128xf32>
    %get3A_2 = arith.constant 0 : index
    %get3A_3 = arith.constant 0 : index
    %get3A_4 = vector.load %arg2[%get3A_2, %get3A_3] : memref<512x128xf32, #tpu.memory_space<vmem>>, vector<512x128xf32>
    %add3A = arith.addf %get3A_1, %get3A_4 : vector<512x128xf32>
    %get3A_5 = arith.constant 0 : index
    %get3A_6 = arith.constant 0 : index
    %get3A_7 = vector.load %arg3[%get3A_5, %get3A_6] : memref<512x1xf32, #tpu.memory_space<vmem>>, vector<512x1xf32>
    %mul3A = vector.broadcast %get3A_7 : vector<512x1xf32> to vector<512x128xf32>
    %mul3A_8 = arith.mulf %add3A, %mul3A : vector<512x128xf32>
    %get3A_9 = arith.constant 0 : index
    %get3A_10 = arith.constant 0 : index
    %get3A_11 = vector.load %arg4[%get3A_9, %get3A_10] : memref<1x128xf32, #tpu.memory_space<vmem>>, vector<1x128xf32>
    %add3A_12 = vector.broadcast %get3A_11 : vector<1x128xf32> to vector<512x128xf32>
    %add3A_13 = arith.addf %mul3A_8, %add3A_12 : vector<512x128xf32>
    %max3A = arith.constant 0.000000e+00 : f32
    %max3A_14 = vector.broadcast %max3A : f32 to vector<512x128xf32>
    %max3A_15 = arith.maximumf %add3A_13, %max3A_14 : vector<512x128xf32>
    %get3A_16 = arith.constant 0 : index
    %get3A_17 = arith.constant 0 : index
    %get3A_18 = vector.load %arg5[%get3A_16, %get3A_17] : memref<128x128xf32, #tpu.memory_space<vmem>>, vector<128x128xf32>
    %dot_general3A = arith.constant dense<0.000000e+00> : vector<512x128xf32>
    %dot_general3A_19 = tpu.matmul %max3A_15, %get3A_18, %dot_general3A {dimension_numbers = #tpu.dot_dimension_numbers<[1], [0], [0], [1], [0, 0, 1, 1], [], []>, transpose_lhs_hint = false} : vector<512x128xf32>, vector<128x128xf32>, vector<512x128xf32> -> vector<512x128xf32>
    %mul3A_20 = vector.broadcast %get3A_7 : vector<512x1xf32> to vector<512x128xf32>
    %mul3A_21 = arith.mulf %dot_general3A_19, %mul3A_20 : vector<512x128xf32>
    %swap3A = arith.constant 0 : index
    %swap3A_22 = arith.constant 0 : index
    %swap3A_23 = vector.load %arg6[%swap3A, %swap3A_22] : memref<512x128xf32, #tpu.memory_space<vmem>>, vector<512x128xf32>
    tpu.vector_store %arg6[%swap3A, %swap3A_22], %mul3A_21 {strides = array<i32>} : memref<512x128xf32, #tpu.memory_space<vmem>>, vector<512x128xf32>,
    return
  }
  func.func @transform_0(%arg0: i32) -> (i32, i32) {
    %c0_i32 = arith.constant 0 : i32
    %c0_i32_0 = arith.constant 0 : i32
    return %arg0, %c0_i32 : i32, i32
  }
  func.func @transform_1(%arg0: i32) -> (i32, i32) {
    %c0_i32 = arith.constant 0 : i32
    %c0_i32_0 = arith.constant 0 : i32
    return %arg0, %c0_i32 : i32, i32
  }
  func.func @transform_2(%arg0: i32) -> (i32, i32) {
    %c0_i32 = arith.constant 0 : i32
    %c0_i32_0 = arith.constant 0 : i32
    return %arg0, %c0_i32 : i32, i32
  }
  func.func @transform_3(%arg0: i32) -> (i32, i32) {
    %c0_i32 = arith.constant 0 : i32
    %c0_i32_0 = arith.constant 0 : i32
    %c0_i32_1 = arith.constant 0 : i32
    return %c0_i32, %c0_i32_0 : i32, i32
  }
  func.func @transform_4(%arg0: i32) -> (i32, i32) {
    %c0_i32 = arith.constant 0 : i32
    %c0_i32_0 = arith.constant 0 : i32
    %c0_i32_1 = arith.constant 0 : i32
    return %c0_i32, %c0_i32_0 : i32, i32
  }
  func.func @transform_5(%arg0: i32) -> (i32, i32) {
    %c0_i32 = arith.constant 0 : i32
    %c0_i32_0 = arith.constant 0 : i32
    return %arg0, %c0_i32 : i32, i32
  }
}

module attributes {stable_mosaic.version = 14 : i64} {
  func.func @_final_body(%arg0: i32, %arg1: memref<512x128xf32, #tpu.memory_space<vmem>>, %arg2: memref<512x128xf32, #tpu.memory_space<vmem>>, %arg3: memref<512x1xf32, #tpu.memory_space<vmem>>, %arg4: memref<1x128xf32, #tpu.memory_space<vmem>>, %arg5: memref<512x128xf32, #tpu.memory_space<vmem>>) attributes {dimension_semantics = [#tpu.dimension_semantics<arbitrary>], iteration_bounds = array<i64: 20>, scalar_prefetch = 0 : i64, scratch_operands = 0 : i64, tpu.core_type = #tpu.core_type<tc>, window_params = [{transform_indices = @transform_0, window_bounds = array<i64: 512, 128>}, {transform_indices = @transform_1, window_bounds = array<i64: 512, 128>}, {transform_indices = @transform_2, window_bounds = array<i64: 512, 1>}, {pipeline_mode = #tpu.pipeline_mode<synchronous>, transform_indices = @transform_3, window_bounds = array<i64: 1, 128>}, {transform_indices = @transform_4, window_bounds = array<i64: 512, 128>}]} {
    %get3A = arith.constant 0 : index
    %get3A_0 = arith.constant 0 : index
    %get3A_1 = vector.load %arg1[%get3A, %get3A_0] : memref<512x128xf32, #tpu.memory_space<vmem>>, vector<512x128xf32>
    %get3A_2 = arith.constant 0 : index
    %get3A_3 = arith.constant 0 : index
    %get3A_4 = vector.load %arg2[%get3A_2, %get3A_3] : memref<512x128xf32, #tpu.memory_space<vmem>>, vector<512x128xf32>
    %add3A = arith.addf %get3A_1, %get3A_4 : vector<512x128xf32>
    %get3A_5 = arith.constant 0 : index
    %get3A_6 = arith.constant 0 : index
    %get3A_7 = vector.load %arg3[%get3A_5, %get3A_6] : memref<512x1xf32, #tpu.memory_space<vmem>>, vector<512x1xf32>
    %mul3A = vector.broadcast %get3A_7 : vector<512x1xf32> to vector<512x128xf32>
    %mul3A_8 = arith.mulf %add3A, %mul3A : vector<512x128xf32>
    %get3A_9 = arith.constant 0 : index
    %get3A_10 = arith.constant 0 : index
    %get3A_11 = vector.load %arg4[%get3A_9, %get3A_10] : memref<1x128xf32, #tpu.memory_space<vmem>>, vector<1x128xf32>
    %add3A_12 = vector.broadcast %get3A_11 : vector<1x128xf32> to vector<512x128xf32>
    %add3A_13 = arith.addf %mul3A_8, %add3A_12 : vector<512x128xf32>
    %max3A = arith.constant 0.000000e+00 : f32
    %max3A_14 = vector.broadcast %max3A : f32 to vector<512x128xf32>
    %max3A_15 = arith.maximumf %add3A_13, %max3A_14 : vector<512x128xf32>
    %swap3A = arith.constant 0 : index
    %swap3A_16 = arith.constant 0 : index
    %swap3A_17 = vector.load %arg5[%swap3A, %swap3A_16] : memref<512x128xf32, #tpu.memory_space<vmem>>, vector<512x128xf32>
    tpu.vector_store %arg5[%swap3A, %swap3A_16], %max3A_15 {strides = array<i32>} : memref<512x128xf32, #tpu.memory_space<vmem>>, vector<512x128xf32>,
    return
  }
  func.func @transform_0(%arg0: i32) -> (i32, i32) {
    %c0_i32 = arith.constant 0 : i32
    %c0_i32_0 = arith.constant 0 : i32
    return %arg0, %c0_i32 : i32, i32
  }
  func.func @transform_1(%arg0: i32) -> (i32, i32) {
    %c0_i32 = arith.constant 0 : i32
    %c0_i32_0 = arith.constant 0 : i32
    return %arg0, %c0_i32 : i32, i32
  }
  func.func @transform_2(%arg0: i32) -> (i32, i32) {
    %c0_i32 = arith.constant 0 : i32
    %c0_i32_0 = arith.constant 0 : i32
    return %arg0, %c0_i32 : i32, i32
  }
  func.func @transform_3(%arg0: i32) -> (i32, i32) {
    %c0_i32 = arith.constant 0 : i32
    %c0_i32_0 = arith.constant 0 : i32
    %c0_i32_1 = arith.constant 0 : i32
    return %c0_i32, %c0_i32_0 : i32, i32
  }
  func.func @transform_4(%arg0: i32) -> (i32, i32) {
    %c0_i32 = arith.constant 0 : i32
    %c0_i32_0 = arith.constant 0 : i32
    return %arg0, %c0_i32 : i32, i32
  }
}

</mosaic_0001>

<sc_bundles>
// kernel: kernel.10.cloned.1.call-start
scs
__scs_entry_jumppad:
0x0: {  	(pc) =	sbr.rel $0x88, $3  }
0x1: {  	(tag) =	ssettag $0x0;
	lr =	simm.s32 $0x1  }
0x2: {  	[smem:$0x3F98] =	sst lr;
	_ =	strace $0xD0000000  }
0x3: {  	_ = 	snop  }
0x4: {  	_ = 	snop  }
0x5: {  	_ = 	snop  }
0x6: {  	_ = 	snop  }
0x7: {  	_ = 	snop  }
__scs_overlays_trampoline_lowered:
0x8: {  	[smem:$0x3FA7] =	sst s0  }
0x9: {  	[smem:$0x3FA8] =	sst s1  }
0xa: {  	[smem:$0x3FA9] =	sst s2  }
0xb: {  	[smem:$0x3FAA] =	sst s3  }
0xc: {  	[smem:$0x3FAB] =	sst s4  }
0xd: {  	[smem:$0x3FAC] =	sst s5  }
0xe: {  	[smem:$0x3FAD] =	sst s6  }
0xf: {  	[smem:$0x3FAE] =	sst s7  }
0x10: {  	[smem:$0x3FAF] =	sst s8  }
0x11: {  	[smem:$0x3FB0] =	sst s9;
	s0 =	simm.s32 @!p0 $0x0  }
0x12: {  	s1 =	sld [smem:$0x3F96];
	s0 =	simm.s32 @p0 $0x1  }
0x13: {  	[smem:$0x3FB1] =	sst s0;
	s0 =	simm.s32 @!p1 $0x0  }
0x14: {  	s2 =	sld [smem:$0x3F95];
	s0 =	simm.s32 @p1 $0x1  }
0x15: {  	[smem:$0x3FB2] =	sst s0;
	s0 =	simm.s32 @!p2 $0x0  }
0x16: {  	s3 =	sld [smem:$0x3FDB];
	s0 =	simm.s32 @p2 $0x1  }
0x17: {  	s4 =	simm.s32 $0x1BF5;
	[smem:$0x3FB4] =	sst s0  }
0x18: {  	s0 =	sld [smem:$0x3F97];
	_ =	swait.ge [sflag:s4], $0x0  }
0x19: {  	s7 =	sld [smem:$0x3F98]  }
0x1a: {  	s8 =	sadd.s32 $0xFFFFE003, lr  }
0x1b: {  	s9 =	sadd.s32 $0xFFFFFEF7, lr;
	s5 =	simm.s32 $0xFFFFFFFF;
	p2 =	slt.u32 s8, $0xFFFFF086  }
0x1c: {  	p1 =	slt.u32 s9, $0xF7A;
	s5 =	simm.s32 @!p2 $0x0  }
0x1d: {  	s5 =	simm.s32 @p1 $0x1;
	p0 =	seq.s32 s7, s2  }
0x1e: {  	s7 =	smul.u32 @!p0 $0xF7A, s2;
	p2 =	seq.s32 @!p0 s5, $0x0  }
0x1f: {  	s9 =	smul.u32 $0xF7A, s1;
	s8 =	simm.s32 @!p0 $0x1BF5;
	p2 =	por !p2, p0  }
0x20: {  	[sflag:s8] =	ssyncset.s32 @!p0 $0xFFFFF086;
	s6 =	sadd.s32 @!p0 s3, s7;
	s7 =	simm.s32 @!p0 $0x108  }
0x21: {  	s3 =	sadd.s32 s3, s9;
	s6 =	sadd.s32 @!p0 $0x88, s6;
	s7 =	simm.s32 @p2 $0x1082  }
0x22: {  	[simem:s7], [sflag:s8] =	dma.local @!p0 [hbm:s6], $0xF7A  }
0x23: {  	s9 =	sor.u32 $0xD0000000, s2;
	s6 =	simm.s32 $0x108;
	_ =	swait.ge @!p0 [sflag:s8], $0x0  }
0x24: {  	s3 =	sadd.s32 $0x88, s3;
	s6 =	simm.s32 @!p1 $0x1082;
	[sflag:s4] =	ssyncset.s32 $0xFFFFF086  }
0x25: {  	[simem:s6], [sflag:s4] =	dma.local [hbm:s3], $0xF7A  }
0x26: {  	[smem:$0x3F98] =	sst s1;
	(tag) =	ssettag s2;
	_ =	strace s9  }
0x27: {  	s1 =	sld [smem:$0x3FA8]  }
0x28: {  	s2 =	sld [smem:$0x3FA9]  }
0x29: {  	s4 =	sld [smem:$0x3FAB]  }
0x2a: {  	p0 =	seq.s32 s5, $0x0;
	s5 =	sld [smem:$0x3FAC]  }
0x2b: {  	s6 =	sld [smem:$0x3FAD]  }
0x2c: {  	s7 =	sld [smem:$0x3FAE]  }
0x2d: {  	s3 =	simm.s32 $0x108;
	s8 =	sld [smem:$0x3FAF]  }
0x2e: {  	s3 =	simm.s32 @!p0 $0x1082;
	s9 =	sld [smem:$0x3FB0]  }
0x2f: {  	lr =	sadd.s32 s0, s3;
	s0 =	sld [smem:$0x3FA7]  }
0x30: {  	s3 =	sld [smem:$0x3FAA]  }
0x31: {  	[smem:$0x3FB3] =	sst s10  }
0x32: {  	s10 =	sld [smem:$0x3FB1];
	_ =	sdelay $0x3  }
0x33: {  	p0 =	seq.s32 s10, $0x1;
	s10 =	sld [smem:$0x3FB3];
	_ =	sdelay $0x3  }
0x34: {  	[smem:$0x3FB3] =	sst s10  }
0x35: {  	s10 =	sld [smem:$0x3FB2];
	_ =	sdelay $0x3  }
0x36: {  	p1 =	seq.s32 s10, $0x1;
	s10 =	sld [smem:$0x3FB3];
	_ =	sdelay $0x3  }
0x37: {  	[smem:$0x3FB3] =	sst s10  }
0x38: {  	s10 =	sld [smem:$0x3FB4]  }
0x39: {  	_ = 	snop;
	(pc) =	sbr.ind lr, $3  }
0x3a: {  	_ = 	snop  }
0x3b: {  	_ = 	snop  }
0x3c: {  	p2 =	seq.s32 s10, $0x1;
	s10 =	sld [smem:$0x3FB3]  }
0x3d: {  	_ =	shalt  }
0x3e: {  	_ =	shalt  }
0x3f: {  	_ =	shalt  }
0x40: {  	_ =	shalt  }
0x41: {  	_ =	shalt  }
0x42: {  	_ =	shalt  }
0x43: {  	_ =	shalt  }
0x44: {  	_ =	shalt  }
0x45: {  	_ =	shalt  }
0x46: {  	_ =	shalt  }
0x47: {  	_ =	shalt  }
0x48: {  	_ =	shalt  }
0x49: {  	_ =	shalt  }
0x4a: {  	_ =	shalt  }
0x4b: {  	_ =	shalt  }
0x4c: {  	_ =	shalt  }
0x4d: {  	_ =	shalt  }
0x4e: {  	_ =	shalt  }
0x4f: {  	_ =	shalt  }
0x50: {  	_ =	shalt  }
0x51: {  	_ =	shalt  }
0x52: {  	_ =	shalt  }
0x53: {  	_ =	shalt  }
0x54: {  	_ =	shalt  }
0x55: {  	_ =	shalt  }
0x56: {  	_ =	shalt  }
0x57: {  	_ =	shalt  }
0x58: {  	_ =	shalt  }
0x59: {  	_ =	shalt  }
0x5a: {  	_ =	shalt  }
0x5b: {  	_ =	shalt  }
0x5c: {  	_ =	shalt  }
0x5d: {  	_ =	shalt  }
0x5e: {  	_ =	shalt  }
0x5f: {  	_ =	shalt  }
0x60: {  	_ =	shalt  }
0x61: {  	_ =	shalt  }
0x62: {  	_ =	shalt  }
0x63: {  	_ =	shalt  }
0x64: {  	_ =	shalt  }
0x65: {  	_ =	shalt  }
0x66: {  	_ =	shalt  }
0x67: {  	_ =	shalt  }
0x68: {  	_ =	shalt  }
0x69: {  	_ =	shalt  }
0x6a: {  	_ =	shalt  }
0x6b: {  	_ =	shalt  }
0x6c: {  	_ =	shalt  }
0x6d: {  	_ =	shalt  }
0x6e: {  	_ =	shalt  }
0x6f: {  	_ =	shalt  }
0x70: {  	_ =	shalt  }
0x71: {  	_ =	shalt  }
0x72: {  	_ =	shalt  }
0x73: {  	_ =	shalt  }
0x74: {  	_ =	shalt  }
0x75: {  	_ =	shalt  }
0x76: {  	_ =	shalt  }
0x77: {  	_ =	shalt  }
0x78: {  	_ =	shalt  }
0x79: {  	_ =	shalt  }
0x7a: {  	_ =	shalt  }
0x7b: {  	_ =	shalt  }
0x7c: {  	_ =	shalt  }
0x7d: {  	_ =	shalt  }
0x7e: {  	_ =	shalt  }
0x7f: {  	_ =	shalt  }
0x80: {  	_ =	shalt  }
0x81: {  	_ =	shalt  }
0x82: {  	_ =	shalt  }
0x83: {  	_ =	shalt  }
0x84: {  	_ =	shalt  }
0x85: {  	_ =	shalt  }
0x86: {  	_ =	shalt  }
0x87: {  	_ =	shalt  }
.Lfunc_end0:
.L_simem_size_0:
called_computation_lowered:
.L_overlay_start_0:
0x88: {  	s2 =	sld [smem:$0x3FD9]  }
0x89: {  	s3 =	sld [smem:$0x3FFE];
	_ =	sdelay $0x1  }
0x8a: {  	s1 =	srdreg.scid  }
0x8b: {  	s0 =	sand.u32 $0x1, s1  }
0x8c: {  	s17 =	sshll.u32 s0, $0xA;
	s2 =	sadd.s32 s3, s2  }
0x8d: {  	s2 =	sadd.s32 s2, s17  }
0x8e: {  	[smem:$0x3FBF] =	sst s2  }
0x8f: {  	_ = 	snop  }
0x90: {  	s2 =	sld [smem:$0x3FD0];
	(tm) =	ssettm $0x1  }
0x91: {  	s18 =	sld [smem:$0x3FFB];
	_ =	sdelay $0x3  }
0x92: {  	_ =	strace s18  }
0x93: {  	s3 =	sld [smem:$0x3FFC];
	_ =	sdelay $0x3  }
0x94: {  	_ =	strace s3  }
0x95: {  	s3 =	sld [smem:$0x3FFD];
	_ =	sdelay $0x3  }
0x96: {  	_ =	strace s3  }
0x97: {  	_ =	strace $0x8FFFFFFF  }
0x98: {  	s19 =	sld [smem:$0x3FDB];
	_ =	sdelay $0x1  }
0x99: {  	s4 =	simm.s32 $_scs_section_size  }
0x9a: {  	s5 =	simm.s32 $_size__tile_overlayer_lowered;
	s6 =	simm.s32 $_tile_overlayer_lowered  }
0x9b: {  	s22 =	simm.s32 $0x1BFF;
	s21 =	sshll.u32 s6, $0x1;
	s3 =	sadd.s32 s4, s19  }
0x9c: {  	s7 =	simm.s32 $0x0;
	s20 =	sshll.u32 s5, $0x1;
	s5 =	sadd.s32 s21, s3  }
0x9d: {  	[timem:s7], [sflag:s22] =	dma.local [hbm:s5], s20  }
0x9e: {  	_ =	swait.ge [sflag:s22], s20  }
0x9f: {  	s4 =	ssub.s32 $0x0, s20;
	[sflag:s22] =	ssyncset.done $0x0  }
0xa0: {  	[sflag:s22] =	ssyncadd.s32 s4;
	_ =	sdelay $0x1  }
0xa1: {  	s23 =	simm.s32 $0x1B8B  }
0xa2: {  	_ =	swait.ge [sflag:s23], $0x1  }
0xa3: {  	[sflag:s23] =	ssyncset.done $0x0  }
0xa4: {  	s25 =	simm.s32 $0x1B8E;
	s24 =	sld [smem:$0x3FFE];
	[sflag:s23] =	ssyncadd.s32 $0xFFFFFFFF  }
0xa5: {  	s26 =	simm.s32 $execute0_lowered;
	[smem:$0x3FD2] =	sst s25  }
0xa6: {  	s5 =	sshll.u32 s26, $0x1;
	_ =	strace $0x80000046;
	[dreg:$0x1] =	wrdreg $0xFFFFFFFF  }
0xa7: {  	s28 =	simm.s32 $_size_execute0_lowered;
	s3 =	sadd.s32 s3, s5;
	[dreg:$0x0] =	wrdreg $0x0  }
0xa8: {  	s5 =	sshll.u32 s28, $0x1;
	[dreg:$0x2] =	wrdreg s3  }
0xa9: {  	[dreg:$0x3] =	wrdreg s5  }
0xaa: {  	[dreg:$0x4] =	wrdreg $0xC0  }
0xab: {  	_ =	task [dreg:s7], $0x5FFFF  }
0xac: {  	[dreg:$0x1] =	wrdreg $0xFFFFFFFF  }
0xad: {  	[dreg:$0x0] =	wrdreg $0x60  }
0xae: {  	[dreg:$0x2] =	wrdreg s2  }
0xaf: {  	[dreg:$0x3] =	wrdreg s24  }
0xb0: {  	[dreg:$0x4] =	wrdreg $0x90000  }
0xb1: {  	[dreg:$0x5] =	wrdreg $0x9  }
0xb2: {  	_ =	task.clear_ibuf [dreg:s7], $0x6FFFF;
	_ =	strace $0x90000046  }
0xb3: {  	s29 =	simm.s32 $0x9;
	_ =	strace $0x80000048  }
0xb4: {  	_ =	swait.ge [sflag:s29], $0x1  }
0xb5: {  	[sflag:s29] =	ssyncadd.s32 $0xFFFFFFFF  }
0xb6: {  	_ =	strace $0x90000048  }
0xb7: {  	_ =	sfence  }
0xb8: {  	s30 =	sld [smem:$0x0];
	_ =	sdelay $0x2  }
0xb9: {  	s31 =	sshll.u32 s1, $0xD;
	s1 =	sshrl.u32 s1, $0x2  }
0xba: {  	s3 =	sand.u32 $0x4000, s31;
	s1 =	sadd.s32 s1, s30  }
0xbb: {  	s0 =	sor.u32 s3, s0;
	s1 =	sshll.u32 s1, $0x11  }
0xbc: {  	s0 =	sor.u32 s1, s0  }
0xbd: {  	s0 =	sadd.s32 $0x8F2B, s0  }
0xbe: {  	[sflag:s0] =	ssyncadd.remote.s32 $0x1  }
0xbf: {  	_ =	sfence.sel $0xFFFF  }
0xc0: {  	[dreg:$0x0] =	wrdreg $0xFFFFFFFF;
	(pc) =	sbr.abs _section_cstart, $3  }
0xc1: {  	[dreg:$0x1] =	wrdreg $0xFFFFFFFF  }
0xc2: {  	_ =	task.clear_ibuf [dreg:s7], $0x2FFFF;
	_ =	strace $0x9FFFFFFF  }
0xc3: {  	(tm) =	ssettm $0x7FFFFFFF  }
tec
execute0_lowered:
.L_overlay_start_1:
0x0: {  	(tag) =	ssettag $0x1  }
0x1: {  	s9 =	rddreg [dreg:$0x0];
	s1 =	srdreg.scid  }
0x2: {  	s0 =	stileid.u32;
	s4 =	rddreg [dreg:$0x1]  }
0x3: {  	s2 =	rddreg [dreg:$0x2];
	s3 =	simm.s32 $0x0;
	s6 =	smul.u32 $0x140, s0  }
0x4: {  	s17 =	simm.s32 $0x1;
	s5 =	sand.u32 $0x1, s1;
	s7 =	smul.u32 $0x28000, s0  }
0x5: {  	s18 =	simm.s32 $0x80;
	s1 =	rddreg [dreg:$0x3];
	s14 =	smul.u32 $0x1400, s5  }
0x6: {  	s19 =	simm.s32 $0x0;
	[smem:$0x7FF] =	sst s3;
	s10 =	smul.u32 $0xA00, s0  }
0x7: {  	_ =	strace $0x80000047;
	s5 =	ssub.s32 $0x2, s5;
	s6 =	sadd.s32 s6, s14  }
0x8: {  	s30 =	sshrl.u32 s5, $0x1;
	s31 =	sshrl.u32 s7, $0x2;
	s6 =	sshll.u32 s6, $0x4  }
0x9: {  	s9 =	sadd.s32 s9, s10;
	s15 =	sadd.s32 s6, s4;
	s4 =	sadd.s32 s31, s2  }
0xa: {  	s16 =	ssub.s32 s5, s30;
	s5 =	sadd.s32 $0x2000, s4;
	s6 =	sadd.s32 $0x4000, s4  }
0xb: {  	s7 =	sadd.s32 $0x6000, s4;
	s8 =	sadd.s32 $0x8000, s4;
	s10 =	sadd.s32 $0x3400, s15  }
0xc: {  	v1 =	vimm.f32 $0.0e+00;
	s11 =	sadd.s32 $0x3800, s15;
	s12 =	sadd.s32 $0x3C00, s15;
	s13 =	sadd.s32 $0x4000, s15  }
0xd: {  	v2 =	vlaneseq.u32;
	v3 =	vimm.f32 $1.000000000e+00;
	v0 =	vmov s14;
	s14 =	sadd.s32 $0x4400, s15;
	s15 =	smax.u32 s16, $0x1;
	s16 =	simm.s32 $0x5000  }
.LBB2_1:
0xe: {  	s20 =	simm.s32 $0x200;
	s21 =	simm.s32 $0x0  }
.LBB2_2:
0xf: {  	p0 =	sne.s32 s20, $0xFE00;
	[tilespmem:s21+$0x5000] =	vst v1;
	s21 =	smov.u32 s20;
	s20 =	sadd.s32 $0x200, s20  }
.Ltmp0:
0x10: {  	(pc) =	sbr.rel @p0 .LBB2_2-.Ltmp0, $2  }
0x11: {  	_ =	sdelay $0x2  }
0x12: {  	s21 =	sshra.s32 s21, $0x2  }
0x13: {  	[tilespmem:s21+$0x5000] =	vst v1  }
0x14: {  	[spmem:s4] =	stream.linear.scatter [tilespmem:s16], [sflag:$0x1], $0x2000, $0x38;
	[tilespmem:$0xA480] =	vst v63  }
0x15: {  	_ =	swait.ge [sflag:s17], $0x2000  }
0x16: {  	[sflag:s17] =	ssyncset.done $0x0  }
0x17: {  	[sflag:s17] =	ssyncadd.s32 $0xFFFFE000  }
0x18: {  	[spmem:s5] =	stream.linear.scatter [tilespmem:s16], [sflag:$0x1], $0x2000, $0x38;
	[tilespmem:$0xA480] =	vst v63  }
0x19: {  	_ =	swait.ge [sflag:s17], $0x2000  }
0x1a: {  	[sflag:s17] =	ssyncset.done $0x0  }
0x1b: {  	[sflag:s17] =	ssyncadd.s32 $0xFFFFE000  }
0x1c: {  	[spmem:s6] =	stream.linear.scatter [tilespmem:s16], [sflag:$0x1], $0x2000, $0x38;
	[tilespmem:$0xA480] =	vst v63  }
0x1d: {  	_ =	swait.ge [sflag:s17], $0x2000  }
0x1e: {  	[sflag:s17] =	ssyncset.done $0x0  }
0x1f: {  	[sflag:s17] =	ssyncadd.s32 $0xFFFFE000  }
0x20: {  	[spmem:s7] =	stream.linear.scatter [tilespmem:s16], [sflag:$0x1], $0x2000, $0x38;
	[tilespmem:$0xA480] =	vst v63  }
0x21: {  	_ =	swait.ge [sflag:s17], $0x2000  }
0x22: {  	[sflag:s17] =	ssyncset.done $0x0  }
0x23: {  	[sflag:s17] =	ssyncadd.s32 $0xFFFFE000  }
0x24: {  	[spmem:s8] =	stream.linear.scatter [tilespmem:s16], [sflag:$0x1], $0x2000, $0x38;
	[tilespmem:$0xA480] =	vst v63  }
0x25: {  	_ =	swait.ge [sflag:s17], $0x2000  }
0x26: {  	[sflag:s17] =	ssyncset.done $0x0  }
0x27: {  	s20 =	simm.s32 $0x0;
	[sflag:s17] =	ssyncadd.s32 $0xFFFFE000  }
0x28: {  	[tilespmem:s20], [sflag:$0x1] =	stream.linear.gather [hbm4b:s9+s20], $0x4F00, $0x38;
	[tilespmem:$0xA480] =	vst v63  }
0x29: {  	_ =	swait.ge [sflag:s17], $0x4F00  }
0x2a: {  	[sflag:s17] =	ssyncset.done $0x0  }
0x2b: {  	s21 =	simm.s32 $0x0;
	[sflag:s17] =	ssyncadd.s32 $0xFFFFB100  }
.LBB2_4:
0x2c: {  	s23 =	simm.s32 $0x1400;
	v4 =	vld [tilespmem:s20+$0x0];
	s24 =	simm.s32 $0x1410;
	s22 =	smov.u32 s20  }
.LBB2_5:
0x2d: {  	p0 =	sne.s32 s24, $0x1470;
	_ =	sdelay $0x3  }
.Ltmp1:
0x2e: {  	v4 =	vsub.s32 v4, v0;
	(pc) =	sbr.rel @p0 .LBB2_5-.Ltmp1, $4  }
0x2f: {  	v5 =	vor.u32 s23, v2;
	s23 =	smov.u32 s24;
	vm0 =	vgt.u32 v4, $0x13FF  }
0x30: {  	v4 =	vsel vm0, v5, v4  }
0x31: {  	[tilespmem:s22+$0x0] =	vst v4;
	s22 =	sadd.s32 $0x10, s22  }
0x32: {  	s24 =	sadd.s32 $0x10, s24;
	v4 =	vld [tilespmem:s22+$0x0]  }
0x33: {  	_ = 	snop  }
0x34: {  	s21 =	sadd.s32 $0x1, s21  }
0x35: {  	p0 =	sne.s32 s21, $0x9E  }
.Ltmp2:
0x36: {  	_ = 	snop;
	(pc) =	sbr.rel @p0 .LBB2_4-.Ltmp2, $4  }
0x37: {  	v4 =	vsub.s32 v4, v0  }
0x38: {  	v5 =	vor.u32 s23, v2;
	vm0 =	vgt.u32 v4, $0x13FF  }
0x39: {  	v4 =	vsel vm0, v5, v4  }
0x3a: {  	s20 =	sadd.s32 $0x80, s20;
	[tilespmem:s22+$0x0] =	vst v4  }
0x3b: {  	s20 =	simm.s32 $0x200;
	s21 =	simm.s32 $0x0  }
.LBB2_8:
0x3c: {  	p0 =	sne.s32 s20, $0xFE00;
	[tilespmem:s21+$0x5000] =	vst v3;
	s21 =	smov.u32 s20;
	s20 =	sadd.s32 $0x200, s20  }
.Ltmp3:
0x3d: {  	(pc) =	sbr.rel @p0 .LBB2_8-.Ltmp3, $2  }
0x3e: {  	_ =	sdelay $0x2  }
0x3f: {  	s21 =	sshra.s32 s21, $0x2  }
0x40: {  	[tilespmem:s21+$0x5000] =	vst v3  }
0x41: {  	s20 =	simm.s32 $0x0;
	[bflag:$0x0] =	sbarrier.arrive $0xFFFF  }
0x42: {  	[spmem:s2] =	stream.indirect.scatter.add.f32 [tilespmem:s16], [sflag:$0x1], $0x10, s20, s18, $0xb8;
	[tilespmem:$0xA480] =	vst v63  }
0x43: {  	_ =	swait.ge [sflag:s17], $0x800  }
0x44: {  	s20 =	simm.s32 $0x200;
	[sflag:s17] =	ssyncset.done $0x0  }
.LBB2_10:
0x45: {  	s21 =	sshra.s32 s20, $0x2;
	[sflag:s17] =	ssyncadd.s32 $0xFFFFF800;
	p0 =	sne.s32 s20, $0x13A00  }
0x46: {  	[spmem:s2] =	stream.indirect.scatter.add.f32 [tilespmem:s16], [sflag:$0x1], $0x10, s21, s18, $0xb8;
	[tilespmem:$0xA480] =	vst v63  }
.Ltmp4:
0x47: {  	_ = 	snop;
	(pc) =	sbr.rel @p0 .LBB2_10-.Ltmp4, $4  }
0x48: {  	_ = 	snop  }
0x49: {  	s20 =	sadd.s32 $0x200, s20  }
0x4a: {  	_ =	swait.ge [sflag:s17], $0x800  }
0x4b: {  	[sflag:s17] =	ssyncset.done $0x0  }
0x4c: {  	[sflag:s17] =	ssyncadd.s32 $0xFFFFF800  }
0x4d: {  	[bflag:$0x0] =	sbarrier.arrive $0xFFFF  }
0x4e: {  	[tilespmem:s16], [sflag:$0x1] =	stream.linear.gather [spmem:s4], $0x2000, $0x38;
	[tilespmem:$0xA480] =	vst v63  }
0x4f: {  	_ =	swait.ge [sflag:s17], $0x2000  }
0x50: {  	[sflag:s17] =	ssyncset.done $0x0  }
0x51: {  	[sflag:s17] =	ssyncadd.s32 $0xFFFFE000  }
0x52: {  	[hbm4b:s10+s3] =	stream.linear.scatter [tilespmem:s16], [sflag:$0x1], $0x2000, $0x38;
	[tilespmem:$0xA480] =	vst v63  }
0x53: {  	_ =	swait.ge [sflag:s17], $0x2000  }
0x54: {  	[sflag:s17] =	ssyncset.done $0x0  }
0x55: {  	[sflag:s17] =	ssyncadd.s32 $0xFFFFE000  }
0x56: {  	[tilespmem:s16], [sflag:$0x1] =	stream.linear.gather [spmem:s5], $0x2000, $0x38;
	[tilespmem:$0xA480] =	vst v63  }
0x57: {  	_ =	swait.ge [sflag:s17], $0x2000  }
0x58: {  	[sflag:s17] =	ssyncset.done $0x0  }
0x59: {  	[sflag:s17] =	ssyncadd.s32 $0xFFFFE000  }
0x5a: {  	[hbm4b:s11+s3] =	stream.linear.scatter [tilespmem:s16], [sflag:$0x1], $0x2000, $0x38;
	[tilespmem:$0xA480] =	vst v63  }
0x5b: {  	_ =	swait.ge [sflag:s17], $0x2000  }
0x5c: {  	[sflag:s17] =	ssyncset.done $0x0  }
0x5d: {  	[sflag:s17] =	ssyncadd.s32 $0xFFFFE000  }
0x5e: {  	[tilespmem:s16], [sflag:$0x1] =	stream.linear.gather [spmem:s6], $0x2000, $0x38;
	[tilespmem:$0xA480] =	vst v63  }
0x5f: {  	_ =	swait.ge [sflag:s17], $0x2000  }
0x60: {  	[sflag:s17] =	ssyncset.done $0x0  }
0x61: {  	[sflag:s17] =	ssyncadd.s32 $0xFFFFE000  }
0x62: {  	[hbm4b:s12+s3] =	stream.linear.scatter [tilespmem:s16], [sflag:$0x1], $0x2000, $0x38;
	[tilespmem:$0xA480] =	vst v63  }
0x63: {  	_ =	swait.ge [sflag:s17], $0x2000  }
0x64: {  	[sflag:s17] =	ssyncset.done $0x0  }
0x65: {  	[sflag:s17] =	ssyncadd.s32 $0xFFFFE000  }
0x66: {  	[tilespmem:s16], [sflag:$0x1] =	stream.linear.gather [spmem:s7], $0x2000, $0x38;
	[tilespmem:$0xA480] =	vst v63  }
0x67: {  	_ =	swait.ge [sflag:s17], $0x2000  }
0x68: {  	[sflag:s17] =	ssyncset.done $0x0  }
0x69: {  	[sflag:s17] =	ssyncadd.s32 $0xFFFFE000  }
0x6a: {  	[hbm4b:s13+s3] =	stream.linear.scatter [tilespmem:s16], [sflag:$0x1], $0x2000, $0x38;
	[tilespmem:$0xA480] =	vst v63  }
0x6b: {  	_ =	swait.ge [sflag:s17], $0x2000  }
0x6c: {  	[sflag:s17] =	ssyncset.done $0x0  }
0x6d: {  	[sflag:s17] =	ssyncadd.s32 $0xFFFFE000  }
0x6e: {  	[tilespmem:s16], [sflag:$0x1] =	stream.linear.gather [spmem:s8], $0x2000, $0x38;
	[tilespmem:$0xA480] =	vst v63  }
0x6f: {  	s19 =	sadd.s32 $0x1, s19;
	_ =	swait.ge [sflag:s17], $0x2000  }
0x70: {  	p0 =	sne.s32 s19, s15;
	[sflag:s17] =	ssyncset.done $0x0  }
.Ltmp5:
0x71: {  	[sflag:s17] =	ssyncadd.s32 $0xFFFFE000;
	(pc) =	sbr.rel @p0 .LBB2_1-.Ltmp5, $4  }
0x72: {  	[hbm4b:s14+s3] =	stream.linear.scatter [tilespmem:s16], [sflag:$0x1], $0x2000, $0x38;
	[tilespmem:$0xA480] =	vst v63  }
0x73: {  	_ =	swait.ge [sflag:s17], $0x2000  }
0x74: {  	[sflag:s17] =	ssyncset.done $0x0  }
0x75: {  	[sflag:s17] =	ssyncadd.s32 $0xFFFFE000  }
0x76: {  	_ =	sfence.sel $0x180000  }
0x77: {  	[bflag:$0x0] =	sbarrier.arrive $0xFFFF  }
0x78: {  	p0 =	sne.s32 s0, $0x0;
	_ =	strace $0x90000047  }
0x79: {  	s0 =	sadd.s32 @!p0 $0x100000, s1;
	[bflag:$0x2] =	sbarrier.arrive $0xFFFF  }
0x7a: {  	[sflag:s0] =	ssyncadd.tile.s32 @!p0 $0x1;
	_ =	shalt  }
.Lfunc_end2:
_tile_overlayer_lowered:
.L_overlay_start_2:
0x7b: {  	(tag) =	ssettag $0x2  }
0x7c: {  	s0 =	rddreg [dreg:$0x0];
	s2 =	stileid.u32  }
0x7d: {  	s1 =	rddreg [dreg:$0x1];
	p0 =	sne.s32 s2, $0x0  }
0x7e: {  	s3 =	rddreg [dreg:$0x2];
	[bflag:$0x3] =	sbarrier.arrive $0xFFFF;
	s2 =	simm.s32 @!p0 $0x1C01  }
0x7f: {  	[timem:s3], [sflag:s2] =	dma.local @!p0 [hbm:s0], s1  }
0x80: {  	s0 =	simm.s32 @!p0 $0x1  }
0x81: {  	_ =	swait.ge @!p0 [sflag:s0], s1  }
0x82: {  	s1 =	ssub.s32 @!p0 $0x0, s1;
	[sflag:s0] =	ssyncset.done @!p0 $0x0  }
0x83: {  	[sflag:s0] =	ssyncadd.s32 @!p0 s1  }
0x84: {  	[bflag:$0x3] =	sbarrier.arrive $0xFFFF  }
0x85: {  	_ =	shalt  }

// kernel: kernel.13.cloned.1.call-start
scs
__scs_entry_jumppad:
0x0: {  	(pc) =	sbr.rel $0x88, $3  }
0x1: {  	(tag) =	ssettag $0x0;
	lr =	simm.s32 $0x1  }
0x2: {  	[smem:$0x3F98] =	sst lr;
	_ =	strace $0xD0000000  }
0x3: {  	_ = 	snop  }
0x4: {  	_ = 	snop  }
0x5: {  	_ = 	snop  }
0x6: {  	_ = 	snop  }
0x7: {  	_ = 	snop  }
__scs_overlays_trampoline_lowered:
0x8: {  	[smem:$0x3FA7] =	sst s0  }
0x9: {  	[smem:$0x3FA8] =	sst s1  }
0xa: {  	[smem:$0x3FA9] =	sst s2  }
0xb: {  	[smem:$0x3FAA] =	sst s3  }
0xc: {  	[smem:$0x3FAB] =	sst s4  }
0xd: {  	[smem:$0x3FAC] =	sst s5  }
0xe: {  	[smem:$0x3FAD] =	sst s6  }
0xf: {  	[smem:$0x3FAE] =	sst s7  }
0x10: {  	[smem:$0x3FAF] =	sst s8  }
0x11: {  	[smem:$0x3FB0] =	sst s9;
	s0 =	simm.s32 @!p0 $0x0  }
0x12: {  	s1 =	sld [smem:$0x3F96];
	s0 =	simm.s32 @p0 $0x1  }
0x13: {  	[smem:$0x3FB1] =	sst s0;
	s0 =	simm.s32 @!p1 $0x0  }
0x14: {  	s2 =	sld [smem:$0x3F95];
	s0 =	simm.s32 @p1 $0x1  }
0x15: {  	[smem:$0x3FB2] =	sst s0;
	s0 =	simm.s32 @!p2 $0x0  }
0x16: {  	s3 =	sld [smem:$0x3FDB];
	s0 =	simm.s32 @p2 $0x1  }
0x17: {  	s4 =	simm.s32 $0x1BF5;
	[smem:$0x3FB4] =	sst s0  }
0x18: {  	s0 =	sld [smem:$0x3F97];
	_ =	swait.ge [sflag:s4], $0x0  }
0x19: {  	s7 =	sld [smem:$0x3F98]  }
0x1a: {  	s8 =	sadd.s32 $0xFFFFE003, lr  }
0x1b: {  	s9 =	sadd.s32 $0xFFFFFEF7, lr;
	s5 =	simm.s32 $0xFFFFFFFF;
	p2 =	slt.u32 s8, $0xFFFFF086  }
0x1c: {  	p1 =	slt.u32 s9, $0xF7A;
	s5 =	simm.s32 @!p2 $0x0  }
0x1d: {  	s5 =	simm.s32 @p1 $0x1;
	p0 =	seq.s32 s7, s2  }
0x1e: {  	s7 =	smul.u32 @!p0 $0xF7A, s2;
	p2 =	seq.s32 @!p0 s5, $0x0  }
0x1f: {  	s9 =	smul.u32 $0xF7A, s1;
	s8 =	simm.s32 @!p0 $0x1BF5;
	p2 =	por !p2, p0  }
0x20: {  	[sflag:s8] =	ssyncset.s32 @!p0 $0xFFFFF086;
	s6 =	sadd.s32 @!p0 s3, s7;
	s7 =	simm.s32 @!p0 $0x108  }
0x21: {  	s3 =	sadd.s32 s3, s9;
	s6 =	sadd.s32 @!p0 $0x88, s6;
	s7 =	simm.s32 @p2 $0x1082  }
0x22: {  	[simem:s7], [sflag:s8] =	dma.local @!p0 [hbm:s6], $0xF7A  }
0x23: {  	s9 =	sor.u32 $0xD0000000, s2;
	s6 =	simm.s32 $0x108;
	_ =	swait.ge @!p0 [sflag:s8], $0x0  }
0x24: {  	s3 =	sadd.s32 $0x88, s3;
	s6 =	simm.s32 @!p1 $0x1082;
	[sflag:s4] =	ssyncset.s32 $0xFFFFF086  }
0x25: {  	[simem:s6], [sflag:s4] =	dma.local [hbm:s3], $0xF7A  }
0x26: {  	[smem:$0x3F98] =	sst s1;
	(tag) =	ssettag s2;
	_ =	strace s9  }
0x27: {  	s1 =	sld [smem:$0x3FA8]  }
0x28: {  	s2 =	sld [smem:$0x3FA9]  }
0x29: {  	s4 =	sld [smem:$0x3FAB]  }
0x2a: {  	p0 =	seq.s32 s5, $0x0;
	s5 =	sld [smem:$0x3FAC]  }
0x2b: {  	s6 =	sld [smem:$0x3FAD]  }
0x2c: {  	s7 =	sld [smem:$0x3FAE]  }
0x2d: {  	s3 =	simm.s32 $0x108;
	s8 =	sld [smem:$0x3FAF]  }
0x2e: {  	s3 =	simm.s32 @!p0 $0x1082;
	s9 =	sld [smem:$0x3FB0]  }
0x2f: {  	lr =	sadd.s32 s0, s3;
	s0 =	sld [smem:$0x3FA7]  }
0x30: {  	s3 =	sld [smem:$0x3FAA]  }
0x31: {  	[smem:$0x3FB3] =	sst s10  }
0x32: {  	s10 =	sld [smem:$0x3FB1];
	_ =	sdelay $0x3  }
0x33: {  	p0 =	seq.s32 s10, $0x1;
	s10 =	sld [smem:$0x3FB3];
	_ =	sdelay $0x3  }
0x34: {  	[smem:$0x3FB3] =	sst s10  }
0x35: {  	s10 =	sld [smem:$0x3FB2];
	_ =	sdelay $0x3  }
0x36: {  	p1 =	seq.s32 s10, $0x1;
	s10 =	sld [smem:$0x3FB3];
	_ =	sdelay $0x3  }
0x37: {  	[smem:$0x3FB3] =	sst s10  }
0x38: {  	s10 =	sld [smem:$0x3FB4]  }
0x39: {  	_ = 	snop;
	(pc) =	sbr.ind lr, $3  }
0x3a: {  	_ = 	snop  }
0x3b: {  	_ = 	snop  }
0x3c: {  	p2 =	seq.s32 s10, $0x1;
	s10 =	sld [smem:$0x3FB3]  }
0x3d: {  	_ =	shalt  }
0x3e: {  	_ =	shalt  }
0x3f: {  	_ =	shalt  }
0x40: {  	_ =	shalt  }
0x41: {  	_ =	shalt  }
0x42: {  	_ =	shalt  }
0x43: {  	_ =	shalt  }
0x44: {  	_ =	shalt  }
0x45: {  	_ =	shalt  }
0x46: {  	_ =	shalt  }
0x47: {  	_ =	shalt  }
0x48: {  	_ =	shalt  }
0x49: {  	_ =	shalt  }
0x4a: {  	_ =	shalt  }
0x4b: {  	_ =	shalt  }
0x4c: {  	_ =	shalt  }
0x4d: {  	_ =	shalt  }
0x4e: {  	_ =	shalt  }
0x4f: {  	_ =	shalt  }
0x50: {  	_ =	shalt  }
0x51: {  	_ =	shalt  }
0x52: {  	_ =	shalt  }
0x53: {  	_ =	shalt  }
0x54: {  	_ =	shalt  }
0x55: {  	_ =	shalt  }
0x56: {  	_ =	shalt  }
0x57: {  	_ =	shalt  }
0x58: {  	_ =	shalt  }
0x59: {  	_ =	shalt  }
0x5a: {  	_ =	shalt  }
0x5b: {  	_ =	shalt  }
0x5c: {  	_ =	shalt  }
0x5d: {  	_ =	shalt  }
0x5e: {  	_ =	shalt  }
0x5f: {  	_ =	shalt  }
0x60: {  	_ =	shalt  }
0x61: {  	_ =	shalt  }
0x62: {  	_ =	shalt  }
0x63: {  	_ =	shalt  }
0x64: {  	_ =	shalt  }
0x65: {  	_ =	shalt  }
0x66: {  	_ =	shalt  }
0x67: {  	_ =	shalt  }
0x68: {  	_ =	shalt  }
0x69: {  	_ =	shalt  }
0x6a: {  	_ =	shalt  }
0x6b: {  	_ =	shalt  }
0x6c: {  	_ =	shalt  }
0x6d: {  	_ =	shalt  }
0x6e: {  	_ =	shalt  }
0x6f: {  	_ =	shalt  }
0x70: {  	_ =	shalt  }
0x71: {  	_ =	shalt  }
0x72: {  	_ =	shalt  }
0x73: {  	_ =	shalt  }
0x74: {  	_ =	shalt  }
0x75: {  	_ =	shalt  }
0x76: {  	_ =	shalt  }
0x77: {  	_ =	shalt  }
0x78: {  	_ =	shalt  }
0x79: {  	_ =	shalt  }
0x7a: {  	_ =	shalt  }
0x7b: {  	_ =	shalt  }
0x7c: {  	_ =	shalt  }
0x7d: {  	_ =	shalt  }
0x7e: {  	_ =	shalt  }
0x7f: {  	_ =	shalt  }
0x80: {  	_ =	shalt  }
0x81: {  	_ =	shalt  }
0x82: {  	_ =	shalt  }
0x83: {  	_ =	shalt  }
0x84: {  	_ =	shalt  }
0x85: {  	_ =	shalt  }
0x86: {  	_ =	shalt  }
0x87: {  	_ =	shalt  }
.Lfunc_end0:
.L_simem_size_0:
called_computation.1_lowered:
.L_overlay_start_0:
0x88: {  	s2 =	sld [smem:$0x3FD9]  }
0x89: {  	s3 =	sld [smem:$0x3FFE];
	_ =	sdelay $0x1  }
0x8a: {  	s1 =	srdreg.scid  }
0x8b: {  	s0 =	sand.u32 $0x1, s1  }
0x8c: {  	s17 =	sshll.u32 s0, $0xA;
	s2 =	sadd.s32 s3, s2  }
0x8d: {  	s2 =	sadd.s32 s2, s17  }
0x8e: {  	[smem:$0x3FBF] =	sst s2  }
0x8f: {  	_ = 	snop  }
0x90: {  	s2 =	sld [smem:$0x3FD0];
	(tm) =	ssettm $0x1  }
0x91: {  	s18 =	sld [smem:$0x3FFB];
	_ =	sdelay $0x3  }
0x92: {  	_ =	strace s18  }
0x93: {  	s3 =	sld [smem:$0x3FFC];
	_ =	sdelay $0x3  }
0x94: {  	_ =	strace s3  }
0x95: {  	s3 =	sld [smem:$0x3FFD];
	_ =	sdelay $0x3  }
0x96: {  	_ =	strace s3  }
0x97: {  	_ =	strace $0x8FFFFFFF  }
0x98: {  	s19 =	sld [smem:$0x3FDB];
	_ =	sdelay $0x1  }
0x99: {  	s4 =	simm.s32 $_scs_section_size  }
0x9a: {  	s5 =	simm.s32 $_size__tile_overlayer_lowered;
	s6 =	simm.s32 $_tile_overlayer_lowered  }
0x9b: {  	s22 =	simm.s32 $0x1BFF;
	s21 =	sshll.u32 s6, $0x1;
	s3 =	sadd.s32 s4, s19  }
0x9c: {  	s7 =	simm.s32 $0x0;
	s20 =	sshll.u32 s5, $0x1;
	s5 =	sadd.s32 s21, s3  }
0x9d: {  	[timem:s7], [sflag:s22] =	dma.local [hbm:s5], s20  }
0x9e: {  	_ =	swait.ge [sflag:s22], s20  }
0x9f: {  	s4 =	ssub.s32 $0x0, s20;
	[sflag:s22] =	ssyncset.done $0x0  }
0xa0: {  	[sflag:s22] =	ssyncadd.s32 s4;
	_ =	sdelay $0x1  }
0xa1: {  	s23 =	simm.s32 $0x1B8B  }
0xa2: {  	_ =	swait.ge [sflag:s23], $0x1  }
0xa3: {  	[sflag:s23] =	ssyncset.done $0x0  }
0xa4: {  	s25 =	simm.s32 $0x1B8E;
	s24 =	sld [smem:$0x3FFE];
	[sflag:s23] =	ssyncadd.s32 $0xFFFFFFFF  }
0xa5: {  	s26 =	simm.s32 $execute0_lowered;
	[smem:$0x3FD2] =	sst s25  }
0xa6: {  	s5 =	sshll.u32 s26, $0x1;
	_ =	strace $0x80000049;
	[dreg:$0x1] =	wrdreg $0xFFFFFFFF  }
0xa7: {  	s28 =	simm.s32 $_size_execute0_lowered;
	s3 =	sadd.s32 s3, s5;
	[dreg:$0x0] =	wrdreg $0x0  }
0xa8: {  	s5 =	sshll.u32 s28, $0x1;
	[dreg:$0x2] =	wrdreg s3  }
0xa9: {  	[dreg:$0x3] =	wrdreg s5  }
0xaa: {  	[dreg:$0x4] =	wrdreg $0xC0  }
0xab: {  	_ =	task [dreg:s7], $0x5FFFF  }
0xac: {  	[dreg:$0x1] =	wrdreg $0xFFFFFFFF  }
0xad: {  	[dreg:$0x0] =	wrdreg $0x60  }
0xae: {  	[dreg:$0x2] =	wrdreg s24  }
0xaf: {  	[dreg:$0x3] =	wrdreg s2  }
0xb0: {  	[dreg:$0x4] =	wrdreg $0x120000  }
0xb1: {  	[dreg:$0x5] =	wrdreg $0x9  }
0xb2: {  	_ =	task.clear_ibuf [dreg:s7], $0x6FFFF;
	_ =	strace $0x90000049  }
0xb3: {  	s29 =	simm.s32 $0x9;
	_ =	strace $0x8000004B  }
0xb4: {  	_ =	swait.ge [sflag:s29], $0x1  }
0xb5: {  	[sflag:s29] =	ssyncadd.s32 $0xFFFFFFFF  }
0xb6: {  	_ =	strace $0x9000004B  }
0xb7: {  	_ =	sfence  }
0xb8: {  	s30 =	sld [smem:$0x0];
	_ =	sdelay $0x2  }
0xb9: {  	s31 =	sshll.u32 s1, $0xD;
	s1 =	sshrl.u32 s1, $0x2  }
0xba: {  	s3 =	sand.u32 $0x4000, s31;
	s1 =	sadd.s32 s1, s30  }
0xbb: {  	s0 =	sor.u32 s3, s0;
	s1 =	sshll.u32 s1, $0x11  }
0xbc: {  	s0 =	sor.u32 s1, s0  }
0xbd: {  	s0 =	sadd.s32 $0x8F2B, s0  }
0xbe: {  	[sflag:s0] =	ssyncadd.remote.s32 $0x1  }
0xbf: {  	_ =	sfence.sel $0xFFFF  }
0xc0: {  	[dreg:$0x0] =	wrdreg $0xFFFFFFFF;
	(pc) =	sbr.abs _section_cstart, $3  }
0xc1: {  	[dreg:$0x1] =	wrdreg $0xFFFFFFFF  }
0xc2: {  	_ =	task.clear_ibuf [dreg:s7], $0x2FFFF;
	_ =	strace $0x9FFFFFFF  }
0xc3: {  	(tm) =	ssettm $0x7FFFFFFF  }
tec
execute0_lowered:
.L_overlay_start_1:
0x0: {  	(tag) =	ssettag $0x1  }
0x1: {  	s0 =	rddreg [dreg:$0x0]  }
0x2: {  	s1 =	rddreg [dreg:$0x1]  }
0x3: {  	s2 =	rddreg [dreg:$0x2]  }
0x4: {  	s5 =	stileid.u32;
	s4 =	srdreg.scid;
	s3 =	simm.s32 $0x0  }
0x5: {  	s19 =	simm.s32 $0xA000;
	s20 =	simm.s32 $0x3;
	s21 =	simm.s32 $0x80  }
0x6: {  	s22 =	simm.s32 $0xE000;
	s23 =	simm.s32 $0x1;
	s24 =	simm.s32 $0x2  }
0x7: {  	s26 =	simm.s32 $0x9E00;
	s28 =	simm.s32 $0x9E80;
	s12 =	smul.u32 $0xA00, s5  }
0x8: {  	s29 =	simm.s32 $0x0;
	s6 =	sand.u32 $0x1, s4;
	s7 =	smul.u32 $0x140, s5  }
0x9: {  	[smem:$0x7FF] =	sst s3;
	s8 =	smul.u32 $0x28000, s5;
	s4 =	sadd.s32 $0x3400, s0  }
0xa: {  	s5 =	sadd.s32 $0x35400, s0;
	s25 =	smul.u32 $0x1400, s6;
	_ =	strace $0x8000004A  }
0xb: {  	s9 =	ssub.s32 $0x2, s6;
	s11 =	sadd.s32 s12, s0;
	s30 =	sshrl.u32 s8, $0x2  }
0xc: {  	s31 =	sshrl.u32 s9, $0x1;
	s12 =	sadd.s32 s1, s12;
	s7 =	sadd.s32 s7, s25  }
0xd: {  	s6 =	sadd.s32 s30, s2;
	s18 =	ssub.s32 s9, s31;
	s11 =	sadd.s32 $0x2B400, s11  }
0xe: {  	s7 =	sshll.u32 s7, $0x4;
	s8 =	sadd.s32 $0x4000, s6;
	s9 =	sadd.s32 $0x6000, s6  }
0xf: {  	s10 =	sadd.s32 $0x8000, s6;
	s18 =	smax.u32 s18, $0x1;
	s0 =	sadd.s32 s7, s0  }
0x10: {  	s7 =	sadd.s32 $0x2000, s6;
	s13 =	sadd.s32 $0x35C00, s0;
	s14 =	sadd.s32 $0x36000, s0  }
0x11: {  	v1 =	vlaneseq.u32;
	v0 =	vmov s25;
	s15 =	sadd.s32 $0x36400, s0;
	s16 =	sadd.s32 $0x36800, s0;
	s17 =	sadd.s32 $0x36C00, s0  }
.LBB2_1:
0x12: {  	[tilespmem:s19], [sflag:$0x3] =	stream.linear.gather [hbm4b:s5+s3], $0x4000, $0x38;
	[tilespmem:$0x1C400] =	vst v63  }
0x13: {  	_ =	swait.ge [sflag:s20], $0x4000  }
0x14: {  	[sflag:s20] =	ssyncset.done $0x0  }
0x15: {  	[sflag:s20] =	ssyncadd.s32 $0xFFFFC000  }
0x16: {  	[spmem:s6] =	stream.linear.scatter [tilespmem:s19], [sflag:$0x3], $0x2000, $0x38;
	[tilespmem:$0x1C400] =	vst v63  }
0x17: {  	_ =	swait.ge [sflag:s20], $0x2000  }
0x18: {  	[sflag:s20] =	ssyncset.done $0x0  }
0x19: {  	[sflag:s20] =	ssyncadd.s32 $0xFFFFE000  }
0x1a: {  	[spmem:s7] =	stream.linear.scatter [tilespmem:s19], [sflag:$0x3], $0x2000, $0x38;
	[tilespmem:$0x1C400] =	vst v63  }
0x1b: {  	_ =	swait.ge [sflag:s20], $0x2000  }
0x1c: {  	[sflag:s20] =	ssyncset.done $0x0  }
0x1d: {  	[sflag:s20] =	ssyncadd.s32 $0xFFFFE000  }
0x1e: {  	[spmem:s8] =	stream.linear.scatter [tilespmem:s19], [sflag:$0x3], $0x2000, $0x38;
	[tilespmem:$0x1C400] =	vst v63  }
0x1f: {  	_ =	swait.ge [sflag:s20], $0x2000  }
0x20: {  	[sflag:s20] =	ssyncset.done $0x0  }
0x21: {  	[sflag:s20] =	ssyncadd.s32 $0xFFFFE000  }
0x22: {  	[spmem:s9] =	stream.linear.scatter [tilespmem:s19], [sflag:$0x3], $0x2000, $0x38;
	[tilespmem:$0x1C400] =	vst v63  }
0x23: {  	_ =	swait.ge [sflag:s20], $0x2000  }
0x24: {  	[sflag:s20] =	ssyncset.done $0x0  }
0x25: {  	[sflag:s20] =	ssyncadd.s32 $0xFFFFE000  }
0x26: {  	[spmem:s10] =	stream.linear.scatter [tilespmem:s19], [sflag:$0x3], $0x2000, $0x38;
	[tilespmem:$0x1C400] =	vst v63  }
0x27: {  	_ =	swait.ge [sflag:s20], $0x2000  }
0x28: {  	[sflag:s20] =	ssyncset.done $0x0  }
0x29: {  	[sflag:s20] =	ssyncadd.s32 $0xFFFFE000  }
0x2a: {  	[tilespmem:s3], [sflag:$0x3] =	stream.linear.gather [hbm4b:s11+s3], $0x4F00, $0x38;
	[tilespmem:$0x1C400] =	vst v63  }
0x2b: {  	_ =	swait.ge [sflag:s20], $0x4F00  }
0x2c: {  	[sflag:s20] =	ssyncset.done $0x0  }
0x2d: {  	s0 =	simm.s32 $0x5000;
	[sflag:s20] =	ssyncadd.s32 $0xFFFFB100  }
0x2e: {  	[tilespmem:s0], [sflag:$0x3] =	stream.linear.gather [hbm4b:s12+s3], $0x4F00, $0x38;
	[tilespmem:$0x1C400] =	vst v63  }
0x2f: {  	_ =	swait.ge [sflag:s20], $0x4F00  }
0x30: {  	[sflag:s20] =	ssyncset.done $0x0  }
0x31: {  	s31 =	simm.s32 $0x0;
	[sflag:s20] =	ssyncadd.s32 $0xFFFFB100  }
.LBB2_2:
0x32: {  	s1 =	simm.s32 $0x1400;
	v2 =	vld [tilespmem:s0+$0x0];
	s25 =	simm.s32 $0x1410;
	s30 =	smov.u32 s0  }
.LBB2_3:
0x33: {  	p0 =	sne.s32 s25, $0x1470;
	_ =	sdelay $0x3  }
.Ltmp0:
0x34: {  	v2 =	vsub.s32 v2, v0;
	(pc) =	sbr.rel @p0 .LBB2_3-.Ltmp0, $4  }
0x35: {  	v3 =	vor.u32 s1, v1;
	s1 =	smov.u32 s25;
	vm0 =	vgt.u32 v2, $0x13FF  }
0x36: {  	v2 =	vsel vm0, v3, v2  }
0x37: {  	[tilespmem:s30+$0x0] =	vst v2;
	s30 =	sadd.s32 $0x10, s30  }
0x38: {  	s25 =	sadd.s32 $0x10, s25;
	v2 =	vld [tilespmem:s30+$0x0]  }
0x39: {  	_ = 	snop  }
0x3a: {  	s31 =	sadd.s32 $0x1, s31  }
0x3b: {  	p0 =	sne.s32 s31, $0x9E  }
.Ltmp1:
0x3c: {  	_ = 	snop;
	(pc) =	sbr.rel @p0 .LBB2_2-.Ltmp1, $4  }
0x3d: {  	v2 =	vsub.s32 v2, v0  }
0x3e: {  	v3 =	vor.u32 s1, v1;
	vm0 =	vgt.u32 v2, $0x13FF  }
0x3f: {  	v2 =	vsel vm0, v3, v2  }
0x40: {  	s0 =	sadd.s32 $0x80, s0;
	[tilespmem:s30+$0x0] =	vst v2  }
0x41: {  	[bflag:$0x0] =	sbarrier.arrive $0xFFFF;
	s0 =	simm.s32 $0x0  }
0x42: {  	[tilespmem:s19], [sflag:$0x1] =	stream.indirect.gather [hbm4b:s4+s21], $0x80, s0, s21, $0xb8;
	[tilespmem:$0x1C400] =	vst v63  }
0x43: {  	s31 =	simm.s32 $0x80  }
0x44: {  	[tilespmem:s22], [sflag:$0x2] =	stream.indirect.gather [hbm4b:s4+s21], $0x80, s31, s21, $0xb8;
	[tilespmem:$0x1C400] =	vst v63  }
0x45: {  	_ =	swait.ge [sflag:s23], $0x4000  }
0x46: {  	[sflag:s23] =	ssyncset.done $0x0  }
0x47: {  	s1 =	simm.s32 $0x5000;
	[sflag:s23] =	ssyncadd.s32 $0xFFFFC000  }
0x48: {  	[spmem:s2] =	stream.indirect.scatter.add.f32 [tilespmem:s19], [sflag:$0x3], $0x80, s1, s21, $0xb8;
	[tilespmem:$0x1C400] =	vst v63  }
0x49: {  	_ =	swait.ge [sflag:s20], $0x4000  }
0x4a: {  	[sflag:s20] =	ssyncset.done $0x0  }
0x4b: {  	s25 =	simm.s32 $0x100;
	[sflag:s20] =	ssyncadd.s32 $0xFFFFC000  }
0x4c: {  	[tilespmem:s19], [sflag:$0x1] =	stream.indirect.gather [hbm4b:s4+s21], $0x80, s25, s21, $0xb8;
	[tilespmem:$0x1C400] =	vst v63  }
0x4d: {  	_ =	swait.ge [sflag:s24], $0x4000  }
0x4e: {  	[sflag:s24] =	ssyncset.done $0x0  }
0x4f: {  	s31 =	simm.s32 $0x5080;
	[sflag:s24] =	ssyncadd.s32 $0xFFFFC000  }
0x50: {  	[spmem:s2] =	stream.indirect.scatter.add.f32 [tilespmem:s22], [sflag:$0x3], $0x80, s31, s21, $0xb8;
	[tilespmem:$0x1C400] =	vst v63  }
0x51: {  	_ =	swait.ge [sflag:s20], $0x4000  }
0x52: {  	s30 =	simm.s32 $0x100;
	s0 =	simm.s32 $0x800;
	[sflag:s20] =	ssyncset.done $0x0  }
.LBB2_6:
0x53: {  	s1 =	sadd.s32 $0x80, s30  }
0x54: {  	[sflag:s20] =	ssyncadd.s32 $0xFFFFC000;
	s25 =	smov.u32 s0;
	s31 =	sadd.s32 $0x400, s0  }
0x55: {  	[tilespmem:s22], [sflag:$0x2] =	stream.indirect.gather [hbm4b:s4+s21], $0x80, s1, s21, $0xb8;
	[tilespmem:$0x1C400] =	vst v63  }
0x56: {  	p0 =	sne.s32 s0, $0x13400;
	_ =	swait.ge [sflag:s23], $0x4000  }
0x57: {  	[sflag:s23] =	ssyncset.done $0x0  }
0x58: {  	s0 =	sadd.s32 $0x5000, s30;
	[sflag:s23] =	ssyncadd.s32 $0xFFFFC000  }
0x59: {  	[spmem:s2] =	stream.indirect.scatter.add.f32 [tilespmem:s19], [sflag:$0x3], $0x80, s0, s21, $0xb8;
	[tilespmem:$0x1C400] =	vst v63  }
0x5a: {  	_ =	swait.ge [sflag:s20], $0x4000  }
0x5b: {  	[sflag:s20] =	ssyncset.done $0x0  }
0x5c: {  	s0 =	sadd.s32 $0x100, s30;
	[sflag:s20] =	ssyncadd.s32 $0xFFFFC000  }
0x5d: {  	[tilespmem:s19], [sflag:$0x1] =	stream.indirect.gather [hbm4b:s4+s21], $0x80, s0, s21, $0xb8;
	[tilespmem:$0x1C400] =	vst v63  }
0x5e: {  	_ =	swait.ge [sflag:s24], $0x4000  }
.Ltmp2:
0x5f: {  	[sflag:s24] =	ssyncset.done $0x0;
	(pc) =	sbr.rel @p0 .LBB2_6-.Ltmp2, $4  }
0x60: {  	s0 =	sadd.s32 $0x5080, s30;
	[sflag:s24] =	ssyncadd.s32 $0xFFFFC000  }
0x61: {  	[spmem:s2] =	stream.indirect.scatter.add.f32 [tilespmem:s22], [sflag:$0x3], $0x80, s0, s21, $0xb8;
	[tilespmem:$0x1C400] =	vst v63  }
0x62: {  	_ =	swait.ge [sflag:s20], $0x4000  }
0x63: {  	s30 =	sshra.s32 s25, $0x2;
	s0 =	smov.u32 s31;
	[sflag:s20] =	ssyncset.done $0x0  }
0x64: {  	s0 =	sadd.s32 $0x80, s30;
	[sflag:s20] =	ssyncadd.s32 $0xFFFFC000  }
0x65: {  	[tilespmem:s22], [sflag:$0x2] =	stream.indirect.gather [hbm4b:s4+s21], $0x80, s0, s21, $0xb8;
	[tilespmem:$0x1C400] =	vst v63  }
0x66: {  	_ =	swait.ge [sflag:s23], $0x4000  }
0x67: {  	[sflag:s23] =	ssyncset.done $0x0  }
0x68: {  	s1 =	sadd.s32 $0x5000, s30;
	[sflag:s23] =	ssyncadd.s32 $0xFFFFC000  }
0x69: {  	[spmem:s2] =	stream.indirect.scatter.add.f32 [tilespmem:s19], [sflag:$0x3], $0x80, s1, s21, $0xb8;
	[tilespmem:$0x1C400] =	vst v63  }
0x6a: {  	_ =	swait.ge [sflag:s20], $0x4000  }
0x6b: {  	[sflag:s20] =	ssyncset.done $0x0  }
0x6c: {  	s25 =	sadd.s32 $0x100, s30;
	[sflag:s20] =	ssyncadd.s32 $0xFFFFC000  }
0x6d: {  	[tilespmem:s19], [sflag:$0x1] =	stream.indirect.gather [hbm4b:s4+s21], $0x80, s25, s21, $0xb8;
	[tilespmem:$0x1C400] =	vst v63  }
0x6e: {  	_ =	swait.ge [sflag:s24], $0x4000  }
0x6f: {  	[sflag:s24] =	ssyncset.done $0x0  }
0x70: {  	s30 =	sadd.s32 $0x5080, s30;
	[sflag:s24] =	ssyncadd.s32 $0xFFFFC000  }
0x71: {  	[spmem:s2] =	stream.indirect.scatter.add.f32 [tilespmem:s22], [sflag:$0x3], $0x80, s30, s21, $0xb8;
	[tilespmem:$0x1C400] =	vst v63  }
0x72: {  	_ =	swait.ge [sflag:s20], $0x4000  }
0x73: {  	[sflag:s20] =	ssyncset.done $0x0  }
0x74: {  	s31 =	simm.s32 $0x4E80;
	[sflag:s20] =	ssyncadd.s32 $0xFFFFC000  }
0x75: {  	[tilespmem:s22], [sflag:$0x2] =	stream.indirect.gather [hbm4b:s4+s21], $0x80, s31, s21, $0xb8;
	[tilespmem:$0x1C400] =	vst v63  }
0x76: {  	_ =	swait.ge [sflag:s23], $0x4000  }
0x77: {  	[sflag:s23] =	ssyncset.done $0x0  }
0x78: {  	[sflag:s23] =	ssyncadd.s32 $0xFFFFC000  }
0x79: {  	[spmem:s2] =	stream.indirect.scatter.add.f32 [tilespmem:s19], [sflag:$0x3], $0x80, s26, s21, $0xb8;
	[tilespmem:$0x1C400] =	vst v63  }
0x7a: {  	_ =	swait.ge [sflag:s20], $0x4000  }
0x7b: {  	[sflag:s20] =	ssyncset.done $0x0  }
0x7c: {  	[sflag:s20] =	ssyncadd.s32 $0xFFFFC000  }
0x7d: {  	_ =	swait.ge [sflag:s24], $0x4000  }
0x7e: {  	[sflag:s24] =	ssyncset.done $0x0  }
0x7f: {  	[sflag:s24] =	ssyncadd.s32 $0xFFFFC000  }
0x80: {  	[spmem:s2] =	stream.indirect.scatter.add.f32 [tilespmem:s22], [sflag:$0x3], $0x80, s28, s21, $0xb8;
	[tilespmem:$0x1C400] =	vst v63  }
0x81: {  	_ =	swait.ge [sflag:s20], $0x4000  }
0x82: {  	[sflag:s20] =	ssyncset.done $0x0  }
0x83: {  	[sflag:s20] =	ssyncadd.s32 $0xFFFFC000  }
0x84: {  	[bflag:$0x0] =	sbarrier.arrive $0xFFFF  }
0x85: {  	[tilespmem:s19], [sflag:$0x3] =	stream.linear.gather [spmem:s6], $0x2000, $0x38;
	[tilespmem:$0x1C400] =	vst v63  }
0x86: {  	_ =	swait.ge [sflag:s20], $0x2000  }
0x87: {  	[sflag:s20] =	ssyncset.done $0x0  }
0x88: {  	[sflag:s20] =	ssyncadd.s32 $0xFFFFE000  }
0x89: {  	[hbm4b:s13+s3] =	stream.linear.scatter [tilespmem:s19], [sflag:$0x3], $0x2000, $0x38;
	[tilespmem:$0x1C400] =	vst v63  }
0x8a: {  	_ =	swait.ge [sflag:s20], $0x2000  }
0x8b: {  	[sflag:s20] =	ssyncset.done $0x0  }
0x8c: {  	[sflag:s20] =	ssyncadd.s32 $0xFFFFE000  }
0x8d: {  	[tilespmem:s19], [sflag:$0x3] =	stream.linear.gather [spmem:s7], $0x2000, $0x38;
	[tilespmem:$0x1C400] =	vst v63  }
0x8e: {  	_ =	swait.ge [sflag:s20], $0x2000  }
0x8f: {  	[sflag:s20] =	ssyncset.done $0x0  }
0x90: {  	[sflag:s20] =	ssyncadd.s32 $0xFFFFE000  }
0x91: {  	[hbm4b:s14+s3] =	stream.linear.scatter [tilespmem:s19], [sflag:$0x3], $0x2000, $0x38;
	[tilespmem:$0x1C400] =	vst v63  }
0x92: {  	_ =	swait.ge [sflag:s20], $0x2000  }
0x93: {  	[sflag:s20] =	ssyncset.done $0x0  }
0x94: {  	[sflag:s20] =	ssyncadd.s32 $0xFFFFE000  }
0x95: {  	[tilespmem:s19], [sflag:$0x3] =	stream.linear.gather [spmem:s8], $0x2000, $0x38;
	[tilespmem:$0x1C400] =	vst v63  }
0x96: {  	_ =	swait.ge [sflag:s20], $0x2000  }
0x97: {  	[sflag:s20] =	ssyncset.done $0x0  }
0x98: {  	[sflag:s20] =	ssyncadd.s32 $0xFFFFE000  }
0x99: {  	[hbm4b:s15+s3] =	stream.linear.scatter [tilespmem:s19], [sflag:$0x3], $0x2000, $0x38;
	[tilespmem:$0x1C400] =	vst v63  }
0x9a: {  	_ =	swait.ge [sflag:s20], $0x2000  }
0x9b: {  	[sflag:s20] =	ssyncset.done $0x0  }
0x9c: {  	[sflag:s20] =	ssyncadd.s32 $0xFFFFE000  }
0x9d: {  	[tilespmem:s19], [sflag:$0x3] =	stream.linear.gather [spmem:s9], $0x2000, $0x38;
	[tilespmem:$0x1C400] =	vst v63  }
0x9e: {  	_ =	swait.ge [sflag:s20], $0x2000  }
0x9f: {  	[sflag:s20] =	ssyncset.done $0x0  }
0xa0: {  	[sflag:s20] =	ssyncadd.s32 $0xFFFFE000  }
0xa1: {  	[hbm4b:s16+s3] =	stream.linear.scatter [tilespmem:s19], [sflag:$0x3], $0x2000, $0x38;
	[tilespmem:$0x1C400] =	vst v63  }
0xa2: {  	_ =	swait.ge [sflag:s20], $0x2000  }
0xa3: {  	[sflag:s20] =	ssyncset.done $0x0  }
0xa4: {  	[sflag:s20] =	ssyncadd.s32 $0xFFFFE000  }
0xa5: {  	[tilespmem:s19], [sflag:$0x3] =	stream.linear.gather [spmem:s10], $0x2000, $0x38;
	[tilespmem:$0x1C400] =	vst v63  }
0xa6: {  	s29 =	sadd.s32 $0x1, s29;
	_ =	swait.ge [sflag:s20], $0x2000  }
0xa7: {  	p0 =	sne.s32 s29, s18;
	[sflag:s20] =	ssyncset.done $0x0  }
.Ltmp3:
0xa8: {  	[sflag:s20] =	ssyncadd.s32 $0xFFFFE000;
	(pc) =	sbr.rel @p0 .LBB2_1-.Ltmp3, $4  }
0xa9: {  	[hbm4b:s17+s3] =	stream.linear.scatter [tilespmem:s19], [sflag:$0x3], $0x2000, $0x38;
	[tilespmem:$0x1C400] =	vst v63  }
0xaa: {  	_ =	swait.ge [sflag:s20], $0x2000  }
0xab: {  	[sflag:s20] =	ssyncset.done $0x0  }
0xac: {  	[sflag:s20] =	ssyncadd.s32 $0xFFFFE000  }
0xad: {  	_ =	sfence.sel $0x180000  }
0xae: {  	[bflag:$0x0] =	sbarrier.arrive $0xFFFF  }
0xaf: {  	_ =	strace $0x9000004A  }
0xb0: {  	s0 =	stileid.u32;
	[bflag:$0x2] =	sbarrier.arrive $0xFFFF  }
0xb1: {  	p0 =	sne.s32 s0, $0x0;
	s0 =	rddreg [dreg:$0x3]  }
0xb2: {  	s0 =	sadd.s32 @!p0 $0x100000, s0  }
0xb3: {  	[sflag:s0] =	ssyncadd.tile.s32 @!p0 $0x1;
	_ =	shalt  }
.Lfunc_end2:
_tile_overlayer_lowered:
.L_overlay_start_2:
0xb4: {  	(tag) =	ssettag $0x2  }
0xb5: {  	s0 =	rddreg [dreg:$0x0];
	s2 =	stileid.u32  }
0xb6: {  	s1 =	rddreg [dreg:$0x1];
	p0 =	sne.s32 s2, $0x0  }
0xb7: {  	s3 =	rddreg [dreg:$0x2];
	[bflag:$0x3] =	sbarrier.arrive $0xFFFF;
	s2 =	simm.s32 @!p0 $0x1C03  }
0xb8: {  	[timem:s3], [sflag:s2] =	dma.local @!p0 [hbm:s0], s1  }
0xb9: {  	s0 =	simm.s32 @!p0 $0x3  }
0xba: {  	_ =	swait.ge @!p0 [sflag:s0], s1  }
0xbb: {  	s1 =	ssub.s32 @!p0 $0x0, s1;
	[sflag:s0] =	ssyncset.done @!p0 $0x0  }
0xbc: {  	[sflag:s0] =	ssyncadd.s32 @!p0 s1  }
0xbd: {  	[bflag:$0x3] =	sbarrier.arrive $0xFFFF  }
0xbe: {  	_ =	shalt  }

// kernel: kernel.16.cloned.1.call-start
scs
__scs_entry_jumppad:
0x0: {  	(pc) =	sbr.rel $0x88, $3  }
0x1: {  	(tag) =	ssettag $0x0;
	lr =	simm.s32 $0x1  }
0x2: {  	[smem:$0x3F98] =	sst lr;
	_ =	strace $0xD0000000  }
0x3: {  	_ = 	snop  }
0x4: {  	_ = 	snop  }
0x5: {  	_ = 	snop  }
0x6: {  	_ = 	snop  }
0x7: {  	_ = 	snop  }
__scs_overlays_trampoline_lowered:
0x8: {  	[smem:$0x3FA7] =	sst s0  }
0x9: {  	[smem:$0x3FA8] =	sst s1  }
0xa: {  	[smem:$0x3FA9] =	sst s2  }
0xb: {  	[smem:$0x3FAA] =	sst s3  }
0xc: {  	[smem:$0x3FAB] =	sst s4  }
0xd: {  	[smem:$0x3FAC] =	sst s5  }
0xe: {  	[smem:$0x3FAD] =	sst s6  }
0xf: {  	[smem:$0x3FAE] =	sst s7  }
0x10: {  	[smem:$0x3FAF] =	sst s8  }
0x11: {  	[smem:$0x3FB0] =	sst s9;
	s0 =	simm.s32 @!p0 $0x0  }
0x12: {  	s1 =	sld [smem:$0x3F96];
	s0 =	simm.s32 @p0 $0x1  }
0x13: {  	[smem:$0x3FB1] =	sst s0;
	s0 =	simm.s32 @!p1 $0x0  }
0x14: {  	s2 =	sld [smem:$0x3F95];
	s0 =	simm.s32 @p1 $0x1  }
0x15: {  	[smem:$0x3FB2] =	sst s0;
	s0 =	simm.s32 @!p2 $0x0  }
0x16: {  	s3 =	sld [smem:$0x3FDB];
	s0 =	simm.s32 @p2 $0x1  }
0x17: {  	s4 =	simm.s32 $0x1BF5;
	[smem:$0x3FB4] =	sst s0  }
0x18: {  	s0 =	sld [smem:$0x3F97];
	_ =	swait.ge [sflag:s4], $0x0  }
0x19: {  	s7 =	sld [smem:$0x3F98]  }
0x1a: {  	s8 =	sadd.s32 $0xFFFFE003, lr  }
0x1b: {  	s9 =	sadd.s32 $0xFFFFFEF7, lr;
	s5 =	simm.s32 $0xFFFFFFFF;
	p2 =	slt.u32 s8, $0xFFFFF086  }
0x1c: {  	p1 =	slt.u32 s9, $0xF7A;
	s5 =	simm.s32 @!p2 $0x0  }
0x1d: {  	s5 =	simm.s32 @p1 $0x1;
	p0 =	seq.s32 s7, s2  }
0x1e: {  	s7 =	smul.u32 @!p0 $0xF7A, s2;
	p2 =	seq.s32 @!p0 s5, $0x0  }
0x1f: {  	s9 =	smul.u32 $0xF7A, s1;
	s8 =	simm.s32 @!p0 $0x1BF5;
	p2 =	por !p2, p0  }
0x20: {  	[sflag:s8] =	ssyncset.s32 @!p0 $0xFFFFF086;
	s6 =	sadd.s32 @!p0 s3, s7;
	s7 =	simm.s32 @!p0 $0x108  }
0x21: {  	s3 =	sadd.s32 s3, s9;
	s6 =	sadd.s32 @!p0 $0x88, s6;
	s7 =	simm.s32 @p2 $0x1082  }
0x22: {  	[simem:s7], [sflag:s8] =	dma.local @!p0 [hbm:s6], $0xF7A  }
0x23: {  	s9 =	sor.u32 $0xD0000000, s2;
	s6 =	simm.s32 $0x108;
	_ =	swait.ge @!p0 [sflag:s8], $0x0  }
0x24: {  	s3 =	sadd.s32 $0x88, s3;
	s6 =	simm.s32 @!p1 $0x1082;
	[sflag:s4] =	ssyncset.s32 $0xFFFFF086  }
0x25: {  	[simem:s6], [sflag:s4] =	dma.local [hbm:s3], $0xF7A  }
0x26: {  	[smem:$0x3F98] =	sst s1;
	(tag) =	ssettag s2;
	_ =	strace s9  }
0x27: {  	s1 =	sld [smem:$0x3FA8]  }
0x28: {  	s2 =	sld [smem:$0x3FA9]  }
0x29: {  	s4 =	sld [smem:$0x3FAB]  }
0x2a: {  	p0 =	seq.s32 s5, $0x0;
	s5 =	sld [smem:$0x3FAC]  }
0x2b: {  	s6 =	sld [smem:$0x3FAD]  }
0x2c: {  	s7 =	sld [smem:$0x3FAE]  }
0x2d: {  	s3 =	simm.s32 $0x108;
	s8 =	sld [smem:$0x3FAF]  }
0x2e: {  	s3 =	simm.s32 @!p0 $0x1082;
	s9 =	sld [smem:$0x3FB0]  }
0x2f: {  	lr =	sadd.s32 s0, s3;
	s0 =	sld [smem:$0x3FA7]  }
0x30: {  	s3 =	sld [smem:$0x3FAA]  }
0x31: {  	[smem:$0x3FB3] =	sst s10  }
0x32: {  	s10 =	sld [smem:$0x3FB1];
	_ =	sdelay $0x3  }
0x33: {  	p0 =	seq.s32 s10, $0x1;
	s10 =	sld [smem:$0x3FB3];
	_ =	sdelay $0x3  }
0x34: {  	[smem:$0x3FB3] =	sst s10  }
0x35: {  	s10 =	sld [smem:$0x3FB2];
	_ =	sdelay $0x3  }
0x36: {  	p1 =	seq.s32 s10, $0x1;
	s10 =	sld [smem:$0x3FB3];
	_ =	sdelay $0x3  }
0x37: {  	[smem:$0x3FB3] =	sst s10  }
0x38: {  	s10 =	sld [smem:$0x3FB4]  }
0x39: {  	_ = 	snop;
	(pc) =	sbr.ind lr, $3  }
0x3a: {  	_ = 	snop  }
0x3b: {  	_ = 	snop  }
0x3c: {  	p2 =	seq.s32 s10, $0x1;
	s10 =	sld [smem:$0x3FB3]  }
0x3d: {  	_ =	shalt  }
0x3e: {  	_ =	shalt  }
0x3f: {  	_ =	shalt  }
0x40: {  	_ =	shalt  }
0x41: {  	_ =	shalt  }
0x42: {  	_ =	shalt  }
0x43: {  	_ =	shalt  }
0x44: {  	_ =	shalt  }
0x45: {  	_ =	shalt  }
0x46: {  	_ =	shalt  }
0x47: {  	_ =	shalt  }
0x48: {  	_ =	shalt  }
0x49: {  	_ =	shalt  }
0x4a: {  	_ =	shalt  }
0x4b: {  	_ =	shalt  }
0x4c: {  	_ =	shalt  }
0x4d: {  	_ =	shalt  }
0x4e: {  	_ =	shalt  }
0x4f: {  	_ =	shalt  }
0x50: {  	_ =	shalt  }
0x51: {  	_ =	shalt  }
0x52: {  	_ =	shalt  }
0x53: {  	_ =	shalt  }
0x54: {  	_ =	shalt  }
0x55: {  	_ =	shalt  }
0x56: {  	_ =	shalt  }
0x57: {  	_ =	shalt  }
0x58: {  	_ =	shalt  }
0x59: {  	_ =	shalt  }
0x5a: {  	_ =	shalt  }
0x5b: {  	_ =	shalt  }
0x5c: {  	_ =	shalt  }
0x5d: {  	_ =	shalt  }
0x5e: {  	_ =	shalt  }
0x5f: {  	_ =	shalt  }
0x60: {  	_ =	shalt  }
0x61: {  	_ =	shalt  }
0x62: {  	_ =	shalt  }
0x63: {  	_ =	shalt  }
0x64: {  	_ =	shalt  }
0x65: {  	_ =	shalt  }
0x66: {  	_ =	shalt  }
0x67: {  	_ =	shalt  }
0x68: {  	_ =	shalt  }
0x69: {  	_ =	shalt  }
0x6a: {  	_ =	shalt  }
0x6b: {  	_ =	shalt  }
0x6c: {  	_ =	shalt  }
0x6d: {  	_ =	shalt  }
0x6e: {  	_ =	shalt  }
0x6f: {  	_ =	shalt  }
0x70: {  	_ =	shalt  }
0x71: {  	_ =	shalt  }
0x72: {  	_ =	shalt  }
0x73: {  	_ =	shalt  }
0x74: {  	_ =	shalt  }
0x75: {  	_ =	shalt  }
0x76: {  	_ =	shalt  }
0x77: {  	_ =	shalt  }
0x78: {  	_ =	shalt  }
0x79: {  	_ =	shalt  }
0x7a: {  	_ =	shalt  }
0x7b: {  	_ =	shalt  }
0x7c: {  	_ =	shalt  }
0x7d: {  	_ =	shalt  }
0x7e: {  	_ =	shalt  }
0x7f: {  	_ =	shalt  }
0x80: {  	_ =	shalt  }
0x81: {  	_ =	shalt  }
0x82: {  	_ =	shalt  }
0x83: {  	_ =	shalt  }
0x84: {  	_ =	shalt  }
0x85: {  	_ =	shalt  }
0x86: {  	_ =	shalt  }
0x87: {  	_ =	shalt  }
.Lfunc_end0:
.L_simem_size_0:
called_computation.2_lowered:
.L_overlay_start_0:
0x88: {  	s2 =	sld [smem:$0x3FD9]  }
0x89: {  	s3 =	sld [smem:$0x3FFE];
	_ =	sdelay $0x1  }
0x8a: {  	s1 =	srdreg.scid  }
0x8b: {  	s0 =	sand.u32 $0x1, s1  }
0x8c: {  	s17 =	sshll.u32 s0, $0xA;
	s2 =	sadd.s32 s3, s2  }
0x8d: {  	s2 =	sadd.s32 s2, s17  }
0x8e: {  	[smem:$0x3FBF] =	sst s2  }
0x8f: {  	_ = 	snop  }
0x90: {  	s2 =	sld [smem:$0x3FD0];
	(tm) =	ssettm $0x1  }
0x91: {  	s18 =	sld [smem:$0x3FFB];
	_ =	sdelay $0x3  }
0x92: {  	_ =	strace s18  }
0x93: {  	s3 =	sld [smem:$0x3FFC];
	_ =	sdelay $0x3  }
0x94: {  	_ =	strace s3  }
0x95: {  	s3 =	sld [smem:$0x3FFD];
	_ =	sdelay $0x3  }
0x96: {  	_ =	strace s3  }
0x97: {  	_ =	strace $0x8FFFFFFF  }
0x98: {  	s19 =	sld [smem:$0x3FDB];
	_ =	sdelay $0x1  }
0x99: {  	s4 =	simm.s32 $_scs_section_size  }
0x9a: {  	s5 =	simm.s32 $_size__tile_overlayer_lowered;
	s6 =	simm.s32 $_tile_overlayer_lowered  }
0x9b: {  	s22 =	simm.s32 $0x1BFF;
	s21 =	sshll.u32 s6, $0x1;
	s3 =	sadd.s32 s4, s19  }
0x9c: {  	s7 =	simm.s32 $0x0;
	s20 =	sshll.u32 s5, $0x1;
	s5 =	sadd.s32 s21, s3  }
0x9d: {  	[timem:s7], [sflag:s22] =	dma.local [hbm:s5], s20  }
0x9e: {  	_ =	swait.ge [sflag:s22], s20  }
0x9f: {  	s4 =	ssub.s32 $0x0, s20;
	[sflag:s22] =	ssyncset.done $0x0  }
0xa0: {  	[sflag:s22] =	ssyncadd.s32 s4;
	_ =	sdelay $0x1  }
0xa1: {  	s23 =	simm.s32 $0x1B8B  }
0xa2: {  	_ =	swait.ge [sflag:s23], $0x1  }
0xa3: {  	[sflag:s23] =	ssyncset.done $0x0  }
0xa4: {  	s25 =	simm.s32 $0x1B8E;
	s24 =	sld [smem:$0x3FFE];
	[sflag:s23] =	ssyncadd.s32 $0xFFFFFFFF  }
0xa5: {  	s26 =	simm.s32 $execute0_lowered;
	[smem:$0x3FD2] =	sst s25  }
0xa6: {  	s5 =	sshll.u32 s26, $0x1;
	_ =	strace $0x8000004C;
	[dreg:$0x1] =	wrdreg $0xFFFFFFFF  }
0xa7: {  	s28 =	simm.s32 $_size_execute0_lowered;
	s3 =	sadd.s32 s3, s5;
	[dreg:$0x0] =	wrdreg $0x0  }
0xa8: {  	s5 =	sshll.u32 s28, $0x1;
	[dreg:$0x2] =	wrdreg s3  }
0xa9: {  	[dreg:$0x3] =	wrdreg s5  }
0xaa: {  	[dreg:$0x4] =	wrdreg $0xC0  }
0xab: {  	_ =	task [dreg:s7], $0x5FFFF  }
0xac: {  	[dreg:$0x1] =	wrdreg $0xFFFFFFFF  }
0xad: {  	[dreg:$0x0] =	wrdreg $0x60  }
0xae: {  	[dreg:$0x2] =	wrdreg s24  }
0xaf: {  	[dreg:$0x3] =	wrdreg s2  }
0xb0: {  	[dreg:$0x4] =	wrdreg $0x120000  }
0xb1: {  	[dreg:$0x5] =	wrdreg $0x9  }
0xb2: {  	_ =	task.clear_ibuf [dreg:s7], $0x6FFFF;
	_ =	strace $0x9000004C  }
0xb3: {  	s29 =	simm.s32 $0x9;
	_ =	strace $0x8000004E  }
0xb4: {  	_ =	swait.ge [sflag:s29], $0x1  }
0xb5: {  	[sflag:s29] =	ssyncadd.s32 $0xFFFFFFFF  }
0xb6: {  	_ =	strace $0x9000004E  }
0xb7: {  	_ =	sfence  }
0xb8: {  	s30 =	sld [smem:$0x0];
	_ =	sdelay $0x2  }
0xb9: {  	s31 =	sshll.u32 s1, $0xD;
	s1 =	sshrl.u32 s1, $0x2  }
0xba: {  	s3 =	sand.u32 $0x4000, s31;
	s1 =	sadd.s32 s1, s30  }
0xbb: {  	s0 =	sor.u32 s3, s0;
	s1 =	sshll.u32 s1, $0x11  }
0xbc: {  	s0 =	sor.u32 s1, s0  }
0xbd: {  	s0 =	sadd.s32 $0x8F2B, s0  }
0xbe: {  	[sflag:s0] =	ssyncadd.remote.s32 $0x1  }
0xbf: {  	_ =	sfence.sel $0xFFFF  }
0xc0: {  	[dreg:$0x0] =	wrdreg $0xFFFFFFFF;
	(pc) =	sbr.abs _section_cstart, $3  }
0xc1: {  	[dreg:$0x1] =	wrdreg $0xFFFFFFFF  }
0xc2: {  	_ =	task.clear_ibuf [dreg:s7], $0x2FFFF;
	_ =	strace $0x9FFFFFFF  }
0xc3: {  	(tm) =	ssettm $0x7FFFFFFF  }
tec
execute0_lowered:
.L_overlay_start_1:
0x0: {  	(tag) =	ssettag $0x1  }
0x1: {  	s0 =	rddreg [dreg:$0x0]  }
0x2: {  	s1 =	rddreg [dreg:$0x1]  }
0x3: {  	s2 =	rddreg [dreg:$0x2]  }
0x4: {  	s5 =	stileid.u32;
	s4 =	srdreg.scid;
	s3 =	simm.s32 $0x0  }
0x5: {  	s19 =	simm.s32 $0xA000;
	s20 =	simm.s32 $0x3;
	s21 =	simm.s32 $0x80  }
0x6: {  	s22 =	simm.s32 $0xE000;
	s23 =	simm.s32 $0x1;
	s24 =	simm.s32 $0x2  }
0x7: {  	s26 =	simm.s32 $0x9E00;
	s28 =	simm.s32 $0x9E80;
	s12 =	smul.u32 $0xA00, s5  }
0x8: {  	s29 =	simm.s32 $0x0;
	s6 =	sand.u32 $0x1, s4;
	s7 =	smul.u32 $0x140, s5  }
0x9: {  	[smem:$0x7FF] =	sst s3;
	s8 =	smul.u32 $0x28000, s5;
	s4 =	sadd.s32 $0x3400, s0  }
0xa: {  	s5 =	sadd.s32 $0x35400, s0;
	s25 =	smul.u32 $0x1400, s6;
	_ =	strace $0x8000004D  }
0xb: {  	s9 =	ssub.s32 $0x2, s6;
	s11 =	sadd.s32 s12, s0;
	s30 =	sshrl.u32 s8, $0x2  }
0xc: {  	s31 =	sshrl.u32 s9, $0x1;
	s12 =	sadd.s32 s1, s12;
	s7 =	sadd.s32 s7, s25  }
0xd: {  	s6 =	sadd.s32 s30, s2;
	s18 =	ssub.s32 s9, s31;
	s11 =	sadd.s32 $0x2B400, s11  }
0xe: {  	s7 =	sshll.u32 s7, $0x4;
	s8 =	sadd.s32 $0x4000, s6;
	s9 =	sadd.s32 $0x6000, s6  }
0xf: {  	s10 =	sadd.s32 $0x8000, s6;
	s18 =	smax.u32 s18, $0x1;
	s0 =	sadd.s32 s7, s0  }
0x10: {  	s7 =	sadd.s32 $0x2000, s6;
	s13 =	sadd.s32 $0x35C00, s0;
	s14 =	sadd.s32 $0x36000, s0  }
0x11: {  	v1 =	vlaneseq.u32;
	v0 =	vmov s25;
	s15 =	sadd.s32 $0x36400, s0;
	s16 =	sadd.s32 $0x36800, s0;
	s17 =	sadd.s32 $0x36C00, s0  }
.LBB2_1:
0x12: {  	[tilespmem:s19], [sflag:$0x3] =	stream.linear.gather [hbm4b:s5+s3], $0x4000, $0x38;
	[tilespmem:$0x1C400] =	vst v63  }
0x13: {  	_ =	swait.ge [sflag:s20], $0x4000  }
0x14: {  	[sflag:s20] =	ssyncset.done $0x0  }
0x15: {  	[sflag:s20] =	ssyncadd.s32 $0xFFFFC000  }
0x16: {  	[spmem:s6] =	stream.linear.scatter [tilespmem:s19], [sflag:$0x3], $0x2000, $0x38;
	[tilespmem:$0x1C400] =	vst v63  }
0x17: {  	_ =	swait.ge [sflag:s20], $0x2000  }
0x18: {  	[sflag:s20] =	ssyncset.done $0x0  }
0x19: {  	[sflag:s20] =	ssyncadd.s32 $0xFFFFE000  }
0x1a: {  	[spmem:s7] =	stream.linear.scatter [tilespmem:s19], [sflag:$0x3], $0x2000, $0x38;
	[tilespmem:$0x1C400] =	vst v63  }
0x1b: {  	_ =	swait.ge [sflag:s20], $0x2000  }
0x1c: {  	[sflag:s20] =	ssyncset.done $0x0  }
0x1d: {  	[sflag:s20] =	ssyncadd.s32 $0xFFFFE000  }
0x1e: {  	[spmem:s8] =	stream.linear.scatter [tilespmem:s19], [sflag:$0x3], $0x2000, $0x38;
	[tilespmem:$0x1C400] =	vst v63  }
0x1f: {  	_ =	swait.ge [sflag:s20], $0x2000  }
0x20: {  	[sflag:s20] =	ssyncset.done $0x0  }
0x21: {  	[sflag:s20] =	ssyncadd.s32 $0xFFFFE000  }
0x22: {  	[spmem:s9] =	stream.linear.scatter [tilespmem:s19], [sflag:$0x3], $0x2000, $0x38;
	[tilespmem:$0x1C400] =	vst v63  }
0x23: {  	_ =	swait.ge [sflag:s20], $0x2000  }
0x24: {  	[sflag:s20] =	ssyncset.done $0x0  }
0x25: {  	[sflag:s20] =	ssyncadd.s32 $0xFFFFE000  }
0x26: {  	[spmem:s10] =	stream.linear.scatter [tilespmem:s19], [sflag:$0x3], $0x2000, $0x38;
	[tilespmem:$0x1C400] =	vst v63  }
0x27: {  	_ =	swait.ge [sflag:s20], $0x2000  }
0x28: {  	[sflag:s20] =	ssyncset.done $0x0  }
0x29: {  	[sflag:s20] =	ssyncadd.s32 $0xFFFFE000  }
0x2a: {  	[tilespmem:s3], [sflag:$0x3] =	stream.linear.gather [hbm4b:s11+s3], $0x4F00, $0x38;
	[tilespmem:$0x1C400] =	vst v63  }
0x2b: {  	_ =	swait.ge [sflag:s20], $0x4F00  }
0x2c: {  	[sflag:s20] =	ssyncset.done $0x0  }
0x2d: {  	s0 =	simm.s32 $0x5000;
	[sflag:s20] =	ssyncadd.s32 $0xFFFFB100  }
0x2e: {  	[tilespmem:s0], [sflag:$0x3] =	stream.linear.gather [hbm4b:s12+s3], $0x4F00, $0x38;
	[tilespmem:$0x1C400] =	vst v63  }
0x2f: {  	_ =	swait.ge [sflag:s20], $0x4F00  }
0x30: {  	[sflag:s20] =	ssyncset.done $0x0  }
0x31: {  	s31 =	simm.s32 $0x0;
	[sflag:s20] =	ssyncadd.s32 $0xFFFFB100  }
.LBB2_2:
0x32: {  	s1 =	simm.s32 $0x1400;
	v2 =	vld [tilespmem:s0+$0x0];
	s25 =	simm.s32 $0x1410;
	s30 =	smov.u32 s0  }
.LBB2_3:
0x33: {  	p0 =	sne.s32 s25, $0x1470;
	_ =	sdelay $0x3  }
.Ltmp0:
0x34: {  	v2 =	vsub.s32 v2, v0;
	(pc) =	sbr.rel @p0 .LBB2_3-.Ltmp0, $4  }
0x35: {  	v3 =	vor.u32 s1, v1;
	s1 =	smov.u32 s25;
	vm0 =	vgt.u32 v2, $0x13FF  }
0x36: {  	v2 =	vsel vm0, v3, v2  }
0x37: {  	[tilespmem:s30+$0x0] =	vst v2;
	s30 =	sadd.s32 $0x10, s30  }
0x38: {  	s25 =	sadd.s32 $0x10, s25;
	v2 =	vld [tilespmem:s30+$0x0]  }
0x39: {  	_ = 	snop  }
0x3a: {  	s31 =	sadd.s32 $0x1, s31  }
0x3b: {  	p0 =	sne.s32 s31, $0x9E  }
.Ltmp1:
0x3c: {  	_ = 	snop;
	(pc) =	sbr.rel @p0 .LBB2_2-.Ltmp1, $4  }
0x3d: {  	v2 =	vsub.s32 v2, v0  }
0x3e: {  	v3 =	vor.u32 s1, v1;
	vm0 =	vgt.u32 v2, $0x13FF  }
0x3f: {  	v2 =	vsel vm0, v3, v2  }
0x40: {  	s0 =	sadd.s32 $0x80, s0;
	[tilespmem:s30+$0x0] =	vst v2  }
0x41: {  	[bflag:$0x0] =	sbarrier.arrive $0xFFFF;
	s0 =	simm.s32 $0x0  }
0x42: {  	[tilespmem:s19], [sflag:$0x1] =	stream.indirect.gather [hbm4b:s4+s21], $0x80, s0, s21, $0xb8;
	[tilespmem:$0x1C400] =	vst v63  }
0x43: {  	s31 =	simm.s32 $0x80  }
0x44: {  	[tilespmem:s22], [sflag:$0x2] =	stream.indirect.gather [hbm4b:s4+s21], $0x80, s31, s21, $0xb8;
	[tilespmem:$0x1C400] =	vst v63  }
0x45: {  	_ =	swait.ge [sflag:s23], $0x4000  }
0x46: {  	[sflag:s23] =	ssyncset.done $0x0  }
0x47: {  	s1 =	simm.s32 $0x5000;
	[sflag:s23] =	ssyncadd.s32 $0xFFFFC000  }
0x48: {  	[spmem:s2] =	stream.indirect.scatter.add.f32 [tilespmem:s19], [sflag:$0x3], $0x80, s1, s21, $0xb8;
	[tilespmem:$0x1C400] =	vst v63  }
0x49: {  	_ =	swait.ge [sflag:s20], $0x4000  }
0x4a: {  	[sflag:s20] =	ssyncset.done $0x0  }
0x4b: {  	s25 =	simm.s32 $0x100;
	[sflag:s20] =	ssyncadd.s32 $0xFFFFC000  }
0x4c: {  	[tilespmem:s19], [sflag:$0x1] =	stream.indirect.gather [hbm4b:s4+s21], $0x80, s25, s21, $0xb8;
	[tilespmem:$0x1C400] =	vst v63  }
0x4d: {  	_ =	swait.ge [sflag:s24], $0x4000  }
0x4e: {  	[sflag:s24] =	ssyncset.done $0x0  }
0x4f: {  	s31 =	simm.s32 $0x5080;
	[sflag:s24] =	ssyncadd.s32 $0xFFFFC000  }
0x50: {  	[spmem:s2] =	stream.indirect.scatter.add.f32 [tilespmem:s22], [sflag:$0x3], $0x80, s31, s21, $0xb8;
	[tilespmem:$0x1C400] =	vst v63  }
0x51: {  	_ =	swait.ge [sflag:s20], $0x4000  }
0x52: {  	s30 =	simm.s32 $0x100;
	s0 =	simm.s32 $0x800;
	[sflag:s20] =	ssyncset.done $0x0  }
.LBB2_6:
0x53: {  	s1 =	sadd.s32 $0x80, s30  }
0x54: {  	[sflag:s20] =	ssyncadd.s32 $0xFFFFC000;
	s25 =	smov.u32 s0;
	s31 =	sadd.s32 $0x400, s0  }
0x55: {  	[tilespmem:s22], [sflag:$0x2] =	stream.indirect.gather [hbm4b:s4+s21], $0x80, s1, s21, $0xb8;
	[tilespmem:$0x1C400] =	vst v63  }
0x56: {  	p0 =	sne.s32 s0, $0x13400;
	_ =	swait.ge [sflag:s23], $0x4000  }
0x57: {  	[sflag:s23] =	ssyncset.done $0x0  }
0x58: {  	s0 =	sadd.s32 $0x5000, s30;
	[sflag:s23] =	ssyncadd.s32 $0xFFFFC000  }
0x59: {  	[spmem:s2] =	stream.indirect.scatter.add.f32 [tilespmem:s19], [sflag:$0x3], $0x80, s0, s21, $0xb8;
	[tilespmem:$0x1C400] =	vst v63  }
0x5a: {  	_ =	swait.ge [sflag:s20], $0x4000  }
0x5b: {  	[sflag:s20] =	ssyncset.done $0x0  }
0x5c: {  	s0 =	sadd.s32 $0x100, s30;
	[sflag:s20] =	ssyncadd.s32 $0xFFFFC000  }
0x5d: {  	[tilespmem:s19], [sflag:$0x1] =	stream.indirect.gather [hbm4b:s4+s21], $0x80, s0, s21, $0xb8;
	[tilespmem:$0x1C400] =	vst v63  }
0x5e: {  	_ =	swait.ge [sflag:s24], $0x4000  }
.Ltmp2:
0x5f: {  	[sflag:s24] =	ssyncset.done $0x0;
	(pc) =	sbr.rel @p0 .LBB2_6-.Ltmp2, $4  }
0x60: {  	s0 =	sadd.s32 $0x5080, s30;
	[sflag:s24] =	ssyncadd.s32 $0xFFFFC000  }
0x61: {  	[spmem:s2] =	stream.indirect.scatter.add.f32 [tilespmem:s22], [sflag:$0x3], $0x80, s0, s21, $0xb8;
	[tilespmem:$0x1C400] =	vst v63  }
0x62: {  	_ =	swait.ge [sflag:s20], $0x4000  }
0x63: {  	s30 =	sshra.s32 s25, $0x2;
	s0 =	smov.u32 s31;
	[sflag:s20] =	ssyncset.done $0x0  }
0x64: {  	s0 =	sadd.s32 $0x80, s30;
	[sflag:s20] =	ssyncadd.s32 $0xFFFFC000  }
0x65: {  	[tilespmem:s22], [sflag:$0x2] =	stream.indirect.gather [hbm4b:s4+s21], $0x80, s0, s21, $0xb8;
	[tilespmem:$0x1C400] =	vst v63  }
0x66: {  	_ =	swait.ge [sflag:s23], $0x4000  }
0x67: {  	[sflag:s23] =	ssyncset.done $0x0  }
0x68: {  	s1 =	sadd.s32 $0x5000, s30;
	[sflag:s23] =	ssyncadd.s32 $0xFFFFC000  }
0x69: {  	[spmem:s2] =	stream.indirect.scatter.add.f32 [tilespmem:s19], [sflag:$0x3], $0x80, s1, s21, $0xb8;
	[tilespmem:$0x1C400] =	vst v63  }
0x6a: {  	_ =	swait.ge [sflag:s20], $0x4000  }
0x6b: {  	[sflag:s20] =	ssyncset.done $0x0  }
0x6c: {  	s25 =	sadd.s32 $0x100, s30;
	[sflag:s20] =	ssyncadd.s32 $0xFFFFC000  }
0x6d: {  	[tilespmem:s19], [sflag:$0x1] =	stream.indirect.gather [hbm4b:s4+s21], $0x80, s25, s21, $0xb8;
	[tilespmem:$0x1C400] =	vst v63  }
0x6e: {  	_ =	swait.ge [sflag:s24], $0x4000  }
0x6f: {  	[sflag:s24] =	ssyncset.done $0x0  }
0x70: {  	s30 =	sadd.s32 $0x5080, s30;
	[sflag:s24] =	ssyncadd.s32 $0xFFFFC000  }
0x71: {  	[spmem:s2] =	stream.indirect.scatter.add.f32 [tilespmem:s22], [sflag:$0x3], $0x80, s30, s21, $0xb8;
	[tilespmem:$0x1C400] =	vst v63  }
0x72: {  	_ =	swait.ge [sflag:s20], $0x4000  }
0x73: {  	[sflag:s20] =	ssyncset.done $0x0  }
0x74: {  	s31 =	simm.s32 $0x4E80;
	[sflag:s20] =	ssyncadd.s32 $0xFFFFC000  }
0x75: {  	[tilespmem:s22], [sflag:$0x2] =	stream.indirect.gather [hbm4b:s4+s21], $0x80, s31, s21, $0xb8;
	[tilespmem:$0x1C400] =	vst v63  }
0x76: {  	_ =	swait.ge [sflag:s23], $0x4000  }
0x77: {  	[sflag:s23] =	ssyncset.done $0x0  }
0x78: {  	[sflag:s23] =	ssyncadd.s32 $0xFFFFC000  }
0x79: {  	[spmem:s2] =	stream.indirect.scatter.add.f32 [tilespmem:s19], [sflag:$0x3], $0x80, s26, s21, $0xb8;
	[tilespmem:$0x1C400] =	vst v63  }
0x7a: {  	_ =	swait.ge [sflag:s20], $0x4000  }
0x7b: {  	[sflag:s20] =	ssyncset.done $0x0  }
0x7c: {  	[sflag:s20] =	ssyncadd.s32 $0xFFFFC000  }
0x7d: {  	_ =	swait.ge [sflag:s24], $0x4000  }
0x7e: {  	[sflag:s24] =	ssyncset.done $0x0  }
0x7f: {  	[sflag:s24] =	ssyncadd.s32 $0xFFFFC000  }
0x80: {  	[spmem:s2] =	stream.indirect.scatter.add.f32 [tilespmem:s22], [sflag:$0x3], $0x80, s28, s21, $0xb8;
	[tilespmem:$0x1C400] =	vst v63  }
0x81: {  	_ =	swait.ge [sflag:s20], $0x4000  }
0x82: {  	[sflag:s20] =	ssyncset.done $0x0  }
0x83: {  	[sflag:s20] =	ssyncadd.s32 $0xFFFFC000  }
0x84: {  	[bflag:$0x0] =	sbarrier.arrive $0xFFFF  }
0x85: {  	[tilespmem:s19], [sflag:$0x3] =	stream.linear.gather [spmem:s6], $0x2000, $0x38;
	[tilespmem:$0x1C400] =	vst v63  }
0x86: {  	_ =	swait.ge [sflag:s20], $0x2000  }
0x87: {  	[sflag:s20] =	ssyncset.done $0x0  }
0x88: {  	[sflag:s20] =	ssyncadd.s32 $0xFFFFE000  }
0x89: {  	[hbm4b:s13+s3] =	stream.linear.scatter [tilespmem:s19], [sflag:$0x3], $0x2000, $0x38;
	[tilespmem:$0x1C400] =	vst v63  }
0x8a: {  	_ =	swait.ge [sflag:s20], $0x2000  }
0x8b: {  	[sflag:s20] =	ssyncset.done $0x0  }
0x8c: {  	[sflag:s20] =	ssyncadd.s32 $0xFFFFE000  }
0x8d: {  	[tilespmem:s19], [sflag:$0x3] =	stream.linear.gather [spmem:s7], $0x2000, $0x38;
	[tilespmem:$0x1C400] =	vst v63  }
0x8e: {  	_ =	swait.ge [sflag:s20], $0x2000  }
0x8f: {  	[sflag:s20] =	ssyncset.done $0x0  }
0x90: {  	[sflag:s20] =	ssyncadd.s32 $0xFFFFE000  }
0x91: {  	[hbm4b:s14+s3] =	stream.linear.scatter [tilespmem:s19], [sflag:$0x3], $0x2000, $0x38;
	[tilespmem:$0x1C400] =	vst v63  }
0x92: {  	_ =	swait.ge [sflag:s20], $0x2000  }
0x93: {  	[sflag:s20] =	ssyncset.done $0x0  }
0x94: {  	[sflag:s20] =	ssyncadd.s32 $0xFFFFE000  }
0x95: {  	[tilespmem:s19], [sflag:$0x3] =	stream.linear.gather [spmem:s8], $0x2000, $0x38;
	[tilespmem:$0x1C400] =	vst v63  }
0x96: {  	_ =	swait.ge [sflag:s20], $0x2000  }
0x97: {  	[sflag:s20] =	ssyncset.done $0x0  }
0x98: {  	[sflag:s20] =	ssyncadd.s32 $0xFFFFE000  }
0x99: {  	[hbm4b:s15+s3] =	stream.linear.scatter [tilespmem:s19], [sflag:$0x3], $0x2000, $0x38;
	[tilespmem:$0x1C400] =	vst v63  }
0x9a: {  	_ =	swait.ge [sflag:s20], $0x2000  }
0x9b: {  	[sflag:s20] =	ssyncset.done $0x0  }
0x9c: {  	[sflag:s20] =	ssyncadd.s32 $0xFFFFE000  }
0x9d: {  	[tilespmem:s19], [sflag:$0x3] =	stream.linear.gather [spmem:s9], $0x2000, $0x38;
	[tilespmem:$0x1C400] =	vst v63  }
0x9e: {  	_ =	swait.ge [sflag:s20], $0x2000  }
0x9f: {  	[sflag:s20] =	ssyncset.done $0x0  }
0xa0: {  	[sflag:s20] =	ssyncadd.s32 $0xFFFFE000  }
0xa1: {  	[hbm4b:s16+s3] =	stream.linear.scatter [tilespmem:s19], [sflag:$0x3], $0x2000, $0x38;
	[tilespmem:$0x1C400] =	vst v63  }
0xa2: {  	_ =	swait.ge [sflag:s20], $0x2000  }
0xa3: {  	[sflag:s20] =	ssyncset.done $0x0  }
0xa4: {  	[sflag:s20] =	ssyncadd.s32 $0xFFFFE000  }
0xa5: {  	[tilespmem:s19], [sflag:$0x3] =	stream.linear.gather [spmem:s10], $0x2000, $0x38;
	[tilespmem:$0x1C400] =	vst v63  }
0xa6: {  	s29 =	sadd.s32 $0x1, s29;
	_ =	swait.ge [sflag:s20], $0x2000  }
0xa7: {  	p0 =	sne.s32 s29, s18;
	[sflag:s20] =	ssyncset.done $0x0  }
.Ltmp3:
0xa8: {  	[sflag:s20] =	ssyncadd.s32 $0xFFFFE000;
	(pc) =	sbr.rel @p0 .LBB2_1-.Ltmp3, $4  }
0xa9: {  	[hbm4b:s17+s3] =	stream.linear.scatter [tilespmem:s19], [sflag:$0x3], $0x2000, $0x38;
	[tilespmem:$0x1C400] =	vst v63  }
0xaa: {  	_ =	swait.ge [sflag:s20], $0x2000  }
0xab: {  	[sflag:s20] =	ssyncset.done $0x0  }
0xac: {  	[sflag:s20] =	ssyncadd.s32 $0xFFFFE000  }
0xad: {  	_ =	sfence.sel $0x180000  }
0xae: {  	[bflag:$0x0] =	sbarrier.arrive $0xFFFF  }
0xaf: {  	_ =	strace $0x9000004D  }
0xb0: {  	s0 =	stileid.u32;
	[bflag:$0x2] =	sbarrier.arrive $0xFFFF  }
0xb1: {  	p0 =	sne.s32 s0, $0x0;
	s0 =	rddreg [dreg:$0x3]  }
0xb2: {  	s0 =	sadd.s32 @!p0 $0x100000, s0  }
0xb3: {  	[sflag:s0] =	ssyncadd.tile.s32 @!p0 $0x1;
	_ =	shalt  }
.Lfunc_end2:
_tile_overlayer_lowered:
.L_overlay_start_2:
0xb4: {  	(tag) =	ssettag $0x2  }
0xb5: {  	s0 =	rddreg [dreg:$0x0];
	s2 =	stileid.u32  }
0xb6: {  	s1 =	rddreg [dreg:$0x1];
	p0 =	sne.s32 s2, $0x0  }
0xb7: {  	s3 =	rddreg [dreg:$0x2];
	[bflag:$0x3] =	sbarrier.arrive $0xFFFF;
	s2 =	simm.s32 @!p0 $0x1C03  }
0xb8: {  	[timem:s3], [sflag:s2] =	dma.local @!p0 [hbm:s0], s1  }
0xb9: {  	s0 =	simm.s32 @!p0 $0x3  }
0xba: {  	_ =	swait.ge @!p0 [sflag:s0], s1  }
0xbb: {  	s1 =	ssub.s32 @!p0 $0x0, s1;
	[sflag:s0] =	ssyncset.done @!p0 $0x0  }
0xbc: {  	[sflag:s0] =	ssyncadd.s32 @!p0 s1  }
0xbd: {  	[bflag:$0x3] =	sbarrier.arrive $0xFFFF  }
0xbe: {  	_ =	shalt  }

// kernel: kernel.19.cloned.1.call-start
scs
__scs_entry_jumppad:
0x0: {  	(pc) =	sbr.rel $0x88, $3  }
0x1: {  	(tag) =	ssettag $0x0;
	lr =	simm.s32 $0x1  }
0x2: {  	[smem:$0x3F98] =	sst lr;
	_ =	strace $0xD0000000  }
0x3: {  	_ = 	snop  }
0x4: {  	_ = 	snop  }
0x5: {  	_ = 	snop  }
0x6: {  	_ = 	snop  }
0x7: {  	_ = 	snop  }
__scs_overlays_trampoline_lowered:
0x8: {  	[smem:$0x3FA7] =	sst s0  }
0x9: {  	[smem:$0x3FA8] =	sst s1  }
0xa: {  	[smem:$0x3FA9] =	sst s2  }
0xb: {  	[smem:$0x3FAA] =	sst s3  }
0xc: {  	[smem:$0x3FAB] =	sst s4  }
0xd: {  	[smem:$0x3FAC] =	sst s5  }
0xe: {  	[smem:$0x3FAD] =	sst s6  }
0xf: {  	[smem:$0x3FAE] =	sst s7  }
0x10: {  	[smem:$0x3FAF] =	sst s8  }
0x11: {  	[smem:$0x3FB0] =	sst s9;
	s0 =	simm.s32 @!p0 $0x0  }
0x12: {  	s1 =	sld [smem:$0x3F96];
	s0 =	simm.s32 @p0 $0x1  }
0x13: {  	[smem:$0x3FB1] =	sst s0;
	s0 =	simm.s32 @!p1 $0x0  }
0x14: {  	s2 =	sld [smem:$0x3F95];
	s0 =	simm.s32 @p1 $0x1  }
0x15: {  	[smem:$0x3FB2] =	sst s0;
	s0 =	simm.s32 @!p2 $0x0  }
0x16: {  	s3 =	sld [smem:$0x3FDB];
	s0 =	simm.s32 @p2 $0x1  }
0x17: {  	s4 =	simm.s32 $0x1BF5;
	[smem:$0x3FB4] =	sst s0  }
0x18: {  	s0 =	sld [smem:$0x3F97];
	_ =	swait.ge [sflag:s4], $0x0  }
0x19: {  	s7 =	sld [smem:$0x3F98]  }
0x1a: {  	s8 =	sadd.s32 $0xFFFFE003, lr  }
0x1b: {  	s9 =	sadd.s32 $0xFFFFFEF7, lr;
	s5 =	simm.s32 $0xFFFFFFFF;
	p2 =	slt.u32 s8, $0xFFFFF086  }
0x1c: {  	p1 =	slt.u32 s9, $0xF7A;
	s5 =	simm.s32 @!p2 $0x0  }
0x1d: {  	s5 =	simm.s32 @p1 $0x1;
	p0 =	seq.s32 s7, s2  }
0x1e: {  	s7 =	smul.u32 @!p0 $0xF7A, s2;
	p2 =	seq.s32 @!p0 s5, $0x0  }
0x1f: {  	s9 =	smul.u32 $0xF7A, s1;
	s8 =	simm.s32 @!p0 $0x1BF5;
	p2 =	por !p2, p0  }
0x20: {  	[sflag:s8] =	ssyncset.s32 @!p0 $0xFFFFF086;
	s6 =	sadd.s32 @!p0 s3, s7;
	s7 =	simm.s32 @!p0 $0x108  }
0x21: {  	s3 =	sadd.s32 s3, s9;
	s6 =	sadd.s32 @!p0 $0x88, s6;
	s7 =	simm.s32 @p2 $0x1082  }
0x22: {  	[simem:s7], [sflag:s8] =	dma.local @!p0 [hbm:s6], $0xF7A  }
0x23: {  	s9 =	sor.u32 $0xD0000000, s2;
	s6 =	simm.s32 $0x108;
	_ =	swait.ge @!p0 [sflag:s8], $0x0  }
0x24: {  	s3 =	sadd.s32 $0x88, s3;
	s6 =	simm.s32 @!p1 $0x1082;
	[sflag:s4] =	ssyncset.s32 $0xFFFFF086  }
0x25: {  	[simem:s6], [sflag:s4] =	dma.local [hbm:s3], $0xF7A  }
0x26: {  	[smem:$0x3F98] =	sst s1;
	(tag) =	ssettag s2;
	_ =	strace s9  }
0x27: {  	s1 =	sld [smem:$0x3FA8]  }
0x28: {  	s2 =	sld [smem:$0x3FA9]  }
0x29: {  	s4 =	sld [smem:$0x3FAB]  }
0x2a: {  	p0 =	seq.s32 s5, $0x0;
	s5 =	sld [smem:$0x3FAC]  }
0x2b: {  	s6 =	sld [smem:$0x3FAD]  }
0x2c: {  	s7 =	sld [smem:$0x3FAE]  }
0x2d: {  	s3 =	simm.s32 $0x108;
	s8 =	sld [smem:$0x3FAF]  }
0x2e: {  	s3 =	simm.s32 @!p0 $0x1082;
	s9 =	sld [smem:$0x3FB0]  }
0x2f: {  	lr =	sadd.s32 s0, s3;
	s0 =	sld [smem:$0x3FA7]  }
0x30: {  	s3 =	sld [smem:$0x3FAA]  }
0x31: {  	[smem:$0x3FB3] =	sst s10  }
0x32: {  	s10 =	sld [smem:$0x3FB1];
	_ =	sdelay $0x3  }
0x33: {  	p0 =	seq.s32 s10, $0x1;
	s10 =	sld [smem:$0x3FB3];
	_ =	sdelay $0x3  }
0x34: {  	[smem:$0x3FB3] =	sst s10  }
0x35: {  	s10 =	sld [smem:$0x3FB2];
	_ =	sdelay $0x3  }
0x36: {  	p1 =	seq.s32 s10, $0x1;
	s10 =	sld [smem:$0x3FB3];
	_ =	sdelay $0x3  }
0x37: {  	[smem:$0x3FB3] =	sst s10  }
0x38: {  	s10 =	sld [smem:$0x3FB4]  }
0x39: {  	_ = 	snop;
	(pc) =	sbr.ind lr, $3  }
0x3a: {  	_ = 	snop  }
0x3b: {  	_ = 	snop  }
0x3c: {  	p2 =	seq.s32 s10, $0x1;
	s10 =	sld [smem:$0x3FB3]  }
0x3d: {  	_ =	shalt  }
0x3e: {  	_ =	shalt  }
0x3f: {  	_ =	shalt  }
0x40: {  	_ =	shalt  }
0x41: {  	_ =	shalt  }
0x42: {  	_ =	shalt  }
0x43: {  	_ =	shalt  }
0x44: {  	_ =	shalt  }
0x45: {  	_ =	shalt  }
0x46: {  	_ =	shalt  }
0x47: {  	_ =	shalt  }
0x48: {  	_ =	shalt  }
0x49: {  	_ =	shalt  }
0x4a: {  	_ =	shalt  }
0x4b: {  	_ =	shalt  }
0x4c: {  	_ =	shalt  }
0x4d: {  	_ =	shalt  }
0x4e: {  	_ =	shalt  }
0x4f: {  	_ =	shalt  }
0x50: {  	_ =	shalt  }
0x51: {  	_ =	shalt  }
0x52: {  	_ =	shalt  }
0x53: {  	_ =	shalt  }
0x54: {  	_ =	shalt  }
0x55: {  	_ =	shalt  }
0x56: {  	_ =	shalt  }
0x57: {  	_ =	shalt  }
0x58: {  	_ =	shalt  }
0x59: {  	_ =	shalt  }
0x5a: {  	_ =	shalt  }
0x5b: {  	_ =	shalt  }
0x5c: {  	_ =	shalt  }
0x5d: {  	_ =	shalt  }
0x5e: {  	_ =	shalt  }
0x5f: {  	_ =	shalt  }
0x60: {  	_ =	shalt  }
0x61: {  	_ =	shalt  }
0x62: {  	_ =	shalt  }
0x63: {  	_ =	shalt  }
0x64: {  	_ =	shalt  }
0x65: {  	_ =	shalt  }
0x66: {  	_ =	shalt  }
0x67: {  	_ =	shalt  }
0x68: {  	_ =	shalt  }
0x69: {  	_ =	shalt  }
0x6a: {  	_ =	shalt  }
0x6b: {  	_ =	shalt  }
0x6c: {  	_ =	shalt  }
0x6d: {  	_ =	shalt  }
0x6e: {  	_ =	shalt  }
0x6f: {  	_ =	shalt  }
0x70: {  	_ =	shalt  }
0x71: {  	_ =	shalt  }
0x72: {  	_ =	shalt  }
0x73: {  	_ =	shalt  }
0x74: {  	_ =	shalt  }
0x75: {  	_ =	shalt  }
0x76: {  	_ =	shalt  }
0x77: {  	_ =	shalt  }
0x78: {  	_ =	shalt  }
0x79: {  	_ =	shalt  }
0x7a: {  	_ =	shalt  }
0x7b: {  	_ =	shalt  }
0x7c: {  	_ =	shalt  }
0x7d: {  	_ =	shalt  }
0x7e: {  	_ =	shalt  }
0x7f: {  	_ =	shalt  }
0x80: {  	_ =	shalt  }
0x81: {  	_ =	shalt  }
0x82: {  	_ =	shalt  }
0x83: {  	_ =	shalt  }
0x84: {  	_ =	shalt  }
0x85: {  	_ =	shalt  }
0x86: {  	_ =	shalt  }
0x87: {  	_ =	shalt  }
.Lfunc_end0:
.L_simem_size_0:
called_computation.3_lowered:
.L_overlay_start_0:
0x88: {  	s2 =	sld [smem:$0x3FD9]  }
0x89: {  	s3 =	sld [smem:$0x3FFE];
	_ =	sdelay $0x1  }
0x8a: {  	s1 =	srdreg.scid  }
0x8b: {  	s0 =	sand.u32 $0x1, s1  }
0x8c: {  	s17 =	sshll.u32 s0, $0xA;
	s2 =	sadd.s32 s3, s2  }
0x8d: {  	s2 =	sadd.s32 s2, s17  }
0x8e: {  	[smem:$0x3FBF] =	sst s2  }
0x8f: {  	_ = 	snop  }
0x90: {  	s2 =	sld [smem:$0x3FD0];
	(tm) =	ssettm $0x1  }
0x91: {  	s18 =	sld [smem:$0x3FFB];
	_ =	sdelay $0x3  }
0x92: {  	_ =	strace s18  }
0x93: {  	s3 =	sld [smem:$0x3FFC];
	_ =	sdelay $0x3  }
0x94: {  	_ =	strace s3  }
0x95: {  	s3 =	sld [smem:$0x3FFD];
	_ =	sdelay $0x3  }
0x96: {  	_ =	strace s3  }
0x97: {  	_ =	strace $0x8FFFFFFF  }
0x98: {  	s19 =	sld [smem:$0x3FDB];
	_ =	sdelay $0x1  }
0x99: {  	s4 =	simm.s32 $_scs_section_size  }
0x9a: {  	s5 =	simm.s32 $_size__tile_overlayer_lowered;
	s6 =	simm.s32 $_tile_overlayer_lowered  }
0x9b: {  	s22 =	simm.s32 $0x1BFF;
	s21 =	sshll.u32 s6, $0x1;
	s3 =	sadd.s32 s4, s19  }
0x9c: {  	s7 =	simm.s32 $0x0;
	s20 =	sshll.u32 s5, $0x1;
	s5 =	sadd.s32 s21, s3  }
0x9d: {  	[timem:s7], [sflag:s22] =	dma.local [hbm:s5], s20  }
0x9e: {  	_ =	swait.ge [sflag:s22], s20  }
0x9f: {  	s4 =	ssub.s32 $0x0, s20;
	[sflag:s22] =	ssyncset.done $0x0  }
0xa0: {  	[sflag:s22] =	ssyncadd.s32 s4;
	_ =	sdelay $0x1  }
0xa1: {  	s23 =	simm.s32 $0x1B8B  }
0xa2: {  	_ =	swait.ge [sflag:s23], $0x1  }
0xa3: {  	[sflag:s23] =	ssyncset.done $0x0  }
0xa4: {  	s25 =	simm.s32 $0x1B8E;
	s24 =	sld [smem:$0x3FFE];
	[sflag:s23] =	ssyncadd.s32 $0xFFFFFFFF  }
0xa5: {  	s26 =	simm.s32 $execute0_lowered;
	[smem:$0x3FD2] =	sst s25  }
0xa6: {  	s5 =	sshll.u32 s26, $0x1;
	_ =	strace $0x8000004F;
	[dreg:$0x1] =	wrdreg $0xFFFFFFFF  }
0xa7: {  	s28 =	simm.s32 $_size_execute0_lowered;
	s3 =	sadd.s32 s3, s5;
	[dreg:$0x0] =	wrdreg $0x0  }
0xa8: {  	s5 =	sshll.u32 s28, $0x1;
	[dreg:$0x2] =	wrdreg s3  }
0xa9: {  	[dreg:$0x3] =	wrdreg s5  }
0xaa: {  	[dreg:$0x4] =	wrdreg $0xC0  }
0xab: {  	_ =	task [dreg:s7], $0x5FFFF  }
0xac: {  	[dreg:$0x1] =	wrdreg $0xFFFFFFFF  }
0xad: {  	[dreg:$0x0] =	wrdreg $0x60  }
0xae: {  	[dreg:$0x2] =	wrdreg s24  }
0xaf: {  	[dreg:$0x3] =	wrdreg s2  }
0xb0: {  	[dreg:$0x4] =	wrdreg $0x120000  }
0xb1: {  	[dreg:$0x5] =	wrdreg $0x9  }
0xb2: {  	_ =	task.clear_ibuf [dreg:s7], $0x6FFFF;
	_ =	strace $0x9000004F  }
0xb3: {  	s29 =	simm.s32 $0x9;
	_ =	strace $0x80000051  }
0xb4: {  	_ =	swait.ge [sflag:s29], $0x1  }
0xb5: {  	[sflag:s29] =	ssyncadd.s32 $0xFFFFFFFF  }
0xb6: {  	_ =	strace $0x90000051  }
0xb7: {  	_ =	sfence  }
0xb8: {  	s30 =	sld [smem:$0x0];
	_ =	sdelay $0x2  }
0xb9: {  	s31 =	sshll.u32 s1, $0xD;
	s1 =	sshrl.u32 s1, $0x2  }
0xba: {  	s3 =	sand.u32 $0x4000, s31;
	s1 =	sadd.s32 s1, s30  }
0xbb: {  	s0 =	sor.u32 s3, s0;
	s1 =	sshll.u32 s1, $0x11  }
0xbc: {  	s0 =	sor.u32 s1, s0  }
0xbd: {  	s0 =	sadd.s32 $0x8F2B, s0  }
0xbe: {  	[sflag:s0] =	ssyncadd.remote.s32 $0x1  }
0xbf: {  	_ =	sfence.sel $0xFFFF  }
0xc0: {  	[dreg:$0x0] =	wrdreg $0xFFFFFFFF;
	(pc) =	sbr.abs _section_cstart, $3  }
0xc1: {  	[dreg:$0x1] =	wrdreg $0xFFFFFFFF  }
0xc2: {  	_ =	task.clear_ibuf [dreg:s7], $0x2FFFF;
	_ =	strace $0x9FFFFFFF  }
0xc3: {  	(tm) =	ssettm $0x7FFFFFFF  }
tec
execute0_lowered:
.L_overlay_start_1:
0x0: {  	(tag) =	ssettag $0x1  }
0x1: {  	s0 =	rddreg [dreg:$0x0]  }
0x2: {  	s1 =	rddreg [dreg:$0x1]  }
0x3: {  	s2 =	rddreg [dreg:$0x2]  }
0x4: {  	s5 =	stileid.u32;
	s4 =	srdreg.scid;
	s3 =	simm.s32 $0x0  }
0x5: {  	s19 =	simm.s32 $0xA000;
	s20 =	simm.s32 $0x3;
	s21 =	simm.s32 $0x80  }
0x6: {  	s22 =	simm.s32 $0xE000;
	s23 =	simm.s32 $0x1;
	s24 =	simm.s32 $0x2  }
0x7: {  	s26 =	simm.s32 $0x9E00;
	s28 =	simm.s32 $0x9E80;
	s12 =	smul.u32 $0xA00, s5  }
0x8: {  	s29 =	simm.s32 $0x0;
	s6 =	sand.u32 $0x1, s4;
	s7 =	smul.u32 $0x140, s5  }
0x9: {  	[smem:$0x7FF] =	sst s3;
	s8 =	smul.u32 $0x28000, s5;
	s4 =	sadd.s32 $0x3400, s0  }
0xa: {  	s5 =	sadd.s32 $0x35400, s0;
	s25 =	smul.u32 $0x1400, s6;
	_ =	strace $0x80000050  }
0xb: {  	s9 =	ssub.s32 $0x2, s6;
	s11 =	sadd.s32 s12, s0;
	s30 =	sshrl.u32 s8, $0x2  }
0xc: {  	s31 =	sshrl.u32 s9, $0x1;
	s12 =	sadd.s32 s1, s12;
	s7 =	sadd.s32 s7, s25  }
0xd: {  	s6 =	sadd.s32 s30, s2;
	s18 =	ssub.s32 s9, s31;
	s11 =	sadd.s32 $0x2B400, s11  }
0xe: {  	s7 =	sshll.u32 s7, $0x4;
	s8 =	sadd.s32 $0x4000, s6;
	s9 =	sadd.s32 $0x6000, s6  }
0xf: {  	s10 =	sadd.s32 $0x8000, s6;
	s18 =	smax.u32 s18, $0x1;
	s0 =	sadd.s32 s7, s0  }
0x10: {  	s7 =	sadd.s32 $0x2000, s6;
	s13 =	sadd.s32 $0x35C00, s0;
	s14 =	sadd.s32 $0x36000, s0  }
0x11: {  	v1 =	vlaneseq.u32;
	v0 =	vmov s25;
	s15 =	sadd.s32 $0x36400, s0;
	s16 =	sadd.s32 $0x36800, s0;
	s17 =	sadd.s32 $0x36C00, s0  }
.LBB2_1:
0x12: {  	[tilespmem:s19], [sflag:$0x3] =	stream.linear.gather [hbm4b:s5+s3], $0x4000, $0x38;
	[tilespmem:$0x1C400] =	vst v63  }
0x13: {  	_ =	swait.ge [sflag:s20], $0x4000  }
0x14: {  	[sflag:s20] =	ssyncset.done $0x0  }
0x15: {  	[sflag:s20] =	ssyncadd.s32 $0xFFFFC000  }
0x16: {  	[spmem:s6] =	stream.linear.scatter [tilespmem:s19], [sflag:$0x3], $0x2000, $0x38;
	[tilespmem:$0x1C400] =	vst v63  }
0x17: {  	_ =	swait.ge [sflag:s20], $0x2000  }
0x18: {  	[sflag:s20] =	ssyncset.done $0x0  }
0x19: {  	[sflag:s20] =	ssyncadd.s32 $0xFFFFE000  }
0x1a: {  	[spmem:s7] =	stream.linear.scatter [tilespmem:s19], [sflag:$0x3], $0x2000, $0x38;
	[tilespmem:$0x1C400] =	vst v63  }
0x1b: {  	_ =	swait.ge [sflag:s20], $0x2000  }
0x1c: {  	[sflag:s20] =	ssyncset.done $0x0  }
0x1d: {  	[sflag:s20] =	ssyncadd.s32 $0xFFFFE000  }
0x1e: {  	[spmem:s8] =	stream.linear.scatter [tilespmem:s19], [sflag:$0x3], $0x2000, $0x38;
	[tilespmem:$0x1C400] =	vst v63  }
0x1f: {  	_ =	swait.ge [sflag:s20], $0x2000  }
0x20: {  	[sflag:s20] =	ssyncset.done $0x0  }
0x21: {  	[sflag:s20] =	ssyncadd.s32 $0xFFFFE000  }
0x22: {  	[spmem:s9] =	stream.linear.scatter [tilespmem:s19], [sflag:$0x3], $0x2000, $0x38;
	[tilespmem:$0x1C400] =	vst v63  }
0x23: {  	_ =	swait.ge [sflag:s20], $0x2000  }
0x24: {  	[sflag:s20] =	ssyncset.done $0x0  }
0x25: {  	[sflag:s20] =	ssyncadd.s32 $0xFFFFE000  }
0x26: {  	[spmem:s10] =	stream.linear.scatter [tilespmem:s19], [sflag:$0x3], $0x2000, $0x38;
	[tilespmem:$0x1C400] =	vst v63  }
0x27: {  	_ =	swait.ge [sflag:s20], $0x2000  }
0x28: {  	[sflag:s20] =	ssyncset.done $0x0  }
0x29: {  	[sflag:s20] =	ssyncadd.s32 $0xFFFFE000  }
0x2a: {  	[tilespmem:s3], [sflag:$0x3] =	stream.linear.gather [hbm4b:s11+s3], $0x4F00, $0x38;
	[tilespmem:$0x1C400] =	vst v63  }
0x2b: {  	_ =	swait.ge [sflag:s20], $0x4F00  }
0x2c: {  	[sflag:s20] =	ssyncset.done $0x0  }
0x2d: {  	s0 =	simm.s32 $0x5000;
	[sflag:s20] =	ssyncadd.s32 $0xFFFFB100  }
0x2e: {  	[tilespmem:s0], [sflag:$0x3] =	stream.linear.gather [hbm4b:s12+s3], $0x4F00, $0x38;
	[tilespmem:$0x1C400] =	vst v63  }
0x2f: {  	_ =	swait.ge [sflag:s20], $0x4F00  }
0x30: {  	[sflag:s20] =	ssyncset.done $0x0  }
0x31: {  	s31 =	simm.s32 $0x0;
	[sflag:s20] =	ssyncadd.s32 $0xFFFFB100  }
.LBB2_2:
0x32: {  	s1 =	simm.s32 $0x1400;
	v2 =	vld [tilespmem:s0+$0x0];
	s25 =	simm.s32 $0x1410;
	s30 =	smov.u32 s0  }
.LBB2_3:
0x33: {  	p0 =	sne.s32 s25, $0x1470;
	_ =	sdelay $0x3  }
.Ltmp0:
0x34: {  	v2 =	vsub.s32 v2, v0;
	(pc) =	sbr.rel @p0 .LBB2_3-.Ltmp0, $4  }
0x35: {  	v3 =	vor.u32 s1, v1;
	s1 =	smov.u32 s25;
	vm0 =	vgt.u32 v2, $0x13FF  }
0x36: {  	v2 =	vsel vm0, v3, v2  }
0x37: {  	[tilespmem:s30+$0x0] =	vst v2;
	s30 =	sadd.s32 $0x10, s30  }
0x38: {  	s25 =	sadd.s32 $0x10, s25;
	v2 =	vld [tilespmem:s30+$0x0]  }
0x39: {  	_ = 	snop  }
0x3a: {  	s31 =	sadd.s32 $0x1, s31  }
0x3b: {  	p0 =	sne.s32 s31, $0x9E  }
.Ltmp1:
0x3c: {  	_ = 	snop;
	(pc) =	sbr.rel @p0 .LBB2_2-.Ltmp1, $4  }
0x3d: {  	v2 =	vsub.s32 v2, v0  }
0x3e: {  	v3 =	vor.u32 s1, v1;
	vm0 =	vgt.u32 v2, $0x13FF  }
0x3f: {  	v2 =	vsel vm0, v3, v2  }
0x40: {  	s0 =	sadd.s32 $0x80, s0;
	[tilespmem:s30+$0x0] =	vst v2  }
0x41: {  	[bflag:$0x0] =	sbarrier.arrive $0xFFFF;
	s0 =	simm.s32 $0x0  }
0x42: {  	[tilespmem:s19], [sflag:$0x1] =	stream.indirect.gather [hbm4b:s4+s21], $0x80, s0, s21, $0xb8;
	[tilespmem:$0x1C400] =	vst v63  }
0x43: {  	s31 =	simm.s32 $0x80  }
0x44: {  	[tilespmem:s22], [sflag:$0x2] =	stream.indirect.gather [hbm4b:s4+s21], $0x80, s31, s21, $0xb8;
	[tilespmem:$0x1C400] =	vst v63  }
0x45: {  	_ =	swait.ge [sflag:s23], $0x4000  }
0x46: {  	[sflag:s23] =	ssyncset.done $0x0  }
0x47: {  	s1 =	simm.s32 $0x5000;
	[sflag:s23] =	ssyncadd.s32 $0xFFFFC000  }
0x48: {  	[spmem:s2] =	stream.indirect.scatter.add.f32 [tilespmem:s19], [sflag:$0x3], $0x80, s1, s21, $0xb8;
	[tilespmem:$0x1C400] =	vst v63  }
0x49: {  	_ =	swait.ge [sflag:s20], $0x4000  }
0x4a: {  	[sflag:s20] =	ssyncset.done $0x0  }
0x4b: {  	s25 =	simm.s32 $0x100;
	[sflag:s20] =	ssyncadd.s32 $0xFFFFC000  }
0x4c: {  	[tilespmem:s19], [sflag:$0x1] =	stream.indirect.gather [hbm4b:s4+s21], $0x80, s25, s21, $0xb8;
	[tilespmem:$0x1C400] =	vst v63  }
0x4d: {  	_ =	swait.ge [sflag:s24], $0x4000  }
0x4e: {  	[sflag:s24] =	ssyncset.done $0x0  }
0x4f: {  	s31 =	simm.s32 $0x5080;
	[sflag:s24] =	ssyncadd.s32 $0xFFFFC000  }
0x50: {  	[spmem:s2] =	stream.indirect.scatter.add.f32 [tilespmem:s22], [sflag:$0x3], $0x80, s31, s21, $0xb8;
	[tilespmem:$0x1C400] =	vst v63  }
0x51: {  	_ =	swait.ge [sflag:s20], $0x4000  }
0x52: {  	s30 =	simm.s32 $0x100;
	s0 =	simm.s32 $0x800;
	[sflag:s20] =	ssyncset.done $0x0  }
.LBB2_6:
0x53: {  	s1 =	sadd.s32 $0x80, s30  }
0x54: {  	[sflag:s20] =	ssyncadd.s32 $0xFFFFC000;
	s25 =	smov.u32 s0;
	s31 =	sadd.s32 $0x400, s0  }
0x55: {  	[tilespmem:s22], [sflag:$0x2] =	stream.indirect.gather [hbm4b:s4+s21], $0x80, s1, s21, $0xb8;
	[tilespmem:$0x1C400] =	vst v63  }
0x56: {  	p0 =	sne.s32 s0, $0x13400;
	_ =	swait.ge [sflag:s23], $0x4000  }
0x57: {  	[sflag:s23] =	ssyncset.done $0x0  }
0x58: {  	s0 =	sadd.s32 $0x5000, s30;
	[sflag:s23] =	ssyncadd.s32 $0xFFFFC000  }
0x59: {  	[spmem:s2] =	stream.indirect.scatter.add.f32 [tilespmem:s19], [sflag:$0x3], $0x80, s0, s21, $0xb8;
	[tilespmem:$0x1C400] =	vst v63  }
0x5a: {  	_ =	swait.ge [sflag:s20], $0x4000  }
0x5b: {  	[sflag:s20] =	ssyncset.done $0x0  }
0x5c: {  	s0 =	sadd.s32 $0x100, s30;
	[sflag:s20] =	ssyncadd.s32 $0xFFFFC000  }
0x5d: {  	[tilespmem:s19], [sflag:$0x1] =	stream.indirect.gather [hbm4b:s4+s21], $0x80, s0, s21, $0xb8;
	[tilespmem:$0x1C400] =	vst v63  }
0x5e: {  	_ =	swait.ge [sflag:s24], $0x4000  }
.Ltmp2:
0x5f: {  	[sflag:s24] =	ssyncset.done $0x0;
	(pc) =	sbr.rel @p0 .LBB2_6-.Ltmp2, $4  }
0x60: {  	s0 =	sadd.s32 $0x5080, s30;
	[sflag:s24] =	ssyncadd.s32 $0xFFFFC000  }
0x61: {  	[spmem:s2] =	stream.indirect.scatter.add.f32 [tilespmem:s22], [sflag:$0x3], $0x80, s0, s21, $0xb8;
	[tilespmem:$0x1C400] =	vst v63  }
0x62: {  	_ =	swait.ge [sflag:s20], $0x4000  }
0x63: {  	s30 =	sshra.s32 s25, $0x2;
	s0 =	smov.u32 s31;
	[sflag:s20] =	ssyncset.done $0x0  }
0x64: {  	s0 =	sadd.s32 $0x80, s30;
	[sflag:s20] =	ssyncadd.s32 $0xFFFFC000  }
0x65: {  	[tilespmem:s22], [sflag:$0x2] =	stream.indirect.gather [hbm4b:s4+s21], $0x80, s0, s21, $0xb8;
	[tilespmem:$0x1C400] =	vst v63  }
0x66: {  	_ =	swait.ge [sflag:s23], $0x4000  }
0x67: {  	[sflag:s23] =	ssyncset.done $0x0  }
0x68: {  	s1 =	sadd.s32 $0x5000, s30;
	[sflag:s23] =	ssyncadd.s32 $0xFFFFC000  }
0x69: {  	[spmem:s2] =	stream.indirect.scatter.add.f32 [tilespmem:s19], [sflag:$0x3], $0x80, s1, s21, $0xb8;
	[tilespmem:$0x1C400] =	vst v63  }
0x6a: {  	_ =	swait.ge [sflag:s20], $0x4000  }
0x6b: {  	[sflag:s20] =	ssyncset.done $0x0  }
0x6c: {  	s25 =	sadd.s32 $0x100, s30;
	[sflag:s20] =	ssyncadd.s32 $0xFFFFC000  }
0x6d: {  	[tilespmem:s19], [sflag:$0x1] =	stream.indirect.gather [hbm4b:s4+s21], $0x80, s25, s21, $0xb8;
	[tilespmem:$0x1C400] =	vst v63  }
0x6e: {  	_ =	swait.ge [sflag:s24], $0x4000  }
0x6f: {  	[sflag:s24] =	ssyncset.done $0x0  }
0x70: {  	s30 =	sadd.s32 $0x5080, s30;
	[sflag:s24] =	ssyncadd.s32 $0xFFFFC000  }
0x71: {  	[spmem:s2] =	stream.indirect.scatter.add.f32 [tilespmem:s22], [sflag:$0x3], $0x80, s30, s21, $0xb8;
	[tilespmem:$0x1C400] =	vst v63  }
0x72: {  	_ =	swait.ge [sflag:s20], $0x4000  }
0x73: {  	[sflag:s20] =	ssyncset.done $0x0  }
0x74: {  	s31 =	simm.s32 $0x4E80;
	[sflag:s20] =	ssyncadd.s32 $0xFFFFC000  }
0x75: {  	[tilespmem:s22], [sflag:$0x2] =	stream.indirect.gather [hbm4b:s4+s21], $0x80, s31, s21, $0xb8;
	[tilespmem:$0x1C400] =	vst v63  }
0x76: {  	_ =	swait.ge [sflag:s23], $0x4000  }
0x77: {  	[sflag:s23] =	ssyncset.done $0x0  }
0x78: {  	[sflag:s23] =	ssyncadd.s32 $0xFFFFC000  }
0x79: {  	[spmem:s2] =	stream.indirect.scatter.add.f32 [tilespmem:s19], [sflag:$0x3], $0x80, s26, s21, $0xb8;
	[tilespmem:$0x1C400] =	vst v63  }
0x7a: {  	_ =	swait.ge [sflag:s20], $0x4000  }
0x7b: {  	[sflag:s20] =	ssyncset.done $0x0  }
0x7c: {  	[sflag:s20] =	ssyncadd.s32 $0xFFFFC000  }
0x7d: {  	_ =	swait.ge [sflag:s24], $0x4000  }
0x7e: {  	[sflag:s24] =	ssyncset.done $0x0  }
0x7f: {  	[sflag:s24] =	ssyncadd.s32 $0xFFFFC000  }
0x80: {  	[spmem:s2] =	stream.indirect.scatter.add.f32 [tilespmem:s22], [sflag:$0x3], $0x80, s28, s21, $0xb8;
	[tilespmem:$0x1C400] =	vst v63  }
0x81: {  	_ =	swait.ge [sflag:s20], $0x4000  }
0x82: {  	[sflag:s20] =	ssyncset.done $0x0  }
0x83: {  	[sflag:s20] =	ssyncadd.s32 $0xFFFFC000  }
0x84: {  	[bflag:$0x0] =	sbarrier.arrive $0xFFFF  }
0x85: {  	[tilespmem:s19], [sflag:$0x3] =	stream.linear.gather [spmem:s6], $0x2000, $0x38;
	[tilespmem:$0x1C400] =	vst v63  }
0x86: {  	_ =	swait.ge [sflag:s20], $0x2000  }
0x87: {  	[sflag:s20] =	ssyncset.done $0x0  }
0x88: {  	[sflag:s20] =	ssyncadd.s32 $0xFFFFE000  }
0x89: {  	[hbm4b:s13+s3] =	stream.linear.scatter [tilespmem:s19], [sflag:$0x3], $0x2000, $0x38;
	[tilespmem:$0x1C400] =	vst v63  }
0x8a: {  	_ =	swait.ge [sflag:s20], $0x2000  }
0x8b: {  	[sflag:s20] =	ssyncset.done $0x0  }
0x8c: {  	[sflag:s20] =	ssyncadd.s32 $0xFFFFE000  }
0x8d: {  	[tilespmem:s19], [sflag:$0x3] =	stream.linear.gather [spmem:s7], $0x2000, $0x38;
	[tilespmem:$0x1C400] =	vst v63  }
0x8e: {  	_ =	swait.ge [sflag:s20], $0x2000  }
0x8f: {  	[sflag:s20] =	ssyncset.done $0x0  }
0x90: {  	[sflag:s20] =	ssyncadd.s32 $0xFFFFE000  }
0x91: {  	[hbm4b:s14+s3] =	stream.linear.scatter [tilespmem:s19], [sflag:$0x3], $0x2000, $0x38;
	[tilespmem:$0x1C400] =	vst v63  }
0x92: {  	_ =	swait.ge [sflag:s20], $0x2000  }
0x93: {  	[sflag:s20] =	ssyncset.done $0x0  }
0x94: {  	[sflag:s20] =	ssyncadd.s32 $0xFFFFE000  }
0x95: {  	[tilespmem:s19], [sflag:$0x3] =	stream.linear.gather [spmem:s8], $0x2000, $0x38;
	[tilespmem:$0x1C400] =	vst v63  }
0x96: {  	_ =	swait.ge [sflag:s20], $0x2000  }
0x97: {  	[sflag:s20] =	ssyncset.done $0x0  }
0x98: {  	[sflag:s20] =	ssyncadd.s32 $0xFFFFE000  }
0x99: {  	[hbm4b:s15+s3] =	stream.linear.scatter [tilespmem:s19], [sflag:$0x3], $0x2000, $0x38;
	[tilespmem:$0x1C400] =	vst v63  }
0x9a: {  	_ =	swait.ge [sflag:s20], $0x2000  }
0x9b: {  	[sflag:s20] =	ssyncset.done $0x0  }
0x9c: {  	[sflag:s20] =	ssyncadd.s32 $0xFFFFE000  }
0x9d: {  	[tilespmem:s19], [sflag:$0x3] =	stream.linear.gather [spmem:s9], $0x2000, $0x38;
	[tilespmem:$0x1C400] =	vst v63  }
0x9e: {  	_ =	swait.ge [sflag:s20], $0x2000  }
0x9f: {  	[sflag:s20] =	ssyncset.done $0x0  }
0xa0: {  	[sflag:s20] =	ssyncadd.s32 $0xFFFFE000  }
0xa1: {  	[hbm4b:s16+s3] =	stream.linear.scatter [tilespmem:s19], [sflag:$0x3], $0x2000, $0x38;
	[tilespmem:$0x1C400] =	vst v63  }
0xa2: {  	_ =	swait.ge [sflag:s20], $0x2000  }
0xa3: {  	[sflag:s20] =	ssyncset.done $0x0  }
0xa4: {  	[sflag:s20] =	ssyncadd.s32 $0xFFFFE000  }
0xa5: {  	[tilespmem:s19], [sflag:$0x3] =	stream.linear.gather [spmem:s10], $0x2000, $0x38;
	[tilespmem:$0x1C400] =	vst v63  }
0xa6: {  	s29 =	sadd.s32 $0x1, s29;
	_ =	swait.ge [sflag:s20], $0x2000  }
0xa7: {  	p0 =	sne.s32 s29, s18;
	[sflag:s20] =	ssyncset.done $0x0  }
.Ltmp3:
0xa8: {  	[sflag:s20] =	ssyncadd.s32 $0xFFFFE000;
	(pc) =	sbr.rel @p0 .LBB2_1-.Ltmp3, $4  }
0xa9: {  	[hbm4b:s17+s3] =	stream.linear.scatter [tilespmem:s19], [sflag:$0x3], $0x2000, $0x38;
	[tilespmem:$0x1C400] =	vst v63  }
0xaa: {  	_ =	swait.ge [sflag:s20], $0x2000  }
0xab: {  	[sflag:s20] =	ssyncset.done $0x0  }
0xac: {  	[sflag:s20] =	ssyncadd.s32 $0xFFFFE000  }
0xad: {  	_ =	sfence.sel $0x180000  }
0xae: {  	[bflag:$0x0] =	sbarrier.arrive $0xFFFF  }
0xaf: {  	_ =	strace $0x90000050  }
0xb0: {  	s0 =	stileid.u32;
	[bflag:$0x2] =	sbarrier.arrive $0xFFFF  }
0xb1: {  	p0 =	sne.s32 s0, $0x0;
	s0 =	rddreg [dreg:$0x3]  }
0xb2: {  	s0 =	sadd.s32 @!p0 $0x100000, s0  }
0xb3: {  	[sflag:s0] =	ssyncadd.tile.s32 @!p0 $0x1;
	_ =	shalt  }
.Lfunc_end2:
_tile_overlayer_lowered:
.L_overlay_start_2:
0xb4: {  	(tag) =	ssettag $0x2  }
0xb5: {  	s0 =	rddreg [dreg:$0x0];
	s2 =	stileid.u32  }
0xb6: {  	s1 =	rddreg [dreg:$0x1];
	p0 =	sne.s32 s2, $0x0  }
0xb7: {  	s3 =	rddreg [dreg:$0x2];
	[bflag:$0x3] =	sbarrier.arrive $0xFFFF;
	s2 =	simm.s32 @!p0 $0x1C03  }
0xb8: {  	[timem:s3], [sflag:s2] =	dma.local @!p0 [hbm:s0], s1  }
0xb9: {  	s0 =	simm.s32 @!p0 $0x3  }
0xba: {  	_ =	swait.ge @!p0 [sflag:s0], s1  }
0xbb: {  	s1 =	ssub.s32 @!p0 $0x0, s1;
	[sflag:s0] =	ssyncset.done @!p0 $0x0  }
0xbc: {  	[sflag:s0] =	ssyncadd.s32 @!p0 s1  }
0xbd: {  	[bflag:$0x3] =	sbarrier.arrive $0xFFFF  }
0xbe: {  	_ =	shalt  }

</sc_bundles>
